<compile_context>
chip_gen: v7x
topology: tpu7x:2x2x1
jax: 0.10.2.dev20260603
libtpu: 0.0.44.dev20260713+nightly
codegen_flags: <defaults>
</compile_context>

<pallas_src>
import functools

import jax
import jax.numpy as jnp
from jax import lax
from jax.experimental import pallas as pl
from jax.experimental.pallas import tpu as pltpu
from jax.experimental.pallas import tpu_sc as plsc

VOCAB = 1000000
EMB_DIM = 64
OUT_DIM = 1000
BATCH = 4096

NC = 2
NS = 16
NW = NC * NS
ROWS_PER_W = BATCH // NW
L = 200
HALF = 100
NBUF = 3
VREGS = EMB_DIM // 16

VCHUNK = 128
NFULL = VOCAB // VCHUNK
VTAIL = VOCAB - NFULL * VCHUNK


def _sc_relayout(tblT, tail_packed):
    mesh = plsc.VectorSubcoreMesh(core_axis_name="c", subcore_axis_name="s")

    @functools.partial(
        pl.kernel,
        out_type=jax.ShapeDtypeStruct((VOCAB // 2, 128), jnp.float32),
        mesh=mesh,
        scratch_types=[
            pltpu.VMEM((2, EMB_DIM, VCHUNK), jnp.float32),
            pltpu.VMEM((2, VCHUNK // 2, 128), jnp.float32),
        ] + [pltpu.SemaphoreType.DMA] * 4,
        compiler_params=pltpu.CompilerParams(use_tc_tiling_on_sc=True,
                                             needs_layout_passes=False),
    )
    def k(t_hbm, tail_hbm, out_hbm, a_v, b_v, si0, si1, so0, so1):
        wid = lax.axis_index("s") * NC + lax.axis_index("c")
        sin = (si0, si1)
        sout = (so0, so1)
        iota = lax.iota(jnp.int32, 16)
        rowidx = [(16 * j + iota) >> 1 for j in range(8)]
        colbase = [((16 * j + iota) & 1) << 6 for j in range(8)]
        nk = pl.cdiv(NFULL - wid, NW)

        def in_copy(k_, s):
            c = wid + NW * k_
            return pltpu.make_async_copy(
                t_hbm.at[:, pl.ds(c * VCHUNK, VCHUNK)], a_v.at[s], sin[s])

        def out_copy(k_, s):
            c = wid + NW * k_
            return pltpu.make_async_copy(
                b_v.at[s], out_hbm.at[pl.ds(c * (VCHUNK // 2), VCHUNK // 2)],
                sout[s])

        for s in range(2):
            @pl.when(s < nk)
            def _():
                in_copy(s, s).start()

        def step(g, _):
            for s in range(2):
                k_ = g * 2 + s

                @pl.when(k_ < nk)
                def _():
                    in_copy(k_, s).wait()

                    @pl.when(k_ >= 2)
                    def _():
                        out_copy(k_ - 2, s).wait()

                    def trans(f, _):
                        for j in range(8):
                            x = a_v[s, f, pl.ds(16 * j, 16)]
                            plsc.store_scatter(
                                b_v.at[s], [rowidx[j], colbase[j] + f], x)
                        return ()

                    lax.fori_loop(0, EMB_DIM, trans, (), unroll=2)
                    out_copy(k_, s).start()

                    @pl.when(k_ + 2 < nk)
                    def _():
                        in_copy(k_ + 2, s).start()
            return ()

        lax.fori_loop(0, pl.cdiv(nk, 2), step, ())
        for s in range(2):
            @pl.when(s < nk)
            def _():
                pltpu.make_async_copy(
                    b_v.at[s], out_hbm.at[pl.ds(0, VCHUNK // 2)],
                    sout[s]).wait()

        @pl.when(wid == 0)
        def _():
            pltpu.sync_copy(tail_hbm, b_v.at[0, pl.ds(0, VTAIL // 2)])
            pltpu.sync_copy(b_v.at[0, pl.ds(0, VTAIL // 2)],
                            out_hbm.at[pl.ds(NFULL * VCHUNK // 2, VTAIL // 2)])

    return k(tblT, tail_packed)


def _sc_gather_sum(idx2d, table_lin):
    mesh = plsc.VectorSubcoreMesh(core_axis_name="c", subcore_axis_name="s")

    @functools.partial(
        pl.kernel,
        out_type=jax.ShapeDtypeStruct((BATCH, EMB_DIM), jnp.float32),
        mesh=mesh,
        scratch_types=[
            pltpu.VMEM((2 * ROWS_PER_W, HALF), jnp.int32),
            pltpu.VMEM((NBUF, L, EMB_DIM), jnp.float32),
            pltpu.VMEM((ROWS_PER_W, EMB_DIM), jnp.float32),
        ] + [pltpu.SemaphoreType.DMA] * NBUF,
        compiler_params=pltpu.CompilerParams(use_tc_tiling_on_sc=False),
    )
    def k(idx_hbm, table_hbm, out_hbm, idx_v, buf_v, acc_v, *sems):
        wid = lax.axis_index("s") * NC + lax.axis_index("c")
        pltpu.sync_copy(idx_hbm.at[pl.ds(wid * 2 * ROWS_PER_W, 2 * ROWS_PER_W)],
                        idx_v)

        def gather_copies(t, b):
            return [
                pltpu.make_async_copy(
                    table_hbm.at[idx_v.at[2 * t + h]],
                    buf_v.at[b, pl.ds(h * HALF, HALF)],
                    sems[b],
                )
                for h in range(2)
            ]

        for b in range(NBUF):
            for cp in gather_copies(b, b):
                cp.start()

        def sum_task(t, b):
            def body(i, vs):
                return tuple(
                    vs[c] + buf_v[b, i, pl.ds(16 * c, 16)]
                    for c in range(VREGS)
                )
            vs = lax.fori_loop(
                0, L, body,
                tuple(jnp.zeros((16,), jnp.float32) for _ in range(VREGS)),
                unroll=8)
            for c in range(VREGS):
                acc_v[t, pl.ds(16 * c, 16)] = vs[c]

        def outer(g, _):
            for b in range(NBUF):
                t = g * NBUF + b
                for cp in gather_copies(t, b):
                    cp.wait()
                sum_task(t, b)

                @pl.when(t + NBUF < ROWS_PER_W)
                def _():
                    for cp in gather_copies(t + NBUF, b):
                        cp.start()
            return ()

        lax.fori_loop(0, ROWS_PER_W // NBUF, outer, ())
        for t in range((ROWS_PER_W // NBUF) * NBUF, ROWS_PER_W):
            b = t % NBUF
            for cp in gather_copies(t, b):
                cp.wait()
            sum_task(t, b)

        pltpu.sync_copy(acc_v, out_hbm.at[pl.ds(wid * ROWS_PER_W, ROWS_PER_W)])

    return k(idx2d, table_lin)


def _tc_norm_linear_body(x_ref, w_ref, b_ref, o_ref):
    x = x_ref[...]
    ss = jnp.sum(x * x, axis=1, keepdims=True)
    inv = lax.rsqrt(jnp.maximum(ss, 1e-24))
    xn = x * inv
    o_ref[...] = lax.dot_general(
        w_ref[...], xn, (((1,), (1,)), ((), ())),
        preferred_element_type=jnp.float32) + b_ref[...]


def _tc_norm_linear_t(sums, W, b):
    BM = 1024
    return pl.pallas_call(
        _tc_norm_linear_body,
        grid=(BATCH // BM,),
        in_specs=[
            pl.BlockSpec((BM, EMB_DIM), lambda i: (i, 0)),
            pl.BlockSpec((OUT_DIM, EMB_DIM), lambda i: (0, 0)),
            pl.BlockSpec((OUT_DIM, 1), lambda i: (0, 0)),
        ],
        out_specs=pl.BlockSpec((OUT_DIM, BM), lambda i: (0, i)),
        out_shape=jax.ShapeDtypeStruct((OUT_DIM, BATCH), jnp.float32),
    )(sums, W, b.reshape(OUT_DIM, 1))


@jax.jit
def kernel(name_idxs, name_len, desc_idxs, desc_len, union_idxs, union_len,
           table, W, b):
    idx2d = union_idxs.astype(jnp.int32).reshape(2 * BATCH, HALF)
    tail_packed = table[NFULL * VCHUNK:, :].reshape(VTAIL // 2, 128)
    packed = _sc_relayout(table.T, tail_packed)
    table_lin = packed.reshape(VOCAB, EMB_DIM)
    sums = _sc_gather_sum(idx2d, table_lin)
    return _tc_norm_linear_t(sums, W, b).T

# --- scband reference (transcript-rebuilt; emitter-appended) ---
"""Pipeline reference for scband-union-mean-embedding-model-8813272892039 (READ-ONLY COPY).

The authoritative reference and input builder live on the scoring server;
editing this copy changes nothing except your own understanding.
"""

import jax, jax.numpy as jnp
import numpy as np

VOCAB = 1000000
EMB_DIM = 64
OUT_DIM = 1000
BATCH = 4096


def setup_inputs(seed: int = 0) -> dict:
    key = jax.random.key(seed)
    k_tab, k_w, k_b, k1, k2, k3, k4, k5, k6 = jax.random.split(key, 9)
    table = jax.random.normal(k_tab, (VOCAB, EMB_DIM), dtype=jnp.float32) * 0.1
    # xavier_uniform for fc weight [OUT_DIM, EMB_DIM]
    limit = float(np.sqrt(6.0 / (EMB_DIM + OUT_DIM)))
    W = jax.random.uniform(k_w, (OUT_DIM, EMB_DIM), dtype=jnp.float32, minval=-limit, maxval=limit)
    b = jnp.zeros((OUT_DIM,), dtype=jnp.float32)
    name_idxs = jax.random.randint(k1, (BATCH, 50), 0, VOCAB, dtype=jnp.int64 if jax.config.jax_enable_x64 else jnp.int32)
    name_len = jax.random.randint(k2, (BATCH,), 0, 50)
    desc_idxs = jax.random.randint(k3, (BATCH, 200), 0, VOCAB)
    desc_len = jax.random.randint(k4, (BATCH,), 0, 200)
    union_idxs = jax.random.randint(k5, (BATCH, 200), 0, VOCAB)
    union_len = jax.random.randint(k6, (BATCH,), 0, 200)
    return {
        "name_idxs": name_idxs,
        "name_len": name_len,
        "desc_idxs": desc_idxs,
        "desc_len": desc_len,
        "union_idxs": union_idxs,
        "union_len": union_len,
        "table": table,
        "W": W,
        "b": b,
    }


def reference(name_idxs, name_len, desc_idxs, desc_len, union_idxs, union_len, table, W, b):
    # _calc_emb on union text: gather -> sum over sequence -> L2 normalize
    emb = jnp.take(table, union_idxs, axis=0)  # [B, L, D]
    emb = jnp.sum(emb, axis=1)                 # [B, D]
    norm = jnp.linalg.norm(emb, axis=1, keepdims=True)
    emb = emb / jnp.maximum(norm, 1e-12)       # F.normalize(dim=1)
    # dropout is identity in eval mode
    logits = emb @ W.T + b                     # fc
    return logits

if __name__ == "__main__":
    import jax
    _d = setup_inputs()
    print(jax.jit(kernel)(*tuple(_d.values())))

</pallas_src>

<mosaic_0001>
#map = affine_map<(d0, d1) -> (0, 0)>
module attributes {stable_mosaic.version = 14 : i64} {
  func.func @k(%arg0: i32, %arg1: i32, %arg2: memref<64x1000000xf32, #tpu.memory_space<hbm>>, %arg3: memref<32x128xf32, #tpu.memory_space<hbm>>, %arg4: memref<500000x128xf32, #tpu.memory_space<hbm>>, %arg5: memref<2x64x128xf32, #tpu.memory_space<vmem>>, %arg6: memref<2x64x128xf32, #tpu.memory_space<vmem>>, %arg7: memref<!tpu.dma_semaphore, #tpu.memory_space<semaphore_mem>>, %arg8: memref<!tpu.dma_semaphore, #tpu.memory_space<semaphore_mem>>, %arg9: memref<!tpu.dma_semaphore, #tpu.memory_space<semaphore_mem>>, %arg10: memref<!tpu.dma_semaphore, #tpu.memory_space<semaphore_mem>>) attributes {dimension_semantics = [#tpu.dimension_semantics<core_parallel>, #tpu.dimension_semantics<subcore_parallel>], iteration_bounds = array<i64: 2, 16>, scalar_prefetch = 0 : i64, scratch_operands = 6 : i64, tpu.core_type = #tpu.core_type<sc_vector_subcore>, window_params = [{transform_indices = #map}, {transform_indices = #map}, {transform_indices = #map}]} {
    %mul3A = arith.constant 2 : i32
    %mul3A_0 = arith.muli %arg1, %mul3A : i32
    %add3A = arith.addi %mul3A_0, %arg0 : i32
    %iota3A = tpu.iota {dimensions = array<i32: 0>} : vector<16xi32>
    %add3A_1 = arith.constant 0 : i32
    %add3A_2 = vector.broadcast %add3A_1 : i32 to vector<16xi32>
    %add3A_3 = arith.addi %add3A_2, %iota3A : vector<16xi32>
    %shift_right_arithmetic3A = arith.constant 1 : i32
    %shift_right_arithmetic3A_4 = vector.broadcast %shift_right_arithmetic3A : i32 to vector<16xi32>
    %shift_right_arithmetic3A_5 = arith.shrsi %add3A_3, %shift_right_arithmetic3A_4 : vector<16xi32>
    %add3A_6 = arith.constant 16 : i32
    %add3A_7 = vector.broadcast %add3A_6 : i32 to vector<16xi32>
    %add3A_8 = arith.addi %add3A_7, %iota3A : vector<16xi32>
    %shift_right_arithmetic3A_9 = arith.constant 1 : i32
    %shift_right_arithmetic3A_10 = vector.broadcast %shift_right_arithmetic3A_9 : i32 to vector<16xi32>
    %shift_right_arithmetic3A_11 = arith.shrsi %add3A_8, %shift_right_arithmetic3A_10 : vector<16xi32>
    %add3A_12 = arith.constant 32 : i32
    %add3A_13 = vector.broadcast %add3A_12 : i32 to vector<16xi32>
    %add3A_14 = arith.addi %add3A_13, %iota3A : vector<16xi32>
    %shift_right_arithmetic3A_15 = arith.constant 1 : i32
    %shift_right_arithmetic3A_16 = vector.broadcast %shift_right_arithmetic3A_15 : i32 to vector<16xi32>
    %shift_right_arithmetic3A_17 = arith.shrsi %add3A_14, %shift_right_arithmetic3A_16 : vector<16xi32>
    %add3A_18 = arith.constant 48 : i32
    %add3A_19 = vector.broadcast %add3A_18 : i32 to vector<16xi32>
    %add3A_20 = arith.addi %add3A_19, %iota3A : vector<16xi32>
    %shift_right_arithmetic3A_21 = arith.constant 1 : i32
    %shift_right_arithmetic3A_22 = vector.broadcast %shift_right_arithmetic3A_21 : i32 to vector<16xi32>
    %shift_right_arithmetic3A_23 = arith.shrsi %add3A_20, %shift_right_arithmetic3A_22 : vector<16xi32>
    %add3A_24 = arith.constant 64 : i32
    %add3A_25 = vector.broadcast %add3A_24 : i32 to vector<16xi32>
    %add3A_26 = arith.addi %add3A_25, %iota3A : vector<16xi32>
    %shift_right_arithmetic3A_27 = arith.constant 1 : i32
    %shift_right_arithmetic3A_28 = vector.broadcast %shift_right_arithmetic3A_27 : i32 to vector<16xi32>
    %shift_right_arithmetic3A_29 = arith.shrsi %add3A_26, %shift_right_arithmetic3A_28 : vector<16xi32>
    %add3A_30 = arith.constant 80 : i32
    %add3A_31 = vector.broadcast %add3A_30 : i32 to vector<16xi32>
    %add3A_32 = arith.addi %add3A_31, %iota3A : vector<16xi32>
    %shift_right_arithmetic3A_33 = arith.constant 1 : i32
    %shift_right_arithmetic3A_34 = vector.broadcast %shift_right_arithmetic3A_33 : i32 to vector<16xi32>
    %shift_right_arithmetic3A_35 = arith.shrsi %add3A_32, %shift_right_arithmetic3A_34 : vector<16xi32>
    %add3A_36 = arith.constant 96 : i32
    %add3A_37 = vector.broadcast %add3A_36 : i32 to vector<16xi32>
    %add3A_38 = arith.addi %add3A_37, %iota3A : vector<16xi32>
    %shift_right_arithmetic3A_39 = arith.constant 1 : i32
    %shift_right_arithmetic3A_40 = vector.broadcast %shift_right_arithmetic3A_39 : i32 to vector<16xi32>
    %shift_right_arithmetic3A_41 = arith.shrsi %add3A_38, %shift_right_arithmetic3A_40 : vector<16xi32>
    %add3A_42 = arith.constant 112 : i32
    %add3A_43 = vector.broadcast %add3A_42 : i32 to vector<16xi32>
    %add3A_44 = arith.addi %add3A_43, %iota3A : vector<16xi32>
    %shift_right_arithmetic3A_45 = arith.constant 1 : i32
    %shift_right_arithmetic3A_46 = vector.broadcast %shift_right_arithmetic3A_45 : i32 to vector<16xi32>
    %shift_right_arithmetic3A_47 = arith.shrsi %add3A_44, %shift_right_arithmetic3A_46 : vector<16xi32>
    %add3A_48 = arith.constant 0 : i32
    %add3A_49 = vector.broadcast %add3A_48 : i32 to vector<16xi32>
    %add3A_50 = arith.addi %add3A_49, %iota3A : vector<16xi32>
    %and3A = arith.constant 1 : i32
    %and3A_51 = vector.broadcast %and3A : i32 to vector<16xi32>
    %and3A_52 = arith.andi %add3A_50, %and3A_51 : vector<16xi32>
    %shift_left3A = arith.constant 6 : i32
    %shift_left3A_53 = vector.broadcast %shift_left3A : i32 to vector<16xi32>
    %shift_left3A_54 = arith.shli %and3A_52, %shift_left3A_53 : vector<16xi32>
    %add3A_55 = arith.constant 16 : i32
    %add3A_56 = vector.broadcast %add3A_55 : i32 to vector<16xi32>
    %add3A_57 = arith.addi %add3A_56, %iota3A : vector<16xi32>
    %and3A_58 = arith.constant 1 : i32
    %and3A_59 = vector.broadcast %and3A_58 : i32 to vector<16xi32>
    %and3A_60 = arith.andi %add3A_57, %and3A_59 : vector<16xi32>
    %shift_left3A_61 = arith.constant 6 : i32
    %shift_left3A_62 = vector.broadcast %shift_left3A_61 : i32 to vector<16xi32>
    %shift_left3A_63 = arith.shli %and3A_60, %shift_left3A_62 : vector<16xi32>
    %add3A_64 = arith.constant 32 : i32
    %add3A_65 = vector.broadcast %add3A_64 : i32 to vector<16xi32>
    %add3A_66 = arith.addi %add3A_65, %iota3A : vector<16xi32>
    %and3A_67 = arith.constant 1 : i32
    %and3A_68 = vector.broadcast %and3A_67 : i32 to vector<16xi32>
    %and3A_69 = arith.andi %add3A_66, %and3A_68 : vector<16xi32>
    %shift_left3A_70 = arith.constant 6 : i32
    %shift_left3A_71 = vector.broadcast %shift_left3A_70 : i32 to vector<16xi32>
    %shift_left3A_72 = arith.shli %and3A_69, %shift_left3A_71 : vector<16xi32>
    %add3A_73 = arith.constant 48 : i32
    %add3A_74 = vector.broadcast %add3A_73 : i32 to vector<16xi32>
    %add3A_75 = arith.addi %add3A_74, %iota3A : vector<16xi32>
    %and3A_76 = arith.constant 1 : i32
    %and3A_77 = vector.broadcast %and3A_76 : i32 to vector<16xi32>
    %and3A_78 = arith.andi %add3A_75, %and3A_77 : vector<16xi32>
    %shift_left3A_79 = arith.constant 6 : i32
    %shift_left3A_80 = vector.broadcast %shift_left3A_79 : i32 to vector<16xi32>
    %shift_left3A_81 = arith.shli %and3A_78, %shift_left3A_80 : vector<16xi32>
    %add3A_82 = arith.constant 64 : i32
    %add3A_83 = vector.broadcast %add3A_82 : i32 to vector<16xi32>
    %add3A_84 = arith.addi %add3A_83, %iota3A : vector<16xi32>
    %and3A_85 = arith.constant 1 : i32
    %and3A_86 = vector.broadcast %and3A_85 : i32 to vector<16xi32>
    %and3A_87 = arith.andi %add3A_84, %and3A_86 : vector<16xi32>
    %shift_left3A_88 = arith.constant 6 : i32
    %shift_left3A_89 = vector.broadcast %shift_left3A_88 : i32 to vector<16xi32>
    %shift_left3A_90 = arith.shli %and3A_87, %shift_left3A_89 : vector<16xi32>
    %add3A_91 = arith.constant 80 : i32
    %add3A_92 = vector.broadcast %add3A_91 : i32 to vector<16xi32>
    %add3A_93 = arith.addi %add3A_92, %iota3A : vector<16xi32>
    %and3A_94 = arith.constant 1 : i32
    %and3A_95 = vector.broadcast %and3A_94 : i32 to vector<16xi32>
    %and3A_96 = arith.andi %add3A_93, %and3A_95 : vector<16xi32>
    %shift_left3A_97 = arith.constant 6 : i32
    %shift_left3A_98 = vector.broadcast %shift_left3A_97 : i32 to vector<16xi32>
    %shift_left3A_99 = arith.shli %and3A_96, %shift_left3A_98 : vector<16xi32>
    %add3A_100 = arith.constant 96 : i32
    %add3A_101 = vector.broadcast %add3A_100 : i32 to vector<16xi32>
    %add3A_102 = arith.addi %add3A_101, %iota3A : vector<16xi32>
    %and3A_103 = arith.constant 1 : i32
    %and3A_104 = vector.broadcast %and3A_103 : i32 to vector<16xi32>
    %and3A_105 = arith.andi %add3A_102, %and3A_104 : vector<16xi32>
    %shift_left3A_106 = arith.constant 6 : i32
    %shift_left3A_107 = vector.broadcast %shift_left3A_106 : i32 to vector<16xi32>
    %shift_left3A_108 = arith.shli %and3A_105, %shift_left3A_107 : vector<16xi32>
    %add3A_109 = arith.constant 112 : i32
    %add3A_110 = vector.broadcast %add3A_109 : i32 to vector<16xi32>
    %add3A_111 = arith.addi %add3A_110, %iota3A : vector<16xi32>
    %and3A_112 = arith.constant 1 : i32
    %and3A_113 = vector.broadcast %and3A_112 : i32 to vector<16xi32>
    %and3A_114 = arith.andi %add3A_111, %and3A_113 : vector<16xi32>
    %shift_left3A_115 = arith.constant 6 : i32
    %shift_left3A_116 = vector.broadcast %shift_left3A_115 : i32 to vector<16xi32>
    %shift_left3A_117 = arith.shli %and3A_114, %shift_left3A_116 : vector<16xi32>
    %sub3A = arith.constant 7812 : i32
    %sub3A_118 = arith.subi %sub3A, %add3A : i32
    %add3A_119 = arith.constant 31 : i32
    %add3A_120 = arith.addi %sub3A_118, %add3A_119 : i32
    %div3A = arith.constant 32 : i32
    %div3A_121 = arith.divsi %add3A_120, %div3A : i32
    %gt3A = arith.constant 0 : i32
    %gt3A_122 = arith.cmpi sgt, %div3A_121, %gt3A : i32
    %convert_element_type3A = arith.extui %gt3A_122 : i1 to i32
    %cond3A = arith.constant 0 : i32
    %cond3A_123 = arith.cmpi ne, %convert_element_type3A, %cond3A : i32
    scf.if %cond3A_123 {
      %add3A_155 = arith.constant 0 : i32
      %add3A_156 = arith.addi %add3A, %add3A_155 : i32
      %mul3A_157 = arith.constant 128 : i32
      %mul3A_158 = arith.muli %add3A_156, %mul3A_157 : i32
      %dma_start3A = arith.constant 0 : i32
      %dma_start3A_159 = arith.constant 0 : i32
      %dma_start3A_160 = arith.constant 0 : i32
      %dma_start3A_161 = tpu.memref_slice %arg5[%dma_start3A, %dma_start3A_159, %dma_start3A_160] : memref<2x64x128xf32, #tpu.memory_space<vmem>> -> memref<1x64x128xf32, #tpu.memory_space<vmem>>
      %dma_start3A_162 = tpu.memref_squeeze %dma_start3A_161 : memref<1x64x128xf32, #tpu.memory_space<vmem>> -> memref<64x128xf32, #tpu.memory_space<vmem>>
      %dma_start3A_163 = arith.constant 0 : i32
      %dma_start3A_164 = tpu.memref_slice %arg2[%dma_start3A_163, %mul3A_158] : memref<64x1000000xf32, #tpu.memory_space<hbm>> -> memref<64x128xf32, #tpu.memory_space<hbm>>
      %dma_start3A_165 = arith.constant 0 : i32
      %dma_start3A_166 = arith.constant 0 : i32
      %dma_start3A_167 = tpu.memref_slice %arg5[%dma_start3A, %dma_start3A_165, %dma_start3A_166] : memref<2x64x128xf32, #tpu.memory_space<vmem>> -> memref<1x64x128xf32, #tpu.memory_space<vmem>>
      %dma_start3A_168 = tpu.memref_squeeze %dma_start3A_167 : memref<1x64x128xf32, #tpu.memory_space<vmem>> -> memref<64x128xf32, #tpu.memory_space<vmem>>
      %dma_start3A_169 = arith.constant 0 : i32
      %dma_start3A_170 = tpu.memref_slice %arg2[%dma_start3A_169, %mul3A_158] : memref<64x1000000xf32, #tpu.memory_space<hbm>> -> memref<64x128xf32, #tpu.memory_space<hbm>>
      tpu.enqueue_dma source(%dma_start3A_170 : memref<64x128xf32, #tpu.memory_space<hbm>>) target(%dma_start3A_168 : memref<64x128xf32, #tpu.memory_space<vmem>>) target_semaphore(%arg7 : memref<!tpu.dma_semaphore, #tpu.memory_space<semaphore_mem>>)
    } else {
    }
    %gt3A_124 = arith.constant 1 : i32
    %gt3A_125 = arith.cmpi sgt, %div3A_121, %gt3A_124 : i32
    %convert_element_type3A_126 = arith.extui %gt3A_125 : i1 to i32
    %cond3A_127 = arith.constant 0 : i32
    %cond3A_128 = arith.cmpi ne, %convert_element_type3A_126, %cond3A_127 : i32
    scf.if %cond3A_128 {
      %add3A_155 = arith.constant 32 : i32
      %add3A_156 = arith.addi %add3A, %add3A_155 : i32
      %mul3A_157 = arith.constant 128 : i32
      %mul3A_158 = arith.muli %add3A_156, %mul3A_157 : i32
      %dma_start3A = arith.constant 1 : i32
      %dma_start3A_159 = arith.constant 0 : i32
      %dma_start3A_160 = arith.constant 0 : i32
      %dma_start3A_161 = tpu.memref_slice %arg5[%dma_start3A, %dma_start3A_159, %dma_start3A_160] : memref<2x64x128xf32, #tpu.memory_space<vmem>> -> memref<1x64x128xf32, #tpu.memory_space<vmem>>
      %dma_start3A_162 = tpu.memref_squeeze %dma_start3A_161 : memref<1x64x128xf32, #tpu.memory_space<vmem>> -> memref<64x128xf32, #tpu.memory_space<vmem>>
      %dma_start3A_163 = arith.constant 0 : i32
      %dma_start3A_164 = tpu.memref_slice %arg2[%dma_start3A_163, %mul3A_158] : memref<64x1000000xf32, #tpu.memory_space<hbm>> -> memref<64x128xf32, #tpu.memory_space<hbm>>
      %dma_start3A_165 = arith.constant 0 : i32
      %dma_start3A_166 = arith.constant 0 : i32
      %dma_start3A_167 = tpu.memref_slice %arg5[%dma_start3A, %dma_start3A_165, %dma_start3A_166] : memref<2x64x128xf32, #tpu.memory_space<vmem>> -> memref<1x64x128xf32, #tpu.memory_space<vmem>>
      %dma_start3A_168 = tpu.memref_squeeze %dma_start3A_167 : memref<1x64x128xf32, #tpu.memory_space<vmem>> -> memref<64x128xf32, #tpu.memory_space<vmem>>
      %dma_start3A_169 = arith.constant 0 : i32
      %dma_start3A_170 = tpu.memref_slice %arg2[%dma_start3A_169, %mul3A_158] : memref<64x1000000xf32, #tpu.memory_space<hbm>> -> memref<64x128xf32, #tpu.memory_space<hbm>>
      tpu.enqueue_dma source(%dma_start3A_170 : memref<64x128xf32, #tpu.memory_space<hbm>>) target(%dma_start3A_168 : memref<64x128xf32, #tpu.memory_space<vmem>>) target_semaphore(%arg8 : memref<!tpu.dma_semaphore, #tpu.memory_space<semaphore_mem>>)
    } else {
    }
    %add3A_129 = arith.constant 1 : i32
    %add3A_130 = arith.addi %div3A_121, %add3A_129 : i32
    %div3A_131 = arith.constant 2 : i32
    %div3A_132 = arith.divsi %add3A_130, %div3A_131 : i32
    %while3A = arith.constant 0 : i32
    %while3A_133 = arith.subi %div3A_132, %while3A : i32
    %while3A_134 = arith.addi %while3A, %while3A_133 : i32
    %while3A_135 = arith.constant 1 : i32
    %while3A_136 = arith.divsi %while3A_133, %while3A_135 : i32
    %while3A_137 = arith.muli %while3A_136, %while3A_135 : i32
    %while3A_138 = arith.addi %while3A, %while3A_137 : i32
    %while3A_139 = arith.constant 1 : i32
    scf.for %while3A_155 = %while3A to %while3A_138 step %while3A_139  : i32 {
      %mul3A_156 = arith.constant 2 : i32
      %mul3A_157 = arith.muli %while3A_155, %mul3A_156 : i32
      %add3A_158 = arith.constant 0 : i32
      %add3A_159 = arith.addi %mul3A_157, %add3A_158 : i32
      %lt3A = arith.cmpi slt, %add3A_159, %div3A_121 : i32
      %convert_element_type3A_160 = arith.extui %lt3A : i1 to i32
      %cond3A_161 = arith.constant 0 : i32
      %cond3A_162 = arith.cmpi ne, %convert_element_type3A_160, %cond3A_161 : i32
      scf.if %cond3A_162 {
        %mul3A_171 = arith.constant 32 : i32
        %mul3A_172 = arith.muli %mul3A_171, %add3A_159 : i32
        %add3A_173 = arith.addi %add3A, %mul3A_172 : i32
        %mul3A_174 = arith.constant 128 : i32
        %mul3A_175 = arith.muli %add3A_173, %mul3A_174 : i32
        %dma_wait3A = arith.constant 0 : i32
        %dma_wait3A_176 = arith.constant 0 : i32
        %dma_wait3A_177 = arith.constant 0 : i32
        %dma_wait3A_178 = tpu.memref_slice %arg5[%dma_wait3A, %dma_wait3A_176, %dma_wait3A_177] : memref<2x64x128xf32, #tpu.memory_space<vmem>> -> memref<1x64x128xf32, #tpu.memory_space<vmem>>
        %dma_wait3A_179 = tpu.memref_squeeze %dma_wait3A_178 : memref<1x64x128xf32, #tpu.memory_space<vmem>> -> memref<64x128xf32, #tpu.memory_space<vmem>>
        %dma_wait3A_180 = arith.constant 0 : i32
        %dma_wait3A_181 = tpu.memref_slice %arg2[%dma_wait3A_180, %mul3A_175] : memref<64x1000000xf32, #tpu.memory_space<hbm>> -> memref<64x128xf32, #tpu.memory_space<hbm>>
        %dma_wait3A_182 = arith.constant 0 : i32
        %dma_wait3A_183 = arith.constant 0 : i32
        %dma_wait3A_184 = tpu.memref_slice %arg5[%dma_wait3A, %dma_wait3A_182, %dma_wait3A_183] : memref<2x64x128xf32, #tpu.memory_space<vmem>> -> memref<1x64x128xf32, #tpu.memory_space<vmem>>
        %dma_wait3A_185 = tpu.memref_squeeze %dma_wait3A_184 : memref<1x64x128xf32, #tpu.memory_space<vmem>> -> memref<64x128xf32, #tpu.memory_space<vmem>>
        %dma_wait3A_186 = arith.constant 0 : i32
        %dma_wait3A_187 = tpu.memref_slice %arg2[%dma_wait3A_186, %mul3A_175] : memref<64x1000000xf32, #tpu.memory_space<hbm>> -> memref<64x128xf32, #tpu.memory_space<hbm>>
        tpu.wait_dma2 semaphore(%arg7 : memref<!tpu.dma_semaphore, #tpu.memory_space<semaphore_mem>>) src(%dma_wait3A_187 : memref<64x128xf32, #tpu.memory_space<hbm>>) dst(%dma_wait3A_185 : memref<64x128xf32, #tpu.memory_space<vmem>>)
        %ge3A = arith.constant 2 : i32
        %ge3A_188 = arith.cmpi sge, %add3A_159, %ge3A : i32
        %convert_element_type3A_189 = arith.extui %ge3A_188 : i1 to i32
        %cond3A_190 = arith.constant 0 : i32
        %cond3A_191 = arith.cmpi ne, %convert_element_type3A_189, %cond3A_190 : i32
        scf.if %cond3A_191 {
          %sub3A_219 = arith.constant 2 : i32
          %sub3A_220 = arith.subi %add3A_159, %sub3A_219 : i32
          %mul3A_221 = arith.constant 32 : i32
          %mul3A_222 = arith.muli %mul3A_221, %sub3A_220 : i32
          %add3A_223 = arith.addi %add3A, %mul3A_222 : i32
          %mul3A_224 = arith.constant 64 : i32
          %mul3A_225 = arith.muli %add3A_223, %mul3A_224 : i32
          %dma_wait3A_226 = arith.constant 0 : i32
          %dma_wait3A_227 = arith.constant 0 : i32
          %dma_wait3A_228 = arith.constant 0 : i32
          %dma_wait3A_229 = tpu.memref_slice %arg6[%dma_wait3A_226, %dma_wait3A_227, %dma_wait3A_228] : memref<2x64x128xf32, #tpu.memory_space<vmem>> -> memref<1x64x128xf32, #tpu.memory_space<vmem>>
          %dma_wait3A_230 = tpu.memref_squeeze %dma_wait3A_229 : memref<1x64x128xf32, #tpu.memory_space<vmem>> -> memref<64x128xf32, #tpu.memory_space<vmem>>
          %dma_wait3A_231 = arith.constant 0 : i32
          %dma_wait3A_232 = tpu.memref_slice %arg4[%mul3A_225, %dma_wait3A_231] : memref<500000x128xf32, #tpu.memory_space<hbm>> -> memref<64x128xf32, #tpu.memory_space<hbm>>
          %dma_wait3A_233 = arith.constant 0 : i32
          %dma_wait3A_234 = tpu.memref_slice %arg4[%mul3A_225, %dma_wait3A_233] : memref<500000x128xf32, #tpu.memory_space<hbm>> -> memref<64x128xf32, #tpu.memory_space<hbm>>
          %dma_wait3A_235 = arith.constant 0 : i32
          %dma_wait3A_236 = arith.constant 0 : i32
          %dma_wait3A_237 = tpu.memref_slice %arg6[%dma_wait3A_226, %dma_wait3A_235, %dma_wait3A_236] : memref<2x64x128xf32, #tpu.memory_space<vmem>> -> memref<1x64x128xf32, #tpu.memory_space<vmem>>
          %dma_wait3A_238 = tpu.memref_squeeze %dma_wait3A_237 : memref<1x64x128xf32, #tpu.memory_space<vmem>> -> memref<64x128xf32, #tpu.memory_space<vmem>>
          tpu.wait_dma2 semaphore(%arg9 : memref<!tpu.dma_semaphore, #tpu.memory_space<semaphore_mem>>) src(%dma_wait3A_238 : memref<64x128xf32, #tpu.memory_space<vmem>>) dst(%dma_wait3A_234 : memref<64x128xf32, #tpu.memory_space<hbm>>)
        } else {
        }
        %scan3A = arith.constant 0 : i32
        %scan3A_192 = arith.constant 64 : i32
        %scan3A_193 = arith.addi %scan3A, %scan3A_192 : i32
        %scan3A_194 = arith.constant 2 : i32
        scf.for %scan3A_219 = %scan3A to %scan3A_193 step %scan3A_194  : i32 {
          %get3A = arith.constant 0 : i32
          %get3A_220 = arith.index_cast %get3A : i32 to index
          %get3A_221 = arith.index_cast %scan3A_219 : i32 to index
          %get3A_222 = arith.constant 0 : index
          %get3A_223 = tpu.vector_load %arg5[%get3A_220, %get3A_221, %get3A_222] {strides = array<i32>} : memref<2x64x128xf32, #tpu.memory_space<vmem>>, vector<16xf32>,
          %add3A_224 = vector.broadcast %scan3A_219 : i32 to vector<16xi32>
          %add3A_225 = arith.addi %shift_left3A_54, %add3A_224 : vector<16xi32>
          %scatter3A = arith.constant 0 : i32
          %scatter3A_226 = arith.constant 0 : i32
          %scatter3A_227 = arith.constant 0 : i32
          %scatter3A_228 = tpu.memref_slice %arg6[%scatter3A, %scatter3A_226, %scatter3A_227] : memref<2x64x128xf32, #tpu.memory_space<vmem>> -> memref<1x64x128xf32, #tpu.memory_space<vmem>>
          %scatter3A_229 = tpu.memref_squeeze %scatter3A_228 : memref<1x64x128xf32, #tpu.memory_space<vmem>> -> memref<64x128xf32, #tpu.memory_space<vmem>>
          tpu.vector_store_idx %scatter3A_229[%shift_right_arithmetic3A_5, %add3A_225], %get3A_223 : memref<64x128xf32, #tpu.memory_space<vmem>>[vector<16xi32>, vector<16xi32>], vector<16xf32>,
          %get3A_230 = arith.constant 0 : i32
          %get3A_231 = arith.index_cast %get3A_230 : i32 to index
          %get3A_232 = arith.index_cast %scan3A_219 : i32 to index
          %get3A_233 = arith.constant 16 : index
          %get3A_234 = tpu.vector_load %arg5[%get3A_231, %get3A_232, %get3A_233] {strides = array<i32>} : memref<2x64x128xf32, #tpu.memory_space<vmem>>, vector<16xf32>,
          %add3A_235 = vector.broadcast %scan3A_219 : i32 to vector<16xi32>
          %add3A_236 = arith.addi %shift_left3A_63, %add3A_235 : vector<16xi32>
          %scatter3A_237 = arith.constant 0 : i32
          %scatter3A_238 = arith.constant 0 : i32
          %scatter3A_239 = arith.constant 0 : i32
          %scatter3A_240 = tpu.memref_slice %arg6[%scatter3A_237, %scatter3A_238, %scatter3A_239] : memref<2x64x128xf32, #tpu.memory_space<vmem>> -> memref<1x64x128xf32, #tpu.memory_space<vmem>>
          %scatter3A_241 = tpu.memref_squeeze %scatter3A_240 : memref<1x64x128xf32, #tpu.memory_space<vmem>> -> memref<64x128xf32, #tpu.memory_space<vmem>>
          tpu.vector_store_idx %scatter3A_241[%shift_right_arithmetic3A_11, %add3A_236], %get3A_234 : memref<64x128xf32, #tpu.memory_space<vmem>>[vector<16xi32>, vector<16xi32>], vector<16xf32>,
          %get3A_242 = arith.constant 0 : i32
          %get3A_243 = arith.index_cast %get3A_242 : i32 to index
          %get3A_244 = arith.index_cast %scan3A_219 : i32 to index
          %get3A_245 = arith.constant 32 : index
          %get3A_246 = tpu.vector_load %arg5[%get3A_243, %get3A_244, %get3A_245] {strides = array<i32>} : memref<2x64x128xf32, #tpu.memory_space<vmem>>, vector<16xf32>,
          %add3A_247 = vector.broadcast %scan3A_219 : i32 to vector<16xi32>
          %add3A_248 = arith.addi %shift_left3A_72, %add3A_247 : vector<16xi32>
          %scatter3A_249 = arith.constant 0 : i32
          %scatter3A_250 = arith.constant 0 : i32
          %scatter3A_251 = arith.constant 0 : i32
          %scatter3A_252 = tpu.memref_slice %arg6[%scatter3A_249, %scatter3A_250, %scatter3A_251] : memref<2x64x128xf32, #tpu.memory_space<vmem>> -> memref<1x64x128xf32, #tpu.memory_space<vmem>>
          %scatter3A_253 = tpu.memref_squeeze %scatter3A_252 : memref<1x64x128xf32, #tpu.memory_space<vmem>> -> memref<64x128xf32, #tpu.memory_space<vmem>>
          tpu.vector_store_idx %scatter3A_253[%shift_right_arithmetic3A_17, %add3A_248], %get3A_246 : memref<64x128xf32, #tpu.memory_space<vmem>>[vector<16xi32>, vector<16xi32>], vector<16xf32>,
          %get3A_254 = arith.constant 0 : i32
          %get3A_255 = arith.index_cast %get3A_254 : i32 to index
          %get3A_256 = arith.index_cast %scan3A_219 : i32 to index
          %get3A_257 = arith.constant 48 : index
          %get3A_258 = tpu.vector_load %arg5[%get3A_255, %get3A_256, %get3A_257] {strides = array<i32>} : memref<2x64x128xf32, #tpu.memory_space<vmem>>, vector<16xf32>,
          %add3A_259 = vector.broadcast %scan3A_219 : i32 to vector<16xi32>
          %add3A_260 = arith.addi %shift_left3A_81, %add3A_259 : vector<16xi32>
          %scatter3A_261 = arith.constant 0 : i32
          %scatter3A_262 = arith.constant 0 : i32
          %scatter3A_263 = arith.constant 0 : i32
          %scatter3A_264 = tpu.memref_slice %arg6[%scatter3A_261, %scatter3A_262, %scatter3A_263] : memref<2x64x128xf32, #tpu.memory_space<vmem>> -> memref<1x64x128xf32, #tpu.memory_space<vmem>>
          %scatter3A_265 = tpu.memref_squeeze %scatter3A_264 : memref<1x64x128xf32, #tpu.memory_space<vmem>> -> memref<64x128xf32, #tpu.memory_space<vmem>>
          tpu.vector_store_idx %scatter3A_265[%shift_right_arithmetic3A_23, %add3A_260], %get3A_258 : memref<64x128xf32, #tpu.memory_space<vmem>>[vector<16xi32>, vector<16xi32>], vector<16xf32>,
          %get3A_266 = arith.constant 0 : i32
          %get3A_267 = arith.index_cast %get3A_266 : i32 to index
          %get3A_268 = arith.index_cast %scan3A_219 : i32 to index
          %get3A_269 = arith.constant 64 : index
          %get3A_270 = tpu.vector_load %arg5[%get3A_267, %get3A_268, %get3A_269] {strides = array<i32>} : memref<2x64x128xf32, #tpu.memory_space<vmem>>, vector<16xf32>,
          %add3A_271 = vector.broadcast %scan3A_219 : i32 to vector<16xi32>
          %add3A_272 = arith.addi %shift_left3A_90, %add3A_271 : vector<16xi32>
          %scatter3A_273 = arith.constant 0 : i32
          %scatter3A_274 = arith.constant 0 : i32
          %scatter3A_275 = arith.constant 0 : i32
          %scatter3A_276 = tpu.memref_slice %arg6[%scatter3A_273, %scatter3A_274, %scatter3A_275] : memref<2x64x128xf32, #tpu.memory_space<vmem>> -> memref<1x64x128xf32, #tpu.memory_space<vmem>>
          %scatter3A_277 = tpu.memref_squeeze %scatter3A_276 : memref<1x64x128xf32, #tpu.memory_space<vmem>> -> memref<64x128xf32, #tpu.memory_space<vmem>>
          tpu.vector_store_idx %scatter3A_277[%shift_right_arithmetic3A_29, %add3A_272], %get3A_270 : memref<64x128xf32, #tpu.memory_space<vmem>>[vector<16xi32>, vector<16xi32>], vector<16xf32>,
          %get3A_278 = arith.constant 0 : i32
          %get3A_279 = arith.index_cast %get3A_278 : i32 to index
          %get3A_280 = arith.index_cast %scan3A_219 : i32 to index
          %get3A_281 = arith.constant 80 : index
          %get3A_282 = tpu.vector_load %arg5[%get3A_279, %get3A_280, %get3A_281] {strides = array<i32>} : memref<2x64x128xf32, #tpu.memory_space<vmem>>, vector<16xf32>,
          %add3A_283 = vector.broadcast %scan3A_219 : i32 to vector<16xi32>
          %add3A_284 = arith.addi %shift_left3A_99, %add3A_283 : vector<16xi32>
          %scatter3A_285 = arith.constant 0 : i32
          %scatter3A_286 = arith.constant 0 : i32
          %scatter3A_287 = arith.constant 0 : i32
          %scatter3A_288 = tpu.memref_slice %arg6[%scatter3A_285, %scatter3A_286, %scatter3A_287] : memref<2x64x128xf32, #tpu.memory_space<vmem>> -> memref<1x64x128xf32, #tpu.memory_space<vmem>>
          %scatter3A_289 = tpu.memref_squeeze %scatter3A_288 : memref<1x64x128xf32, #tpu.memory_space<vmem>> -> memref<64x128xf32, #tpu.memory_space<vmem>>
          tpu.vector_store_idx %scatter3A_289[%shift_right_arithmetic3A_35, %add3A_284], %get3A_282 : memref<64x128xf32, #tpu.memory_space<vmem>>[vector<16xi32>, vector<16xi32>], vector<16xf32>,
          %get3A_290 = arith.constant 0 : i32
          %get3A_291 = arith.index_cast %get3A_290 : i32 to index
          %get3A_292 = arith.index_cast %scan3A_219 : i32 to index
          %get3A_293 = arith.constant 96 : index
          %get3A_294 = tpu.vector_load %arg5[%get3A_291, %get3A_292, %get3A_293] {strides = array<i32>} : memref<2x64x128xf32, #tpu.memory_space<vmem>>, vector<16xf32>,
          %add3A_295 = vector.broadcast %scan3A_219 : i32 to vector<16xi32>
          %add3A_296 = arith.addi %shift_left3A_108, %add3A_295 : vector<16xi32>
          %scatter3A_297 = arith.constant 0 : i32
          %scatter3A_298 = arith.constant 0 : i32
          %scatter3A_299 = arith.constant 0 : i32
          %scatter3A_300 = tpu.memref_slice %arg6[%scatter3A_297, %scatter3A_298, %scatter3A_299] : memref<2x64x128xf32, #tpu.memory_space<vmem>> -> memref<1x64x128xf32, #tpu.memory_space<vmem>>
          %scatter3A_301 = tpu.memref_squeeze %scatter3A_300 : memref<1x64x128xf32, #tpu.memory_space<vmem>> -> memref<64x128xf32, #tpu.memory_space<vmem>>
          tpu.vector_store_idx %scatter3A_301[%shift_right_arithmetic3A_41, %add3A_296], %get3A_294 : memref<64x128xf32, #tpu.memory_space<vmem>>[vector<16xi32>, vector<16xi32>], vector<16xf32>,
          %get3A_302 = arith.constant 0 : i32
          %get3A_303 = arith.index_cast %get3A_302 : i32 to index
          %get3A_304 = arith.index_cast %scan3A_219 : i32 to index
          %get3A_305 = arith.constant 112 : index
          %get3A_306 = tpu.vector_load %arg5[%get3A_303, %get3A_304, %get3A_305] {strides = array<i32>} : memref<2x64x128xf32, #tpu.memory_space<vmem>>, vector<16xf32>,
          %add3A_307 = vector.broadcast %scan3A_219 : i32 to vector<16xi32>
          %add3A_308 = arith.addi %shift_left3A_117, %add3A_307 : vector<16xi32>
          %scatter3A_309 = arith.constant 0 : i32
          %scatter3A_310 = arith.constant 0 : i32
          %scatter3A_311 = arith.constant 0 : i32
          %scatter3A_312 = tpu.memref_slice %arg6[%scatter3A_309, %scatter3A_310, %scatter3A_311] : memref<2x64x128xf32, #tpu.memory_space<vmem>> -> memref<1x64x128xf32, #tpu.memory_space<vmem>>
          %scatter3A_313 = tpu.memref_squeeze %scatter3A_312 : memref<1x64x128xf32, #tpu.memory_space<vmem>> -> memref<64x128xf32, #tpu.memory_space<vmem>>
          tpu.vector_store_idx %scatter3A_313[%shift_right_arithmetic3A_47, %add3A_308], %get3A_306 : memref<64x128xf32, #tpu.memory_space<vmem>>[vector<16xi32>, vector<16xi32>], vector<16xf32>,
          %scan3A_314 = arith.constant 1 : i32
          %scan3A_315 = arith.addi %scan3A_219, %scan3A_314 : i32
          %get3A_316 = arith.constant 0 : i32
          %get3A_317 = arith.index_cast %get3A_316 : i32 to index
          %get3A_318 = arith.index_cast %scan3A_315 : i32 to index
          %get3A_319 = arith.constant 0 : index
          %get3A_320 = tpu.vector_load %arg5[%get3A_317, %get3A_318, %get3A_319] {strides = array<i32>} : memref<2x64x128xf32, #tpu.memory_space<vmem>>, vector<16xf32>,
          %add3A_321 = vector.broadcast %scan3A_315 : i32 to vector<16xi32>
          %add3A_322 = arith.addi %shift_left3A_54, %add3A_321 : vector<16xi32>
          %scatter3A_323 = arith.constant 0 : i32
          %scatter3A_324 = arith.constant 0 : i32
          %scatter3A_325 = arith.constant 0 : i32
          %scatter3A_326 = tpu.memref_slice %arg6[%scatter3A_323, %scatter3A_324, %scatter3A_325] : memref<2x64x128xf32, #tpu.memory_space<vmem>> -> memref<1x64x128xf32, #tpu.memory_space<vmem>>
          %scatter3A_327 = tpu.memref_squeeze %scatter3A_326 : memref<1x64x128xf32, #tpu.memory_space<vmem>> -> memref<64x128xf32, #tpu.memory_space<vmem>>
          tpu.vector_store_idx %scatter3A_327[%shift_right_arithmetic3A_5, %add3A_322], %get3A_320 : memref<64x128xf32, #tpu.memory_space<vmem>>[vector<16xi32>, vector<16xi32>], vector<16xf32>,
          %get3A_328 = arith.constant 0 : i32
          %get3A_329 = arith.index_cast %get3A_328 : i32 to index
          %get3A_330 = arith.index_cast %scan3A_315 : i32 to index
          %get3A_331 = arith.constant 16 : index
          %get3A_332 = tpu.vector_load %arg5[%get3A_329, %get3A_330, %get3A_331] {strides = array<i32>} : memref<2x64x128xf32, #tpu.memory_space<vmem>>, vector<16xf32>,
          %add3A_333 = vector.broadcast %scan3A_315 : i32 to vector<16xi32>
          %add3A_334 = arith.addi %shift_left3A_63, %add3A_333 : vector<16xi32>
          %scatter3A_335 = arith.constant 0 : i32
          %scatter3A_336 = arith.constant 0 : i32
          %scatter3A_337 = arith.constant 0 : i32
          %scatter3A_338 = tpu.memref_slice %arg6[%scatter3A_335, %scatter3A_336, %scatter3A_337] : memref<2x64x128xf32, #tpu.memory_space<vmem>> -> memref<1x64x128xf32, #tpu.memory_space<vmem>>
          %scatter3A_339 = tpu.memref_squeeze %scatter3A_338 : memref<1x64x128xf32, #tpu.memory_space<vmem>> -> memref<64x128xf32, #tpu.memory_space<vmem>>
          tpu.vector_store_idx %scatter3A_339[%shift_right_arithmetic3A_11, %add3A_334], %get3A_332 : memref<64x128xf32, #tpu.memory_space<vmem>>[vector<16xi32>, vector<16xi32>], vector<16xf32>,
          %get3A_340 = arith.constant 0 : i32
          %get3A_341 = arith.index_cast %get3A_340 : i32 to index
          %get3A_342 = arith.index_cast %scan3A_315 : i32 to index
          %get3A_343 = arith.constant 32 : index
          %get3A_344 = tpu.vector_load %arg5[%get3A_341, %get3A_342, %get3A_343] {strides = array<i32>} : memref<2x64x128xf32, #tpu.memory_space<vmem>>, vector<16xf32>,
          %add3A_345 = vector.broadcast %scan3A_315 : i32 to vector<16xi32>
          %add3A_346 = arith.addi %shift_left3A_72, %add3A_345 : vector<16xi32>
          %scatter3A_347 = arith.constant 0 : i32
          %scatter3A_348 = arith.constant 0 : i32
          %scatter3A_349 = arith.constant 0 : i32
          %scatter3A_350 = tpu.memref_slice %arg6[%scatter3A_347, %scatter3A_348, %scatter3A_349] : memref<2x64x128xf32, #tpu.memory_space<vmem>> -> memref<1x64x128xf32, #tpu.memory_space<vmem>>
          %scatter3A_351 = tpu.memref_squeeze %scatter3A_350 : memref<1x64x128xf32, #tpu.memory_space<vmem>> -> memref<64x128xf32, #tpu.memory_space<vmem>>
          tpu.vector_store_idx %scatter3A_351[%shift_right_arithmetic3A_17, %add3A_346], %get3A_344 : memref<64x128xf32, #tpu.memory_space<vmem>>[vector<16xi32>, vector<16xi32>], vector<16xf32>,
          %get3A_352 = arith.constant 0 : i32
          %get3A_353 = arith.index_cast %get3A_352 : i32 to index
          %get3A_354 = arith.index_cast %scan3A_315 : i32 to index
          %get3A_355 = arith.constant 48 : index
          %get3A_356 = tpu.vector_load %arg5[%get3A_353, %get3A_354, %get3A_355] {strides = array<i32>} : memref<2x64x128xf32, #tpu.memory_space<vmem>>, vector<16xf32>,
          %add3A_357 = vector.broadcast %scan3A_315 : i32 to vector<16xi32>
          %add3A_358 = arith.addi %shift_left3A_81, %add3A_357 : vector<16xi32>
          %scatter3A_359 = arith.constant 0 : i32
          %scatter3A_360 = arith.constant 0 : i32
          %scatter3A_361 = arith.constant 0 : i32
          %scatter3A_362 = tpu.memref_slice %arg6[%scatter3A_359, %scatter3A_360, %scatter3A_361] : memref<2x64x128xf32, #tpu.memory_space<vmem>> -> memref<1x64x128xf32, #tpu.memory_space<vmem>>
          %scatter3A_363 = tpu.memref_squeeze %scatter3A_362 : memref<1x64x128xf32, #tpu.memory_space<vmem>> -> memref<64x128xf32, #tpu.memory_space<vmem>>
          tpu.vector_store_idx %scatter3A_363[%shift_right_arithmetic3A_23, %add3A_358], %get3A_356 : memref<64x128xf32, #tpu.memory_space<vmem>>[vector<16xi32>, vector<16xi32>], vector<16xf32>,
          %get3A_364 = arith.constant 0 : i32
          %get3A_365 = arith.index_cast %get3A_364 : i32 to index
          %get3A_366 = arith.index_cast %scan3A_315 : i32 to index
          %get3A_367 = arith.constant 64 : index
          %get3A_368 = tpu.vector_load %arg5[%get3A_365, %get3A_366, %get3A_367] {strides = array<i32>} : memref<2x64x128xf32, #tpu.memory_space<vmem>>, vector<16xf32>,
          %add3A_369 = vector.broadcast %scan3A_315 : i32 to vector<16xi32>
          %add3A_370 = arith.addi %shift_left3A_90, %add3A_369 : vector<16xi32>
          %scatter3A_371 = arith.constant 0 : i32
          %scatter3A_372 = arith.constant 0 : i32
          %scatter3A_373 = arith.constant 0 : i32
          %scatter3A_374 = tpu.memref_slice %arg6[%scatter3A_371, %scatter3A_372, %scatter3A_373] : memref<2x64x128xf32, #tpu.memory_space<vmem>> -> memref<1x64x128xf32, #tpu.memory_space<vmem>>
          %scatter3A_375 = tpu.memref_squeeze %scatter3A_374 : memref<1x64x128xf32, #tpu.memory_space<vmem>> -> memref<64x128xf32, #tpu.memory_space<vmem>>
          tpu.vector_store_idx %scatter3A_375[%shift_right_arithmetic3A_29, %add3A_370], %get3A_368 : memref<64x128xf32, #tpu.memory_space<vmem>>[vector<16xi32>, vector<16xi32>], vector<16xf32>,
          %get3A_376 = arith.constant 0 : i32
          %get3A_377 = arith.index_cast %get3A_376 : i32 to index
          %get3A_378 = arith.index_cast %scan3A_315 : i32 to index
          %get3A_379 = arith.constant 80 : index
          %get3A_380 = tpu.vector_load %arg5[%get3A_377, %get3A_378, %get3A_379] {strides = array<i32>} : memref<2x64x128xf32, #tpu.memory_space<vmem>>, vector<16xf32>,
          %add3A_381 = vector.broadcast %scan3A_315 : i32 to vector<16xi32>
          %add3A_382 = arith.addi %shift_left3A_99, %add3A_381 : vector<16xi32>
          %scatter3A_383 = arith.constant 0 : i32
          %scatter3A_384 = arith.constant 0 : i32
          %scatter3A_385 = arith.constant 0 : i32
          %scatter3A_386 = tpu.memref_slice %arg6[%scatter3A_383, %scatter3A_384, %scatter3A_385] : memref<2x64x128xf32, #tpu.memory_space<vmem>> -> memref<1x64x128xf32, #tpu.memory_space<vmem>>
          %scatter3A_387 = tpu.memref_squeeze %scatter3A_386 : memref<1x64x128xf32, #tpu.memory_space<vmem>> -> memref<64x128xf32, #tpu.memory_space<vmem>>
          tpu.vector_store_idx %scatter3A_387[%shift_right_arithmetic3A_35, %add3A_382], %get3A_380 : memref<64x128xf32, #tpu.memory_space<vmem>>[vector<16xi32>, vector<16xi32>], vector<16xf32>,
          %get3A_388 = arith.constant 0 : i32
          %get3A_389 = arith.index_cast %get3A_388 : i32 to index
          %get3A_390 = arith.index_cast %scan3A_315 : i32 to index
          %get3A_391 = arith.constant 96 : index
          %get3A_392 = tpu.vector_load %arg5[%get3A_389, %get3A_390, %get3A_391] {strides = array<i32>} : memref<2x64x128xf32, #tpu.memory_space<vmem>>, vector<16xf32>,
          %add3A_393 = vector.broadcast %scan3A_315 : i32 to vector<16xi32>
          %add3A_394 = arith.addi %shift_left3A_108, %add3A_393 : vector<16xi32>
          %scatter3A_395 = arith.constant 0 : i32
          %scatter3A_396 = arith.constant 0 : i32
          %scatter3A_397 = arith.constant 0 : i32
          %scatter3A_398 = tpu.memref_slice %arg6[%scatter3A_395, %scatter3A_396, %scatter3A_397] : memref<2x64x128xf32, #tpu.memory_space<vmem>> -> memref<1x64x128xf32, #tpu.memory_space<vmem>>
          %scatter3A_399 = tpu.memref_squeeze %scatter3A_398 : memref<1x64x128xf32, #tpu.memory_space<vmem>> -> memref<64x128xf32, #tpu.memory_space<vmem>>
          tpu.vector_store_idx %scatter3A_399[%shift_right_arithmetic3A_41, %add3A_394], %get3A_392 : memref<64x128xf32, #tpu.memory_space<vmem>>[vector<16xi32>, vector<16xi32>], vector<16xf32>,
          %get3A_400 = arith.constant 0 : i32
          %get3A_401 = arith.index_cast %get3A_400 : i32 to index
          %get3A_402 = arith.index_cast %scan3A_315 : i32 to index
          %get3A_403 = arith.constant 112 : index
          %get3A_404 = tpu.vector_load %arg5[%get3A_401, %get3A_402, %get3A_403] {strides = array<i32>} : memref<2x64x128xf32, #tpu.memory_space<vmem>>, vector<16xf32>,
          %add3A_405 = vector.broadcast %scan3A_315 : i32 to vector<16xi32>
          %add3A_406 = arith.addi %shift_left3A_117, %add3A_405 : vector<16xi32>
          %scatter3A_407 = arith.constant 0 : i32
          %scatter3A_408 = arith.constant 0 : i32
          %scatter3A_409 = arith.constant 0 : i32
          %scatter3A_410 = tpu.memref_slice %arg6[%scatter3A_407, %scatter3A_408, %scatter3A_409] : memref<2x64x128xf32, #tpu.memory_space<vmem>> -> memref<1x64x128xf32, #tpu.memory_space<vmem>>
          %scatter3A_411 = tpu.memref_squeeze %scatter3A_410 : memref<1x64x128xf32, #tpu.memory_space<vmem>> -> memref<64x128xf32, #tpu.memory_space<vmem>>
          tpu.vector_store_idx %scatter3A_411[%shift_right_arithmetic3A_47, %add3A_406], %get3A_404 : memref<64x128xf32, #tpu.memory_space<vmem>>[vector<16xi32>, vector<16xi32>], vector<16xf32>,
        }
        %scan3A_195 = arith.constant 64 : i32
        %mul3A_196 = arith.constant 32 : i32
        %mul3A_197 = arith.muli %mul3A_196, %add3A_159 : i32
        %add3A_198 = arith.addi %add3A, %mul3A_197 : i32
        %mul3A_199 = arith.constant 64 : i32
        %mul3A_200 = arith.muli %add3A_198, %mul3A_199 : i32
        %dma_start3A = arith.constant 0 : i32
        %dma_start3A_201 = arith.constant 0 : i32
        %dma_start3A_202 = arith.constant 0 : i32
        %dma_start3A_203 = tpu.memref_slice %arg6[%dma_start3A, %dma_start3A_201, %dma_start3A_202] : memref<2x64x128xf32, #tpu.memory_space<vmem>> -> memref<1x64x128xf32, #tpu.memory_space<vmem>>
        %dma_start3A_204 = tpu.memref_squeeze %dma_start3A_203 : memref<1x64x128xf32, #tpu.memory_space<vmem>> -> memref<64x128xf32, #tpu.memory_space<vmem>>
        %dma_start3A_205 = arith.constant 0 : i32
        %dma_start3A_206 = tpu.memref_slice %arg4[%mul3A_200, %dma_start3A_205] : memref<500000x128xf32, #tpu.memory_space<hbm>> -> memref<64x128xf32, #tpu.memory_space<hbm>>
        %dma_start3A_207 = arith.constant 0 : i32
        %dma_start3A_208 = tpu.memref_slice %arg4[%mul3A_200, %dma_start3A_207] : memref<500000x128xf32, #tpu.memory_space<hbm>> -> memref<64x128xf32, #tpu.memory_space<hbm>>
        %dma_start3A_209 = arith.constant 0 : i32
        %dma_start3A_210 = arith.constant 0 : i32
        %dma_start3A_211 = tpu.memref_slice %arg6[%dma_start3A, %dma_start3A_209, %dma_start3A_210] : memref<2x64x128xf32, #tpu.memory_space<vmem>> -> memref<1x64x128xf32, #tpu.memory_space<vmem>>
        %dma_start3A_212 = tpu.memref_squeeze %dma_start3A_211 : memref<1x64x128xf32, #tpu.memory_space<vmem>> -> memref<64x128xf32, #tpu.memory_space<vmem>>
        tpu.enqueue_dma source(%dma_start3A_212 : memref<64x128xf32, #tpu.memory_space<vmem>>) target(%dma_start3A_208 : memref<64x128xf32, #tpu.memory_space<hbm>>) target_semaphore(%arg9 : memref<!tpu.dma_semaphore, #tpu.memory_space<semaphore_mem>>)
        %add3A_213 = arith.constant 2 : i32
        %add3A_214 = arith.addi %add3A_159, %add3A_213 : i32
        %lt3A_215 = arith.cmpi slt, %add3A_214, %div3A_121 : i32
        %convert_element_type3A_216 = arith.extui %lt3A_215 : i1 to i32
        %cond3A_217 = arith.constant 0 : i32
        %cond3A_218 = arith.cmpi ne, %convert_element_type3A_216, %cond3A_217 : i32
        scf.if %cond3A_218 {
          %add3A_219 = arith.constant 2 : i32
          %add3A_220 = arith.addi %add3A_159, %add3A_219 : i32
          %mul3A_221 = arith.constant 32 : i32
          %mul3A_222 = arith.muli %mul3A_221, %add3A_220 : i32
          %add3A_223 = arith.addi %add3A, %mul3A_222 : i32
          %mul3A_224 = arith.constant 128 : i32
          %mul3A_225 = arith.muli %add3A_223, %mul3A_224 : i32
          %dma_start3A_226 = arith.constant 0 : i32
          %dma_start3A_227 = arith.constant 0 : i32
          %dma_start3A_228 = arith.constant 0 : i32
          %dma_start3A_229 = tpu.memref_slice %arg5[%dma_start3A_226, %dma_start3A_227, %dma_start3A_228] : memref<2x64x128xf32, #tpu.memory_space<vmem>> -> memref<1x64x128xf32, #tpu.memory_space<vmem>>
          %dma_start3A_230 = tpu.memref_squeeze %dma_start3A_229 : memref<1x64x128xf32, #tpu.memory_space<vmem>> -> memref<64x128xf32, #tpu.memory_space<vmem>>
          %dma_start3A_231 = arith.constant 0 : i32
          %dma_start3A_232 = tpu.memref_slice %arg2[%dma_start3A_231, %mul3A_225] : memref<64x1000000xf32, #tpu.memory_space<hbm>> -> memref<64x128xf32, #tpu.memory_space<hbm>>
          %dma_start3A_233 = arith.constant 0 : i32
          %dma_start3A_234 = arith.constant 0 : i32
          %dma_start3A_235 = tpu.memref_slice %arg5[%dma_start3A_226, %dma_start3A_233, %dma_start3A_234] : memref<2x64x128xf32, #tpu.memory_space<vmem>> -> memref<1x64x128xf32, #tpu.memory_space<vmem>>
          %dma_start3A_236 = tpu.memref_squeeze %dma_start3A_235 : memref<1x64x128xf32, #tpu.memory_space<vmem>> -> memref<64x128xf32, #tpu.memory_space<vmem>>
          %dma_start3A_237 = arith.constant 0 : i32
          %dma_start3A_238 = tpu.memref_slice %arg2[%dma_start3A_237, %mul3A_225] : memref<64x1000000xf32, #tpu.memory_space<hbm>> -> memref<64x128xf32, #tpu.memory_space<hbm>>
          tpu.enqueue_dma source(%dma_start3A_238 : memref<64x128xf32, #tpu.memory_space<hbm>>) target(%dma_start3A_236 : memref<64x128xf32, #tpu.memory_space<vmem>>) target_semaphore(%arg7 : memref<!tpu.dma_semaphore, #tpu.memory_space<semaphore_mem>>)
        } else {
        }
      } else {
      }
      %mul3A_163 = arith.constant 2 : i32
      %mul3A_164 = arith.muli %while3A_155, %mul3A_163 : i32
      %add3A_165 = arith.constant 1 : i32
      %add3A_166 = arith.addi %mul3A_164, %add3A_165 : i32
      %lt3A_167 = arith.cmpi slt, %add3A_166, %div3A_121 : i32
      %convert_element_type3A_168 = arith.extui %lt3A_167 : i1 to i32
      %cond3A_169 = arith.constant 0 : i32
      %cond3A_170 = arith.cmpi ne, %convert_element_type3A_168, %cond3A_169 : i32
      scf.if %cond3A_170 {
        %mul3A_171 = arith.constant 32 : i32
        %mul3A_172 = arith.muli %mul3A_171, %add3A_166 : i32
        %add3A_173 = arith.addi %add3A, %mul3A_172 : i32
        %mul3A_174 = arith.constant 128 : i32
        %mul3A_175 = arith.muli %add3A_173, %mul3A_174 : i32
        %dma_wait3A = arith.constant 1 : i32
        %dma_wait3A_176 = arith.constant 0 : i32
        %dma_wait3A_177 = arith.constant 0 : i32
        %dma_wait3A_178 = tpu.memref_slice %arg5[%dma_wait3A, %dma_wait3A_176, %dma_wait3A_177] : memref<2x64x128xf32, #tpu.memory_space<vmem>> -> memref<1x64x128xf32, #tpu.memory_space<vmem>>
        %dma_wait3A_179 = tpu.memref_squeeze %dma_wait3A_178 : memref<1x64x128xf32, #tpu.memory_space<vmem>> -> memref<64x128xf32, #tpu.memory_space<vmem>>
        %dma_wait3A_180 = arith.constant 0 : i32
        %dma_wait3A_181 = tpu.memref_slice %arg2[%dma_wait3A_180, %mul3A_175] : memref<64x1000000xf32, #tpu.memory_space<hbm>> -> memref<64x128xf32, #tpu.memory_space<hbm>>
        %dma_wait3A_182 = arith.constant 0 : i32
        %dma_wait3A_183 = arith.constant 0 : i32
        %dma_wait3A_184 = tpu.memref_slice %arg5[%dma_wait3A, %dma_wait3A_182, %dma_wait3A_183] : memref<2x64x128xf32, #tpu.memory_space<vmem>> -> memref<1x64x128xf32, #tpu.memory_space<vmem>>
        %dma_wait3A_185 = tpu.memref_squeeze %dma_wait3A_184 : memref<1x64x128xf32, #tpu.memory_space<vmem>> -> memref<64x128xf32, #tpu.memory_space<vmem>>
        %dma_wait3A_186 = arith.constant 0 : i32
        %dma_wait3A_187 = tpu.memref_slice %arg2[%dma_wait3A_186, %mul3A_175] : memref<64x1000000xf32, #tpu.memory_space<hbm>> -> memref<64x128xf32, #tpu.memory_space<hbm>>
        tpu.wait_dma2 semaphore(%arg8 : memref<!tpu.dma_semaphore, #tpu.memory_space<semaphore_mem>>) src(%dma_wait3A_187 : memref<64x128xf32, #tpu.memory_space<hbm>>) dst(%dma_wait3A_185 : memref<64x128xf32, #tpu.memory_space<vmem>>)
        %ge3A = arith.constant 2 : i32
        %ge3A_188 = arith.cmpi sge, %add3A_166, %ge3A : i32
        %convert_element_type3A_189 = arith.extui %ge3A_188 : i1 to i32
        %cond3A_190 = arith.constant 0 : i32
        %cond3A_191 = arith.cmpi ne, %convert_element_type3A_189, %cond3A_190 : i32
        scf.if %cond3A_191 {
          %sub3A_219 = arith.constant 2 : i32
          %sub3A_220 = arith.subi %add3A_166, %sub3A_219 : i32
          %mul3A_221 = arith.constant 32 : i32
          %mul3A_222 = arith.muli %mul3A_221, %sub3A_220 : i32
          %add3A_223 = arith.addi %add3A, %mul3A_222 : i32
          %mul3A_224 = arith.constant 64 : i32
          %mul3A_225 = arith.muli %add3A_223, %mul3A_224 : i32
          %dma_wait3A_226 = arith.constant 1 : i32
          %dma_wait3A_227 = arith.constant 0 : i32
          %dma_wait3A_228 = arith.constant 0 : i32
          %dma_wait3A_229 = tpu.memref_slice %arg6[%dma_wait3A_226, %dma_wait3A_227, %dma_wait3A_228] : memref<2x64x128xf32, #tpu.memory_space<vmem>> -> memref<1x64x128xf32, #tpu.memory_space<vmem>>
          %dma_wait3A_230 = tpu.memref_squeeze %dma_wait3A_229 : memref<1x64x128xf32, #tpu.memory_space<vmem>> -> memref<64x128xf32, #tpu.memory_space<vmem>>
          %dma_wait3A_231 = arith.constant 0 : i32
          %dma_wait3A_232 = tpu.memref_slice %arg4[%mul3A_225, %dma_wait3A_231] : memref<500000x128xf32, #tpu.memory_space<hbm>> -> memref<64x128xf32, #tpu.memory_space<hbm>>
          %dma_wait3A_233 = arith.constant 0 : i32
          %dma_wait3A_234 = tpu.memref_slice %arg4[%mul3A_225, %dma_wait3A_233] : memref<500000x128xf32, #tpu.memory_space<hbm>> -> memref<64x128xf32, #tpu.memory_space<hbm>>
          %dma_wait3A_235 = arith.constant 0 : i32
          %dma_wait3A_236 = arith.constant 0 : i32
          %dma_wait3A_237 = tpu.memref_slice %arg6[%dma_wait3A_226, %dma_wait3A_235, %dma_wait3A_236] : memref<2x64x128xf32, #tpu.memory_space<vmem>> -> memref<1x64x128xf32, #tpu.memory_space<vmem>>
          %dma_wait3A_238 = tpu.memref_squeeze %dma_wait3A_237 : memref<1x64x128xf32, #tpu.memory_space<vmem>> -> memref<64x128xf32, #tpu.memory_space<vmem>>
          tpu.wait_dma2 semaphore(%arg10 : memref<!tpu.dma_semaphore, #tpu.memory_space<semaphore_mem>>) src(%dma_wait3A_238 : memref<64x128xf32, #tpu.memory_space<vmem>>) dst(%dma_wait3A_234 : memref<64x128xf32, #tpu.memory_space<hbm>>)
        } else {
        }
        %scan3A = arith.constant 0 : i32
        %scan3A_192 = arith.constant 64 : i32
        %scan3A_193 = arith.addi %scan3A, %scan3A_192 : i32
        %scan3A_194 = arith.constant 2 : i32
        scf.for %scan3A_219 = %scan3A to %scan3A_193 step %scan3A_194  : i32 {
          %get3A = arith.constant 1 : i32
          %get3A_220 = arith.index_cast %get3A : i32 to index
          %get3A_221 = arith.index_cast %scan3A_219 : i32 to index
          %get3A_222 = arith.constant 0 : index
          %get3A_223 = tpu.vector_load %arg5[%get3A_220, %get3A_221, %get3A_222] {strides = array<i32>} : memref<2x64x128xf32, #tpu.memory_space<vmem>>, vector<16xf32>,
          %add3A_224 = vector.broadcast %scan3A_219 : i32 to vector<16xi32>
          %add3A_225 = arith.addi %shift_left3A_54, %add3A_224 : vector<16xi32>
          %scatter3A = arith.constant 1 : i32
          %scatter3A_226 = arith.constant 0 : i32
          %scatter3A_227 = arith.constant 0 : i32
          %scatter3A_228 = tpu.memref_slice %arg6[%scatter3A, %scatter3A_226, %scatter3A_227] : memref<2x64x128xf32, #tpu.memory_space<vmem>> -> memref<1x64x128xf32, #tpu.memory_space<vmem>>
          %scatter3A_229 = tpu.memref_squeeze %scatter3A_228 : memref<1x64x128xf32, #tpu.memory_space<vmem>> -> memref<64x128xf32, #tpu.memory_space<vmem>>
          tpu.vector_store_idx %scatter3A_229[%shift_right_arithmetic3A_5, %add3A_225], %get3A_223 : memref<64x128xf32, #tpu.memory_space<vmem>>[vector<16xi32>, vector<16xi32>], vector<16xf32>,
          %get3A_230 = arith.constant 1 : i32
          %get3A_231 = arith.index_cast %get3A_230 : i32 to index
          %get3A_232 = arith.index_cast %scan3A_219 : i32 to index
          %get3A_233 = arith.constant 16 : index
          %get3A_234 = tpu.vector_load %arg5[%get3A_231, %get3A_232, %get3A_233] {strides = array<i32>} : memref<2x64x128xf32, #tpu.memory_space<vmem>>, vector<16xf32>,
          %add3A_235 = vector.broadcast %scan3A_219 : i32 to vector<16xi32>
          %add3A_236 = arith.addi %shift_left3A_63, %add3A_235 : vector<16xi32>
          %scatter3A_237 = arith.constant 1 : i32
          %scatter3A_238 = arith.constant 0 : i32
          %scatter3A_239 = arith.constant 0 : i32
          %scatter3A_240 = tpu.memref_slice %arg6[%scatter3A_237, %scatter3A_238, %scatter3A_239] : memref<2x64x128xf32, #tpu.memory_space<vmem>> -> memref<1x64x128xf32, #tpu.memory_space<vmem>>
          %scatter3A_241 = tpu.memref_squeeze %scatter3A_240 : memref<1x64x128xf32, #tpu.memory_space<vmem>> -> memref<64x128xf32, #tpu.memory_space<vmem>>
          tpu.vector_store_idx %scatter3A_241[%shift_right_arithmetic3A_11, %add3A_236], %get3A_234 : memref<64x128xf32, #tpu.memory_space<vmem>>[vector<16xi32>, vector<16xi32>], vector<16xf32>,
          %get3A_242 = arith.constant 1 : i32
          %get3A_243 = arith.index_cast %get3A_242 : i32 to index
          %get3A_244 = arith.index_cast %scan3A_219 : i32 to index
          %get3A_245 = arith.constant 32 : index
          %get3A_246 = tpu.vector_load %arg5[%get3A_243, %get3A_244, %get3A_245] {strides = array<i32>} : memref<2x64x128xf32, #tpu.memory_space<vmem>>, vector<16xf32>,
          %add3A_247 = vector.broadcast %scan3A_219 : i32 to vector<16xi32>
          %add3A_248 = arith.addi %shift_left3A_72, %add3A_247 : vector<16xi32>
          %scatter3A_249 = arith.constant 1 : i32
          %scatter3A_250 = arith.constant 0 : i32
          %scatter3A_251 = arith.constant 0 : i32
          %scatter3A_252 = tpu.memref_slice %arg6[%scatter3A_249, %scatter3A_250, %scatter3A_251] : memref<2x64x128xf32, #tpu.memory_space<vmem>> -> memref<1x64x128xf32, #tpu.memory_space<vmem>>
          %scatter3A_253 = tpu.memref_squeeze %scatter3A_252 : memref<1x64x128xf32, #tpu.memory_space<vmem>> -> memref<64x128xf32, #tpu.memory_space<vmem>>
          tpu.vector_store_idx %scatter3A_253[%shift_right_arithmetic3A_17, %add3A_248], %get3A_246 : memref<64x128xf32, #tpu.memory_space<vmem>>[vector<16xi32>, vector<16xi32>], vector<16xf32>,
          %get3A_254 = arith.constant 1 : i32
          %get3A_255 = arith.index_cast %get3A_254 : i32 to index
          %get3A_256 = arith.index_cast %scan3A_219 : i32 to index
          %get3A_257 = arith.constant 48 : index
          %get3A_258 = tpu.vector_load %arg5[%get3A_255, %get3A_256, %get3A_257] {strides = array<i32>} : memref<2x64x128xf32, #tpu.memory_space<vmem>>, vector<16xf32>,
          %add3A_259 = vector.broadcast %scan3A_219 : i32 to vector<16xi32>
          %add3A_260 = arith.addi %shift_left3A_81, %add3A_259 : vector<16xi32>
          %scatter3A_261 = arith.constant 1 : i32
          %scatter3A_262 = arith.constant 0 : i32
          %scatter3A_263 = arith.constant 0 : i32
          %scatter3A_264 = tpu.memref_slice %arg6[%scatter3A_261, %scatter3A_262, %scatter3A_263] : memref<2x64x128xf32, #tpu.memory_space<vmem>> -> memref<1x64x128xf32, #tpu.memory_space<vmem>>
          %scatter3A_265 = tpu.memref_squeeze %scatter3A_264 : memref<1x64x128xf32, #tpu.memory_space<vmem>> -> memref<64x128xf32, #tpu.memory_space<vmem>>
          tpu.vector_store_idx %scatter3A_265[%shift_right_arithmetic3A_23, %add3A_260], %get3A_258 : memref<64x128xf32, #tpu.memory_space<vmem>>[vector<16xi32>, vector<16xi32>], vector<16xf32>,
          %get3A_266 = arith.constant 1 : i32
          %get3A_267 = arith.index_cast %get3A_266 : i32 to index
          %get3A_268 = arith.index_cast %scan3A_219 : i32 to index
          %get3A_269 = arith.constant 64 : index
          %get3A_270 = tpu.vector_load %arg5[%get3A_267, %get3A_268, %get3A_269] {strides = array<i32>} : memref<2x64x128xf32, #tpu.memory_space<vmem>>, vector<16xf32>,
          %add3A_271 = vector.broadcast %scan3A_219 : i32 to vector<16xi32>
          %add3A_272 = arith.addi %shift_left3A_90, %add3A_271 : vector<16xi32>
          %scatter3A_273 = arith.constant 1 : i32
          %scatter3A_274 = arith.constant 0 : i32
          %scatter3A_275 = arith.constant 0 : i32
          %scatter3A_276 = tpu.memref_slice %arg6[%scatter3A_273, %scatter3A_274, %scatter3A_275] : memref<2x64x128xf32, #tpu.memory_space<vmem>> -> memref<1x64x128xf32, #tpu.memory_space<vmem>>
          %scatter3A_277 = tpu.memref_squeeze %scatter3A_276 : memref<1x64x128xf32, #tpu.memory_space<vmem>> -> memref<64x128xf32, #tpu.memory_space<vmem>>
          tpu.vector_store_idx %scatter3A_277[%shift_right_arithmetic3A_29, %add3A_272], %get3A_270 : memref<64x128xf32, #tpu.memory_space<vmem>>[vector<16xi32>, vector<16xi32>], vector<16xf32>,
          %get3A_278 = arith.constant 1 : i32
          %get3A_279 = arith.index_cast %get3A_278 : i32 to index
          %get3A_280 = arith.index_cast %scan3A_219 : i32 to index
          %get3A_281 = arith.constant 80 : index
          %get3A_282 = tpu.vector_load %arg5[%get3A_279, %get3A_280, %get3A_281] {strides = array<i32>} : memref<2x64x128xf32, #tpu.memory_space<vmem>>, vector<16xf32>,
          %add3A_283 = vector.broadcast %scan3A_219 : i32 to vector<16xi32>
          %add3A_284 = arith.addi %shift_left3A_99, %add3A_283 : vector<16xi32>
          %scatter3A_285 = arith.constant 1 : i32
          %scatter3A_286 = arith.constant 0 : i32
          %scatter3A_287 = arith.constant 0 : i32
          %scatter3A_288 = tpu.memref_slice %arg6[%scatter3A_285, %scatter3A_286, %scatter3A_287] : memref<2x64x128xf32, #tpu.memory_space<vmem>> -> memref<1x64x128xf32, #tpu.memory_space<vmem>>
          %scatter3A_289 = tpu.memref_squeeze %scatter3A_288 : memref<1x64x128xf32, #tpu.memory_space<vmem>> -> memref<64x128xf32, #tpu.memory_space<vmem>>
          tpu.vector_store_idx %scatter3A_289[%shift_right_arithmetic3A_35, %add3A_284], %get3A_282 : memref<64x128xf32, #tpu.memory_space<vmem>>[vector<16xi32>, vector<16xi32>], vector<16xf32>,
          %get3A_290 = arith.constant 1 : i32
          %get3A_291 = arith.index_cast %get3A_290 : i32 to index
          %get3A_292 = arith.index_cast %scan3A_219 : i32 to index
          %get3A_293 = arith.constant 96 : index
          %get3A_294 = tpu.vector_load %arg5[%get3A_291, %get3A_292, %get3A_293] {strides = array<i32>} : memref<2x64x128xf32, #tpu.memory_space<vmem>>, vector<16xf32>,
          %add3A_295 = vector.broadcast %scan3A_219 : i32 to vector<16xi32>
          %add3A_296 = arith.addi %shift_left3A_108, %add3A_295 : vector<16xi32>
          %scatter3A_297 = arith.constant 1 : i32
          %scatter3A_298 = arith.constant 0 : i32
          %scatter3A_299 = arith.constant 0 : i32
          %scatter3A_300 = tpu.memref_slice %arg6[%scatter3A_297, %scatter3A_298, %scatter3A_299] : memref<2x64x128xf32, #tpu.memory_space<vmem>> -> memref<1x64x128xf32, #tpu.memory_space<vmem>>
          %scatter3A_301 = tpu.memref_squeeze %scatter3A_300 : memref<1x64x128xf32, #tpu.memory_space<vmem>> -> memref<64x128xf32, #tpu.memory_space<vmem>>
          tpu.vector_store_idx %scatter3A_301[%shift_right_arithmetic3A_41, %add3A_296], %get3A_294 : memref<64x128xf32, #tpu.memory_space<vmem>>[vector<16xi32>, vector<16xi32>], vector<16xf32>,
          %get3A_302 = arith.constant 1 : i32
          %get3A_303 = arith.index_cast %get3A_302 : i32 to index
          %get3A_304 = arith.index_cast %scan3A_219 : i32 to index
          %get3A_305 = arith.constant 112 : index
          %get3A_306 = tpu.vector_load %arg5[%get3A_303, %get3A_304, %get3A_305] {strides = array<i32>} : memref<2x64x128xf32, #tpu.memory_space<vmem>>, vector<16xf32>,
          %add3A_307 = vector.broadcast %scan3A_219 : i32 to vector<16xi32>
          %add3A_308 = arith.addi %shift_left3A_117, %add3A_307 : vector<16xi32>
          %scatter3A_309 = arith.constant 1 : i32
          %scatter3A_310 = arith.constant 0 : i32
          %scatter3A_311 = arith.constant 0 : i32
          %scatter3A_312 = tpu.memref_slice %arg6[%scatter3A_309, %scatter3A_310, %scatter3A_311] : memref<2x64x128xf32, #tpu.memory_space<vmem>> -> memref<1x64x128xf32, #tpu.memory_space<vmem>>
          %scatter3A_313 = tpu.memref_squeeze %scatter3A_312 : memref<1x64x128xf32, #tpu.memory_space<vmem>> -> memref<64x128xf32, #tpu.memory_space<vmem>>
          tpu.vector_store_idx %scatter3A_313[%shift_right_arithmetic3A_47, %add3A_308], %get3A_306 : memref<64x128xf32, #tpu.memory_space<vmem>>[vector<16xi32>, vector<16xi32>], vector<16xf32>,
          %scan3A_314 = arith.constant 1 : i32
          %scan3A_315 = arith.addi %scan3A_219, %scan3A_314 : i32
          %get3A_316 = arith.constant 1 : i32
          %get3A_317 = arith.index_cast %get3A_316 : i32 to index
          %get3A_318 = arith.index_cast %scan3A_315 : i32 to index
          %get3A_319 = arith.constant 0 : index
          %get3A_320 = tpu.vector_load %arg5[%get3A_317, %get3A_318, %get3A_319] {strides = array<i32>} : memref<2x64x128xf32, #tpu.memory_space<vmem>>, vector<16xf32>,
          %add3A_321 = vector.broadcast %scan3A_315 : i32 to vector<16xi32>
          %add3A_322 = arith.addi %shift_left3A_54, %add3A_321 : vector<16xi32>
          %scatter3A_323 = arith.constant 1 : i32
          %scatter3A_324 = arith.constant 0 : i32
          %scatter3A_325 = arith.constant 0 : i32
          %scatter3A_326 = tpu.memref_slice %arg6[%scatter3A_323, %scatter3A_324, %scatter3A_325] : memref<2x64x128xf32, #tpu.memory_space<vmem>> -> memref<1x64x128xf32, #tpu.memory_space<vmem>>
          %scatter3A_327 = tpu.memref_squeeze %scatter3A_326 : memref<1x64x128xf32, #tpu.memory_space<vmem>> -> memref<64x128xf32, #tpu.memory_space<vmem>>
          tpu.vector_store_idx %scatter3A_327[%shift_right_arithmetic3A_5, %add3A_322], %get3A_320 : memref<64x128xf32, #tpu.memory_space<vmem>>[vector<16xi32>, vector<16xi32>], vector<16xf32>,
          %get3A_328 = arith.constant 1 : i32
          %get3A_329 = arith.index_cast %get3A_328 : i32 to index
          %get3A_330 = arith.index_cast %scan3A_315 : i32 to index
          %get3A_331 = arith.constant 16 : index
          %get3A_332 = tpu.vector_load %arg5[%get3A_329, %get3A_330, %get3A_331] {strides = array<i32>} : memref<2x64x128xf32, #tpu.memory_space<vmem>>, vector<16xf32>,
          %add3A_333 = vector.broadcast %scan3A_315 : i32 to vector<16xi32>
          %add3A_334 = arith.addi %shift_left3A_63, %add3A_333 : vector<16xi32>
          %scatter3A_335 = arith.constant 1 : i32
          %scatter3A_336 = arith.constant 0 : i32
          %scatter3A_337 = arith.constant 0 : i32
          %scatter3A_338 = tpu.memref_slice %arg6[%scatter3A_335, %scatter3A_336, %scatter3A_337] : memref<2x64x128xf32, #tpu.memory_space<vmem>> -> memref<1x64x128xf32, #tpu.memory_space<vmem>>
          %scatter3A_339 = tpu.memref_squeeze %scatter3A_338 : memref<1x64x128xf32, #tpu.memory_space<vmem>> -> memref<64x128xf32, #tpu.memory_space<vmem>>
          tpu.vector_store_idx %scatter3A_339[%shift_right_arithmetic3A_11, %add3A_334], %get3A_332 : memref<64x128xf32, #tpu.memory_space<vmem>>[vector<16xi32>, vector<16xi32>], vector<16xf32>,
          %get3A_340 = arith.constant 1 : i32
          %get3A_341 = arith.index_cast %get3A_340 : i32 to index
          %get3A_342 = arith.index_cast %scan3A_315 : i32 to index
          %get3A_343 = arith.constant 32 : index
          %get3A_344 = tpu.vector_load %arg5[%get3A_341, %get3A_342, %get3A_343] {strides = array<i32>} : memref<2x64x128xf32, #tpu.memory_space<vmem>>, vector<16xf32>,
          %add3A_345 = vector.broadcast %scan3A_315 : i32 to vector<16xi32>
          %add3A_346 = arith.addi %shift_left3A_72, %add3A_345 : vector<16xi32>
          %scatter3A_347 = arith.constant 1 : i32
          %scatter3A_348 = arith.constant 0 : i32
          %scatter3A_349 = arith.constant 0 : i32
          %scatter3A_350 = tpu.memref_slice %arg6[%scatter3A_347, %scatter3A_348, %scatter3A_349] : memref<2x64x128xf32, #tpu.memory_space<vmem>> -> memref<1x64x128xf32, #tpu.memory_space<vmem>>
          %scatter3A_351 = tpu.memref_squeeze %scatter3A_350 : memref<1x64x128xf32, #tpu.memory_space<vmem>> -> memref<64x128xf32, #tpu.memory_space<vmem>>
          tpu.vector_store_idx %scatter3A_351[%shift_right_arithmetic3A_17, %add3A_346], %get3A_344 : memref<64x128xf32, #tpu.memory_space<vmem>>[vector<16xi32>, vector<16xi32>], vector<16xf32>,
          %get3A_352 = arith.constant 1 : i32
          %get3A_353 = arith.index_cast %get3A_352 : i32 to index
          %get3A_354 = arith.index_cast %scan3A_315 : i32 to index
          %get3A_355 = arith.constant 48 : index
          %get3A_356 = tpu.vector_load %arg5[%get3A_353, %get3A_354, %get3A_355] {strides = array<i32>} : memref<2x64x128xf32, #tpu.memory_space<vmem>>, vector<16xf32>,
          %add3A_357 = vector.broadcast %scan3A_315 : i32 to vector<16xi32>
          %add3A_358 = arith.addi %shift_left3A_81, %add3A_357 : vector<16xi32>
          %scatter3A_359 = arith.constant 1 : i32
          %scatter3A_360 = arith.constant 0 : i32
          %scatter3A_361 = arith.constant 0 : i32
          %scatter3A_362 = tpu.memref_slice %arg6[%scatter3A_359, %scatter3A_360, %scatter3A_361] : memref<2x64x128xf32, #tpu.memory_space<vmem>> -> memref<1x64x128xf32, #tpu.memory_space<vmem>>
          %scatter3A_363 = tpu.memref_squeeze %scatter3A_362 : memref<1x64x128xf32, #tpu.memory_space<vmem>> -> memref<64x128xf32, #tpu.memory_space<vmem>>
          tpu.vector_store_idx %scatter3A_363[%shift_right_arithmetic3A_23, %add3A_358], %get3A_356 : memref<64x128xf32, #tpu.memory_space<vmem>>[vector<16xi32>, vector<16xi32>], vector<16xf32>,
          %get3A_364 = arith.constant 1 : i32
          %get3A_365 = arith.index_cast %get3A_364 : i32 to index
          %get3A_366 = arith.index_cast %scan3A_315 : i32 to index
          %get3A_367 = arith.constant 64 : index
          %get3A_368 = tpu.vector_load %arg5[%get3A_365, %get3A_366, %get3A_367] {strides = array<i32>} : memref<2x64x128xf32, #tpu.memory_space<vmem>>, vector<16xf32>,
          %add3A_369 = vector.broadcast %scan3A_315 : i32 to vector<16xi32>
          %add3A_370 = arith.addi %shift_left3A_90, %add3A_369 : vector<16xi32>
          %scatter3A_371 = arith.constant 1 : i32
          %scatter3A_372 = arith.constant 0 : i32
          %scatter3A_373 = arith.constant 0 : i32
          %scatter3A_374 = tpu.memref_slice %arg6[%scatter3A_371, %scatter3A_372, %scatter3A_373] : memref<2x64x128xf32, #tpu.memory_space<vmem>> -> memref<1x64x128xf32, #tpu.memory_space<vmem>>
          %scatter3A_375 = tpu.memref_squeeze %scatter3A_374 : memref<1x64x128xf32, #tpu.memory_space<vmem>> -> memref<64x128xf32, #tpu.memory_space<vmem>>
          tpu.vector_store_idx %scatter3A_375[%shift_right_arithmetic3A_29, %add3A_370], %get3A_368 : memref<64x128xf32, #tpu.memory_space<vmem>>[vector<16xi32>, vector<16xi32>], vector<16xf32>,
          %get3A_376 = arith.constant 1 : i32
          %get3A_377 = arith.index_cast %get3A_376 : i32 to index
          %get3A_378 = arith.index_cast %scan3A_315 : i32 to index
          %get3A_379 = arith.constant 80 : index
          %get3A_380 = tpu.vector_load %arg5[%get3A_377, %get3A_378, %get3A_379] {strides = array<i32>} : memref<2x64x128xf32, #tpu.memory_space<vmem>>, vector<16xf32>,
          %add3A_381 = vector.broadcast %scan3A_315 : i32 to vector<16xi32>
          %add3A_382 = arith.addi %shift_left3A_99, %add3A_381 : vector<16xi32>
          %scatter3A_383 = arith.constant 1 : i32
          %scatter3A_384 = arith.constant 0 : i32
          %scatter3A_385 = arith.constant 0 : i32
          %scatter3A_386 = tpu.memref_slice %arg6[%scatter3A_383, %scatter3A_384, %scatter3A_385] : memref<2x64x128xf32, #tpu.memory_space<vmem>> -> memref<1x64x128xf32, #tpu.memory_space<vmem>>
          %scatter3A_387 = tpu.memref_squeeze %scatter3A_386 : memref<1x64x128xf32, #tpu.memory_space<vmem>> -> memref<64x128xf32, #tpu.memory_space<vmem>>
          tpu.vector_store_idx %scatter3A_387[%shift_right_arithmetic3A_35, %add3A_382], %get3A_380 : memref<64x128xf32, #tpu.memory_space<vmem>>[vector<16xi32>, vector<16xi32>], vector<16xf32>,
          %get3A_388 = arith.constant 1 : i32
          %get3A_389 = arith.index_cast %get3A_388 : i32 to index
          %get3A_390 = arith.index_cast %scan3A_315 : i32 to index
          %get3A_391 = arith.constant 96 : index
          %get3A_392 = tpu.vector_load %arg5[%get3A_389, %get3A_390, %get3A_391] {strides = array<i32>} : memref<2x64x128xf32, #tpu.memory_space<vmem>>, vector<16xf32>,
          %add3A_393 = vector.broadcast %scan3A_315 : i32 to vector<16xi32>
          %add3A_394 = arith.addi %shift_left3A_108, %add3A_393 : vector<16xi32>
          %scatter3A_395 = arith.constant 1 : i32
          %scatter3A_396 = arith.constant 0 : i32
          %scatter3A_397 = arith.constant 0 : i32
          %scatter3A_398 = tpu.memref_slice %arg6[%scatter3A_395, %scatter3A_396, %scatter3A_397] : memref<2x64x128xf32, #tpu.memory_space<vmem>> -> memref<1x64x128xf32, #tpu.memory_space<vmem>>
          %scatter3A_399 = tpu.memref_squeeze %scatter3A_398 : memref<1x64x128xf32, #tpu.memory_space<vmem>> -> memref<64x128xf32, #tpu.memory_space<vmem>>
          tpu.vector_store_idx %scatter3A_399[%shift_right_arithmetic3A_41, %add3A_394], %get3A_392 : memref<64x128xf32, #tpu.memory_space<vmem>>[vector<16xi32>, vector<16xi32>], vector<16xf32>,
          %get3A_400 = arith.constant 1 : i32
          %get3A_401 = arith.index_cast %get3A_400 : i32 to index
          %get3A_402 = arith.index_cast %scan3A_315 : i32 to index
          %get3A_403 = arith.constant 112 : index
          %get3A_404 = tpu.vector_load %arg5[%get3A_401, %get3A_402, %get3A_403] {strides = array<i32>} : memref<2x64x128xf32, #tpu.memory_space<vmem>>, vector<16xf32>,
          %add3A_405 = vector.broadcast %scan3A_315 : i32 to vector<16xi32>
          %add3A_406 = arith.addi %shift_left3A_117, %add3A_405 : vector<16xi32>
          %scatter3A_407 = arith.constant 1 : i32
          %scatter3A_408 = arith.constant 0 : i32
          %scatter3A_409 = arith.constant 0 : i32
          %scatter3A_410 = tpu.memref_slice %arg6[%scatter3A_407, %scatter3A_408, %scatter3A_409] : memref<2x64x128xf32, #tpu.memory_space<vmem>> -> memref<1x64x128xf32, #tpu.memory_space<vmem>>
          %scatter3A_411 = tpu.memref_squeeze %scatter3A_410 : memref<1x64x128xf32, #tpu.memory_space<vmem>> -> memref<64x128xf32, #tpu.memory_space<vmem>>
          tpu.vector_store_idx %scatter3A_411[%shift_right_arithmetic3A_47, %add3A_406], %get3A_404 : memref<64x128xf32, #tpu.memory_space<vmem>>[vector<16xi32>, vector<16xi32>], vector<16xf32>,
        }
        %scan3A_195 = arith.constant 64 : i32
        %mul3A_196 = arith.constant 32 : i32
        %mul3A_197 = arith.muli %mul3A_196, %add3A_166 : i32
        %add3A_198 = arith.addi %add3A, %mul3A_197 : i32
        %mul3A_199 = arith.constant 64 : i32
        %mul3A_200 = arith.muli %add3A_198, %mul3A_199 : i32
        %dma_start3A = arith.constant 1 : i32
        %dma_start3A_201 = arith.constant 0 : i32
        %dma_start3A_202 = arith.constant 0 : i32
        %dma_start3A_203 = tpu.memref_slice %arg6[%dma_start3A, %dma_start3A_201, %dma_start3A_202] : memref<2x64x128xf32, #tpu.memory_space<vmem>> -> memref<1x64x128xf32, #tpu.memory_space<vmem>>
        %dma_start3A_204 = tpu.memref_squeeze %dma_start3A_203 : memref<1x64x128xf32, #tpu.memory_space<vmem>> -> memref<64x128xf32, #tpu.memory_space<vmem>>
        %dma_start3A_205 = arith.constant 0 : i32
        %dma_start3A_206 = tpu.memref_slice %arg4[%mul3A_200, %dma_start3A_205] : memref<500000x128xf32, #tpu.memory_space<hbm>> -> memref<64x128xf32, #tpu.memory_space<hbm>>
        %dma_start3A_207 = arith.constant 0 : i32
        %dma_start3A_208 = tpu.memref_slice %arg4[%mul3A_200, %dma_start3A_207] : memref<500000x128xf32, #tpu.memory_space<hbm>> -> memref<64x128xf32, #tpu.memory_space<hbm>>
        %dma_start3A_209 = arith.constant 0 : i32
        %dma_start3A_210 = arith.constant 0 : i32
        %dma_start3A_211 = tpu.memref_slice %arg6[%dma_start3A, %dma_start3A_209, %dma_start3A_210] : memref<2x64x128xf32, #tpu.memory_space<vmem>> -> memref<1x64x128xf32, #tpu.memory_space<vmem>>
        %dma_start3A_212 = tpu.memref_squeeze %dma_start3A_211 : memref<1x64x128xf32, #tpu.memory_space<vmem>> -> memref<64x128xf32, #tpu.memory_space<vmem>>
        tpu.enqueue_dma source(%dma_start3A_212 : memref<64x128xf32, #tpu.memory_space<vmem>>) target(%dma_start3A_208 : memref<64x128xf32, #tpu.memory_space<hbm>>) target_semaphore(%arg10 : memref<!tpu.dma_semaphore, #tpu.memory_space<semaphore_mem>>)
        %add3A_213 = arith.constant 2 : i32
        %add3A_214 = arith.addi %add3A_166, %add3A_213 : i32
        %lt3A_215 = arith.cmpi slt, %add3A_214, %div3A_121 : i32
        %convert_element_type3A_216 = arith.extui %lt3A_215 : i1 to i32
        %cond3A_217 = arith.constant 0 : i32
        %cond3A_218 = arith.cmpi ne, %convert_element_type3A_216, %cond3A_217 : i32
        scf.if %cond3A_218 {
          %add3A_219 = arith.constant 2 : i32
          %add3A_220 = arith.addi %add3A_166, %add3A_219 : i32
          %mul3A_221 = arith.constant 32 : i32
          %mul3A_222 = arith.muli %mul3A_221, %add3A_220 : i32
          %add3A_223 = arith.addi %add3A, %mul3A_222 : i32
          %mul3A_224 = arith.constant 128 : i32
          %mul3A_225 = arith.muli %add3A_223, %mul3A_224 : i32
          %dma_start3A_226 = arith.constant 1 : i32
          %dma_start3A_227 = arith.constant 0 : i32
          %dma_start3A_228 = arith.constant 0 : i32
          %dma_start3A_229 = tpu.memref_slice %arg5[%dma_start3A_226, %dma_start3A_227, %dma_start3A_228] : memref<2x64x128xf32, #tpu.memory_space<vmem>> -> memref<1x64x128xf32, #tpu.memory_space<vmem>>
          %dma_start3A_230 = tpu.memref_squeeze %dma_start3A_229 : memref<1x64x128xf32, #tpu.memory_space<vmem>> -> memref<64x128xf32, #tpu.memory_space<vmem>>
          %dma_start3A_231 = arith.constant 0 : i32
          %dma_start3A_232 = tpu.memref_slice %arg2[%dma_start3A_231, %mul3A_225] : memref<64x1000000xf32, #tpu.memory_space<hbm>> -> memref<64x128xf32, #tpu.memory_space<hbm>>
          %dma_start3A_233 = arith.constant 0 : i32
          %dma_start3A_234 = arith.constant 0 : i32
          %dma_start3A_235 = tpu.memref_slice %arg5[%dma_start3A_226, %dma_start3A_233, %dma_start3A_234] : memref<2x64x128xf32, #tpu.memory_space<vmem>> -> memref<1x64x128xf32, #tpu.memory_space<vmem>>
          %dma_start3A_236 = tpu.memref_squeeze %dma_start3A_235 : memref<1x64x128xf32, #tpu.memory_space<vmem>> -> memref<64x128xf32, #tpu.memory_space<vmem>>
          %dma_start3A_237 = arith.constant 0 : i32
          %dma_start3A_238 = tpu.memref_slice %arg2[%dma_start3A_237, %mul3A_225] : memref<64x1000000xf32, #tpu.memory_space<hbm>> -> memref<64x128xf32, #tpu.memory_space<hbm>>
          tpu.enqueue_dma source(%dma_start3A_238 : memref<64x128xf32, #tpu.memory_space<hbm>>) target(%dma_start3A_236 : memref<64x128xf32, #tpu.memory_space<vmem>>) target_semaphore(%arg8 : memref<!tpu.dma_semaphore, #tpu.memory_space<semaphore_mem>>)
        } else {
        }
      } else {
      }
    }
    %while3A_140 = arith.constant 1 : i32
    scf.for %while3A_155 = %while3A_138 to %while3A_134 step %while3A_140  : i32 {
      %mul3A_156 = arith.constant 2 : i32
      %mul3A_157 = arith.muli %while3A_155, %mul3A_156 : i32
      %add3A_158 = arith.constant 0 : i32
      %add3A_159 = arith.addi %mul3A_157, %add3A_158 : i32
      %lt3A = arith.cmpi slt, %add3A_159, %div3A_121 : i32
      %convert_element_type3A_160 = arith.extui %lt3A : i1 to i32
      %cond3A_161 = arith.constant 0 : i32
      %cond3A_162 = arith.cmpi ne, %convert_element_type3A_160, %cond3A_161 : i32
      scf.if %cond3A_162 {
        %mul3A_171 = arith.constant 32 : i32
        %mul3A_172 = arith.muli %mul3A_171, %add3A_159 : i32
        %add3A_173 = arith.addi %add3A, %mul3A_172 : i32
        %mul3A_174 = arith.constant 128 : i32
        %mul3A_175 = arith.muli %add3A_173, %mul3A_174 : i32
        %dma_wait3A = arith.constant 0 : i32
        %dma_wait3A_176 = arith.constant 0 : i32
        %dma_wait3A_177 = arith.constant 0 : i32
        %dma_wait3A_178 = tpu.memref_slice %arg5[%dma_wait3A, %dma_wait3A_176, %dma_wait3A_177] : memref<2x64x128xf32, #tpu.memory_space<vmem>> -> memref<1x64x128xf32, #tpu.memory_space<vmem>>
        %dma_wait3A_179 = tpu.memref_squeeze %dma_wait3A_178 : memref<1x64x128xf32, #tpu.memory_space<vmem>> -> memref<64x128xf32, #tpu.memory_space<vmem>>
        %dma_wait3A_180 = arith.constant 0 : i32
        %dma_wait3A_181 = tpu.memref_slice %arg2[%dma_wait3A_180, %mul3A_175] : memref<64x1000000xf32, #tpu.memory_space<hbm>> -> memref<64x128xf32, #tpu.memory_space<hbm>>
        %dma_wait3A_182 = arith.constant 0 : i32
        %dma_wait3A_183 = arith.constant 0 : i32
        %dma_wait3A_184 = tpu.memref_slice %arg5[%dma_wait3A, %dma_wait3A_182, %dma_wait3A_183] : memref<2x64x128xf32, #tpu.memory_space<vmem>> -> memref<1x64x128xf32, #tpu.memory_space<vmem>>
        %dma_wait3A_185 = tpu.memref_squeeze %dma_wait3A_184 : memref<1x64x128xf32, #tpu.memory_space<vmem>> -> memref<64x128xf32, #tpu.memory_space<vmem>>
        %dma_wait3A_186 = arith.constant 0 : i32
        %dma_wait3A_187 = tpu.memref_slice %arg2[%dma_wait3A_186, %mul3A_175] : memref<64x1000000xf32, #tpu.memory_space<hbm>> -> memref<64x128xf32, #tpu.memory_space<hbm>>
        tpu.wait_dma2 semaphore(%arg7 : memref<!tpu.dma_semaphore, #tpu.memory_space<semaphore_mem>>) src(%dma_wait3A_187 : memref<64x128xf32, #tpu.memory_space<hbm>>) dst(%dma_wait3A_185 : memref<64x128xf32, #tpu.memory_space<vmem>>)
        %ge3A = arith.constant 2 : i32
        %ge3A_188 = arith.cmpi sge, %add3A_159, %ge3A : i32
        %convert_element_type3A_189 = arith.extui %ge3A_188 : i1 to i32
        %cond3A_190 = arith.constant 0 : i32
        %cond3A_191 = arith.cmpi ne, %convert_element_type3A_189, %cond3A_190 : i32
        scf.if %cond3A_191 {
          %sub3A_219 = arith.constant 2 : i32
          %sub3A_220 = arith.subi %add3A_159, %sub3A_219 : i32
          %mul3A_221 = arith.constant 32 : i32
          %mul3A_222 = arith.muli %mul3A_221, %sub3A_220 : i32
          %add3A_223 = arith.addi %add3A, %mul3A_222 : i32
          %mul3A_224 = arith.constant 64 : i32
          %mul3A_225 = arith.muli %add3A_223, %mul3A_224 : i32
          %dma_wait3A_226 = arith.constant 0 : i32
          %dma_wait3A_227 = arith.constant 0 : i32
          %dma_wait3A_228 = arith.constant 0 : i32
          %dma_wait3A_229 = tpu.memref_slice %arg6[%dma_wait3A_226, %dma_wait3A_227, %dma_wait3A_228] : memref<2x64x128xf32, #tpu.memory_space<vmem>> -> memref<1x64x128xf32, #tpu.memory_space<vmem>>
          %dma_wait3A_230 = tpu.memref_squeeze %dma_wait3A_229 : memref<1x64x128xf32, #tpu.memory_space<vmem>> -> memref<64x128xf32, #tpu.memory_space<vmem>>
          %dma_wait3A_231 = arith.constant 0 : i32
          %dma_wait3A_232 = tpu.memref_slice %arg4[%mul3A_225, %dma_wait3A_231] : memref<500000x128xf32, #tpu.memory_space<hbm>> -> memref<64x128xf32, #tpu.memory_space<hbm>>
          %dma_wait3A_233 = arith.constant 0 : i32
          %dma_wait3A_234 = tpu.memref_slice %arg4[%mul3A_225, %dma_wait3A_233] : memref<500000x128xf32, #tpu.memory_space<hbm>> -> memref<64x128xf32, #tpu.memory_space<hbm>>
          %dma_wait3A_235 = arith.constant 0 : i32
          %dma_wait3A_236 = arith.constant 0 : i32
          %dma_wait3A_237 = tpu.memref_slice %arg6[%dma_wait3A_226, %dma_wait3A_235, %dma_wait3A_236] : memref<2x64x128xf32, #tpu.memory_space<vmem>> -> memref<1x64x128xf32, #tpu.memory_space<vmem>>
          %dma_wait3A_238 = tpu.memref_squeeze %dma_wait3A_237 : memref<1x64x128xf32, #tpu.memory_space<vmem>> -> memref<64x128xf32, #tpu.memory_space<vmem>>
          tpu.wait_dma2 semaphore(%arg9 : memref<!tpu.dma_semaphore, #tpu.memory_space<semaphore_mem>>) src(%dma_wait3A_238 : memref<64x128xf32, #tpu.memory_space<vmem>>) dst(%dma_wait3A_234 : memref<64x128xf32, #tpu.memory_space<hbm>>)
        } else {
        }
        %scan3A = arith.constant 0 : i32
        %scan3A_192 = arith.constant 64 : i32
        %scan3A_193 = arith.addi %scan3A, %scan3A_192 : i32
        %scan3A_194 = arith.constant 2 : i32
        scf.for %scan3A_219 = %scan3A to %scan3A_193 step %scan3A_194  : i32 {
          %get3A = arith.constant 0 : i32
          %get3A_220 = arith.index_cast %get3A : i32 to index
          %get3A_221 = arith.index_cast %scan3A_219 : i32 to index
          %get3A_222 = arith.constant 0 : index
          %get3A_223 = tpu.vector_load %arg5[%get3A_220, %get3A_221, %get3A_222] {strides = array<i32>} : memref<2x64x128xf32, #tpu.memory_space<vmem>>, vector<16xf32>,
          %add3A_224 = vector.broadcast %scan3A_219 : i32 to vector<16xi32>
          %add3A_225 = arith.addi %shift_left3A_54, %add3A_224 : vector<16xi32>
          %scatter3A = arith.constant 0 : i32
          %scatter3A_226 = arith.constant 0 : i32
          %scatter3A_227 = arith.constant 0 : i32
          %scatter3A_228 = tpu.memref_slice %arg6[%scatter3A, %scatter3A_226, %scatter3A_227] : memref<2x64x128xf32, #tpu.memory_space<vmem>> -> memref<1x64x128xf32, #tpu.memory_space<vmem>>
          %scatter3A_229 = tpu.memref_squeeze %scatter3A_228 : memref<1x64x128xf32, #tpu.memory_space<vmem>> -> memref<64x128xf32, #tpu.memory_space<vmem>>
          tpu.vector_store_idx %scatter3A_229[%shift_right_arithmetic3A_5, %add3A_225], %get3A_223 : memref<64x128xf32, #tpu.memory_space<vmem>>[vector<16xi32>, vector<16xi32>], vector<16xf32>,
          %get3A_230 = arith.constant 0 : i32
          %get3A_231 = arith.index_cast %get3A_230 : i32 to index
          %get3A_232 = arith.index_cast %scan3A_219 : i32 to index
          %get3A_233 = arith.constant 16 : index
          %get3A_234 = tpu.vector_load %arg5[%get3A_231, %get3A_232, %get3A_233] {strides = array<i32>} : memref<2x64x128xf32, #tpu.memory_space<vmem>>, vector<16xf32>,
          %add3A_235 = vector.broadcast %scan3A_219 : i32 to vector<16xi32>
          %add3A_236 = arith.addi %shift_left3A_63, %add3A_235 : vector<16xi32>
          %scatter3A_237 = arith.constant 0 : i32
          %scatter3A_238 = arith.constant 0 : i32
          %scatter3A_239 = arith.constant 0 : i32
          %scatter3A_240 = tpu.memref_slice %arg6[%scatter3A_237, %scatter3A_238, %scatter3A_239] : memref<2x64x128xf32, #tpu.memory_space<vmem>> -> memref<1x64x128xf32, #tpu.memory_space<vmem>>
          %scatter3A_241 = tpu.memref_squeeze %scatter3A_240 : memref<1x64x128xf32, #tpu.memory_space<vmem>> -> memref<64x128xf32, #tpu.memory_space<vmem>>
          tpu.vector_store_idx %scatter3A_241[%shift_right_arithmetic3A_11, %add3A_236], %get3A_234 : memref<64x128xf32, #tpu.memory_space<vmem>>[vector<16xi32>, vector<16xi32>], vector<16xf32>,
          %get3A_242 = arith.constant 0 : i32
          %get3A_243 = arith.index_cast %get3A_242 : i32 to index
          %get3A_244 = arith.index_cast %scan3A_219 : i32 to index
          %get3A_245 = arith.constant 32 : index
          %get3A_246 = tpu.vector_load %arg5[%get3A_243, %get3A_244, %get3A_245] {strides = array<i32>} : memref<2x64x128xf32, #tpu.memory_space<vmem>>, vector<16xf32>,
          %add3A_247 = vector.broadcast %scan3A_219 : i32 to vector<16xi32>
          %add3A_248 = arith.addi %shift_left3A_72, %add3A_247 : vector<16xi32>
          %scatter3A_249 = arith.constant 0 : i32
          %scatter3A_250 = arith.constant 0 : i32
          %scatter3A_251 = arith.constant 0 : i32
          %scatter3A_252 = tpu.memref_slice %arg6[%scatter3A_249, %scatter3A_250, %scatter3A_251] : memref<2x64x128xf32, #tpu.memory_space<vmem>> -> memref<1x64x128xf32, #tpu.memory_space<vmem>>
          %scatter3A_253 = tpu.memref_squeeze %scatter3A_252 : memref<1x64x128xf32, #tpu.memory_space<vmem>> -> memref<64x128xf32, #tpu.memory_space<vmem>>
          tpu.vector_store_idx %scatter3A_253[%shift_right_arithmetic3A_17, %add3A_248], %get3A_246 : memref<64x128xf32, #tpu.memory_space<vmem>>[vector<16xi32>, vector<16xi32>], vector<16xf32>,
          %get3A_254 = arith.constant 0 : i32
          %get3A_255 = arith.index_cast %get3A_254 : i32 to index
          %get3A_256 = arith.index_cast %scan3A_219 : i32 to index
          %get3A_257 = arith.constant 48 : index
          %get3A_258 = tpu.vector_load %arg5[%get3A_255, %get3A_256, %get3A_257] {strides = array<i32>} : memref<2x64x128xf32, #tpu.memory_space<vmem>>, vector<16xf32>,
          %add3A_259 = vector.broadcast %scan3A_219 : i32 to vector<16xi32>
          %add3A_260 = arith.addi %shift_left3A_81, %add3A_259 : vector<16xi32>
          %scatter3A_261 = arith.constant 0 : i32
          %scatter3A_262 = arith.constant 0 : i32
          %scatter3A_263 = arith.constant 0 : i32
          %scatter3A_264 = tpu.memref_slice %arg6[%scatter3A_261, %scatter3A_262, %scatter3A_263] : memref<2x64x128xf32, #tpu.memory_space<vmem>> -> memref<1x64x128xf32, #tpu.memory_space<vmem>>
          %scatter3A_265 = tpu.memref_squeeze %scatter3A_264 : memref<1x64x128xf32, #tpu.memory_space<vmem>> -> memref<64x128xf32, #tpu.memory_space<vmem>>
          tpu.vector_store_idx %scatter3A_265[%shift_right_arithmetic3A_23, %add3A_260], %get3A_258 : memref<64x128xf32, #tpu.memory_space<vmem>>[vector<16xi32>, vector<16xi32>], vector<16xf32>,
          %get3A_266 = arith.constant 0 : i32
          %get3A_267 = arith.index_cast %get3A_266 : i32 to index
          %get3A_268 = arith.index_cast %scan3A_219 : i32 to index
          %get3A_269 = arith.constant 64 : index
          %get3A_270 = tpu.vector_load %arg5[%get3A_267, %get3A_268, %get3A_269] {strides = array<i32>} : memref<2x64x128xf32, #tpu.memory_space<vmem>>, vector<16xf32>,
          %add3A_271 = vector.broadcast %scan3A_219 : i32 to vector<16xi32>
          %add3A_272 = arith.addi %shift_left3A_90, %add3A_271 : vector<16xi32>
          %scatter3A_273 = arith.constant 0 : i32
          %scatter3A_274 = arith.constant 0 : i32
          %scatter3A_275 = arith.constant 0 : i32
          %scatter3A_276 = tpu.memref_slice %arg6[%scatter3A_273, %scatter3A_274, %scatter3A_275] : memref<2x64x128xf32, #tpu.memory_space<vmem>> -> memref<1x64x128xf32, #tpu.memory_space<vmem>>
          %scatter3A_277 = tpu.memref_squeeze %scatter3A_276 : memref<1x64x128xf32, #tpu.memory_space<vmem>> -> memref<64x128xf32, #tpu.memory_space<vmem>>
          tpu.vector_store_idx %scatter3A_277[%shift_right_arithmetic3A_29, %add3A_272], %get3A_270 : memref<64x128xf32, #tpu.memory_space<vmem>>[vector<16xi32>, vector<16xi32>], vector<16xf32>,
          %get3A_278 = arith.constant 0 : i32
          %get3A_279 = arith.index_cast %get3A_278 : i32 to index
          %get3A_280 = arith.index_cast %scan3A_219 : i32 to index
          %get3A_281 = arith.constant 80 : index
          %get3A_282 = tpu.vector_load %arg5[%get3A_279, %get3A_280, %get3A_281] {strides = array<i32>} : memref<2x64x128xf32, #tpu.memory_space<vmem>>, vector<16xf32>,
          %add3A_283 = vector.broadcast %scan3A_219 : i32 to vector<16xi32>
          %add3A_284 = arith.addi %shift_left3A_99, %add3A_283 : vector<16xi32>
          %scatter3A_285 = arith.constant 0 : i32
          %scatter3A_286 = arith.constant 0 : i32
          %scatter3A_287 = arith.constant 0 : i32
          %scatter3A_288 = tpu.memref_slice %arg6[%scatter3A_285, %scatter3A_286, %scatter3A_287] : memref<2x64x128xf32, #tpu.memory_space<vmem>> -> memref<1x64x128xf32, #tpu.memory_space<vmem>>
          %scatter3A_289 = tpu.memref_squeeze %scatter3A_288 : memref<1x64x128xf32, #tpu.memory_space<vmem>> -> memref<64x128xf32, #tpu.memory_space<vmem>>
          tpu.vector_store_idx %scatter3A_289[%shift_right_arithmetic3A_35, %add3A_284], %get3A_282 : memref<64x128xf32, #tpu.memory_space<vmem>>[vector<16xi32>, vector<16xi32>], vector<16xf32>,
          %get3A_290 = arith.constant 0 : i32
          %get3A_291 = arith.index_cast %get3A_290 : i32 to index
          %get3A_292 = arith.index_cast %scan3A_219 : i32 to index
          %get3A_293 = arith.constant 96 : index
          %get3A_294 = tpu.vector_load %arg5[%get3A_291, %get3A_292, %get3A_293] {strides = array<i32>} : memref<2x64x128xf32, #tpu.memory_space<vmem>>, vector<16xf32>,
          %add3A_295 = vector.broadcast %scan3A_219 : i32 to vector<16xi32>
          %add3A_296 = arith.addi %shift_left3A_108, %add3A_295 : vector<16xi32>
          %scatter3A_297 = arith.constant 0 : i32
          %scatter3A_298 = arith.constant 0 : i32
          %scatter3A_299 = arith.constant 0 : i32
          %scatter3A_300 = tpu.memref_slice %arg6[%scatter3A_297, %scatter3A_298, %scatter3A_299] : memref<2x64x128xf32, #tpu.memory_space<vmem>> -> memref<1x64x128xf32, #tpu.memory_space<vmem>>
          %scatter3A_301 = tpu.memref_squeeze %scatter3A_300 : memref<1x64x128xf32, #tpu.memory_space<vmem>> -> memref<64x128xf32, #tpu.memory_space<vmem>>
          tpu.vector_store_idx %scatter3A_301[%shift_right_arithmetic3A_41, %add3A_296], %get3A_294 : memref<64x128xf32, #tpu.memory_space<vmem>>[vector<16xi32>, vector<16xi32>], vector<16xf32>,
          %get3A_302 = arith.constant 0 : i32
          %get3A_303 = arith.index_cast %get3A_302 : i32 to index
          %get3A_304 = arith.index_cast %scan3A_219 : i32 to index
          %get3A_305 = arith.constant 112 : index
          %get3A_306 = tpu.vector_load %arg5[%get3A_303, %get3A_304, %get3A_305] {strides = array<i32>} : memref<2x64x128xf32, #tpu.memory_space<vmem>>, vector<16xf32>,
          %add3A_307 = vector.broadcast %scan3A_219 : i32 to vector<16xi32>
          %add3A_308 = arith.addi %shift_left3A_117, %add3A_307 : vector<16xi32>
          %scatter3A_309 = arith.constant 0 : i32
          %scatter3A_310 = arith.constant 0 : i32
          %scatter3A_311 = arith.constant 0 : i32
          %scatter3A_312 = tpu.memref_slice %arg6[%scatter3A_309, %scatter3A_310, %scatter3A_311] : memref<2x64x128xf32, #tpu.memory_space<vmem>> -> memref<1x64x128xf32, #tpu.memory_space<vmem>>
          %scatter3A_313 = tpu.memref_squeeze %scatter3A_312 : memref<1x64x128xf32, #tpu.memory_space<vmem>> -> memref<64x128xf32, #tpu.memory_space<vmem>>
          tpu.vector_store_idx %scatter3A_313[%shift_right_arithmetic3A_47, %add3A_308], %get3A_306 : memref<64x128xf32, #tpu.memory_space<vmem>>[vector<16xi32>, vector<16xi32>], vector<16xf32>,
          %scan3A_314 = arith.constant 1 : i32
          %scan3A_315 = arith.addi %scan3A_219, %scan3A_314 : i32
          %get3A_316 = arith.constant 0 : i32
          %get3A_317 = arith.index_cast %get3A_316 : i32 to index
          %get3A_318 = arith.index_cast %scan3A_315 : i32 to index
          %get3A_319 = arith.constant 0 : index
          %get3A_320 = tpu.vector_load %arg5[%get3A_317, %get3A_318, %get3A_319] {strides = array<i32>} : memref<2x64x128xf32, #tpu.memory_space<vmem>>, vector<16xf32>,
          %add3A_321 = vector.broadcast %scan3A_315 : i32 to vector<16xi32>
          %add3A_322 = arith.addi %shift_left3A_54, %add3A_321 : vector<16xi32>
          %scatter3A_323 = arith.constant 0 : i32
          %scatter3A_324 = arith.constant 0 : i32
          %scatter3A_325 = arith.constant 0 : i32
          %scatter3A_326 = tpu.memref_slice %arg6[%scatter3A_323, %scatter3A_324, %scatter3A_325] : memref<2x64x128xf32, #tpu.memory_space<vmem>> -> memref<1x64x128xf32, #tpu.memory_space<vmem>>
          %scatter3A_327 = tpu.memref_squeeze %scatter3A_326 : memref<1x64x128xf32, #tpu.memory_space<vmem>> -> memref<64x128xf32, #tpu.memory_space<vmem>>
          tpu.vector_store_idx %scatter3A_327[%shift_right_arithmetic3A_5, %add3A_322], %get3A_320 : memref<64x128xf32, #tpu.memory_space<vmem>>[vector<16xi32>, vector<16xi32>], vector<16xf32>,
          %get3A_328 = arith.constant 0 : i32
          %get3A_329 = arith.index_cast %get3A_328 : i32 to index
          %get3A_330 = arith.index_cast %scan3A_315 : i32 to index
          %get3A_331 = arith.constant 16 : index
          %get3A_332 = tpu.vector_load %arg5[%get3A_329, %get3A_330, %get3A_331] {strides = array<i32>} : memref<2x64x128xf32, #tpu.memory_space<vmem>>, vector<16xf32>,
          %add3A_333 = vector.broadcast %scan3A_315 : i32 to vector<16xi32>
          %add3A_334 = arith.addi %shift_left3A_63, %add3A_333 : vector<16xi32>
          %scatter3A_335 = arith.constant 0 : i32
          %scatter3A_336 = arith.constant 0 : i32
          %scatter3A_337 = arith.constant 0 : i32
          %scatter3A_338 = tpu.memref_slice %arg6[%scatter3A_335, %scatter3A_336, %scatter3A_337] : memref<2x64x128xf32, #tpu.memory_space<vmem>> -> memref<1x64x128xf32, #tpu.memory_space<vmem>>
          %scatter3A_339 = tpu.memref_squeeze %scatter3A_338 : memref<1x64x128xf32, #tpu.memory_space<vmem>> -> memref<64x128xf32, #tpu.memory_space<vmem>>
          tpu.vector_store_idx %scatter3A_339[%shift_right_arithmetic3A_11, %add3A_334], %get3A_332 : memref<64x128xf32, #tpu.memory_space<vmem>>[vector<16xi32>, vector<16xi32>], vector<16xf32>,
          %get3A_340 = arith.constant 0 : i32
          %get3A_341 = arith.index_cast %get3A_340 : i32 to index
          %get3A_342 = arith.index_cast %scan3A_315 : i32 to index
          %get3A_343 = arith.constant 32 : index
          %get3A_344 = tpu.vector_load %arg5[%get3A_341, %get3A_342, %get3A_343] {strides = array<i32>} : memref<2x64x128xf32, #tpu.memory_space<vmem>>, vector<16xf32>,
          %add3A_345 = vector.broadcast %scan3A_315 : i32 to vector<16xi32>
          %add3A_346 = arith.addi %shift_left3A_72, %add3A_345 : vector<16xi32>
          %scatter3A_347 = arith.constant 0 : i32
          %scatter3A_348 = arith.constant 0 : i32
          %scatter3A_349 = arith.constant 0 : i32
          %scatter3A_350 = tpu.memref_slice %arg6[%scatter3A_347, %scatter3A_348, %scatter3A_349] : memref<2x64x128xf32, #tpu.memory_space<vmem>> -> memref<1x64x128xf32, #tpu.memory_space<vmem>>
          %scatter3A_351 = tpu.memref_squeeze %scatter3A_350 : memref<1x64x128xf32, #tpu.memory_space<vmem>> -> memref<64x128xf32, #tpu.memory_space<vmem>>
          tpu.vector_store_idx %scatter3A_351[%shift_right_arithmetic3A_17, %add3A_346], %get3A_344 : memref<64x128xf32, #tpu.memory_space<vmem>>[vector<16xi32>, vector<16xi32>], vector<16xf32>,
          %get3A_352 = arith.constant 0 : i32
          %get3A_353 = arith.index_cast %get3A_352 : i32 to index
          %get3A_354 = arith.index_cast %scan3A_315 : i32 to index
          %get3A_355 = arith.constant 48 : index
          %get3A_356 = tpu.vector_load %arg5[%get3A_353, %get3A_354, %get3A_355] {strides = array<i32>} : memref<2x64x128xf32, #tpu.memory_space<vmem>>, vector<16xf32>,
          %add3A_357 = vector.broadcast %scan3A_315 : i32 to vector<16xi32>
          %add3A_358 = arith.addi %shift_left3A_81, %add3A_357 : vector<16xi32>
          %scatter3A_359 = arith.constant 0 : i32
          %scatter3A_360 = arith.constant 0 : i32
          %scatter3A_361 = arith.constant 0 : i32
          %scatter3A_362 = tpu.memref_slice %arg6[%scatter3A_359, %scatter3A_360, %scatter3A_361] : memref<2x64x128xf32, #tpu.memory_space<vmem>> -> memref<1x64x128xf32, #tpu.memory_space<vmem>>
          %scatter3A_363 = tpu.memref_squeeze %scatter3A_362 : memref<1x64x128xf32, #tpu.memory_space<vmem>> -> memref<64x128xf32, #tpu.memory_space<vmem>>
          tpu.vector_store_idx %scatter3A_363[%shift_right_arithmetic3A_23, %add3A_358], %get3A_356 : memref<64x128xf32, #tpu.memory_space<vmem>>[vector<16xi32>, vector<16xi32>], vector<16xf32>,
          %get3A_364 = arith.constant 0 : i32
          %get3A_365 = arith.index_cast %get3A_364 : i32 to index
          %get3A_366 = arith.index_cast %scan3A_315 : i32 to index
          %get3A_367 = arith.constant 64 : index
          %get3A_368 = tpu.vector_load %arg5[%get3A_365, %get3A_366, %get3A_367] {strides = array<i32>} : memref<2x64x128xf32, #tpu.memory_space<vmem>>, vector<16xf32>,
          %add3A_369 = vector.broadcast %scan3A_315 : i32 to vector<16xi32>
          %add3A_370 = arith.addi %shift_left3A_90, %add3A_369 : vector<16xi32>
          %scatter3A_371 = arith.constant 0 : i32
          %scatter3A_372 = arith.constant 0 : i32
          %scatter3A_373 = arith.constant 0 : i32
          %scatter3A_374 = tpu.memref_slice %arg6[%scatter3A_371, %scatter3A_372, %scatter3A_373] : memref<2x64x128xf32, #tpu.memory_space<vmem>> -> memref<1x64x128xf32, #tpu.memory_space<vmem>>
          %scatter3A_375 = tpu.memref_squeeze %scatter3A_374 : memref<1x64x128xf32, #tpu.memory_space<vmem>> -> memref<64x128xf32, #tpu.memory_space<vmem>>
          tpu.vector_store_idx %scatter3A_375[%shift_right_arithmetic3A_29, %add3A_370], %get3A_368 : memref<64x128xf32, #tpu.memory_space<vmem>>[vector<16xi32>, vector<16xi32>], vector<16xf32>,
          %get3A_376 = arith.constant 0 : i32
          %get3A_377 = arith.index_cast %get3A_376 : i32 to index
          %get3A_378 = arith.index_cast %scan3A_315 : i32 to index
          %get3A_379 = arith.constant 80 : index
          %get3A_380 = tpu.vector_load %arg5[%get3A_377, %get3A_378, %get3A_379] {strides = array<i32>} : memref<2x64x128xf32, #tpu.memory_space<vmem>>, vector<16xf32>,
          %add3A_381 = vector.broadcast %scan3A_315 : i32 to vector<16xi32>
          %add3A_382 = arith.addi %shift_left3A_99, %add3A_381 : vector<16xi32>
          %scatter3A_383 = arith.constant 0 : i32
          %scatter3A_384 = arith.constant 0 : i32
          %scatter3A_385 = arith.constant 0 : i32
          %scatter3A_386 = tpu.memref_slice %arg6[%scatter3A_383, %scatter3A_384, %scatter3A_385] : memref<2x64x128xf32, #tpu.memory_space<vmem>> -> memref<1x64x128xf32, #tpu.memory_space<vmem>>
          %scatter3A_387 = tpu.memref_squeeze %scatter3A_386 : memref<1x64x128xf32, #tpu.memory_space<vmem>> -> memref<64x128xf32, #tpu.memory_space<vmem>>
          tpu.vector_store_idx %scatter3A_387[%shift_right_arithmetic3A_35, %add3A_382], %get3A_380 : memref<64x128xf32, #tpu.memory_space<vmem>>[vector<16xi32>, vector<16xi32>], vector<16xf32>,
          %get3A_388 = arith.constant 0 : i32
          %get3A_389 = arith.index_cast %get3A_388 : i32 to index
          %get3A_390 = arith.index_cast %scan3A_315 : i32 to index
          %get3A_391 = arith.constant 96 : index
          %get3A_392 = tpu.vector_load %arg5[%get3A_389, %get3A_390, %get3A_391] {strides = array<i32>} : memref<2x64x128xf32, #tpu.memory_space<vmem>>, vector<16xf32>,
          %add3A_393 = vector.broadcast %scan3A_315 : i32 to vector<16xi32>
          %add3A_394 = arith.addi %shift_left3A_108, %add3A_393 : vector<16xi32>
          %scatter3A_395 = arith.constant 0 : i32
          %scatter3A_396 = arith.constant 0 : i32
          %scatter3A_397 = arith.constant 0 : i32
          %scatter3A_398 = tpu.memref_slice %arg6[%scatter3A_395, %scatter3A_396, %scatter3A_397] : memref<2x64x128xf32, #tpu.memory_space<vmem>> -> memref<1x64x128xf32, #tpu.memory_space<vmem>>
          %scatter3A_399 = tpu.memref_squeeze %scatter3A_398 : memref<1x64x128xf32, #tpu.memory_space<vmem>> -> memref<64x128xf32, #tpu.memory_space<vmem>>
          tpu.vector_store_idx %scatter3A_399[%shift_right_arithmetic3A_41, %add3A_394], %get3A_392 : memref<64x128xf32, #tpu.memory_space<vmem>>[vector<16xi32>, vector<16xi32>], vector<16xf32>,
          %get3A_400 = arith.constant 0 : i32
          %get3A_401 = arith.index_cast %get3A_400 : i32 to index
          %get3A_402 = arith.index_cast %scan3A_315 : i32 to index
          %get3A_403 = arith.constant 112 : index
          %get3A_404 = tpu.vector_load %arg5[%get3A_401, %get3A_402, %get3A_403] {strides = array<i32>} : memref<2x64x128xf32, #tpu.memory_space<vmem>>, vector<16xf32>,
          %add3A_405 = vector.broadcast %scan3A_315 : i32 to vector<16xi32>
          %add3A_406 = arith.addi %shift_left3A_117, %add3A_405 : vector<16xi32>
          %scatter3A_407 = arith.constant 0 : i32
          %scatter3A_408 = arith.constant 0 : i32
          %scatter3A_409 = arith.constant 0 : i32
          %scatter3A_410 = tpu.memref_slice %arg6[%scatter3A_407, %scatter3A_408, %scatter3A_409] : memref<2x64x128xf32, #tpu.memory_space<vmem>> -> memref<1x64x128xf32, #tpu.memory_space<vmem>>
          %scatter3A_411 = tpu.memref_squeeze %scatter3A_410 : memref<1x64x128xf32, #tpu.memory_space<vmem>> -> memref<64x128xf32, #tpu.memory_space<vmem>>
          tpu.vector_store_idx %scatter3A_411[%shift_right_arithmetic3A_47, %add3A_406], %get3A_404 : memref<64x128xf32, #tpu.memory_space<vmem>>[vector<16xi32>, vector<16xi32>], vector<16xf32>,
        }
        %scan3A_195 = arith.constant 64 : i32
        %mul3A_196 = arith.constant 32 : i32
        %mul3A_197 = arith.muli %mul3A_196, %add3A_159 : i32
        %add3A_198 = arith.addi %add3A, %mul3A_197 : i32
        %mul3A_199 = arith.constant 64 : i32
        %mul3A_200 = arith.muli %add3A_198, %mul3A_199 : i32
        %dma_start3A = arith.constant 0 : i32
        %dma_start3A_201 = arith.constant 0 : i32
        %dma_start3A_202 = arith.constant 0 : i32
        %dma_start3A_203 = tpu.memref_slice %arg6[%dma_start3A, %dma_start3A_201, %dma_start3A_202] : memref<2x64x128xf32, #tpu.memory_space<vmem>> -> memref<1x64x128xf32, #tpu.memory_space<vmem>>
        %dma_start3A_204 = tpu.memref_squeeze %dma_start3A_203 : memref<1x64x128xf32, #tpu.memory_space<vmem>> -> memref<64x128xf32, #tpu.memory_space<vmem>>
        %dma_start3A_205 = arith.constant 0 : i32
        %dma_start3A_206 = tpu.memref_slice %arg4[%mul3A_200, %dma_start3A_205] : memref<500000x128xf32, #tpu.memory_space<hbm>> -> memref<64x128xf32, #tpu.memory_space<hbm>>
        %dma_start3A_207 = arith.constant 0 : i32
        %dma_start3A_208 = tpu.memref_slice %arg4[%mul3A_200, %dma_start3A_207] : memref<500000x128xf32, #tpu.memory_space<hbm>> -> memref<64x128xf32, #tpu.memory_space<hbm>>
        %dma_start3A_209 = arith.constant 0 : i32
        %dma_start3A_210 = arith.constant 0 : i32
        %dma_start3A_211 = tpu.memref_slice %arg6[%dma_start3A, %dma_start3A_209, %dma_start3A_210] : memref<2x64x128xf32, #tpu.memory_space<vmem>> -> memref<1x64x128xf32, #tpu.memory_space<vmem>>
        %dma_start3A_212 = tpu.memref_squeeze %dma_start3A_211 : memref<1x64x128xf32, #tpu.memory_space<vmem>> -> memref<64x128xf32, #tpu.memory_space<vmem>>
        tpu.enqueue_dma source(%dma_start3A_212 : memref<64x128xf32, #tpu.memory_space<vmem>>) target(%dma_start3A_208 : memref<64x128xf32, #tpu.memory_space<hbm>>) target_semaphore(%arg9 : memref<!tpu.dma_semaphore, #tpu.memory_space<semaphore_mem>>)
        %add3A_213 = arith.constant 2 : i32
        %add3A_214 = arith.addi %add3A_159, %add3A_213 : i32
        %lt3A_215 = arith.cmpi slt, %add3A_214, %div3A_121 : i32
        %convert_element_type3A_216 = arith.extui %lt3A_215 : i1 to i32
        %cond3A_217 = arith.constant 0 : i32
        %cond3A_218 = arith.cmpi ne, %convert_element_type3A_216, %cond3A_217 : i32
        scf.if %cond3A_218 {
          %add3A_219 = arith.constant 2 : i32
          %add3A_220 = arith.addi %add3A_159, %add3A_219 : i32
          %mul3A_221 = arith.constant 32 : i32
          %mul3A_222 = arith.muli %mul3A_221, %add3A_220 : i32
          %add3A_223 = arith.addi %add3A, %mul3A_222 : i32
          %mul3A_224 = arith.constant 128 : i32
          %mul3A_225 = arith.muli %add3A_223, %mul3A_224 : i32
          %dma_start3A_226 = arith.constant 0 : i32
          %dma_start3A_227 = arith.constant 0 : i32
          %dma_start3A_228 = arith.constant 0 : i32
          %dma_start3A_229 = tpu.memref_slice %arg5[%dma_start3A_226, %dma_start3A_227, %dma_start3A_228] : memref<2x64x128xf32, #tpu.memory_space<vmem>> -> memref<1x64x128xf32, #tpu.memory_space<vmem>>
          %dma_start3A_230 = tpu.memref_squeeze %dma_start3A_229 : memref<1x64x128xf32, #tpu.memory_space<vmem>> -> memref<64x128xf32, #tpu.memory_space<vmem>>
          %dma_start3A_231 = arith.constant 0 : i32
          %dma_start3A_232 = tpu.memref_slice %arg2[%dma_start3A_231, %mul3A_225] : memref<64x1000000xf32, #tpu.memory_space<hbm>> -> memref<64x128xf32, #tpu.memory_space<hbm>>
          %dma_start3A_233 = arith.constant 0 : i32
          %dma_start3A_234 = arith.constant 0 : i32
          %dma_start3A_235 = tpu.memref_slice %arg5[%dma_start3A_226, %dma_start3A_233, %dma_start3A_234] : memref<2x64x128xf32, #tpu.memory_space<vmem>> -> memref<1x64x128xf32, #tpu.memory_space<vmem>>
          %dma_start3A_236 = tpu.memref_squeeze %dma_start3A_235 : memref<1x64x128xf32, #tpu.memory_space<vmem>> -> memref<64x128xf32, #tpu.memory_space<vmem>>
          %dma_start3A_237 = arith.constant 0 : i32
          %dma_start3A_238 = tpu.memref_slice %arg2[%dma_start3A_237, %mul3A_225] : memref<64x1000000xf32, #tpu.memory_space<hbm>> -> memref<64x128xf32, #tpu.memory_space<hbm>>
          tpu.enqueue_dma source(%dma_start3A_238 : memref<64x128xf32, #tpu.memory_space<hbm>>) target(%dma_start3A_236 : memref<64x128xf32, #tpu.memory_space<vmem>>) target_semaphore(%arg7 : memref<!tpu.dma_semaphore, #tpu.memory_space<semaphore_mem>>)
        } else {
        }
      } else {
      }
      %mul3A_163 = arith.constant 2 : i32
      %mul3A_164 = arith.muli %while3A_155, %mul3A_163 : i32
      %add3A_165 = arith.constant 1 : i32
      %add3A_166 = arith.addi %mul3A_164, %add3A_165 : i32
      %lt3A_167 = arith.cmpi slt, %add3A_166, %div3A_121 : i32
      %convert_element_type3A_168 = arith.extui %lt3A_167 : i1 to i32
      %cond3A_169 = arith.constant 0 : i32
      %cond3A_170 = arith.cmpi ne, %convert_element_type3A_168, %cond3A_169 : i32
      scf.if %cond3A_170 {
        %mul3A_171 = arith.constant 32 : i32
        %mul3A_172 = arith.muli %mul3A_171, %add3A_166 : i32
        %add3A_173 = arith.addi %add3A, %mul3A_172 : i32
        %mul3A_174 = arith.constant 128 : i32
        %mul3A_175 = arith.muli %add3A_173, %mul3A_174 : i32
        %dma_wait3A = arith.constant 1 : i32
        %dma_wait3A_176 = arith.constant 0 : i32
        %dma_wait3A_177 = arith.constant 0 : i32
        %dma_wait3A_178 = tpu.memref_slice %arg5[%dma_wait3A, %dma_wait3A_176, %dma_wait3A_177] : memref<2x64x128xf32, #tpu.memory_space<vmem>> -> memref<1x64x128xf32, #tpu.memory_space<vmem>>
        %dma_wait3A_179 = tpu.memref_squeeze %dma_wait3A_178 : memref<1x64x128xf32, #tpu.memory_space<vmem>> -> memref<64x128xf32, #tpu.memory_space<vmem>>
        %dma_wait3A_180 = arith.constant 0 : i32
        %dma_wait3A_181 = tpu.memref_slice %arg2[%dma_wait3A_180, %mul3A_175] : memref<64x1000000xf32, #tpu.memory_space<hbm>> -> memref<64x128xf32, #tpu.memory_space<hbm>>
        %dma_wait3A_182 = arith.constant 0 : i32
        %dma_wait3A_183 = arith.constant 0 : i32
        %dma_wait3A_184 = tpu.memref_slice %arg5[%dma_wait3A, %dma_wait3A_182, %dma_wait3A_183] : memref<2x64x128xf32, #tpu.memory_space<vmem>> -> memref<1x64x128xf32, #tpu.memory_space<vmem>>
        %dma_wait3A_185 = tpu.memref_squeeze %dma_wait3A_184 : memref<1x64x128xf32, #tpu.memory_space<vmem>> -> memref<64x128xf32, #tpu.memory_space<vmem>>
        %dma_wait3A_186 = arith.constant 0 : i32
        %dma_wait3A_187 = tpu.memref_slice %arg2[%dma_wait3A_186, %mul3A_175] : memref<64x1000000xf32, #tpu.memory_space<hbm>> -> memref<64x128xf32, #tpu.memory_space<hbm>>
        tpu.wait_dma2 semaphore(%arg8 : memref<!tpu.dma_semaphore, #tpu.memory_space<semaphore_mem>>) src(%dma_wait3A_187 : memref<64x128xf32, #tpu.memory_space<hbm>>) dst(%dma_wait3A_185 : memref<64x128xf32, #tpu.memory_space<vmem>>)
        %ge3A = arith.constant 2 : i32
        %ge3A_188 = arith.cmpi sge, %add3A_166, %ge3A : i32
        %convert_element_type3A_189 = arith.extui %ge3A_188 : i1 to i32
        %cond3A_190 = arith.constant 0 : i32
        %cond3A_191 = arith.cmpi ne, %convert_element_type3A_189, %cond3A_190 : i32
        scf.if %cond3A_191 {
          %sub3A_219 = arith.constant 2 : i32
          %sub3A_220 = arith.subi %add3A_166, %sub3A_219 : i32
          %mul3A_221 = arith.constant 32 : i32
          %mul3A_222 = arith.muli %mul3A_221, %sub3A_220 : i32
          %add3A_223 = arith.addi %add3A, %mul3A_222 : i32
          %mul3A_224 = arith.constant 64 : i32
          %mul3A_225 = arith.muli %add3A_223, %mul3A_224 : i32
          %dma_wait3A_226 = arith.constant 1 : i32
          %dma_wait3A_227 = arith.constant 0 : i32
          %dma_wait3A_228 = arith.constant 0 : i32
          %dma_wait3A_229 = tpu.memref_slice %arg6[%dma_wait3A_226, %dma_wait3A_227, %dma_wait3A_228] : memref<2x64x128xf32, #tpu.memory_space<vmem>> -> memref<1x64x128xf32, #tpu.memory_space<vmem>>
          %dma_wait3A_230 = tpu.memref_squeeze %dma_wait3A_229 : memref<1x64x128xf32, #tpu.memory_space<vmem>> -> memref<64x128xf32, #tpu.memory_space<vmem>>
          %dma_wait3A_231 = arith.constant 0 : i32
          %dma_wait3A_232 = tpu.memref_slice %arg4[%mul3A_225, %dma_wait3A_231] : memref<500000x128xf32, #tpu.memory_space<hbm>> -> memref<64x128xf32, #tpu.memory_space<hbm>>
          %dma_wait3A_233 = arith.constant 0 : i32
          %dma_wait3A_234 = tpu.memref_slice %arg4[%mul3A_225, %dma_wait3A_233] : memref<500000x128xf32, #tpu.memory_space<hbm>> -> memref<64x128xf32, #tpu.memory_space<hbm>>
          %dma_wait3A_235 = arith.constant 0 : i32
          %dma_wait3A_236 = arith.constant 0 : i32
          %dma_wait3A_237 = tpu.memref_slice %arg6[%dma_wait3A_226, %dma_wait3A_235, %dma_wait3A_236] : memref<2x64x128xf32, #tpu.memory_space<vmem>> -> memref<1x64x128xf32, #tpu.memory_space<vmem>>
          %dma_wait3A_238 = tpu.memref_squeeze %dma_wait3A_237 : memref<1x64x128xf32, #tpu.memory_space<vmem>> -> memref<64x128xf32, #tpu.memory_space<vmem>>
          tpu.wait_dma2 semaphore(%arg10 : memref<!tpu.dma_semaphore, #tpu.memory_space<semaphore_mem>>) src(%dma_wait3A_238 : memref<64x128xf32, #tpu.memory_space<vmem>>) dst(%dma_wait3A_234 : memref<64x128xf32, #tpu.memory_space<hbm>>)
        } else {
        }
        %scan3A = arith.constant 0 : i32
        %scan3A_192 = arith.constant 64 : i32
        %scan3A_193 = arith.addi %scan3A, %scan3A_192 : i32
        %scan3A_194 = arith.constant 2 : i32
        scf.for %scan3A_219 = %scan3A to %scan3A_193 step %scan3A_194  : i32 {
          %get3A = arith.constant 1 : i32
          %get3A_220 = arith.index_cast %get3A : i32 to index
          %get3A_221 = arith.index_cast %scan3A_219 : i32 to index
          %get3A_222 = arith.constant 0 : index
          %get3A_223 = tpu.vector_load %arg5[%get3A_220, %get3A_221, %get3A_222] {strides = array<i32>} : memref<2x64x128xf32, #tpu.memory_space<vmem>>, vector<16xf32>,
          %add3A_224 = vector.broadcast %scan3A_219 : i32 to vector<16xi32>
          %add3A_225 = arith.addi %shift_left3A_54, %add3A_224 : vector<16xi32>
          %scatter3A = arith.constant 1 : i32
          %scatter3A_226 = arith.constant 0 : i32
          %scatter3A_227 = arith.constant 0 : i32
          %scatter3A_228 = tpu.memref_slice %arg6[%scatter3A, %scatter3A_226, %scatter3A_227] : memref<2x64x128xf32, #tpu.memory_space<vmem>> -> memref<1x64x128xf32, #tpu.memory_space<vmem>>
          %scatter3A_229 = tpu.memref_squeeze %scatter3A_228 : memref<1x64x128xf32, #tpu.memory_space<vmem>> -> memref<64x128xf32, #tpu.memory_space<vmem>>
          tpu.vector_store_idx %scatter3A_229[%shift_right_arithmetic3A_5, %add3A_225], %get3A_223 : memref<64x128xf32, #tpu.memory_space<vmem>>[vector<16xi32>, vector<16xi32>], vector<16xf32>,
          %get3A_230 = arith.constant 1 : i32
          %get3A_231 = arith.index_cast %get3A_230 : i32 to index
          %get3A_232 = arith.index_cast %scan3A_219 : i32 to index
          %get3A_233 = arith.constant 16 : index
          %get3A_234 = tpu.vector_load %arg5[%get3A_231, %get3A_232, %get3A_233] {strides = array<i32>} : memref<2x64x128xf32, #tpu.memory_space<vmem>>, vector<16xf32>,
          %add3A_235 = vector.broadcast %scan3A_219 : i32 to vector<16xi32>
          %add3A_236 = arith.addi %shift_left3A_63, %add3A_235 : vector<16xi32>
          %scatter3A_237 = arith.constant 1 : i32
          %scatter3A_238 = arith.constant 0 : i32
          %scatter3A_239 = arith.constant 0 : i32
          %scatter3A_240 = tpu.memref_slice %arg6[%scatter3A_237, %scatter3A_238, %scatter3A_239] : memref<2x64x128xf32, #tpu.memory_space<vmem>> -> memref<1x64x128xf32, #tpu.memory_space<vmem>>
          %scatter3A_241 = tpu.memref_squeeze %scatter3A_240 : memref<1x64x128xf32, #tpu.memory_space<vmem>> -> memref<64x128xf32, #tpu.memory_space<vmem>>
          tpu.vector_store_idx %scatter3A_241[%shift_right_arithmetic3A_11, %add3A_236], %get3A_234 : memref<64x128xf32, #tpu.memory_space<vmem>>[vector<16xi32>, vector<16xi32>], vector<16xf32>,
          %get3A_242 = arith.constant 1 : i32
          %get3A_243 = arith.index_cast %get3A_242 : i32 to index
          %get3A_244 = arith.index_cast %scan3A_219 : i32 to index
          %get3A_245 = arith.constant 32 : index
          %get3A_246 = tpu.vector_load %arg5[%get3A_243, %get3A_244, %get3A_245] {strides = array<i32>} : memref<2x64x128xf32, #tpu.memory_space<vmem>>, vector<16xf32>,
          %add3A_247 = vector.broadcast %scan3A_219 : i32 to vector<16xi32>
          %add3A_248 = arith.addi %shift_left3A_72, %add3A_247 : vector<16xi32>
          %scatter3A_249 = arith.constant 1 : i32
          %scatter3A_250 = arith.constant 0 : i32
          %scatter3A_251 = arith.constant 0 : i32
          %scatter3A_252 = tpu.memref_slice %arg6[%scatter3A_249, %scatter3A_250, %scatter3A_251] : memref<2x64x128xf32, #tpu.memory_space<vmem>> -> memref<1x64x128xf32, #tpu.memory_space<vmem>>
          %scatter3A_253 = tpu.memref_squeeze %scatter3A_252 : memref<1x64x128xf32, #tpu.memory_space<vmem>> -> memref<64x128xf32, #tpu.memory_space<vmem>>
          tpu.vector_store_idx %scatter3A_253[%shift_right_arithmetic3A_17, %add3A_248], %get3A_246 : memref<64x128xf32, #tpu.memory_space<vmem>>[vector<16xi32>, vector<16xi32>], vector<16xf32>,
          %get3A_254 = arith.constant 1 : i32
          %get3A_255 = arith.index_cast %get3A_254 : i32 to index
          %get3A_256 = arith.index_cast %scan3A_219 : i32 to index
          %get3A_257 = arith.constant 48 : index
          %get3A_258 = tpu.vector_load %arg5[%get3A_255, %get3A_256, %get3A_257] {strides = array<i32>} : memref<2x64x128xf32, #tpu.memory_space<vmem>>, vector<16xf32>,
          %add3A_259 = vector.broadcast %scan3A_219 : i32 to vector<16xi32>
          %add3A_260 = arith.addi %shift_left3A_81, %add3A_259 : vector<16xi32>
          %scatter3A_261 = arith.constant 1 : i32
          %scatter3A_262 = arith.constant 0 : i32
          %scatter3A_263 = arith.constant 0 : i32
          %scatter3A_264 = tpu.memref_slice %arg6[%scatter3A_261, %scatter3A_262, %scatter3A_263] : memref<2x64x128xf32, #tpu.memory_space<vmem>> -> memref<1x64x128xf32, #tpu.memory_space<vmem>>
          %scatter3A_265 = tpu.memref_squeeze %scatter3A_264 : memref<1x64x128xf32, #tpu.memory_space<vmem>> -> memref<64x128xf32, #tpu.memory_space<vmem>>
          tpu.vector_store_idx %scatter3A_265[%shift_right_arithmetic3A_23, %add3A_260], %get3A_258 : memref<64x128xf32, #tpu.memory_space<vmem>>[vector<16xi32>, vector<16xi32>], vector<16xf32>,
          %get3A_266 = arith.constant 1 : i32
          %get3A_267 = arith.index_cast %get3A_266 : i32 to index
          %get3A_268 = arith.index_cast %scan3A_219 : i32 to index
          %get3A_269 = arith.constant 64 : index
          %get3A_270 = tpu.vector_load %arg5[%get3A_267, %get3A_268, %get3A_269] {strides = array<i32>} : memref<2x64x128xf32, #tpu.memory_space<vmem>>, vector<16xf32>,
          %add3A_271 = vector.broadcast %scan3A_219 : i32 to vector<16xi32>
          %add3A_272 = arith.addi %shift_left3A_90, %add3A_271 : vector<16xi32>
          %scatter3A_273 = arith.constant 1 : i32
          %scatter3A_274 = arith.constant 0 : i32
          %scatter3A_275 = arith.constant 0 : i32
          %scatter3A_276 = tpu.memref_slice %arg6[%scatter3A_273, %scatter3A_274, %scatter3A_275] : memref<2x64x128xf32, #tpu.memory_space<vmem>> -> memref<1x64x128xf32, #tpu.memory_space<vmem>>
          %scatter3A_277 = tpu.memref_squeeze %scatter3A_276 : memref<1x64x128xf32, #tpu.memory_space<vmem>> -> memref<64x128xf32, #tpu.memory_space<vmem>>
          tpu.vector_store_idx %scatter3A_277[%shift_right_arithmetic3A_29, %add3A_272], %get3A_270 : memref<64x128xf32, #tpu.memory_space<vmem>>[vector<16xi32>, vector<16xi32>], vector<16xf32>,
          %get3A_278 = arith.constant 1 : i32
          %get3A_279 = arith.index_cast %get3A_278 : i32 to index
          %get3A_280 = arith.index_cast %scan3A_219 : i32 to index
          %get3A_281 = arith.constant 80 : index
          %get3A_282 = tpu.vector_load %arg5[%get3A_279, %get3A_280, %get3A_281] {strides = array<i32>} : memref<2x64x128xf32, #tpu.memory_space<vmem>>, vector<16xf32>,
          %add3A_283 = vector.broadcast %scan3A_219 : i32 to vector<16xi32>
          %add3A_284 = arith.addi %shift_left3A_99, %add3A_283 : vector<16xi32>
          %scatter3A_285 = arith.constant 1 : i32
          %scatter3A_286 = arith.constant 0 : i32
          %scatter3A_287 = arith.constant 0 : i32
          %scatter3A_288 = tpu.memref_slice %arg6[%scatter3A_285, %scatter3A_286, %scatter3A_287] : memref<2x64x128xf32, #tpu.memory_space<vmem>> -> memref<1x64x128xf32, #tpu.memory_space<vmem>>
          %scatter3A_289 = tpu.memref_squeeze %scatter3A_288 : memref<1x64x128xf32, #tpu.memory_space<vmem>> -> memref<64x128xf32, #tpu.memory_space<vmem>>
          tpu.vector_store_idx %scatter3A_289[%shift_right_arithmetic3A_35, %add3A_284], %get3A_282 : memref<64x128xf32, #tpu.memory_space<vmem>>[vector<16xi32>, vector<16xi32>], vector<16xf32>,
          %get3A_290 = arith.constant 1 : i32
          %get3A_291 = arith.index_cast %get3A_290 : i32 to index
          %get3A_292 = arith.index_cast %scan3A_219 : i32 to index
          %get3A_293 = arith.constant 96 : index
          %get3A_294 = tpu.vector_load %arg5[%get3A_291, %get3A_292, %get3A_293] {strides = array<i32>} : memref<2x64x128xf32, #tpu.memory_space<vmem>>, vector<16xf32>,
          %add3A_295 = vector.broadcast %scan3A_219 : i32 to vector<16xi32>
          %add3A_296 = arith.addi %shift_left3A_108, %add3A_295 : vector<16xi32>
          %scatter3A_297 = arith.constant 1 : i32
          %scatter3A_298 = arith.constant 0 : i32
          %scatter3A_299 = arith.constant 0 : i32
          %scatter3A_300 = tpu.memref_slice %arg6[%scatter3A_297, %scatter3A_298, %scatter3A_299] : memref<2x64x128xf32, #tpu.memory_space<vmem>> -> memref<1x64x128xf32, #tpu.memory_space<vmem>>
          %scatter3A_301 = tpu.memref_squeeze %scatter3A_300 : memref<1x64x128xf32, #tpu.memory_space<vmem>> -> memref<64x128xf32, #tpu.memory_space<vmem>>
          tpu.vector_store_idx %scatter3A_301[%shift_right_arithmetic3A_41, %add3A_296], %get3A_294 : memref<64x128xf32, #tpu.memory_space<vmem>>[vector<16xi32>, vector<16xi32>], vector<16xf32>,
          %get3A_302 = arith.constant 1 : i32
          %get3A_303 = arith.index_cast %get3A_302 : i32 to index
          %get3A_304 = arith.index_cast %scan3A_219 : i32 to index
          %get3A_305 = arith.constant 112 : index
          %get3A_306 = tpu.vector_load %arg5[%get3A_303, %get3A_304, %get3A_305] {strides = array<i32>} : memref<2x64x128xf32, #tpu.memory_space<vmem>>, vector<16xf32>,
          %add3A_307 = vector.broadcast %scan3A_219 : i32 to vector<16xi32>
          %add3A_308 = arith.addi %shift_left3A_117, %add3A_307 : vector<16xi32>
          %scatter3A_309 = arith.constant 1 : i32
          %scatter3A_310 = arith.constant 0 : i32
          %scatter3A_311 = arith.constant 0 : i32
          %scatter3A_312 = tpu.memref_slice %arg6[%scatter3A_309, %scatter3A_310, %scatter3A_311] : memref<2x64x128xf32, #tpu.memory_space<vmem>> -> memref<1x64x128xf32, #tpu.memory_space<vmem>>
          %scatter3A_313 = tpu.memref_squeeze %scatter3A_312 : memref<1x64x128xf32, #tpu.memory_space<vmem>> -> memref<64x128xf32, #tpu.memory_space<vmem>>
          tpu.vector_store_idx %scatter3A_313[%shift_right_arithmetic3A_47, %add3A_308], %get3A_306 : memref<64x128xf32, #tpu.memory_space<vmem>>[vector<16xi32>, vector<16xi32>], vector<16xf32>,
          %scan3A_314 = arith.constant 1 : i32
          %scan3A_315 = arith.addi %scan3A_219, %scan3A_314 : i32
          %get3A_316 = arith.constant 1 : i32
          %get3A_317 = arith.index_cast %get3A_316 : i32 to index
          %get3A_318 = arith.index_cast %scan3A_315 : i32 to index
          %get3A_319 = arith.constant 0 : index
          %get3A_320 = tpu.vector_load %arg5[%get3A_317, %get3A_318, %get3A_319] {strides = array<i32>} : memref<2x64x128xf32, #tpu.memory_space<vmem>>, vector<16xf32>,
          %add3A_321 = vector.broadcast %scan3A_315 : i32 to vector<16xi32>
          %add3A_322 = arith.addi %shift_left3A_54, %add3A_321 : vector<16xi32>
          %scatter3A_323 = arith.constant 1 : i32
          %scatter3A_324 = arith.constant 0 : i32
          %scatter3A_325 = arith.constant 0 : i32
          %scatter3A_326 = tpu.memref_slice %arg6[%scatter3A_323, %scatter3A_324, %scatter3A_325] : memref<2x64x128xf32, #tpu.memory_space<vmem>> -> memref<1x64x128xf32, #tpu.memory_space<vmem>>
          %scatter3A_327 = tpu.memref_squeeze %scatter3A_326 : memref<1x64x128xf32, #tpu.memory_space<vmem>> -> memref<64x128xf32, #tpu.memory_space<vmem>>
          tpu.vector_store_idx %scatter3A_327[%shift_right_arithmetic3A_5, %add3A_322], %get3A_320 : memref<64x128xf32, #tpu.memory_space<vmem>>[vector<16xi32>, vector<16xi32>], vector<16xf32>,
          %get3A_328 = arith.constant 1 : i32
          %get3A_329 = arith.index_cast %get3A_328 : i32 to index
          %get3A_330 = arith.index_cast %scan3A_315 : i32 to index
          %get3A_331 = arith.constant 16 : index
          %get3A_332 = tpu.vector_load %arg5[%get3A_329, %get3A_330, %get3A_331] {strides = array<i32>} : memref<2x64x128xf32, #tpu.memory_space<vmem>>, vector<16xf32>,
          %add3A_333 = vector.broadcast %scan3A_315 : i32 to vector<16xi32>
          %add3A_334 = arith.addi %shift_left3A_63, %add3A_333 : vector<16xi32>
          %scatter3A_335 = arith.constant 1 : i32
          %scatter3A_336 = arith.constant 0 : i32
          %scatter3A_337 = arith.constant 0 : i32
          %scatter3A_338 = tpu.memref_slice %arg6[%scatter3A_335, %scatter3A_336, %scatter3A_337] : memref<2x64x128xf32, #tpu.memory_space<vmem>> -> memref<1x64x128xf32, #tpu.memory_space<vmem>>
          %scatter3A_339 = tpu.memref_squeeze %scatter3A_338 : memref<1x64x128xf32, #tpu.memory_space<vmem>> -> memref<64x128xf32, #tpu.memory_space<vmem>>
          tpu.vector_store_idx %scatter3A_339[%shift_right_arithmetic3A_11, %add3A_334], %get3A_332 : memref<64x128xf32, #tpu.memory_space<vmem>>[vector<16xi32>, vector<16xi32>], vector<16xf32>,
          %get3A_340 = arith.constant 1 : i32
          %get3A_341 = arith.index_cast %get3A_340 : i32 to index
          %get3A_342 = arith.index_cast %scan3A_315 : i32 to index
          %get3A_343 = arith.constant 32 : index
          %get3A_344 = tpu.vector_load %arg5[%get3A_341, %get3A_342, %get3A_343] {strides = array<i32>} : memref<2x64x128xf32, #tpu.memory_space<vmem>>, vector<16xf32>,
          %add3A_345 = vector.broadcast %scan3A_315 : i32 to vector<16xi32>
          %add3A_346 = arith.addi %shift_left3A_72, %add3A_345 : vector<16xi32>
          %scatter3A_347 = arith.constant 1 : i32
          %scatter3A_348 = arith.constant 0 : i32
          %scatter3A_349 = arith.constant 0 : i32
          %scatter3A_350 = tpu.memref_slice %arg6[%scatter3A_347, %scatter3A_348, %scatter3A_349] : memref<2x64x128xf32, #tpu.memory_space<vmem>> -> memref<1x64x128xf32, #tpu.memory_space<vmem>>
          %scatter3A_351 = tpu.memref_squeeze %scatter3A_350 : memref<1x64x128xf32, #tpu.memory_space<vmem>> -> memref<64x128xf32, #tpu.memory_space<vmem>>
          tpu.vector_store_idx %scatter3A_351[%shift_right_arithmetic3A_17, %add3A_346], %get3A_344 : memref<64x128xf32, #tpu.memory_space<vmem>>[vector<16xi32>, vector<16xi32>], vector<16xf32>,
          %get3A_352 = arith.constant 1 : i32
          %get3A_353 = arith.index_cast %get3A_352 : i32 to index
          %get3A_354 = arith.index_cast %scan3A_315 : i32 to index
          %get3A_355 = arith.constant 48 : index
          %get3A_356 = tpu.vector_load %arg5[%get3A_353, %get3A_354, %get3A_355] {strides = array<i32>} : memref<2x64x128xf32, #tpu.memory_space<vmem>>, vector<16xf32>,
          %add3A_357 = vector.broadcast %scan3A_315 : i32 to vector<16xi32>
          %add3A_358 = arith.addi %shift_left3A_81, %add3A_357 : vector<16xi32>
          %scatter3A_359 = arith.constant 1 : i32
          %scatter3A_360 = arith.constant 0 : i32
          %scatter3A_361 = arith.constant 0 : i32
          %scatter3A_362 = tpu.memref_slice %arg6[%scatter3A_359, %scatter3A_360, %scatter3A_361] : memref<2x64x128xf32, #tpu.memory_space<vmem>> -> memref<1x64x128xf32, #tpu.memory_space<vmem>>
          %scatter3A_363 = tpu.memref_squeeze %scatter3A_362 : memref<1x64x128xf32, #tpu.memory_space<vmem>> -> memref<64x128xf32, #tpu.memory_space<vmem>>
          tpu.vector_store_idx %scatter3A_363[%shift_right_arithmetic3A_23, %add3A_358], %get3A_356 : memref<64x128xf32, #tpu.memory_space<vmem>>[vector<16xi32>, vector<16xi32>], vector<16xf32>,
          %get3A_364 = arith.constant 1 : i32
          %get3A_365 = arith.index_cast %get3A_364 : i32 to index
          %get3A_366 = arith.index_cast %scan3A_315 : i32 to index
          %get3A_367 = arith.constant 64 : index
          %get3A_368 = tpu.vector_load %arg5[%get3A_365, %get3A_366, %get3A_367] {strides = array<i32>} : memref<2x64x128xf32, #tpu.memory_space<vmem>>, vector<16xf32>,
          %add3A_369 = vector.broadcast %scan3A_315 : i32 to vector<16xi32>
          %add3A_370 = arith.addi %shift_left3A_90, %add3A_369 : vector<16xi32>
          %scatter3A_371 = arith.constant 1 : i32
          %scatter3A_372 = arith.constant 0 : i32
          %scatter3A_373 = arith.constant 0 : i32
          %scatter3A_374 = tpu.memref_slice %arg6[%scatter3A_371, %scatter3A_372, %scatter3A_373] : memref<2x64x128xf32, #tpu.memory_space<vmem>> -> memref<1x64x128xf32, #tpu.memory_space<vmem>>
          %scatter3A_375 = tpu.memref_squeeze %scatter3A_374 : memref<1x64x128xf32, #tpu.memory_space<vmem>> -> memref<64x128xf32, #tpu.memory_space<vmem>>
          tpu.vector_store_idx %scatter3A_375[%shift_right_arithmetic3A_29, %add3A_370], %get3A_368 : memref<64x128xf32, #tpu.memory_space<vmem>>[vector<16xi32>, vector<16xi32>], vector<16xf32>,
          %get3A_376 = arith.constant 1 : i32
          %get3A_377 = arith.index_cast %get3A_376 : i32 to index
          %get3A_378 = arith.index_cast %scan3A_315 : i32 to index
          %get3A_379 = arith.constant 80 : index
          %get3A_380 = tpu.vector_load %arg5[%get3A_377, %get3A_378, %get3A_379] {strides = array<i32>} : memref<2x64x128xf32, #tpu.memory_space<vmem>>, vector<16xf32>,
          %add3A_381 = vector.broadcast %scan3A_315 : i32 to vector<16xi32>
          %add3A_382 = arith.addi %shift_left3A_99, %add3A_381 : vector<16xi32>
          %scatter3A_383 = arith.constant 1 : i32
          %scatter3A_384 = arith.constant 0 : i32
          %scatter3A_385 = arith.constant 0 : i32
          %scatter3A_386 = tpu.memref_slice %arg6[%scatter3A_383, %scatter3A_384, %scatter3A_385] : memref<2x64x128xf32, #tpu.memory_space<vmem>> -> memref<1x64x128xf32, #tpu.memory_space<vmem>>
          %scatter3A_387 = tpu.memref_squeeze %scatter3A_386 : memref<1x64x128xf32, #tpu.memory_space<vmem>> -> memref<64x128xf32, #tpu.memory_space<vmem>>
          tpu.vector_store_idx %scatter3A_387[%shift_right_arithmetic3A_35, %add3A_382], %get3A_380 : memref<64x128xf32, #tpu.memory_space<vmem>>[vector<16xi32>, vector<16xi32>], vector<16xf32>,
          %get3A_388 = arith.constant 1 : i32
          %get3A_389 = arith.index_cast %get3A_388 : i32 to index
          %get3A_390 = arith.index_cast %scan3A_315 : i32 to index
          %get3A_391 = arith.constant 96 : index
          %get3A_392 = tpu.vector_load %arg5[%get3A_389, %get3A_390, %get3A_391] {strides = array<i32>} : memref<2x64x128xf32, #tpu.memory_space<vmem>>, vector<16xf32>,
          %add3A_393 = vector.broadcast %scan3A_315 : i32 to vector<16xi32>
          %add3A_394 = arith.addi %shift_left3A_108, %add3A_393 : vector<16xi32>
          %scatter3A_395 = arith.constant 1 : i32
          %scatter3A_396 = arith.constant 0 : i32
          %scatter3A_397 = arith.constant 0 : i32
          %scatter3A_398 = tpu.memref_slice %arg6[%scatter3A_395, %scatter3A_396, %scatter3A_397] : memref<2x64x128xf32, #tpu.memory_space<vmem>> -> memref<1x64x128xf32, #tpu.memory_space<vmem>>
          %scatter3A_399 = tpu.memref_squeeze %scatter3A_398 : memref<1x64x128xf32, #tpu.memory_space<vmem>> -> memref<64x128xf32, #tpu.memory_space<vmem>>
          tpu.vector_store_idx %scatter3A_399[%shift_right_arithmetic3A_41, %add3A_394], %get3A_392 : memref<64x128xf32, #tpu.memory_space<vmem>>[vector<16xi32>, vector<16xi32>], vector<16xf32>,
          %get3A_400 = arith.constant 1 : i32
          %get3A_401 = arith.index_cast %get3A_400 : i32 to index
          %get3A_402 = arith.index_cast %scan3A_315 : i32 to index
          %get3A_403 = arith.constant 112 : index
          %get3A_404 = tpu.vector_load %arg5[%get3A_401, %get3A_402, %get3A_403] {strides = array<i32>} : memref<2x64x128xf32, #tpu.memory_space<vmem>>, vector<16xf32>,
          %add3A_405 = vector.broadcast %scan3A_315 : i32 to vector<16xi32>
          %add3A_406 = arith.addi %shift_left3A_117, %add3A_405 : vector<16xi32>
          %scatter3A_407 = arith.constant 1 : i32
          %scatter3A_408 = arith.constant 0 : i32
          %scatter3A_409 = arith.constant 0 : i32
          %scatter3A_410 = tpu.memref_slice %arg6[%scatter3A_407, %scatter3A_408, %scatter3A_409] : memref<2x64x128xf32, #tpu.memory_space<vmem>> -> memref<1x64x128xf32, #tpu.memory_space<vmem>>
          %scatter3A_411 = tpu.memref_squeeze %scatter3A_410 : memref<1x64x128xf32, #tpu.memory_space<vmem>> -> memref<64x128xf32, #tpu.memory_space<vmem>>
          tpu.vector_store_idx %scatter3A_411[%shift_right_arithmetic3A_47, %add3A_406], %get3A_404 : memref<64x128xf32, #tpu.memory_space<vmem>>[vector<16xi32>, vector<16xi32>], vector<16xf32>,
        }
        %scan3A_195 = arith.constant 64 : i32
        %mul3A_196 = arith.constant 32 : i32
        %mul3A_197 = arith.muli %mul3A_196, %add3A_166 : i32
        %add3A_198 = arith.addi %add3A, %mul3A_197 : i32
        %mul3A_199 = arith.constant 64 : i32
        %mul3A_200 = arith.muli %add3A_198, %mul3A_199 : i32
        %dma_start3A = arith.constant 1 : i32
        %dma_start3A_201 = arith.constant 0 : i32
        %dma_start3A_202 = arith.constant 0 : i32
        %dma_start3A_203 = tpu.memref_slice %arg6[%dma_start3A, %dma_start3A_201, %dma_start3A_202] : memref<2x64x128xf32, #tpu.memory_space<vmem>> -> memref<1x64x128xf32, #tpu.memory_space<vmem>>
        %dma_start3A_204 = tpu.memref_squeeze %dma_start3A_203 : memref<1x64x128xf32, #tpu.memory_space<vmem>> -> memref<64x128xf32, #tpu.memory_space<vmem>>
        %dma_start3A_205 = arith.constant 0 : i32
        %dma_start3A_206 = tpu.memref_slice %arg4[%mul3A_200, %dma_start3A_205] : memref<500000x128xf32, #tpu.memory_space<hbm>> -> memref<64x128xf32, #tpu.memory_space<hbm>>
        %dma_start3A_207 = arith.constant 0 : i32
        %dma_start3A_208 = tpu.memref_slice %arg4[%mul3A_200, %dma_start3A_207] : memref<500000x128xf32, #tpu.memory_space<hbm>> -> memref<64x128xf32, #tpu.memory_space<hbm>>
        %dma_start3A_209 = arith.constant 0 : i32
        %dma_start3A_210 = arith.constant 0 : i32
        %dma_start3A_211 = tpu.memref_slice %arg6[%dma_start3A, %dma_start3A_209, %dma_start3A_210] : memref<2x64x128xf32, #tpu.memory_space<vmem>> -> memref<1x64x128xf32, #tpu.memory_space<vmem>>
        %dma_start3A_212 = tpu.memref_squeeze %dma_start3A_211 : memref<1x64x128xf32, #tpu.memory_space<vmem>> -> memref<64x128xf32, #tpu.memory_space<vmem>>
        tpu.enqueue_dma source(%dma_start3A_212 : memref<64x128xf32, #tpu.memory_space<vmem>>) target(%dma_start3A_208 : memref<64x128xf32, #tpu.memory_space<hbm>>) target_semaphore(%arg10 : memref<!tpu.dma_semaphore, #tpu.memory_space<semaphore_mem>>)
        %add3A_213 = arith.constant 2 : i32
        %add3A_214 = arith.addi %add3A_166, %add3A_213 : i32
        %lt3A_215 = arith.cmpi slt, %add3A_214, %div3A_121 : i32
        %convert_element_type3A_216 = arith.extui %lt3A_215 : i1 to i32
        %cond3A_217 = arith.constant 0 : i32
        %cond3A_218 = arith.cmpi ne, %convert_element_type3A_216, %cond3A_217 : i32
        scf.if %cond3A_218 {
          %add3A_219 = arith.constant 2 : i32
          %add3A_220 = arith.addi %add3A_166, %add3A_219 : i32
          %mul3A_221 = arith.constant 32 : i32
          %mul3A_222 = arith.muli %mul3A_221, %add3A_220 : i32
          %add3A_223 = arith.addi %add3A, %mul3A_222 : i32
          %mul3A_224 = arith.constant 128 : i32
          %mul3A_225 = arith.muli %add3A_223, %mul3A_224 : i32
          %dma_start3A_226 = arith.constant 1 : i32
          %dma_start3A_227 = arith.constant 0 : i32
          %dma_start3A_228 = arith.constant 0 : i32
          %dma_start3A_229 = tpu.memref_slice %arg5[%dma_start3A_226, %dma_start3A_227, %dma_start3A_228] : memref<2x64x128xf32, #tpu.memory_space<vmem>> -> memref<1x64x128xf32, #tpu.memory_space<vmem>>
          %dma_start3A_230 = tpu.memref_squeeze %dma_start3A_229 : memref<1x64x128xf32, #tpu.memory_space<vmem>> -> memref<64x128xf32, #tpu.memory_space<vmem>>
          %dma_start3A_231 = arith.constant 0 : i32
          %dma_start3A_232 = tpu.memref_slice %arg2[%dma_start3A_231, %mul3A_225] : memref<64x1000000xf32, #tpu.memory_space<hbm>> -> memref<64x128xf32, #tpu.memory_space<hbm>>
          %dma_start3A_233 = arith.constant 0 : i32
          %dma_start3A_234 = arith.constant 0 : i32
          %dma_start3A_235 = tpu.memref_slice %arg5[%dma_start3A_226, %dma_start3A_233, %dma_start3A_234] : memref<2x64x128xf32, #tpu.memory_space<vmem>> -> memref<1x64x128xf32, #tpu.memory_space<vmem>>
          %dma_start3A_236 = tpu.memref_squeeze %dma_start3A_235 : memref<1x64x128xf32, #tpu.memory_space<vmem>> -> memref<64x128xf32, #tpu.memory_space<vmem>>
          %dma_start3A_237 = arith.constant 0 : i32
          %dma_start3A_238 = tpu.memref_slice %arg2[%dma_start3A_237, %mul3A_225] : memref<64x1000000xf32, #tpu.memory_space<hbm>> -> memref<64x128xf32, #tpu.memory_space<hbm>>
          tpu.enqueue_dma source(%dma_start3A_238 : memref<64x128xf32, #tpu.memory_space<hbm>>) target(%dma_start3A_236 : memref<64x128xf32, #tpu.memory_space<vmem>>) target_semaphore(%arg8 : memref<!tpu.dma_semaphore, #tpu.memory_space<semaphore_mem>>)
        } else {
        }
      } else {
      }
    }
    %gt3A_141 = arith.constant 0 : i32
    %gt3A_142 = arith.cmpi sgt, %div3A_121, %gt3A_141 : i32
    %convert_element_type3A_143 = arith.extui %gt3A_142 : i1 to i32
    %cond3A_144 = arith.constant 0 : i32
    %cond3A_145 = arith.cmpi ne, %convert_element_type3A_143, %cond3A_144 : i32
    scf.if %cond3A_145 {
      %dma_wait3A = arith.constant 0 : i32
      %dma_wait3A_155 = arith.constant 0 : i32
      %dma_wait3A_156 = arith.constant 0 : i32
      %dma_wait3A_157 = tpu.memref_slice %arg6[%dma_wait3A, %dma_wait3A_155, %dma_wait3A_156] : memref<2x64x128xf32, #tpu.memory_space<vmem>> -> memref<1x64x128xf32, #tpu.memory_space<vmem>>
      %dma_wait3A_158 = tpu.memref_squeeze %dma_wait3A_157 : memref<1x64x128xf32, #tpu.memory_space<vmem>> -> memref<64x128xf32, #tpu.memory_space<vmem>>
      %dma_wait3A_159 = arith.constant 0 : i32
      %dma_wait3A_160 = arith.constant 0 : i32
      %dma_wait3A_161 = tpu.memref_slice %arg4[%dma_wait3A_159, %dma_wait3A_160] : memref<500000x128xf32, #tpu.memory_space<hbm>> -> memref<64x128xf32, #tpu.memory_space<hbm>>
      %dma_wait3A_162 = arith.constant 0 : i32
      %dma_wait3A_163 = arith.constant 0 : i32
      %dma_wait3A_164 = tpu.memref_slice %arg4[%dma_wait3A_162, %dma_wait3A_163] : memref<500000x128xf32, #tpu.memory_space<hbm>> -> memref<64x128xf32, #tpu.memory_space<hbm>>
      %dma_wait3A_165 = arith.constant 0 : i32
      %dma_wait3A_166 = arith.constant 0 : i32
      %dma_wait3A_167 = tpu.memref_slice %arg6[%dma_wait3A, %dma_wait3A_165, %dma_wait3A_166] : memref<2x64x128xf32, #tpu.memory_space<vmem>> -> memref<1x64x128xf32, #tpu.memory_space<vmem>>
      %dma_wait3A_168 = tpu.memref_squeeze %dma_wait3A_167 : memref<1x64x128xf32, #tpu.memory_space<vmem>> -> memref<64x128xf32, #tpu.memory_space<vmem>>
      tpu.wait_dma2 semaphore(%arg9 : memref<!tpu.dma_semaphore, #tpu.memory_space<semaphore_mem>>) src(%dma_wait3A_168 : memref<64x128xf32, #tpu.memory_space<vmem>>) dst(%dma_wait3A_164 : memref<64x128xf32, #tpu.memory_space<hbm>>)
    } else {
    }
    %gt3A_146 = arith.constant 1 : i32
    %gt3A_147 = arith.cmpi sgt, %div3A_121, %gt3A_146 : i32
    %convert_element_type3A_148 = arith.extui %gt3A_147 : i1 to i32
    %cond3A_149 = arith.constant 0 : i32
    %cond3A_150 = arith.cmpi ne, %convert_element_type3A_148, %cond3A_149 : i32
    scf.if %cond3A_150 {
      %dma_wait3A = arith.constant 1 : i32
      %dma_wait3A_155 = arith.constant 0 : i32
      %dma_wait3A_156 = arith.constant 0 : i32
      %dma_wait3A_157 = tpu.memref_slice %arg6[%dma_wait3A, %dma_wait3A_155, %dma_wait3A_156] : memref<2x64x128xf32, #tpu.memory_space<vmem>> -> memref<1x64x128xf32, #tpu.memory_space<vmem>>
      %dma_wait3A_158 = tpu.memref_squeeze %dma_wait3A_157 : memref<1x64x128xf32, #tpu.memory_space<vmem>> -> memref<64x128xf32, #tpu.memory_space<vmem>>
      %dma_wait3A_159 = arith.constant 0 : i32
      %dma_wait3A_160 = arith.constant 0 : i32
      %dma_wait3A_161 = tpu.memref_slice %arg4[%dma_wait3A_159, %dma_wait3A_160] : memref<500000x128xf32, #tpu.memory_space<hbm>> -> memref<64x128xf32, #tpu.memory_space<hbm>>
      %dma_wait3A_162 = arith.constant 0 : i32
      %dma_wait3A_163 = arith.constant 0 : i32
      %dma_wait3A_164 = tpu.memref_slice %arg4[%dma_wait3A_162, %dma_wait3A_163] : memref<500000x128xf32, #tpu.memory_space<hbm>> -> memref<64x128xf32, #tpu.memory_space<hbm>>
      %dma_wait3A_165 = arith.constant 0 : i32
      %dma_wait3A_166 = arith.constant 0 : i32
      %dma_wait3A_167 = tpu.memref_slice %arg6[%dma_wait3A, %dma_wait3A_165, %dma_wait3A_166] : memref<2x64x128xf32, #tpu.memory_space<vmem>> -> memref<1x64x128xf32, #tpu.memory_space<vmem>>
      %dma_wait3A_168 = tpu.memref_squeeze %dma_wait3A_167 : memref<1x64x128xf32, #tpu.memory_space<vmem>> -> memref<64x128xf32, #tpu.memory_space<vmem>>
      tpu.wait_dma2 semaphore(%arg10 : memref<!tpu.dma_semaphore, #tpu.memory_space<semaphore_mem>>) src(%dma_wait3A_168 : memref<64x128xf32, #tpu.memory_space<vmem>>) dst(%dma_wait3A_164 : memref<64x128xf32, #tpu.memory_space<hbm>>)
    } else {
    }
    %eq3A = arith.constant 0 : i32
    %eq3A_151 = arith.cmpi eq, %add3A, %eq3A : i32
    %convert_element_type3A_152 = arith.extui %eq3A_151 : i1 to i32
    %cond3A_153 = arith.constant 0 : i32
    %cond3A_154 = arith.cmpi ne, %convert_element_type3A_152, %cond3A_153 : i32
    scf.if %cond3A_154 {
      %run_scoped3A = arith.constant 0 : i32
      "tpu.region"() ({
        %run_scoped3A_156 = tpu.sem_alloc : memref<!tpu.dma_semaphore, #tpu.memory_space<semaphore_mem>>
        %dma_start3A = arith.constant 0 : i32
        %dma_start3A_157 = arith.constant 0 : i32
        %dma_start3A_158 = tpu.memref_slice %arg6[%run_scoped3A, %dma_start3A, %dma_start3A_157] : memref<2x64x128xf32, #tpu.memory_space<vmem>> -> memref<1x32x128xf32, #tpu.memory_space<vmem>>
        %dma_start3A_159 = tpu.memref_squeeze %dma_start3A_158 : memref<1x32x128xf32, #tpu.memory_space<vmem>> -> memref<32x128xf32, #tpu.memory_space<vmem>>
        %dma_start3A_160 = arith.constant 0 : i32
        %dma_start3A_161 = arith.constant 0 : i32
        %dma_start3A_162 = tpu.memref_slice %arg6[%run_scoped3A, %dma_start3A_160, %dma_start3A_161] : memref<2x64x128xf32, #tpu.memory_space<vmem>> -> memref<1x32x128xf32, #tpu.memory_space<vmem>>
        %dma_start3A_163 = tpu.memref_squeeze %dma_start3A_162 : memref<1x32x128xf32, #tpu.memory_space<vmem>> -> memref<32x128xf32, #tpu.memory_space<vmem>>
        tpu.enqueue_dma source(%arg3 : memref<32x128xf32, #tpu.memory_space<hbm>>) target(%dma_start3A_163 : memref<32x128xf32, #tpu.memory_space<vmem>>) target_semaphore(%run_scoped3A_156 : memref<!tpu.dma_semaphore, #tpu.memory_space<semaphore_mem>>)
        %dma_wait3A = arith.constant 0 : i32
        %dma_wait3A_164 = arith.constant 0 : i32
        %dma_wait3A_165 = tpu.memref_slice %arg6[%run_scoped3A, %dma_wait3A, %dma_wait3A_164] : memref<2x64x128xf32, #tpu.memory_space<vmem>> -> memref<1x32x128xf32, #tpu.memory_space<vmem>>
        %dma_wait3A_166 = tpu.memref_squeeze %dma_wait3A_165 : memref<1x32x128xf32, #tpu.memory_space<vmem>> -> memref<32x128xf32, #tpu.memory_space<vmem>>
        %dma_wait3A_167 = arith.constant 0 : i32
        %dma_wait3A_168 = arith.constant 0 : i32
        %dma_wait3A_169 = tpu.memref_slice %arg6[%run_scoped3A, %dma_wait3A_167, %dma_wait3A_168] : memref<2x64x128xf32, #tpu.memory_space<vmem>> -> memref<1x32x128xf32, #tpu.memory_space<vmem>>
        %dma_wait3A_170 = tpu.memref_squeeze %dma_wait3A_169 : memref<1x32x128xf32, #tpu.memory_space<vmem>> -> memref<32x128xf32, #tpu.memory_space<vmem>>
        tpu.wait_dma2 semaphore(%run_scoped3A_156 : memref<!tpu.dma_semaphore, #tpu.memory_space<semaphore_mem>>) src(%arg3 : memref<32x128xf32, #tpu.memory_space<hbm>>) dst(%dma_wait3A_170 : memref<32x128xf32, #tpu.memory_space<vmem>>)
        tpu.yield
      }) : () -> ()
      %run_scoped3A_155 = arith.constant 0 : i32
      "tpu.region"() ({
        %run_scoped3A_156 = tpu.sem_alloc : memref<!tpu.dma_semaphore, #tpu.memory_space<semaphore_mem>>
        %dma_start3A = arith.constant 0 : i32
        %dma_start3A_157 = arith.constant 0 : i32
        %dma_start3A_158 = tpu.memref_slice %arg6[%run_scoped3A_155, %dma_start3A, %dma_start3A_157] : memref<2x64x128xf32, #tpu.memory_space<vmem>> -> memref<1x32x128xf32, #tpu.memory_space<vmem>>
        %dma_start3A_159 = tpu.memref_squeeze %dma_start3A_158 : memref<1x32x128xf32, #tpu.memory_space<vmem>> -> memref<32x128xf32, #tpu.memory_space<vmem>>
        %dma_start3A_160 = arith.constant 499968 : i32
        %dma_start3A_161 = arith.constant 0 : i32
        %dma_start3A_162 = tpu.memref_slice %arg4[%dma_start3A_160, %dma_start3A_161] : memref<500000x128xf32, #tpu.memory_space<hbm>> -> memref<32x128xf32, #tpu.memory_space<hbm>>
        %dma_start3A_163 = arith.constant 499968 : i32
        %dma_start3A_164 = arith.constant 0 : i32
        %dma_start3A_165 = tpu.memref_slice %arg4[%dma_start3A_163, %dma_start3A_164] : memref<500000x128xf32, #tpu.memory_space<hbm>> -> memref<32x128xf32, #tpu.memory_space<hbm>>
        %dma_start3A_166 = arith.constant 0 : i32
        %dma_start3A_167 = arith.constant 0 : i32
        %dma_start3A_168 = tpu.memref_slice %arg6[%run_scoped3A_155, %dma_start3A_166, %dma_start3A_167] : memref<2x64x128xf32, #tpu.memory_space<vmem>> -> memref<1x32x128xf32, #tpu.memory_space<vmem>>
        %dma_start3A_169 = tpu.memref_squeeze %dma_start3A_168 : memref<1x32x128xf32, #tpu.memory_space<vmem>> -> memref<32x128xf32, #tpu.memory_space<vmem>>
        tpu.enqueue_dma source(%dma_start3A_169 : memref<32x128xf32, #tpu.memory_space<vmem>>) target(%dma_start3A_165 : memref<32x128xf32, #tpu.memory_space<hbm>>) target_semaphore(%run_scoped3A_156 : memref<!tpu.dma_semaphore, #tpu.memory_space<semaphore_mem>>)
        %dma_wait3A = arith.constant 0 : i32
        %dma_wait3A_170 = arith.constant 0 : i32
        %dma_wait3A_171 = tpu.memref_slice %arg6[%run_scoped3A_155, %dma_wait3A, %dma_wait3A_170] : memref<2x64x128xf32, #tpu.memory_space<vmem>> -> memref<1x32x128xf32, #tpu.memory_space<vmem>>
        %dma_wait3A_172 = tpu.memref_squeeze %dma_wait3A_171 : memref<1x32x128xf32, #tpu.memory_space<vmem>> -> memref<32x128xf32, #tpu.memory_space<vmem>>
        %dma_wait3A_173 = arith.constant 499968 : i32
        %dma_wait3A_174 = arith.constant 0 : i32
        %dma_wait3A_175 = tpu.memref_slice %arg4[%dma_wait3A_173, %dma_wait3A_174] : memref<500000x128xf32, #tpu.memory_space<hbm>> -> memref<32x128xf32, #tpu.memory_space<hbm>>
        %dma_wait3A_176 = arith.constant 499968 : i32
        %dma_wait3A_177 = arith.constant 0 : i32
        %dma_wait3A_178 = tpu.memref_slice %arg4[%dma_wait3A_176, %dma_wait3A_177] : memref<500000x128xf32, #tpu.memory_space<hbm>> -> memref<32x128xf32, #tpu.memory_space<hbm>>
        %dma_wait3A_179 = arith.constant 0 : i32
        %dma_wait3A_180 = arith.constant 0 : i32
        %dma_wait3A_181 = tpu.memref_slice %arg6[%run_scoped3A_155, %dma_wait3A_179, %dma_wait3A_180] : memref<2x64x128xf32, #tpu.memory_space<vmem>> -> memref<1x32x128xf32, #tpu.memory_space<vmem>>
        %dma_wait3A_182 = tpu.memref_squeeze %dma_wait3A_181 : memref<1x32x128xf32, #tpu.memory_space<vmem>> -> memref<32x128xf32, #tpu.memory_space<vmem>>
        tpu.wait_dma2 semaphore(%run_scoped3A_156 : memref<!tpu.dma_semaphore, #tpu.memory_space<semaphore_mem>>) src(%dma_wait3A_182 : memref<32x128xf32, #tpu.memory_space<vmem>>) dst(%dma_wait3A_178 : memref<32x128xf32, #tpu.memory_space<hbm>>)
        tpu.yield
      }) : () -> ()
    } else {
    }
    return
  }
}

#map = affine_map<(d0, d1) -> (0, 0)>
module attributes {stable_mosaic.version = 14 : i64} {
  func.func @k(%arg0: i32, %arg1: i32, %arg2: memref<8192x100xi32, #tpu.memory_space<hbm>>, %arg3: memref<1000000x64xf32, #tpu.memory_space<hbm>>, %arg4: memref<4096x64xf32, #tpu.memory_space<hbm>>, %arg5: memref<256x100xi32, #tpu.memory_space<vmem>>, %arg6: memref<3x200x64xf32, #tpu.memory_space<vmem>>, %arg7: memref<128x64xf32, #tpu.memory_space<vmem>>, %arg8: memref<!tpu.dma_semaphore, #tpu.memory_space<semaphore_mem>>, %arg9: memref<!tpu.dma_semaphore, #tpu.memory_space<semaphore_mem>>, %arg10: memref<!tpu.dma_semaphore, #tpu.memory_space<semaphore_mem>>) attributes {dimension_semantics = [#tpu.dimension_semantics<core_parallel>, #tpu.dimension_semantics<subcore_parallel>], iteration_bounds = array<i64: 2, 16>, scalar_prefetch = 0 : i64, scratch_operands = 6 : i64, tpu.core_type = #tpu.core_type<sc_vector_subcore>, window_params = [{transform_indices = #map}, {transform_indices = #map}, {transform_indices = #map}]} {
    %mul3A = arith.constant 2 : i32
    %mul3A_0 = arith.muli %arg1, %mul3A : i32
    %add3A = arith.addi %mul3A_0, %arg0 : i32
    %mul3A_1 = arith.constant 2 : i32
    %mul3A_2 = arith.muli %add3A, %mul3A_1 : i32
    %mul3A_3 = arith.constant 128 : i32
    %mul3A_4 = arith.muli %mul3A_2, %mul3A_3 : i32
    "tpu.region"() ({
      %run_scoped3A = tpu.sem_alloc : memref<!tpu.dma_semaphore, #tpu.memory_space<semaphore_mem>>
      %dma_start3A_203 = arith.constant 0 : i32
      %dma_start3A_204 = tpu.memref_slice %arg2[%mul3A_4, %dma_start3A_203] : memref<8192x100xi32, #tpu.memory_space<hbm>> -> memref<256x100xi32, #tpu.memory_space<hbm>>
      %dma_start3A_205 = arith.constant 0 : i32
      %dma_start3A_206 = tpu.memref_slice %arg2[%mul3A_4, %dma_start3A_205] : memref<8192x100xi32, #tpu.memory_space<hbm>> -> memref<256x100xi32, #tpu.memory_space<hbm>>
      tpu.enqueue_dma source(%dma_start3A_206 : memref<256x100xi32, #tpu.memory_space<hbm>>) target(%arg5 : memref<256x100xi32, #tpu.memory_space<vmem>>) target_semaphore(%run_scoped3A : memref<!tpu.dma_semaphore, #tpu.memory_space<semaphore_mem>>)
      %dma_wait3A_207 = arith.constant 0 : i32
      %dma_wait3A_208 = tpu.memref_slice %arg2[%mul3A_4, %dma_wait3A_207] : memref<8192x100xi32, #tpu.memory_space<hbm>> -> memref<256x100xi32, #tpu.memory_space<hbm>>
      %dma_wait3A_209 = arith.constant 0 : i32
      %dma_wait3A_210 = tpu.memref_slice %arg2[%mul3A_4, %dma_wait3A_209] : memref<8192x100xi32, #tpu.memory_space<hbm>> -> memref<256x100xi32, #tpu.memory_space<hbm>>
      tpu.wait_dma2 semaphore(%run_scoped3A : memref<!tpu.dma_semaphore, #tpu.memory_space<semaphore_mem>>) src(%dma_wait3A_210 : memref<256x100xi32, #tpu.memory_space<hbm>>) dst(%arg5 : memref<256x100xi32, #tpu.memory_space<vmem>>)
      tpu.yield
    }) : () -> ()
    %dma_start3A = arith.constant 0 : i32
    %dma_start3A_5 = arith.constant 0 : i32
    %dma_start3A_6 = arith.constant 0 : i32
    %dma_start3A_7 = arith.constant 0 : i32
    %dma_start3A_8 = tpu.memref_slice %arg6[%dma_start3A_5, %dma_start3A_6, %dma_start3A_7] : memref<3x200x64xf32, #tpu.memory_space<vmem>> -> memref<1x100x64xf32, #tpu.memory_space<vmem>>
    %dma_start3A_9 = tpu.memref_squeeze %dma_start3A_8 : memref<1x100x64xf32, #tpu.memory_space<vmem>> -> memref<100x64xf32, #tpu.memory_space<vmem>>
    %dma_start3A_10 = arith.constant 0 : i32
    %dma_start3A_11 = tpu.memref_slice %arg5[%dma_start3A, %dma_start3A_10] : memref<256x100xi32, #tpu.memory_space<vmem>> -> memref<1x100xi32, #tpu.memory_space<vmem>>
    %dma_start3A_12 = tpu.memref_squeeze %dma_start3A_11 : memref<1x100xi32, #tpu.memory_space<vmem>> -> memref<100xi32, #tpu.memory_space<vmem>>
    %dma_start3A_13 = arith.constant 0 : i32
    %dma_start3A_14 = arith.constant 0 : i32
    %dma_start3A_15 = tpu.memref_slice %arg3[%dma_start3A_13, %dma_start3A_14] : memref<1000000x64xf32, #tpu.memory_space<hbm>> -> memref<1000000x64xf32, #tpu.memory_space<hbm>>
    tpu.enqueue_indirect_dma source(%dma_start3A_15 : memref<1000000x64xf32, #tpu.memory_space<hbm>>) target(%dma_start3A_9 : memref<100x64xf32, #tpu.memory_space<vmem>>) offsets(%dma_start3A_12 : memref<100xi32, #tpu.memory_space<vmem>>) semaphore(%arg8 : memref<!tpu.dma_semaphore, #tpu.memory_space<semaphore_mem>>)
    %dma_start3A_16 = arith.constant 1 : i32
    %dma_start3A_17 = arith.constant 0 : i32
    %dma_start3A_18 = arith.constant 100 : i32
    %dma_start3A_19 = arith.constant 0 : i32
    %dma_start3A_20 = tpu.memref_slice %arg6[%dma_start3A_17, %dma_start3A_18, %dma_start3A_19] : memref<3x200x64xf32, #tpu.memory_space<vmem>> -> memref<1x100x64xf32, #tpu.memory_space<vmem>>
    %dma_start3A_21 = tpu.memref_squeeze %dma_start3A_20 : memref<1x100x64xf32, #tpu.memory_space<vmem>> -> memref<100x64xf32, #tpu.memory_space<vmem>>
    %dma_start3A_22 = arith.constant 0 : i32
    %dma_start3A_23 = tpu.memref_slice %arg5[%dma_start3A_16, %dma_start3A_22] : memref<256x100xi32, #tpu.memory_space<vmem>> -> memref<1x100xi32, #tpu.memory_space<vmem>>
    %dma_start3A_24 = tpu.memref_squeeze %dma_start3A_23 : memref<1x100xi32, #tpu.memory_space<vmem>> -> memref<100xi32, #tpu.memory_space<vmem>>
    %dma_start3A_25 = arith.constant 0 : i32
    %dma_start3A_26 = arith.constant 0 : i32
    %dma_start3A_27 = tpu.memref_slice %arg3[%dma_start3A_25, %dma_start3A_26] : memref<1000000x64xf32, #tpu.memory_space<hbm>> -> memref<1000000x64xf32, #tpu.memory_space<hbm>>
    tpu.enqueue_indirect_dma source(%dma_start3A_27 : memref<1000000x64xf32, #tpu.memory_space<hbm>>) target(%dma_start3A_21 : memref<100x64xf32, #tpu.memory_space<vmem>>) offsets(%dma_start3A_24 : memref<100xi32, #tpu.memory_space<vmem>>) semaphore(%arg8 : memref<!tpu.dma_semaphore, #tpu.memory_space<semaphore_mem>>)
    %dma_start3A_28 = arith.constant 2 : i32
    %dma_start3A_29 = arith.constant 1 : i32
    %dma_start3A_30 = arith.constant 0 : i32
    %dma_start3A_31 = arith.constant 0 : i32
    %dma_start3A_32 = tpu.memref_slice %arg6[%dma_start3A_29, %dma_start3A_30, %dma_start3A_31] : memref<3x200x64xf32, #tpu.memory_space<vmem>> -> memref<1x100x64xf32, #tpu.memory_space<vmem>>
    %dma_start3A_33 = tpu.memref_squeeze %dma_start3A_32 : memref<1x100x64xf32, #tpu.memory_space<vmem>> -> memref<100x64xf32, #tpu.memory_space<vmem>>
    %dma_start3A_34 = arith.constant 0 : i32
    %dma_start3A_35 = tpu.memref_slice %arg5[%dma_start3A_28, %dma_start3A_34] : memref<256x100xi32, #tpu.memory_space<vmem>> -> memref<1x100xi32, #tpu.memory_space<vmem>>
    %dma_start3A_36 = tpu.memref_squeeze %dma_start3A_35 : memref<1x100xi32, #tpu.memory_space<vmem>> -> memref<100xi32, #tpu.memory_space<vmem>>
    %dma_start3A_37 = arith.constant 0 : i32
    %dma_start3A_38 = arith.constant 0 : i32
    %dma_start3A_39 = tpu.memref_slice %arg3[%dma_start3A_37, %dma_start3A_38] : memref<1000000x64xf32, #tpu.memory_space<hbm>> -> memref<1000000x64xf32, #tpu.memory_space<hbm>>
    tpu.enqueue_indirect_dma source(%dma_start3A_39 : memref<1000000x64xf32, #tpu.memory_space<hbm>>) target(%dma_start3A_33 : memref<100x64xf32, #tpu.memory_space<vmem>>) offsets(%dma_start3A_36 : memref<100xi32, #tpu.memory_space<vmem>>) semaphore(%arg9 : memref<!tpu.dma_semaphore, #tpu.memory_space<semaphore_mem>>)
    %dma_start3A_40 = arith.constant 3 : i32
    %dma_start3A_41 = arith.constant 1 : i32
    %dma_start3A_42 = arith.constant 100 : i32
    %dma_start3A_43 = arith.constant 0 : i32
    %dma_start3A_44 = tpu.memref_slice %arg6[%dma_start3A_41, %dma_start3A_42, %dma_start3A_43] : memref<3x200x64xf32, #tpu.memory_space<vmem>> -> memref<1x100x64xf32, #tpu.memory_space<vmem>>
    %dma_start3A_45 = tpu.memref_squeeze %dma_start3A_44 : memref<1x100x64xf32, #tpu.memory_space<vmem>> -> memref<100x64xf32, #tpu.memory_space<vmem>>
    %dma_start3A_46 = arith.constant 0 : i32
    %dma_start3A_47 = tpu.memref_slice %arg5[%dma_start3A_40, %dma_start3A_46] : memref<256x100xi32, #tpu.memory_space<vmem>> -> memref<1x100xi32, #tpu.memory_space<vmem>>
    %dma_start3A_48 = tpu.memref_squeeze %dma_start3A_47 : memref<1x100xi32, #tpu.memory_space<vmem>> -> memref<100xi32, #tpu.memory_space<vmem>>
    %dma_start3A_49 = arith.constant 0 : i32
    %dma_start3A_50 = arith.constant 0 : i32
    %dma_start3A_51 = tpu.memref_slice %arg3[%dma_start3A_49, %dma_start3A_50] : memref<1000000x64xf32, #tpu.memory_space<hbm>> -> memref<1000000x64xf32, #tpu.memory_space<hbm>>
    tpu.enqueue_indirect_dma source(%dma_start3A_51 : memref<1000000x64xf32, #tpu.memory_space<hbm>>) target(%dma_start3A_45 : memref<100x64xf32, #tpu.memory_space<vmem>>) offsets(%dma_start3A_48 : memref<100xi32, #tpu.memory_space<vmem>>) semaphore(%arg9 : memref<!tpu.dma_semaphore, #tpu.memory_space<semaphore_mem>>)
    %dma_start3A_52 = arith.constant 4 : i32
    %dma_start3A_53 = arith.constant 2 : i32
    %dma_start3A_54 = arith.constant 0 : i32
    %dma_start3A_55 = arith.constant 0 : i32
    %dma_start3A_56 = tpu.memref_slice %arg6[%dma_start3A_53, %dma_start3A_54, %dma_start3A_55] : memref<3x200x64xf32, #tpu.memory_space<vmem>> -> memref<1x100x64xf32, #tpu.memory_space<vmem>>
    %dma_start3A_57 = tpu.memref_squeeze %dma_start3A_56 : memref<1x100x64xf32, #tpu.memory_space<vmem>> -> memref<100x64xf32, #tpu.memory_space<vmem>>
    %dma_start3A_58 = arith.constant 0 : i32
    %dma_start3A_59 = tpu.memref_slice %arg5[%dma_start3A_52, %dma_start3A_58] : memref<256x100xi32, #tpu.memory_space<vmem>> -> memref<1x100xi32, #tpu.memory_space<vmem>>
    %dma_start3A_60 = tpu.memref_squeeze %dma_start3A_59 : memref<1x100xi32, #tpu.memory_space<vmem>> -> memref<100xi32, #tpu.memory_space<vmem>>
    %dma_start3A_61 = arith.constant 0 : i32
    %dma_start3A_62 = arith.constant 0 : i32
    %dma_start3A_63 = tpu.memref_slice %arg3[%dma_start3A_61, %dma_start3A_62] : memref<1000000x64xf32, #tpu.memory_space<hbm>> -> memref<1000000x64xf32, #tpu.memory_space<hbm>>
    tpu.enqueue_indirect_dma source(%dma_start3A_63 : memref<1000000x64xf32, #tpu.memory_space<hbm>>) target(%dma_start3A_57 : memref<100x64xf32, #tpu.memory_space<vmem>>) offsets(%dma_start3A_60 : memref<100xi32, #tpu.memory_space<vmem>>) semaphore(%arg10 : memref<!tpu.dma_semaphore, #tpu.memory_space<semaphore_mem>>)
    %dma_start3A_64 = arith.constant 5 : i32
    %dma_start3A_65 = arith.constant 2 : i32
    %dma_start3A_66 = arith.constant 100 : i32
    %dma_start3A_67 = arith.constant 0 : i32
    %dma_start3A_68 = tpu.memref_slice %arg6[%dma_start3A_65, %dma_start3A_66, %dma_start3A_67] : memref<3x200x64xf32, #tpu.memory_space<vmem>> -> memref<1x100x64xf32, #tpu.memory_space<vmem>>
    %dma_start3A_69 = tpu.memref_squeeze %dma_start3A_68 : memref<1x100x64xf32, #tpu.memory_space<vmem>> -> memref<100x64xf32, #tpu.memory_space<vmem>>
    %dma_start3A_70 = arith.constant 0 : i32
    %dma_start3A_71 = tpu.memref_slice %arg5[%dma_start3A_64, %dma_start3A_70] : memref<256x100xi32, #tpu.memory_space<vmem>> -> memref<1x100xi32, #tpu.memory_space<vmem>>
    %dma_start3A_72 = tpu.memref_squeeze %dma_start3A_71 : memref<1x100xi32, #tpu.memory_space<vmem>> -> memref<100xi32, #tpu.memory_space<vmem>>
    %dma_start3A_73 = arith.constant 0 : i32
    %dma_start3A_74 = arith.constant 0 : i32
    %dma_start3A_75 = tpu.memref_slice %arg3[%dma_start3A_73, %dma_start3A_74] : memref<1000000x64xf32, #tpu.memory_space<hbm>> -> memref<1000000x64xf32, #tpu.memory_space<hbm>>
    tpu.enqueue_indirect_dma source(%dma_start3A_75 : memref<1000000x64xf32, #tpu.memory_space<hbm>>) target(%dma_start3A_69 : memref<100x64xf32, #tpu.memory_space<vmem>>) offsets(%dma_start3A_72 : memref<100xi32, #tpu.memory_space<vmem>>) semaphore(%arg10 : memref<!tpu.dma_semaphore, #tpu.memory_space<semaphore_mem>>)
    %scan3A = arith.constant 0 : i32
    %scan3A_76 = arith.constant 42 : i32
    %scan3A_77 = arith.addi %scan3A, %scan3A_76 : i32
    %scan3A_78 = arith.constant 1 : i32
    scf.for %scan3A_203 = %scan3A to %scan3A_77 step %scan3A_78  : i32 {
      %mul3A_204 = arith.constant 3 : i32
      %mul3A_205 = arith.muli %scan3A_203, %mul3A_204 : i32
      %add3A_206 = arith.constant 0 : i32
      %add3A_207 = arith.addi %mul3A_205, %add3A_206 : i32
      %mul3A_208 = arith.constant 2 : i32
      %mul3A_209 = arith.muli %mul3A_208, %add3A_207 : i32
      %add3A_210 = arith.constant 0 : i32
      %add3A_211 = arith.addi %mul3A_209, %add3A_210 : i32
      %mul3A_212 = arith.constant 2 : i32
      %mul3A_213 = arith.muli %mul3A_212, %add3A_207 : i32
      %add3A_214 = arith.constant 1 : i32
      %add3A_215 = arith.addi %mul3A_213, %add3A_214 : i32
      %dma_wait3A_216 = arith.constant 0 : i32
      %dma_wait3A_217 = arith.constant 0 : i32
      %dma_wait3A_218 = arith.constant 0 : i32
      %dma_wait3A_219 = tpu.memref_slice %arg6[%dma_wait3A_216, %dma_wait3A_217, %dma_wait3A_218] : memref<3x200x64xf32, #tpu.memory_space<vmem>> -> memref<1x100x64xf32, #tpu.memory_space<vmem>>
      %dma_wait3A_220 = tpu.memref_squeeze %dma_wait3A_219 : memref<1x100x64xf32, #tpu.memory_space<vmem>> -> memref<100x64xf32, #tpu.memory_space<vmem>>
      %dma_wait3A_221 = arith.constant 0 : i32
      %dma_wait3A_222 = tpu.memref_slice %arg5[%add3A_211, %dma_wait3A_221] : memref<256x100xi32, #tpu.memory_space<vmem>> -> memref<1x100xi32, #tpu.memory_space<vmem>>
      %dma_wait3A_223 = tpu.memref_squeeze %dma_wait3A_222 : memref<1x100xi32, #tpu.memory_space<vmem>> -> memref<100xi32, #tpu.memory_space<vmem>>
      %dma_wait3A_224 = arith.constant 0 : i32
      %dma_wait3A_225 = arith.constant 0 : i32
      %dma_wait3A_226 = tpu.memref_slice %arg3[%dma_wait3A_224, %dma_wait3A_225] : memref<1000000x64xf32, #tpu.memory_space<hbm>> -> memref<1000000x64xf32, #tpu.memory_space<hbm>>
      tpu.wait_indirect_dma semaphore(%arg8 : memref<!tpu.dma_semaphore, #tpu.memory_space<semaphore_mem>>) src(%dma_wait3A_226 : memref<1000000x64xf32, #tpu.memory_space<hbm>>) dst(%dma_wait3A_220 : memref<100x64xf32, #tpu.memory_space<vmem>>)
      %dma_wait3A_227 = arith.constant 0 : i32
      %dma_wait3A_228 = arith.constant 100 : i32
      %dma_wait3A_229 = arith.constant 0 : i32
      %dma_wait3A_230 = tpu.memref_slice %arg6[%dma_wait3A_227, %dma_wait3A_228, %dma_wait3A_229] : memref<3x200x64xf32, #tpu.memory_space<vmem>> -> memref<1x100x64xf32, #tpu.memory_space<vmem>>
      %dma_wait3A_231 = tpu.memref_squeeze %dma_wait3A_230 : memref<1x100x64xf32, #tpu.memory_space<vmem>> -> memref<100x64xf32, #tpu.memory_space<vmem>>
      %dma_wait3A_232 = arith.constant 0 : i32
      %dma_wait3A_233 = tpu.memref_slice %arg5[%add3A_215, %dma_wait3A_232] : memref<256x100xi32, #tpu.memory_space<vmem>> -> memref<1x100xi32, #tpu.memory_space<vmem>>
      %dma_wait3A_234 = tpu.memref_squeeze %dma_wait3A_233 : memref<1x100xi32, #tpu.memory_space<vmem>> -> memref<100xi32, #tpu.memory_space<vmem>>
      %dma_wait3A_235 = arith.constant 0 : i32
      %dma_wait3A_236 = arith.constant 0 : i32
      %dma_wait3A_237 = tpu.memref_slice %arg3[%dma_wait3A_235, %dma_wait3A_236] : memref<1000000x64xf32, #tpu.memory_space<hbm>> -> memref<1000000x64xf32, #tpu.memory_space<hbm>>
      tpu.wait_indirect_dma semaphore(%arg8 : memref<!tpu.dma_semaphore, #tpu.memory_space<semaphore_mem>>) src(%dma_wait3A_237 : memref<1000000x64xf32, #tpu.memory_space<hbm>>) dst(%dma_wait3A_231 : memref<100x64xf32, #tpu.memory_space<vmem>>)
      %broadcast_in_dim3A_238 = arith.constant 0.000000e+00 : f32
      %broadcast_in_dim3A_239 = vector.broadcast %broadcast_in_dim3A_238 : f32 to vector<16xf32>
      %broadcast_in_dim3A_240 = arith.constant 0.000000e+00 : f32
      %broadcast_in_dim3A_241 = vector.broadcast %broadcast_in_dim3A_240 : f32 to vector<16xf32>
      %broadcast_in_dim3A_242 = arith.constant 0.000000e+00 : f32
      %broadcast_in_dim3A_243 = vector.broadcast %broadcast_in_dim3A_242 : f32 to vector<16xf32>
      %broadcast_in_dim3A_244 = arith.constant 0.000000e+00 : f32
      %broadcast_in_dim3A_245 = vector.broadcast %broadcast_in_dim3A_244 : f32 to vector<16xf32>
      %scan3A_246 = arith.constant 0 : i32
      %scan3A_247 = arith.constant 200 : i32
      %scan3A_248 = arith.addi %scan3A_246, %scan3A_247 : i32
      %scan3A_249 = arith.constant 8 : i32
      %scan3A_250:4 = scf.for %scan3A_426 = %scan3A_246 to %scan3A_248 step %scan3A_249 iter_args(%scan3A_427 = %broadcast_in_dim3A_239, %scan3A_428 = %broadcast_in_dim3A_241, %scan3A_429 = %broadcast_in_dim3A_243, %scan3A_430 = %broadcast_in_dim3A_245) -> (vector<16xf32>, vector<16xf32>, vector<16xf32>, vector<16xf32>)  : i32 {
        %get3A = arith.constant 0 : i32
        %get3A_431 = arith.index_cast %get3A : i32 to index
        %get3A_432 = arith.index_cast %scan3A_426 : i32 to index
        %get3A_433 = arith.constant 0 : index
        %get3A_434 = tpu.vector_load %arg6[%get3A_431, %get3A_432, %get3A_433] {strides = array<i32>} : memref<3x200x64xf32, #tpu.memory_space<vmem>>, vector<1x1x16xf32>,
        %get3A_435 = vector.shape_cast %get3A_434 : vector<1x1x16xf32> to vector<16xf32>
        %add3A_436 = arith.addf %scan3A_427, %get3A_435 : vector<16xf32>
        %get3A_437 = arith.constant 0 : i32
        %get3A_438 = arith.index_cast %get3A_437 : i32 to index
        %get3A_439 = arith.index_cast %scan3A_426 : i32 to index
        %get3A_440 = arith.constant 16 : index
        %get3A_441 = tpu.vector_load %arg6[%get3A_438, %get3A_439, %get3A_440] {strides = array<i32>} : memref<3x200x64xf32, #tpu.memory_space<vmem>>, vector<1x1x16xf32>,
        %get3A_442 = vector.shape_cast %get3A_441 : vector<1x1x16xf32> to vector<16xf32>
        %add3A_443 = arith.addf %scan3A_428, %get3A_442 : vector<16xf32>
        %get3A_444 = arith.constant 0 : i32
        %get3A_445 = arith.index_cast %get3A_444 : i32 to index
        %get3A_446 = arith.index_cast %scan3A_426 : i32 to index
        %get3A_447 = arith.constant 32 : index
        %get3A_448 = tpu.vector_load %arg6[%get3A_445, %get3A_446, %get3A_447] {strides = array<i32>} : memref<3x200x64xf32, #tpu.memory_space<vmem>>, vector<1x1x16xf32>,
        %get3A_449 = vector.shape_cast %get3A_448 : vector<1x1x16xf32> to vector<16xf32>
        %add3A_450 = arith.addf %scan3A_429, %get3A_449 : vector<16xf32>
        %get3A_451 = arith.constant 0 : i32
        %get3A_452 = arith.index_cast %get3A_451 : i32 to index
        %get3A_453 = arith.index_cast %scan3A_426 : i32 to index
        %get3A_454 = arith.constant 48 : index
        %get3A_455 = tpu.vector_load %arg6[%get3A_452, %get3A_453, %get3A_454] {strides = array<i32>} : memref<3x200x64xf32, #tpu.memory_space<vmem>>, vector<1x1x16xf32>,
        %get3A_456 = vector.shape_cast %get3A_455 : vector<1x1x16xf32> to vector<16xf32>
        %add3A_457 = arith.addf %scan3A_430, %get3A_456 : vector<16xf32>
        %scan3A_458 = arith.constant 1 : i32
        %scan3A_459 = arith.addi %scan3A_426, %scan3A_458 : i32
        %get3A_460 = arith.constant 0 : i32
        %get3A_461 = arith.index_cast %get3A_460 : i32 to index
        %get3A_462 = arith.index_cast %scan3A_459 : i32 to index
        %get3A_463 = arith.constant 0 : index
        %get3A_464 = tpu.vector_load %arg6[%get3A_461, %get3A_462, %get3A_463] {strides = array<i32>} : memref<3x200x64xf32, #tpu.memory_space<vmem>>, vector<1x1x16xf32>,
        %get3A_465 = vector.shape_cast %get3A_464 : vector<1x1x16xf32> to vector<16xf32>
        %add3A_466 = arith.addf %add3A_436, %get3A_465 : vector<16xf32>
        %get3A_467 = arith.constant 0 : i32
        %get3A_468 = arith.index_cast %get3A_467 : i32 to index
        %get3A_469 = arith.index_cast %scan3A_459 : i32 to index
        %get3A_470 = arith.constant 16 : index
        %get3A_471 = tpu.vector_load %arg6[%get3A_468, %get3A_469, %get3A_470] {strides = array<i32>} : memref<3x200x64xf32, #tpu.memory_space<vmem>>, vector<1x1x16xf32>,
        %get3A_472 = vector.shape_cast %get3A_471 : vector<1x1x16xf32> to vector<16xf32>
        %add3A_473 = arith.addf %add3A_443, %get3A_472 : vector<16xf32>
        %get3A_474 = arith.constant 0 : i32
        %get3A_475 = arith.index_cast %get3A_474 : i32 to index
        %get3A_476 = arith.index_cast %scan3A_459 : i32 to index
        %get3A_477 = arith.constant 32 : index
        %get3A_478 = tpu.vector_load %arg6[%get3A_475, %get3A_476, %get3A_477] {strides = array<i32>} : memref<3x200x64xf32, #tpu.memory_space<vmem>>, vector<1x1x16xf32>,
        %get3A_479 = vector.shape_cast %get3A_478 : vector<1x1x16xf32> to vector<16xf32>
        %add3A_480 = arith.addf %add3A_450, %get3A_479 : vector<16xf32>
        %get3A_481 = arith.constant 0 : i32
        %get3A_482 = arith.index_cast %get3A_481 : i32 to index
        %get3A_483 = arith.index_cast %scan3A_459 : i32 to index
        %get3A_484 = arith.constant 48 : index
        %get3A_485 = tpu.vector_load %arg6[%get3A_482, %get3A_483, %get3A_484] {strides = array<i32>} : memref<3x200x64xf32, #tpu.memory_space<vmem>>, vector<1x1x16xf32>,
        %get3A_486 = vector.shape_cast %get3A_485 : vector<1x1x16xf32> to vector<16xf32>
        %add3A_487 = arith.addf %add3A_457, %get3A_486 : vector<16xf32>
        %scan3A_488 = arith.constant 2 : i32
        %scan3A_489 = arith.addi %scan3A_426, %scan3A_488 : i32
        %get3A_490 = arith.constant 0 : i32
        %get3A_491 = arith.index_cast %get3A_490 : i32 to index
        %get3A_492 = arith.index_cast %scan3A_489 : i32 to index
        %get3A_493 = arith.constant 0 : index
        %get3A_494 = tpu.vector_load %arg6[%get3A_491, %get3A_492, %get3A_493] {strides = array<i32>} : memref<3x200x64xf32, #tpu.memory_space<vmem>>, vector<1x1x16xf32>,
        %get3A_495 = vector.shape_cast %get3A_494 : vector<1x1x16xf32> to vector<16xf32>
        %add3A_496 = arith.addf %add3A_466, %get3A_495 : vector<16xf32>
        %get3A_497 = arith.constant 0 : i32
        %get3A_498 = arith.index_cast %get3A_497 : i32 to index
        %get3A_499 = arith.index_cast %scan3A_489 : i32 to index
        %get3A_500 = arith.constant 16 : index
        %get3A_501 = tpu.vector_load %arg6[%get3A_498, %get3A_499, %get3A_500] {strides = array<i32>} : memref<3x200x64xf32, #tpu.memory_space<vmem>>, vector<1x1x16xf32>,
        %get3A_502 = vector.shape_cast %get3A_501 : vector<1x1x16xf32> to vector<16xf32>
        %add3A_503 = arith.addf %add3A_473, %get3A_502 : vector<16xf32>
        %get3A_504 = arith.constant 0 : i32
        %get3A_505 = arith.index_cast %get3A_504 : i32 to index
        %get3A_506 = arith.index_cast %scan3A_489 : i32 to index
        %get3A_507 = arith.constant 32 : index
        %get3A_508 = tpu.vector_load %arg6[%get3A_505, %get3A_506, %get3A_507] {strides = array<i32>} : memref<3x200x64xf32, #tpu.memory_space<vmem>>, vector<1x1x16xf32>,
        %get3A_509 = vector.shape_cast %get3A_508 : vector<1x1x16xf32> to vector<16xf32>
        %add3A_510 = arith.addf %add3A_480, %get3A_509 : vector<16xf32>
        %get3A_511 = arith.constant 0 : i32
        %get3A_512 = arith.index_cast %get3A_511 : i32 to index
        %get3A_513 = arith.index_cast %scan3A_489 : i32 to index
        %get3A_514 = arith.constant 48 : index
        %get3A_515 = tpu.vector_load %arg6[%get3A_512, %get3A_513, %get3A_514] {strides = array<i32>} : memref<3x200x64xf32, #tpu.memory_space<vmem>>, vector<1x1x16xf32>,
        %get3A_516 = vector.shape_cast %get3A_515 : vector<1x1x16xf32> to vector<16xf32>
        %add3A_517 = arith.addf %add3A_487, %get3A_516 : vector<16xf32>
        %scan3A_518 = arith.constant 3 : i32
        %scan3A_519 = arith.addi %scan3A_426, %scan3A_518 : i32
        %get3A_520 = arith.constant 0 : i32
        %get3A_521 = arith.index_cast %get3A_520 : i32 to index
        %get3A_522 = arith.index_cast %scan3A_519 : i32 to index
        %get3A_523 = arith.constant 0 : index
        %get3A_524 = tpu.vector_load %arg6[%get3A_521, %get3A_522, %get3A_523] {strides = array<i32>} : memref<3x200x64xf32, #tpu.memory_space<vmem>>, vector<1x1x16xf32>,
        %get3A_525 = vector.shape_cast %get3A_524 : vector<1x1x16xf32> to vector<16xf32>
        %add3A_526 = arith.addf %add3A_496, %get3A_525 : vector<16xf32>
        %get3A_527 = arith.constant 0 : i32
        %get3A_528 = arith.index_cast %get3A_527 : i32 to index
        %get3A_529 = arith.index_cast %scan3A_519 : i32 to index
        %get3A_530 = arith.constant 16 : index
        %get3A_531 = tpu.vector_load %arg6[%get3A_528, %get3A_529, %get3A_530] {strides = array<i32>} : memref<3x200x64xf32, #tpu.memory_space<vmem>>, vector<1x1x16xf32>,
        %get3A_532 = vector.shape_cast %get3A_531 : vector<1x1x16xf32> to vector<16xf32>
        %add3A_533 = arith.addf %add3A_503, %get3A_532 : vector<16xf32>
        %get3A_534 = arith.constant 0 : i32
        %get3A_535 = arith.index_cast %get3A_534 : i32 to index
        %get3A_536 = arith.index_cast %scan3A_519 : i32 to index
        %get3A_537 = arith.constant 32 : index
        %get3A_538 = tpu.vector_load %arg6[%get3A_535, %get3A_536, %get3A_537] {strides = array<i32>} : memref<3x200x64xf32, #tpu.memory_space<vmem>>, vector<1x1x16xf32>,
        %get3A_539 = vector.shape_cast %get3A_538 : vector<1x1x16xf32> to vector<16xf32>
        %add3A_540 = arith.addf %add3A_510, %get3A_539 : vector<16xf32>
        %get3A_541 = arith.constant 0 : i32
        %get3A_542 = arith.index_cast %get3A_541 : i32 to index
        %get3A_543 = arith.index_cast %scan3A_519 : i32 to index
        %get3A_544 = arith.constant 48 : index
        %get3A_545 = tpu.vector_load %arg6[%get3A_542, %get3A_543, %get3A_544] {strides = array<i32>} : memref<3x200x64xf32, #tpu.memory_space<vmem>>, vector<1x1x16xf32>,
        %get3A_546 = vector.shape_cast %get3A_545 : vector<1x1x16xf32> to vector<16xf32>
        %add3A_547 = arith.addf %add3A_517, %get3A_546 : vector<16xf32>
        %scan3A_548 = arith.constant 4 : i32
        %scan3A_549 = arith.addi %scan3A_426, %scan3A_548 : i32
        %get3A_550 = arith.constant 0 : i32
        %get3A_551 = arith.index_cast %get3A_550 : i32 to index
        %get3A_552 = arith.index_cast %scan3A_549 : i32 to index
        %get3A_553 = arith.constant 0 : index
        %get3A_554 = tpu.vector_load %arg6[%get3A_551, %get3A_552, %get3A_553] {strides = array<i32>} : memref<3x200x64xf32, #tpu.memory_space<vmem>>, vector<1x1x16xf32>,
        %get3A_555 = vector.shape_cast %get3A_554 : vector<1x1x16xf32> to vector<16xf32>
        %add3A_556 = arith.addf %add3A_526, %get3A_555 : vector<16xf32>
        %get3A_557 = arith.constant 0 : i32
        %get3A_558 = arith.index_cast %get3A_557 : i32 to index
        %get3A_559 = arith.index_cast %scan3A_549 : i32 to index
        %get3A_560 = arith.constant 16 : index
        %get3A_561 = tpu.vector_load %arg6[%get3A_558, %get3A_559, %get3A_560] {strides = array<i32>} : memref<3x200x64xf32, #tpu.memory_space<vmem>>, vector<1x1x16xf32>,
        %get3A_562 = vector.shape_cast %get3A_561 : vector<1x1x16xf32> to vector<16xf32>
        %add3A_563 = arith.addf %add3A_533, %get3A_562 : vector<16xf32>
        %get3A_564 = arith.constant 0 : i32
        %get3A_565 = arith.index_cast %get3A_564 : i32 to index
        %get3A_566 = arith.index_cast %scan3A_549 : i32 to index
        %get3A_567 = arith.constant 32 : index
        %get3A_568 = tpu.vector_load %arg6[%get3A_565, %get3A_566, %get3A_567] {strides = array<i32>} : memref<3x200x64xf32, #tpu.memory_space<vmem>>, vector<1x1x16xf32>,
        %get3A_569 = vector.shape_cast %get3A_568 : vector<1x1x16xf32> to vector<16xf32>
        %add3A_570 = arith.addf %add3A_540, %get3A_569 : vector<16xf32>
        %get3A_571 = arith.constant 0 : i32
        %get3A_572 = arith.index_cast %get3A_571 : i32 to index
        %get3A_573 = arith.index_cast %scan3A_549 : i32 to index
        %get3A_574 = arith.constant 48 : index
        %get3A_575 = tpu.vector_load %arg6[%get3A_572, %get3A_573, %get3A_574] {strides = array<i32>} : memref<3x200x64xf32, #tpu.memory_space<vmem>>, vector<1x1x16xf32>,
        %get3A_576 = vector.shape_cast %get3A_575 : vector<1x1x16xf32> to vector<16xf32>
        %add3A_577 = arith.addf %add3A_547, %get3A_576 : vector<16xf32>
        %scan3A_578 = arith.constant 5 : i32
        %scan3A_579 = arith.addi %scan3A_426, %scan3A_578 : i32
        %get3A_580 = arith.constant 0 : i32
        %get3A_581 = arith.index_cast %get3A_580 : i32 to index
        %get3A_582 = arith.index_cast %scan3A_579 : i32 to index
        %get3A_583 = arith.constant 0 : index
        %get3A_584 = tpu.vector_load %arg6[%get3A_581, %get3A_582, %get3A_583] {strides = array<i32>} : memref<3x200x64xf32, #tpu.memory_space<vmem>>, vector<1x1x16xf32>,
        %get3A_585 = vector.shape_cast %get3A_584 : vector<1x1x16xf32> to vector<16xf32>
        %add3A_586 = arith.addf %add3A_556, %get3A_585 : vector<16xf32>
        %get3A_587 = arith.constant 0 : i32
        %get3A_588 = arith.index_cast %get3A_587 : i32 to index
        %get3A_589 = arith.index_cast %scan3A_579 : i32 to index
        %get3A_590 = arith.constant 16 : index
        %get3A_591 = tpu.vector_load %arg6[%get3A_588, %get3A_589, %get3A_590] {strides = array<i32>} : memref<3x200x64xf32, #tpu.memory_space<vmem>>, vector<1x1x16xf32>,
        %get3A_592 = vector.shape_cast %get3A_591 : vector<1x1x16xf32> to vector<16xf32>
        %add3A_593 = arith.addf %add3A_563, %get3A_592 : vector<16xf32>
        %get3A_594 = arith.constant 0 : i32
        %get3A_595 = arith.index_cast %get3A_594 : i32 to index
        %get3A_596 = arith.index_cast %scan3A_579 : i32 to index
        %get3A_597 = arith.constant 32 : index
        %get3A_598 = tpu.vector_load %arg6[%get3A_595, %get3A_596, %get3A_597] {strides = array<i32>} : memref<3x200x64xf32, #tpu.memory_space<vmem>>, vector<1x1x16xf32>,
        %get3A_599 = vector.shape_cast %get3A_598 : vector<1x1x16xf32> to vector<16xf32>
        %add3A_600 = arith.addf %add3A_570, %get3A_599 : vector<16xf32>
        %get3A_601 = arith.constant 0 : i32
        %get3A_602 = arith.index_cast %get3A_601 : i32 to index
        %get3A_603 = arith.index_cast %scan3A_579 : i32 to index
        %get3A_604 = arith.constant 48 : index
        %get3A_605 = tpu.vector_load %arg6[%get3A_602, %get3A_603, %get3A_604] {strides = array<i32>} : memref<3x200x64xf32, #tpu.memory_space<vmem>>, vector<1x1x16xf32>,
        %get3A_606 = vector.shape_cast %get3A_605 : vector<1x1x16xf32> to vector<16xf32>
        %add3A_607 = arith.addf %add3A_577, %get3A_606 : vector<16xf32>
        %scan3A_608 = arith.constant 6 : i32
        %scan3A_609 = arith.addi %scan3A_426, %scan3A_608 : i32
        %get3A_610 = arith.constant 0 : i32
        %get3A_611 = arith.index_cast %get3A_610 : i32 to index
        %get3A_612 = arith.index_cast %scan3A_609 : i32 to index
        %get3A_613 = arith.constant 0 : index
        %get3A_614 = tpu.vector_load %arg6[%get3A_611, %get3A_612, %get3A_613] {strides = array<i32>} : memref<3x200x64xf32, #tpu.memory_space<vmem>>, vector<1x1x16xf32>,
        %get3A_615 = vector.shape_cast %get3A_614 : vector<1x1x16xf32> to vector<16xf32>
        %add3A_616 = arith.addf %add3A_586, %get3A_615 : vector<16xf32>
        %get3A_617 = arith.constant 0 : i32
        %get3A_618 = arith.index_cast %get3A_617 : i32 to index
        %get3A_619 = arith.index_cast %scan3A_609 : i32 to index
        %get3A_620 = arith.constant 16 : index
        %get3A_621 = tpu.vector_load %arg6[%get3A_618, %get3A_619, %get3A_620] {strides = array<i32>} : memref<3x200x64xf32, #tpu.memory_space<vmem>>, vector<1x1x16xf32>,
        %get3A_622 = vector.shape_cast %get3A_621 : vector<1x1x16xf32> to vector<16xf32>
        %add3A_623 = arith.addf %add3A_593, %get3A_622 : vector<16xf32>
        %get3A_624 = arith.constant 0 : i32
        %get3A_625 = arith.index_cast %get3A_624 : i32 to index
        %get3A_626 = arith.index_cast %scan3A_609 : i32 to index
        %get3A_627 = arith.constant 32 : index
        %get3A_628 = tpu.vector_load %arg6[%get3A_625, %get3A_626, %get3A_627] {strides = array<i32>} : memref<3x200x64xf32, #tpu.memory_space<vmem>>, vector<1x1x16xf32>,
        %get3A_629 = vector.shape_cast %get3A_628 : vector<1x1x16xf32> to vector<16xf32>
        %add3A_630 = arith.addf %add3A_600, %get3A_629 : vector<16xf32>
        %get3A_631 = arith.constant 0 : i32
        %get3A_632 = arith.index_cast %get3A_631 : i32 to index
        %get3A_633 = arith.index_cast %scan3A_609 : i32 to index
        %get3A_634 = arith.constant 48 : index
        %get3A_635 = tpu.vector_load %arg6[%get3A_632, %get3A_633, %get3A_634] {strides = array<i32>} : memref<3x200x64xf32, #tpu.memory_space<vmem>>, vector<1x1x16xf32>,
        %get3A_636 = vector.shape_cast %get3A_635 : vector<1x1x16xf32> to vector<16xf32>
        %add3A_637 = arith.addf %add3A_607, %get3A_636 : vector<16xf32>
        %scan3A_638 = arith.constant 7 : i32
        %scan3A_639 = arith.addi %scan3A_426, %scan3A_638 : i32
        %get3A_640 = arith.constant 0 : i32
        %get3A_641 = arith.index_cast %get3A_640 : i32 to index
        %get3A_642 = arith.index_cast %scan3A_639 : i32 to index
        %get3A_643 = arith.constant 0 : index
        %get3A_644 = tpu.vector_load %arg6[%get3A_641, %get3A_642, %get3A_643] {strides = array<i32>} : memref<3x200x64xf32, #tpu.memory_space<vmem>>, vector<1x1x16xf32>,
        %get3A_645 = vector.shape_cast %get3A_644 : vector<1x1x16xf32> to vector<16xf32>
        %add3A_646 = arith.addf %add3A_616, %get3A_645 : vector<16xf32>
        %get3A_647 = arith.constant 0 : i32
        %get3A_648 = arith.index_cast %get3A_647 : i32 to index
        %get3A_649 = arith.index_cast %scan3A_639 : i32 to index
        %get3A_650 = arith.constant 16 : index
        %get3A_651 = tpu.vector_load %arg6[%get3A_648, %get3A_649, %get3A_650] {strides = array<i32>} : memref<3x200x64xf32, #tpu.memory_space<vmem>>, vector<1x1x16xf32>,
        %get3A_652 = vector.shape_cast %get3A_651 : vector<1x1x16xf32> to vector<16xf32>
        %add3A_653 = arith.addf %add3A_623, %get3A_652 : vector<16xf32>
        %get3A_654 = arith.constant 0 : i32
        %get3A_655 = arith.index_cast %get3A_654 : i32 to index
        %get3A_656 = arith.index_cast %scan3A_639 : i32 to index
        %get3A_657 = arith.constant 32 : index
        %get3A_658 = tpu.vector_load %arg6[%get3A_655, %get3A_656, %get3A_657] {strides = array<i32>} : memref<3x200x64xf32, #tpu.memory_space<vmem>>, vector<1x1x16xf32>,
        %get3A_659 = vector.shape_cast %get3A_658 : vector<1x1x16xf32> to vector<16xf32>
        %add3A_660 = arith.addf %add3A_630, %get3A_659 : vector<16xf32>
        %get3A_661 = arith.constant 0 : i32
        %get3A_662 = arith.index_cast %get3A_661 : i32 to index
        %get3A_663 = arith.index_cast %scan3A_639 : i32 to index
        %get3A_664 = arith.constant 48 : index
        %get3A_665 = tpu.vector_load %arg6[%get3A_662, %get3A_663, %get3A_664] {strides = array<i32>} : memref<3x200x64xf32, #tpu.memory_space<vmem>>, vector<1x1x16xf32>,
        %get3A_666 = vector.shape_cast %get3A_665 : vector<1x1x16xf32> to vector<16xf32>
        %add3A_667 = arith.addf %add3A_637, %get3A_666 : vector<16xf32>
        scf.yield %add3A_646, %add3A_653, %add3A_660, %add3A_667 : vector<16xf32>, vector<16xf32>, vector<16xf32>, vector<16xf32>
      }
      %scan3A_251 = arith.constant 200 : i32
      %swap3A_252 = arith.index_cast %add3A_207 : i32 to index
      %swap3A_253 = arith.constant 0 : index
      %swap3A_254 = tpu.vector_load %arg7[%swap3A_252, %swap3A_253] {strides = array<i32>} : memref<128x64xf32, #tpu.memory_space<vmem>>, vector<1x16xf32>,
      %swap3A_255 = vector.shape_cast %swap3A_254 : vector<1x16xf32> to vector<16xf32>
      %swap3A_256 = vector.shape_cast %scan3A_250#0 : vector<16xf32> to vector<1x16xf32>
      tpu.vector_store %arg7[%swap3A_252, %swap3A_253], %swap3A_256 {strides = array<i32>} : memref<128x64xf32, #tpu.memory_space<vmem>>, vector<1x16xf32>,
      %swap3A_257 = arith.index_cast %add3A_207 : i32 to index
      %swap3A_258 = arith.constant 16 : index
      %swap3A_259 = tpu.vector_load %arg7[%swap3A_257, %swap3A_258] {strides = array<i32>} : memref<128x64xf32, #tpu.memory_space<vmem>>, vector<1x16xf32>,
      %swap3A_260 = vector.shape_cast %swap3A_259 : vector<1x16xf32> to vector<16xf32>
      %swap3A_261 = vector.shape_cast %scan3A_250#1 : vector<16xf32> to vector<1x16xf32>
      tpu.vector_store %arg7[%swap3A_257, %swap3A_258], %swap3A_261 {strides = array<i32>} : memref<128x64xf32, #tpu.memory_space<vmem>>, vector<1x16xf32>,
      %swap3A_262 = arith.index_cast %add3A_207 : i32 to index
      %swap3A_263 = arith.constant 32 : index
      %swap3A_264 = tpu.vector_load %arg7[%swap3A_262, %swap3A_263] {strides = array<i32>} : memref<128x64xf32, #tpu.memory_space<vmem>>, vector<1x16xf32>,
      %swap3A_265 = vector.shape_cast %swap3A_264 : vector<1x16xf32> to vector<16xf32>
      %swap3A_266 = vector.shape_cast %scan3A_250#2 : vector<16xf32> to vector<1x16xf32>
      tpu.vector_store %arg7[%swap3A_262, %swap3A_263], %swap3A_266 {strides = array<i32>} : memref<128x64xf32, #tpu.memory_space<vmem>>, vector<1x16xf32>,
      %swap3A_267 = arith.index_cast %add3A_207 : i32 to index
      %swap3A_268 = arith.constant 48 : index
      %swap3A_269 = tpu.vector_load %arg7[%swap3A_267, %swap3A_268] {strides = array<i32>} : memref<128x64xf32, #tpu.memory_space<vmem>>, vector<1x16xf32>,
      %swap3A_270 = vector.shape_cast %swap3A_269 : vector<1x16xf32> to vector<16xf32>
      %swap3A_271 = vector.shape_cast %scan3A_250#3 : vector<16xf32> to vector<1x16xf32>
      tpu.vector_store %arg7[%swap3A_267, %swap3A_268], %swap3A_271 {strides = array<i32>} : memref<128x64xf32, #tpu.memory_space<vmem>>, vector<1x16xf32>,
      %add3A_272 = arith.constant 3 : i32
      %add3A_273 = arith.addi %add3A_207, %add3A_272 : i32
      %lt3A = arith.constant 128 : i32
      %lt3A_274 = arith.cmpi slt, %add3A_273, %lt3A : i32
      %convert_element_type3A = arith.extui %lt3A_274 : i1 to i32
      %cond3A = arith.constant 0 : i32
      %cond3A_275 = arith.cmpi ne, %convert_element_type3A, %cond3A : i32
      scf.if %cond3A_275 {
        %add3A_426 = arith.constant 3 : i32
        %add3A_427 = arith.addi %add3A_207, %add3A_426 : i32
        %mul3A_428 = arith.constant 2 : i32
        %mul3A_429 = arith.muli %mul3A_428, %add3A_427 : i32
        %add3A_430 = arith.constant 0 : i32
        %add3A_431 = arith.addi %mul3A_429, %add3A_430 : i32
        %mul3A_432 = arith.constant 2 : i32
        %mul3A_433 = arith.muli %mul3A_432, %add3A_427 : i32
        %add3A_434 = arith.constant 1 : i32
        %add3A_435 = arith.addi %mul3A_433, %add3A_434 : i32
        %dma_start3A_436 = arith.constant 0 : i32
        %dma_start3A_437 = arith.constant 0 : i32
        %dma_start3A_438 = arith.constant 0 : i32
        %dma_start3A_439 = tpu.memref_slice %arg6[%dma_start3A_436, %dma_start3A_437, %dma_start3A_438] : memref<3x200x64xf32, #tpu.memory_space<vmem>> -> memref<1x100x64xf32, #tpu.memory_space<vmem>>
        %dma_start3A_440 = tpu.memref_squeeze %dma_start3A_439 : memref<1x100x64xf32, #tpu.memory_space<vmem>> -> memref<100x64xf32, #tpu.memory_space<vmem>>
        %dma_start3A_441 = arith.constant 0 : i32
        %dma_start3A_442 = tpu.memref_slice %arg5[%add3A_431, %dma_start3A_441] : memref<256x100xi32, #tpu.memory_space<vmem>> -> memref<1x100xi32, #tpu.memory_space<vmem>>
        %dma_start3A_443 = tpu.memref_squeeze %dma_start3A_442 : memref<1x100xi32, #tpu.memory_space<vmem>> -> memref<100xi32, #tpu.memory_space<vmem>>
        %dma_start3A_444 = arith.constant 0 : i32
        %dma_start3A_445 = arith.constant 0 : i32
        %dma_start3A_446 = tpu.memref_slice %arg3[%dma_start3A_444, %dma_start3A_445] : memref<1000000x64xf32, #tpu.memory_space<hbm>> -> memref<1000000x64xf32, #tpu.memory_space<hbm>>
        tpu.enqueue_indirect_dma source(%dma_start3A_446 : memref<1000000x64xf32, #tpu.memory_space<hbm>>) target(%dma_start3A_440 : memref<100x64xf32, #tpu.memory_space<vmem>>) offsets(%dma_start3A_443 : memref<100xi32, #tpu.memory_space<vmem>>) semaphore(%arg8 : memref<!tpu.dma_semaphore, #tpu.memory_space<semaphore_mem>>)
        %dma_start3A_447 = arith.constant 0 : i32
        %dma_start3A_448 = arith.constant 100 : i32
        %dma_start3A_449 = arith.constant 0 : i32
        %dma_start3A_450 = tpu.memref_slice %arg6[%dma_start3A_447, %dma_start3A_448, %dma_start3A_449] : memref<3x200x64xf32, #tpu.memory_space<vmem>> -> memref<1x100x64xf32, #tpu.memory_space<vmem>>
        %dma_start3A_451 = tpu.memref_squeeze %dma_start3A_450 : memref<1x100x64xf32, #tpu.memory_space<vmem>> -> memref<100x64xf32, #tpu.memory_space<vmem>>
        %dma_start3A_452 = arith.constant 0 : i32
        %dma_start3A_453 = tpu.memref_slice %arg5[%add3A_435, %dma_start3A_452] : memref<256x100xi32, #tpu.memory_space<vmem>> -> memref<1x100xi32, #tpu.memory_space<vmem>>
        %dma_start3A_454 = tpu.memref_squeeze %dma_start3A_453 : memref<1x100xi32, #tpu.memory_space<vmem>> -> memref<100xi32, #tpu.memory_space<vmem>>
        %dma_start3A_455 = arith.constant 0 : i32
        %dma_start3A_456 = arith.constant 0 : i32
        %dma_start3A_457 = tpu.memref_slice %arg3[%dma_start3A_455, %dma_start3A_456] : memref<1000000x64xf32, #tpu.memory_space<hbm>> -> memref<1000000x64xf32, #tpu.memory_space<hbm>>
        tpu.enqueue_indirect_dma source(%dma_start3A_457 : memref<1000000x64xf32, #tpu.memory_space<hbm>>) target(%dma_start3A_451 : memref<100x64xf32, #tpu.memory_space<vmem>>) offsets(%dma_start3A_454 : memref<100xi32, #tpu.memory_space<vmem>>) semaphore(%arg8 : memref<!tpu.dma_semaphore, #tpu.memory_space<semaphore_mem>>)
      } else {
      }
      %mul3A_276 = arith.constant 3 : i32
      %mul3A_277 = arith.muli %scan3A_203, %mul3A_276 : i32
      %add3A_278 = arith.constant 1 : i32
      %add3A_279 = arith.addi %mul3A_277, %add3A_278 : i32
      %mul3A_280 = arith.constant 2 : i32
      %mul3A_281 = arith.muli %mul3A_280, %add3A_279 : i32
      %add3A_282 = arith.constant 0 : i32
      %add3A_283 = arith.addi %mul3A_281, %add3A_282 : i32
      %mul3A_284 = arith.constant 2 : i32
      %mul3A_285 = arith.muli %mul3A_284, %add3A_279 : i32
      %add3A_286 = arith.constant 1 : i32
      %add3A_287 = arith.addi %mul3A_285, %add3A_286 : i32
      %dma_wait3A_288 = arith.constant 1 : i32
      %dma_wait3A_289 = arith.constant 0 : i32
      %dma_wait3A_290 = arith.constant 0 : i32
      %dma_wait3A_291 = tpu.memref_slice %arg6[%dma_wait3A_288, %dma_wait3A_289, %dma_wait3A_290] : memref<3x200x64xf32, #tpu.memory_space<vmem>> -> memref<1x100x64xf32, #tpu.memory_space<vmem>>
      %dma_wait3A_292 = tpu.memref_squeeze %dma_wait3A_291 : memref<1x100x64xf32, #tpu.memory_space<vmem>> -> memref<100x64xf32, #tpu.memory_space<vmem>>
      %dma_wait3A_293 = arith.constant 0 : i32
      %dma_wait3A_294 = tpu.memref_slice %arg5[%add3A_283, %dma_wait3A_293] : memref<256x100xi32, #tpu.memory_space<vmem>> -> memref<1x100xi32, #tpu.memory_space<vmem>>
      %dma_wait3A_295 = tpu.memref_squeeze %dma_wait3A_294 : memref<1x100xi32, #tpu.memory_space<vmem>> -> memref<100xi32, #tpu.memory_space<vmem>>
      %dma_wait3A_296 = arith.constant 0 : i32
      %dma_wait3A_297 = arith.constant 0 : i32
      %dma_wait3A_298 = tpu.memref_slice %arg3[%dma_wait3A_296, %dma_wait3A_297] : memref<1000000x64xf32, #tpu.memory_space<hbm>> -> memref<1000000x64xf32, #tpu.memory_space<hbm>>
      tpu.wait_indirect_dma semaphore(%arg9 : memref<!tpu.dma_semaphore, #tpu.memory_space<semaphore_mem>>) src(%dma_wait3A_298 : memref<1000000x64xf32, #tpu.memory_space<hbm>>) dst(%dma_wait3A_292 : memref<100x64xf32, #tpu.memory_space<vmem>>)
      %dma_wait3A_299 = arith.constant 1 : i32
      %dma_wait3A_300 = arith.constant 100 : i32
      %dma_wait3A_301 = arith.constant 0 : i32
      %dma_wait3A_302 = tpu.memref_slice %arg6[%dma_wait3A_299, %dma_wait3A_300, %dma_wait3A_301] : memref<3x200x64xf32, #tpu.memory_space<vmem>> -> memref<1x100x64xf32, #tpu.memory_space<vmem>>
      %dma_wait3A_303 = tpu.memref_squeeze %dma_wait3A_302 : memref<1x100x64xf32, #tpu.memory_space<vmem>> -> memref<100x64xf32, #tpu.memory_space<vmem>>
      %dma_wait3A_304 = arith.constant 0 : i32
      %dma_wait3A_305 = tpu.memref_slice %arg5[%add3A_287, %dma_wait3A_304] : memref<256x100xi32, #tpu.memory_space<vmem>> -> memref<1x100xi32, #tpu.memory_space<vmem>>
      %dma_wait3A_306 = tpu.memref_squeeze %dma_wait3A_305 : memref<1x100xi32, #tpu.memory_space<vmem>> -> memref<100xi32, #tpu.memory_space<vmem>>
      %dma_wait3A_307 = arith.constant 0 : i32
      %dma_wait3A_308 = arith.constant 0 : i32
      %dma_wait3A_309 = tpu.memref_slice %arg3[%dma_wait3A_307, %dma_wait3A_308] : memref<1000000x64xf32, #tpu.memory_space<hbm>> -> memref<1000000x64xf32, #tpu.memory_space<hbm>>
      tpu.wait_indirect_dma semaphore(%arg9 : memref<!tpu.dma_semaphore, #tpu.memory_space<semaphore_mem>>) src(%dma_wait3A_309 : memref<1000000x64xf32, #tpu.memory_space<hbm>>) dst(%dma_wait3A_303 : memref<100x64xf32, #tpu.memory_space<vmem>>)
      %broadcast_in_dim3A_310 = arith.constant 0.000000e+00 : f32
      %broadcast_in_dim3A_311 = vector.broadcast %broadcast_in_dim3A_310 : f32 to vector<16xf32>
      %broadcast_in_dim3A_312 = arith.constant 0.000000e+00 : f32
      %broadcast_in_dim3A_313 = vector.broadcast %broadcast_in_dim3A_312 : f32 to vector<16xf32>
      %broadcast_in_dim3A_314 = arith.constant 0.000000e+00 : f32
      %broadcast_in_dim3A_315 = vector.broadcast %broadcast_in_dim3A_314 : f32 to vector<16xf32>
      %broadcast_in_dim3A_316 = arith.constant 0.000000e+00 : f32
      %broadcast_in_dim3A_317 = vector.broadcast %broadcast_in_dim3A_316 : f32 to vector<16xf32>
      %scan3A_318 = arith.constant 0 : i32
      %scan3A_319 = arith.constant 200 : i32
      %scan3A_320 = arith.addi %scan3A_318, %scan3A_319 : i32
      %scan3A_321 = arith.constant 8 : i32
      %scan3A_322:4 = scf.for %scan3A_426 = %scan3A_318 to %scan3A_320 step %scan3A_321 iter_args(%scan3A_427 = %broadcast_in_dim3A_311, %scan3A_428 = %broadcast_in_dim3A_313, %scan3A_429 = %broadcast_in_dim3A_315, %scan3A_430 = %broadcast_in_dim3A_317) -> (vector<16xf32>, vector<16xf32>, vector<16xf32>, vector<16xf32>)  : i32 {
        %get3A = arith.constant 1 : i32
        %get3A_431 = arith.index_cast %get3A : i32 to index
        %get3A_432 = arith.index_cast %scan3A_426 : i32 to index
        %get3A_433 = arith.constant 0 : index
        %get3A_434 = tpu.vector_load %arg6[%get3A_431, %get3A_432, %get3A_433] {strides = array<i32>} : memref<3x200x64xf32, #tpu.memory_space<vmem>>, vector<1x1x16xf32>,
        %get3A_435 = vector.shape_cast %get3A_434 : vector<1x1x16xf32> to vector<16xf32>
        %add3A_436 = arith.addf %scan3A_427, %get3A_435 : vector<16xf32>
        %get3A_437 = arith.constant 1 : i32
        %get3A_438 = arith.index_cast %get3A_437 : i32 to index
        %get3A_439 = arith.index_cast %scan3A_426 : i32 to index
        %get3A_440 = arith.constant 16 : index
        %get3A_441 = tpu.vector_load %arg6[%get3A_438, %get3A_439, %get3A_440] {strides = array<i32>} : memref<3x200x64xf32, #tpu.memory_space<vmem>>, vector<1x1x16xf32>,
        %get3A_442 = vector.shape_cast %get3A_441 : vector<1x1x16xf32> to vector<16xf32>
        %add3A_443 = arith.addf %scan3A_428, %get3A_442 : vector<16xf32>
        %get3A_444 = arith.constant 1 : i32
        %get3A_445 = arith.index_cast %get3A_444 : i32 to index
        %get3A_446 = arith.index_cast %scan3A_426 : i32 to index
        %get3A_447 = arith.constant 32 : index
        %get3A_448 = tpu.vector_load %arg6[%get3A_445, %get3A_446, %get3A_447] {strides = array<i32>} : memref<3x200x64xf32, #tpu.memory_space<vmem>>, vector<1x1x16xf32>,
        %get3A_449 = vector.shape_cast %get3A_448 : vector<1x1x16xf32> to vector<16xf32>
        %add3A_450 = arith.addf %scan3A_429, %get3A_449 : vector<16xf32>
        %get3A_451 = arith.constant 1 : i32
        %get3A_452 = arith.index_cast %get3A_451 : i32 to index
        %get3A_453 = arith.index_cast %scan3A_426 : i32 to index
        %get3A_454 = arith.constant 48 : index
        %get3A_455 = tpu.vector_load %arg6[%get3A_452, %get3A_453, %get3A_454] {strides = array<i32>} : memref<3x200x64xf32, #tpu.memory_space<vmem>>, vector<1x1x16xf32>,
        %get3A_456 = vector.shape_cast %get3A_455 : vector<1x1x16xf32> to vector<16xf32>
        %add3A_457 = arith.addf %scan3A_430, %get3A_456 : vector<16xf32>
        %scan3A_458 = arith.constant 1 : i32
        %scan3A_459 = arith.addi %scan3A_426, %scan3A_458 : i32
        %get3A_460 = arith.constant 1 : i32
        %get3A_461 = arith.index_cast %get3A_460 : i32 to index
        %get3A_462 = arith.index_cast %scan3A_459 : i32 to index
        %get3A_463 = arith.constant 0 : index
        %get3A_464 = tpu.vector_load %arg6[%get3A_461, %get3A_462, %get3A_463] {strides = array<i32>} : memref<3x200x64xf32, #tpu.memory_space<vmem>>, vector<1x1x16xf32>,
        %get3A_465 = vector.shape_cast %get3A_464 : vector<1x1x16xf32> to vector<16xf32>
        %add3A_466 = arith.addf %add3A_436, %get3A_465 : vector<16xf32>
        %get3A_467 = arith.constant 1 : i32
        %get3A_468 = arith.index_cast %get3A_467 : i32 to index
        %get3A_469 = arith.index_cast %scan3A_459 : i32 to index
        %get3A_470 = arith.constant 16 : index
        %get3A_471 = tpu.vector_load %arg6[%get3A_468, %get3A_469, %get3A_470] {strides = array<i32>} : memref<3x200x64xf32, #tpu.memory_space<vmem>>, vector<1x1x16xf32>,
        %get3A_472 = vector.shape_cast %get3A_471 : vector<1x1x16xf32> to vector<16xf32>
        %add3A_473 = arith.addf %add3A_443, %get3A_472 : vector<16xf32>
        %get3A_474 = arith.constant 1 : i32
        %get3A_475 = arith.index_cast %get3A_474 : i32 to index
        %get3A_476 = arith.index_cast %scan3A_459 : i32 to index
        %get3A_477 = arith.constant 32 : index
        %get3A_478 = tpu.vector_load %arg6[%get3A_475, %get3A_476, %get3A_477] {strides = array<i32>} : memref<3x200x64xf32, #tpu.memory_space<vmem>>, vector<1x1x16xf32>,
        %get3A_479 = vector.shape_cast %get3A_478 : vector<1x1x16xf32> to vector<16xf32>
        %add3A_480 = arith.addf %add3A_450, %get3A_479 : vector<16xf32>
        %get3A_481 = arith.constant 1 : i32
        %get3A_482 = arith.index_cast %get3A_481 : i32 to index
        %get3A_483 = arith.index_cast %scan3A_459 : i32 to index
        %get3A_484 = arith.constant 48 : index
        %get3A_485 = tpu.vector_load %arg6[%get3A_482, %get3A_483, %get3A_484] {strides = array<i32>} : memref<3x200x64xf32, #tpu.memory_space<vmem>>, vector<1x1x16xf32>,
        %get3A_486 = vector.shape_cast %get3A_485 : vector<1x1x16xf32> to vector<16xf32>
        %add3A_487 = arith.addf %add3A_457, %get3A_486 : vector<16xf32>
        %scan3A_488 = arith.constant 2 : i32
        %scan3A_489 = arith.addi %scan3A_426, %scan3A_488 : i32
        %get3A_490 = arith.constant 1 : i32
        %get3A_491 = arith.index_cast %get3A_490 : i32 to index
        %get3A_492 = arith.index_cast %scan3A_489 : i32 to index
        %get3A_493 = arith.constant 0 : index
        %get3A_494 = tpu.vector_load %arg6[%get3A_491, %get3A_492, %get3A_493] {strides = array<i32>} : memref<3x200x64xf32, #tpu.memory_space<vmem>>, vector<1x1x16xf32>,
        %get3A_495 = vector.shape_cast %get3A_494 : vector<1x1x16xf32> to vector<16xf32>
        %add3A_496 = arith.addf %add3A_466, %get3A_495 : vector<16xf32>
        %get3A_497 = arith.constant 1 : i32
        %get3A_498 = arith.index_cast %get3A_497 : i32 to index
        %get3A_499 = arith.index_cast %scan3A_489 : i32 to index
        %get3A_500 = arith.constant 16 : index
        %get3A_501 = tpu.vector_load %arg6[%get3A_498, %get3A_499, %get3A_500] {strides = array<i32>} : memref<3x200x64xf32, #tpu.memory_space<vmem>>, vector<1x1x16xf32>,
        %get3A_502 = vector.shape_cast %get3A_501 : vector<1x1x16xf32> to vector<16xf32>
        %add3A_503 = arith.addf %add3A_473, %get3A_502 : vector<16xf32>
        %get3A_504 = arith.constant 1 : i32
        %get3A_505 = arith.index_cast %get3A_504 : i32 to index
        %get3A_506 = arith.index_cast %scan3A_489 : i32 to index
        %get3A_507 = arith.constant 32 : index
        %get3A_508 = tpu.vector_load %arg6[%get3A_505, %get3A_506, %get3A_507] {strides = array<i32>} : memref<3x200x64xf32, #tpu.memory_space<vmem>>, vector<1x1x16xf32>,
        %get3A_509 = vector.shape_cast %get3A_508 : vector<1x1x16xf32> to vector<16xf32>
        %add3A_510 = arith.addf %add3A_480, %get3A_509 : vector<16xf32>
        %get3A_511 = arith.constant 1 : i32
        %get3A_512 = arith.index_cast %get3A_511 : i32 to index
        %get3A_513 = arith.index_cast %scan3A_489 : i32 to index
        %get3A_514 = arith.constant 48 : index
        %get3A_515 = tpu.vector_load %arg6[%get3A_512, %get3A_513, %get3A_514] {strides = array<i32>} : memref<3x200x64xf32, #tpu.memory_space<vmem>>, vector<1x1x16xf32>,
        %get3A_516 = vector.shape_cast %get3A_515 : vector<1x1x16xf32> to vector<16xf32>
        %add3A_517 = arith.addf %add3A_487, %get3A_516 : vector<16xf32>
        %scan3A_518 = arith.constant 3 : i32
        %scan3A_519 = arith.addi %scan3A_426, %scan3A_518 : i32
        %get3A_520 = arith.constant 1 : i32
        %get3A_521 = arith.index_cast %get3A_520 : i32 to index
        %get3A_522 = arith.index_cast %scan3A_519 : i32 to index
        %get3A_523 = arith.constant 0 : index
        %get3A_524 = tpu.vector_load %arg6[%get3A_521, %get3A_522, %get3A_523] {strides = array<i32>} : memref<3x200x64xf32, #tpu.memory_space<vmem>>, vector<1x1x16xf32>,
        %get3A_525 = vector.shape_cast %get3A_524 : vector<1x1x16xf32> to vector<16xf32>
        %add3A_526 = arith.addf %add3A_496, %get3A_525 : vector<16xf32>
        %get3A_527 = arith.constant 1 : i32
        %get3A_528 = arith.index_cast %get3A_527 : i32 to index
        %get3A_529 = arith.index_cast %scan3A_519 : i32 to index
        %get3A_530 = arith.constant 16 : index
        %get3A_531 = tpu.vector_load %arg6[%get3A_528, %get3A_529, %get3A_530] {strides = array<i32>} : memref<3x200x64xf32, #tpu.memory_space<vmem>>, vector<1x1x16xf32>,
        %get3A_532 = vector.shape_cast %get3A_531 : vector<1x1x16xf32> to vector<16xf32>
        %add3A_533 = arith.addf %add3A_503, %get3A_532 : vector<16xf32>
        %get3A_534 = arith.constant 1 : i32
        %get3A_535 = arith.index_cast %get3A_534 : i32 to index
        %get3A_536 = arith.index_cast %scan3A_519 : i32 to index
        %get3A_537 = arith.constant 32 : index
        %get3A_538 = tpu.vector_load %arg6[%get3A_535, %get3A_536, %get3A_537] {strides = array<i32>} : memref<3x200x64xf32, #tpu.memory_space<vmem>>, vector<1x1x16xf32>,
        %get3A_539 = vector.shape_cast %get3A_538 : vector<1x1x16xf32> to vector<16xf32>
        %add3A_540 = arith.addf %add3A_510, %get3A_539 : vector<16xf32>
        %get3A_541 = arith.constant 1 : i32
        %get3A_542 = arith.index_cast %get3A_541 : i32 to index
        %get3A_543 = arith.index_cast %scan3A_519 : i32 to index
        %get3A_544 = arith.constant 48 : index
        %get3A_545 = tpu.vector_load %arg6[%get3A_542, %get3A_543, %get3A_544] {strides = array<i32>} : memref<3x200x64xf32, #tpu.memory_space<vmem>>, vector<1x1x16xf32>,
        %get3A_546 = vector.shape_cast %get3A_545 : vector<1x1x16xf32> to vector<16xf32>
        %add3A_547 = arith.addf %add3A_517, %get3A_546 : vector<16xf32>
        %scan3A_548 = arith.constant 4 : i32
        %scan3A_549 = arith.addi %scan3A_426, %scan3A_548 : i32
        %get3A_550 = arith.constant 1 : i32
        %get3A_551 = arith.index_cast %get3A_550 : i32 to index
        %get3A_552 = arith.index_cast %scan3A_549 : i32 to index
        %get3A_553 = arith.constant 0 : index
        %get3A_554 = tpu.vector_load %arg6[%get3A_551, %get3A_552, %get3A_553] {strides = array<i32>} : memref<3x200x64xf32, #tpu.memory_space<vmem>>, vector<1x1x16xf32>,
        %get3A_555 = vector.shape_cast %get3A_554 : vector<1x1x16xf32> to vector<16xf32>
        %add3A_556 = arith.addf %add3A_526, %get3A_555 : vector<16xf32>
        %get3A_557 = arith.constant 1 : i32
        %get3A_558 = arith.index_cast %get3A_557 : i32 to index
        %get3A_559 = arith.index_cast %scan3A_549 : i32 to index
        %get3A_560 = arith.constant 16 : index
        %get3A_561 = tpu.vector_load %arg6[%get3A_558, %get3A_559, %get3A_560] {strides = array<i32>} : memref<3x200x64xf32, #tpu.memory_space<vmem>>, vector<1x1x16xf32>,
        %get3A_562 = vector.shape_cast %get3A_561 : vector<1x1x16xf32> to vector<16xf32>
        %add3A_563 = arith.addf %add3A_533, %get3A_562 : vector<16xf32>
        %get3A_564 = arith.constant 1 : i32
        %get3A_565 = arith.index_cast %get3A_564 : i32 to index
        %get3A_566 = arith.index_cast %scan3A_549 : i32 to index
        %get3A_567 = arith.constant 32 : index
        %get3A_568 = tpu.vector_load %arg6[%get3A_565, %get3A_566, %get3A_567] {strides = array<i32>} : memref<3x200x64xf32, #tpu.memory_space<vmem>>, vector<1x1x16xf32>,
        %get3A_569 = vector.shape_cast %get3A_568 : vector<1x1x16xf32> to vector<16xf32>
        %add3A_570 = arith.addf %add3A_540, %get3A_569 : vector<16xf32>
        %get3A_571 = arith.constant 1 : i32
        %get3A_572 = arith.index_cast %get3A_571 : i32 to index
        %get3A_573 = arith.index_cast %scan3A_549 : i32 to index
        %get3A_574 = arith.constant 48 : index
        %get3A_575 = tpu.vector_load %arg6[%get3A_572, %get3A_573, %get3A_574] {strides = array<i32>} : memref<3x200x64xf32, #tpu.memory_space<vmem>>, vector<1x1x16xf32>,
        %get3A_576 = vector.shape_cast %get3A_575 : vector<1x1x16xf32> to vector<16xf32>
        %add3A_577 = arith.addf %add3A_547, %get3A_576 : vector<16xf32>
        %scan3A_578 = arith.constant 5 : i32
        %scan3A_579 = arith.addi %scan3A_426, %scan3A_578 : i32
        %get3A_580 = arith.constant 1 : i32
        %get3A_581 = arith.index_cast %get3A_580 : i32 to index
        %get3A_582 = arith.index_cast %scan3A_579 : i32 to index
        %get3A_583 = arith.constant 0 : index
        %get3A_584 = tpu.vector_load %arg6[%get3A_581, %get3A_582, %get3A_583] {strides = array<i32>} : memref<3x200x64xf32, #tpu.memory_space<vmem>>, vector<1x1x16xf32>,
        %get3A_585 = vector.shape_cast %get3A_584 : vector<1x1x16xf32> to vector<16xf32>
        %add3A_586 = arith.addf %add3A_556, %get3A_585 : vector<16xf32>
        %get3A_587 = arith.constant 1 : i32
        %get3A_588 = arith.index_cast %get3A_587 : i32 to index
        %get3A_589 = arith.index_cast %scan3A_579 : i32 to index
        %get3A_590 = arith.constant 16 : index
        %get3A_591 = tpu.vector_load %arg6[%get3A_588, %get3A_589, %get3A_590] {strides = array<i32>} : memref<3x200x64xf32, #tpu.memory_space<vmem>>, vector<1x1x16xf32>,
        %get3A_592 = vector.shape_cast %get3A_591 : vector<1x1x16xf32> to vector<16xf32>
        %add3A_593 = arith.addf %add3A_563, %get3A_592 : vector<16xf32>
        %get3A_594 = arith.constant 1 : i32
        %get3A_595 = arith.index_cast %get3A_594 : i32 to index
        %get3A_596 = arith.index_cast %scan3A_579 : i32 to index
        %get3A_597 = arith.constant 32 : index
        %get3A_598 = tpu.vector_load %arg6[%get3A_595, %get3A_596, %get3A_597] {strides = array<i32>} : memref<3x200x64xf32, #tpu.memory_space<vmem>>, vector<1x1x16xf32>,
        %get3A_599 = vector.shape_cast %get3A_598 : vector<1x1x16xf32> to vector<16xf32>
        %add3A_600 = arith.addf %add3A_570, %get3A_599 : vector<16xf32>
        %get3A_601 = arith.constant 1 : i32
        %get3A_602 = arith.index_cast %get3A_601 : i32 to index
        %get3A_603 = arith.index_cast %scan3A_579 : i32 to index
        %get3A_604 = arith.constant 48 : index
        %get3A_605 = tpu.vector_load %arg6[%get3A_602, %get3A_603, %get3A_604] {strides = array<i32>} : memref<3x200x64xf32, #tpu.memory_space<vmem>>, vector<1x1x16xf32>,
        %get3A_606 = vector.shape_cast %get3A_605 : vector<1x1x16xf32> to vector<16xf32>
        %add3A_607 = arith.addf %add3A_577, %get3A_606 : vector<16xf32>
        %scan3A_608 = arith.constant 6 : i32
        %scan3A_609 = arith.addi %scan3A_426, %scan3A_608 : i32
        %get3A_610 = arith.constant 1 : i32
        %get3A_611 = arith.index_cast %get3A_610 : i32 to index
        %get3A_612 = arith.index_cast %scan3A_609 : i32 to index
        %get3A_613 = arith.constant 0 : index
        %get3A_614 = tpu.vector_load %arg6[%get3A_611, %get3A_612, %get3A_613] {strides = array<i32>} : memref<3x200x64xf32, #tpu.memory_space<vmem>>, vector<1x1x16xf32>,
        %get3A_615 = vector.shape_cast %get3A_614 : vector<1x1x16xf32> to vector<16xf32>
        %add3A_616 = arith.addf %add3A_586, %get3A_615 : vector<16xf32>
        %get3A_617 = arith.constant 1 : i32
        %get3A_618 = arith.index_cast %get3A_617 : i32 to index
        %get3A_619 = arith.index_cast %scan3A_609 : i32 to index
        %get3A_620 = arith.constant 16 : index
        %get3A_621 = tpu.vector_load %arg6[%get3A_618, %get3A_619, %get3A_620] {strides = array<i32>} : memref<3x200x64xf32, #tpu.memory_space<vmem>>, vector<1x1x16xf32>,
        %get3A_622 = vector.shape_cast %get3A_621 : vector<1x1x16xf32> to vector<16xf32>
        %add3A_623 = arith.addf %add3A_593, %get3A_622 : vector<16xf32>
        %get3A_624 = arith.constant 1 : i32
        %get3A_625 = arith.index_cast %get3A_624 : i32 to index
        %get3A_626 = arith.index_cast %scan3A_609 : i32 to index
        %get3A_627 = arith.constant 32 : index
        %get3A_628 = tpu.vector_load %arg6[%get3A_625, %get3A_626, %get3A_627] {strides = array<i32>} : memref<3x200x64xf32, #tpu.memory_space<vmem>>, vector<1x1x16xf32>,
        %get3A_629 = vector.shape_cast %get3A_628 : vector<1x1x16xf32> to vector<16xf32>
        %add3A_630 = arith.addf %add3A_600, %get3A_629 : vector<16xf32>
        %get3A_631 = arith.constant 1 : i32
        %get3A_632 = arith.index_cast %get3A_631 : i32 to index
        %get3A_633 = arith.index_cast %scan3A_609 : i32 to index
        %get3A_634 = arith.constant 48 : index
        %get3A_635 = tpu.vector_load %arg6[%get3A_632, %get3A_633, %get3A_634] {strides = array<i32>} : memref<3x200x64xf32, #tpu.memory_space<vmem>>, vector<1x1x16xf32>,
        %get3A_636 = vector.shape_cast %get3A_635 : vector<1x1x16xf32> to vector<16xf32>
        %add3A_637 = arith.addf %add3A_607, %get3A_636 : vector<16xf32>
        %scan3A_638 = arith.constant 7 : i32
        %scan3A_639 = arith.addi %scan3A_426, %scan3A_638 : i32
        %get3A_640 = arith.constant 1 : i32
        %get3A_641 = arith.index_cast %get3A_640 : i32 to index
        %get3A_642 = arith.index_cast %scan3A_639 : i32 to index
        %get3A_643 = arith.constant 0 : index
        %get3A_644 = tpu.vector_load %arg6[%get3A_641, %get3A_642, %get3A_643] {strides = array<i32>} : memref<3x200x64xf32, #tpu.memory_space<vmem>>, vector<1x1x16xf32>,
        %get3A_645 = vector.shape_cast %get3A_644 : vector<1x1x16xf32> to vector<16xf32>
        %add3A_646 = arith.addf %add3A_616, %get3A_645 : vector<16xf32>
        %get3A_647 = arith.constant 1 : i32
        %get3A_648 = arith.index_cast %get3A_647 : i32 to index
        %get3A_649 = arith.index_cast %scan3A_639 : i32 to index
        %get3A_650 = arith.constant 16 : index
        %get3A_651 = tpu.vector_load %arg6[%get3A_648, %get3A_649, %get3A_650] {strides = array<i32>} : memref<3x200x64xf32, #tpu.memory_space<vmem>>, vector<1x1x16xf32>,
        %get3A_652 = vector.shape_cast %get3A_651 : vector<1x1x16xf32> to vector<16xf32>
        %add3A_653 = arith.addf %add3A_623, %get3A_652 : vector<16xf32>
        %get3A_654 = arith.constant 1 : i32
        %get3A_655 = arith.index_cast %get3A_654 : i32 to index
        %get3A_656 = arith.index_cast %scan3A_639 : i32 to index
        %get3A_657 = arith.constant 32 : index
        %get3A_658 = tpu.vector_load %arg6[%get3A_655, %get3A_656, %get3A_657] {strides = array<i32>} : memref<3x200x64xf32, #tpu.memory_space<vmem>>, vector<1x1x16xf32>,
        %get3A_659 = vector.shape_cast %get3A_658 : vector<1x1x16xf32> to vector<16xf32>
        %add3A_660 = arith.addf %add3A_630, %get3A_659 : vector<16xf32>
        %get3A_661 = arith.constant 1 : i32
        %get3A_662 = arith.index_cast %get3A_661 : i32 to index
        %get3A_663 = arith.index_cast %scan3A_639 : i32 to index
        %get3A_664 = arith.constant 48 : index
        %get3A_665 = tpu.vector_load %arg6[%get3A_662, %get3A_663, %get3A_664] {strides = array<i32>} : memref<3x200x64xf32, #tpu.memory_space<vmem>>, vector<1x1x16xf32>,
        %get3A_666 = vector.shape_cast %get3A_665 : vector<1x1x16xf32> to vector<16xf32>
        %add3A_667 = arith.addf %add3A_637, %get3A_666 : vector<16xf32>
        scf.yield %add3A_646, %add3A_653, %add3A_660, %add3A_667 : vector<16xf32>, vector<16xf32>, vector<16xf32>, vector<16xf32>
      }
      %scan3A_323 = arith.constant 200 : i32
      %swap3A_324 = arith.index_cast %add3A_279 : i32 to index
      %swap3A_325 = arith.constant 0 : index
      %swap3A_326 = tpu.vector_load %arg7[%swap3A_324, %swap3A_325] {strides = array<i32>} : memref<128x64xf32, #tpu.memory_space<vmem>>, vector<1x16xf32>,
      %swap3A_327 = vector.shape_cast %swap3A_326 : vector<1x16xf32> to vector<16xf32>
      %swap3A_328 = vector.shape_cast %scan3A_322#0 : vector<16xf32> to vector<1x16xf32>
      tpu.vector_store %arg7[%swap3A_324, %swap3A_325], %swap3A_328 {strides = array<i32>} : memref<128x64xf32, #tpu.memory_space<vmem>>, vector<1x16xf32>,
      %swap3A_329 = arith.index_cast %add3A_279 : i32 to index
      %swap3A_330 = arith.constant 16 : index
      %swap3A_331 = tpu.vector_load %arg7[%swap3A_329, %swap3A_330] {strides = array<i32>} : memref<128x64xf32, #tpu.memory_space<vmem>>, vector<1x16xf32>,
      %swap3A_332 = vector.shape_cast %swap3A_331 : vector<1x16xf32> to vector<16xf32>
      %swap3A_333 = vector.shape_cast %scan3A_322#1 : vector<16xf32> to vector<1x16xf32>
      tpu.vector_store %arg7[%swap3A_329, %swap3A_330], %swap3A_333 {strides = array<i32>} : memref<128x64xf32, #tpu.memory_space<vmem>>, vector<1x16xf32>,
      %swap3A_334 = arith.index_cast %add3A_279 : i32 to index
      %swap3A_335 = arith.constant 32 : index
      %swap3A_336 = tpu.vector_load %arg7[%swap3A_334, %swap3A_335] {strides = array<i32>} : memref<128x64xf32, #tpu.memory_space<vmem>>, vector<1x16xf32>,
      %swap3A_337 = vector.shape_cast %swap3A_336 : vector<1x16xf32> to vector<16xf32>
      %swap3A_338 = vector.shape_cast %scan3A_322#2 : vector<16xf32> to vector<1x16xf32>
      tpu.vector_store %arg7[%swap3A_334, %swap3A_335], %swap3A_338 {strides = array<i32>} : memref<128x64xf32, #tpu.memory_space<vmem>>, vector<1x16xf32>,
      %swap3A_339 = arith.index_cast %add3A_279 : i32 to index
      %swap3A_340 = arith.constant 48 : index
      %swap3A_341 = tpu.vector_load %arg7[%swap3A_339, %swap3A_340] {strides = array<i32>} : memref<128x64xf32, #tpu.memory_space<vmem>>, vector<1x16xf32>,
      %swap3A_342 = vector.shape_cast %swap3A_341 : vector<1x16xf32> to vector<16xf32>
      %swap3A_343 = vector.shape_cast %scan3A_322#3 : vector<16xf32> to vector<1x16xf32>
      tpu.vector_store %arg7[%swap3A_339, %swap3A_340], %swap3A_343 {strides = array<i32>} : memref<128x64xf32, #tpu.memory_space<vmem>>, vector<1x16xf32>,
      %add3A_344 = arith.constant 3 : i32
      %add3A_345 = arith.addi %add3A_279, %add3A_344 : i32
      %lt3A_346 = arith.constant 128 : i32
      %lt3A_347 = arith.cmpi slt, %add3A_345, %lt3A_346 : i32
      %convert_element_type3A_348 = arith.extui %lt3A_347 : i1 to i32
      %cond3A_349 = arith.constant 0 : i32
      %cond3A_350 = arith.cmpi ne, %convert_element_type3A_348, %cond3A_349 : i32
      scf.if %cond3A_350 {
        %add3A_426 = arith.constant 3 : i32
        %add3A_427 = arith.addi %add3A_279, %add3A_426 : i32
        %mul3A_428 = arith.constant 2 : i32
        %mul3A_429 = arith.muli %mul3A_428, %add3A_427 : i32
        %add3A_430 = arith.constant 0 : i32
        %add3A_431 = arith.addi %mul3A_429, %add3A_430 : i32
        %mul3A_432 = arith.constant 2 : i32
        %mul3A_433 = arith.muli %mul3A_432, %add3A_427 : i32
        %add3A_434 = arith.constant 1 : i32
        %add3A_435 = arith.addi %mul3A_433, %add3A_434 : i32
        %dma_start3A_436 = arith.constant 1 : i32
        %dma_start3A_437 = arith.constant 0 : i32
        %dma_start3A_438 = arith.constant 0 : i32
        %dma_start3A_439 = tpu.memref_slice %arg6[%dma_start3A_436, %dma_start3A_437, %dma_start3A_438] : memref<3x200x64xf32, #tpu.memory_space<vmem>> -> memref<1x100x64xf32, #tpu.memory_space<vmem>>
        %dma_start3A_440 = tpu.memref_squeeze %dma_start3A_439 : memref<1x100x64xf32, #tpu.memory_space<vmem>> -> memref<100x64xf32, #tpu.memory_space<vmem>>
        %dma_start3A_441 = arith.constant 0 : i32
        %dma_start3A_442 = tpu.memref_slice %arg5[%add3A_431, %dma_start3A_441] : memref<256x100xi32, #tpu.memory_space<vmem>> -> memref<1x100xi32, #tpu.memory_space<vmem>>
        %dma_start3A_443 = tpu.memref_squeeze %dma_start3A_442 : memref<1x100xi32, #tpu.memory_space<vmem>> -> memref<100xi32, #tpu.memory_space<vmem>>
        %dma_start3A_444 = arith.constant 0 : i32
        %dma_start3A_445 = arith.constant 0 : i32
        %dma_start3A_446 = tpu.memref_slice %arg3[%dma_start3A_444, %dma_start3A_445] : memref<1000000x64xf32, #tpu.memory_space<hbm>> -> memref<1000000x64xf32, #tpu.memory_space<hbm>>
        tpu.enqueue_indirect_dma source(%dma_start3A_446 : memref<1000000x64xf32, #tpu.memory_space<hbm>>) target(%dma_start3A_440 : memref<100x64xf32, #tpu.memory_space<vmem>>) offsets(%dma_start3A_443 : memref<100xi32, #tpu.memory_space<vmem>>) semaphore(%arg9 : memref<!tpu.dma_semaphore, #tpu.memory_space<semaphore_mem>>)
        %dma_start3A_447 = arith.constant 1 : i32
        %dma_start3A_448 = arith.constant 100 : i32
        %dma_start3A_449 = arith.constant 0 : i32
        %dma_start3A_450 = tpu.memref_slice %arg6[%dma_start3A_447, %dma_start3A_448, %dma_start3A_449] : memref<3x200x64xf32, #tpu.memory_space<vmem>> -> memref<1x100x64xf32, #tpu.memory_space<vmem>>
        %dma_start3A_451 = tpu.memref_squeeze %dma_start3A_450 : memref<1x100x64xf32, #tpu.memory_space<vmem>> -> memref<100x64xf32, #tpu.memory_space<vmem>>
        %dma_start3A_452 = arith.constant 0 : i32
        %dma_start3A_453 = tpu.memref_slice %arg5[%add3A_435, %dma_start3A_452] : memref<256x100xi32, #tpu.memory_space<vmem>> -> memref<1x100xi32, #tpu.memory_space<vmem>>
        %dma_start3A_454 = tpu.memref_squeeze %dma_start3A_453 : memref<1x100xi32, #tpu.memory_space<vmem>> -> memref<100xi32, #tpu.memory_space<vmem>>
        %dma_start3A_455 = arith.constant 0 : i32
        %dma_start3A_456 = arith.constant 0 : i32
        %dma_start3A_457 = tpu.memref_slice %arg3[%dma_start3A_455, %dma_start3A_456] : memref<1000000x64xf32, #tpu.memory_space<hbm>> -> memref<1000000x64xf32, #tpu.memory_space<hbm>>
        tpu.enqueue_indirect_dma source(%dma_start3A_457 : memref<1000000x64xf32, #tpu.memory_space<hbm>>) target(%dma_start3A_451 : memref<100x64xf32, #tpu.memory_space<vmem>>) offsets(%dma_start3A_454 : memref<100xi32, #tpu.memory_space<vmem>>) semaphore(%arg9 : memref<!tpu.dma_semaphore, #tpu.memory_space<semaphore_mem>>)
      } else {
      }
      %mul3A_351 = arith.constant 3 : i32
      %mul3A_352 = arith.muli %scan3A_203, %mul3A_351 : i32
      %add3A_353 = arith.constant 2 : i32
      %add3A_354 = arith.addi %mul3A_352, %add3A_353 : i32
      %mul3A_355 = arith.constant 2 : i32
      %mul3A_356 = arith.muli %mul3A_355, %add3A_354 : i32
      %add3A_357 = arith.constant 0 : i32
      %add3A_358 = arith.addi %mul3A_356, %add3A_357 : i32
      %mul3A_359 = arith.constant 2 : i32
      %mul3A_360 = arith.muli %mul3A_359, %add3A_354 : i32
      %add3A_361 = arith.constant 1 : i32
      %add3A_362 = arith.addi %mul3A_360, %add3A_361 : i32
      %dma_wait3A_363 = arith.constant 2 : i32
      %dma_wait3A_364 = arith.constant 0 : i32
      %dma_wait3A_365 = arith.constant 0 : i32
      %dma_wait3A_366 = tpu.memref_slice %arg6[%dma_wait3A_363, %dma_wait3A_364, %dma_wait3A_365] : memref<3x200x64xf32, #tpu.memory_space<vmem>> -> memref<1x100x64xf32, #tpu.memory_space<vmem>>
      %dma_wait3A_367 = tpu.memref_squeeze %dma_wait3A_366 : memref<1x100x64xf32, #tpu.memory_space<vmem>> -> memref<100x64xf32, #tpu.memory_space<vmem>>
      %dma_wait3A_368 = arith.constant 0 : i32
      %dma_wait3A_369 = tpu.memref_slice %arg5[%add3A_358, %dma_wait3A_368] : memref<256x100xi32, #tpu.memory_space<vmem>> -> memref<1x100xi32, #tpu.memory_space<vmem>>
      %dma_wait3A_370 = tpu.memref_squeeze %dma_wait3A_369 : memref<1x100xi32, #tpu.memory_space<vmem>> -> memref<100xi32, #tpu.memory_space<vmem>>
      %dma_wait3A_371 = arith.constant 0 : i32
      %dma_wait3A_372 = arith.constant 0 : i32
      %dma_wait3A_373 = tpu.memref_slice %arg3[%dma_wait3A_371, %dma_wait3A_372] : memref<1000000x64xf32, #tpu.memory_space<hbm>> -> memref<1000000x64xf32, #tpu.memory_space<hbm>>
      tpu.wait_indirect_dma semaphore(%arg10 : memref<!tpu.dma_semaphore, #tpu.memory_space<semaphore_mem>>) src(%dma_wait3A_373 : memref<1000000x64xf32, #tpu.memory_space<hbm>>) dst(%dma_wait3A_367 : memref<100x64xf32, #tpu.memory_space<vmem>>)
      %dma_wait3A_374 = arith.constant 2 : i32
      %dma_wait3A_375 = arith.constant 100 : i32
      %dma_wait3A_376 = arith.constant 0 : i32
      %dma_wait3A_377 = tpu.memref_slice %arg6[%dma_wait3A_374, %dma_wait3A_375, %dma_wait3A_376] : memref<3x200x64xf32, #tpu.memory_space<vmem>> -> memref<1x100x64xf32, #tpu.memory_space<vmem>>
      %dma_wait3A_378 = tpu.memref_squeeze %dma_wait3A_377 : memref<1x100x64xf32, #tpu.memory_space<vmem>> -> memref<100x64xf32, #tpu.memory_space<vmem>>
      %dma_wait3A_379 = arith.constant 0 : i32
      %dma_wait3A_380 = tpu.memref_slice %arg5[%add3A_362, %dma_wait3A_379] : memref<256x100xi32, #tpu.memory_space<vmem>> -> memref<1x100xi32, #tpu.memory_space<vmem>>
      %dma_wait3A_381 = tpu.memref_squeeze %dma_wait3A_380 : memref<1x100xi32, #tpu.memory_space<vmem>> -> memref<100xi32, #tpu.memory_space<vmem>>
      %dma_wait3A_382 = arith.constant 0 : i32
      %dma_wait3A_383 = arith.constant 0 : i32
      %dma_wait3A_384 = tpu.memref_slice %arg3[%dma_wait3A_382, %dma_wait3A_383] : memref<1000000x64xf32, #tpu.memory_space<hbm>> -> memref<1000000x64xf32, #tpu.memory_space<hbm>>
      tpu.wait_indirect_dma semaphore(%arg10 : memref<!tpu.dma_semaphore, #tpu.memory_space<semaphore_mem>>) src(%dma_wait3A_384 : memref<1000000x64xf32, #tpu.memory_space<hbm>>) dst(%dma_wait3A_378 : memref<100x64xf32, #tpu.memory_space<vmem>>)
      %broadcast_in_dim3A_385 = arith.constant 0.000000e+00 : f32
      %broadcast_in_dim3A_386 = vector.broadcast %broadcast_in_dim3A_385 : f32 to vector<16xf32>
      %broadcast_in_dim3A_387 = arith.constant 0.000000e+00 : f32
      %broadcast_in_dim3A_388 = vector.broadcast %broadcast_in_dim3A_387 : f32 to vector<16xf32>
      %broadcast_in_dim3A_389 = arith.constant 0.000000e+00 : f32
      %broadcast_in_dim3A_390 = vector.broadcast %broadcast_in_dim3A_389 : f32 to vector<16xf32>
      %broadcast_in_dim3A_391 = arith.constant 0.000000e+00 : f32
      %broadcast_in_dim3A_392 = vector.broadcast %broadcast_in_dim3A_391 : f32 to vector<16xf32>
      %scan3A_393 = arith.constant 0 : i32
      %scan3A_394 = arith.constant 200 : i32
      %scan3A_395 = arith.addi %scan3A_393, %scan3A_394 : i32
      %scan3A_396 = arith.constant 8 : i32
      %scan3A_397:4 = scf.for %scan3A_426 = %scan3A_393 to %scan3A_395 step %scan3A_396 iter_args(%scan3A_427 = %broadcast_in_dim3A_386, %scan3A_428 = %broadcast_in_dim3A_388, %scan3A_429 = %broadcast_in_dim3A_390, %scan3A_430 = %broadcast_in_dim3A_392) -> (vector<16xf32>, vector<16xf32>, vector<16xf32>, vector<16xf32>)  : i32 {
        %get3A = arith.constant 2 : i32
        %get3A_431 = arith.index_cast %get3A : i32 to index
        %get3A_432 = arith.index_cast %scan3A_426 : i32 to index
        %get3A_433 = arith.constant 0 : index
        %get3A_434 = tpu.vector_load %arg6[%get3A_431, %get3A_432, %get3A_433] {strides = array<i32>} : memref<3x200x64xf32, #tpu.memory_space<vmem>>, vector<1x1x16xf32>,
        %get3A_435 = vector.shape_cast %get3A_434 : vector<1x1x16xf32> to vector<16xf32>
        %add3A_436 = arith.addf %scan3A_427, %get3A_435 : vector<16xf32>
        %get3A_437 = arith.constant 2 : i32
        %get3A_438 = arith.index_cast %get3A_437 : i32 to index
        %get3A_439 = arith.index_cast %scan3A_426 : i32 to index
        %get3A_440 = arith.constant 16 : index
        %get3A_441 = tpu.vector_load %arg6[%get3A_438, %get3A_439, %get3A_440] {strides = array<i32>} : memref<3x200x64xf32, #tpu.memory_space<vmem>>, vector<1x1x16xf32>,
        %get3A_442 = vector.shape_cast %get3A_441 : vector<1x1x16xf32> to vector<16xf32>
        %add3A_443 = arith.addf %scan3A_428, %get3A_442 : vector<16xf32>
        %get3A_444 = arith.constant 2 : i32
        %get3A_445 = arith.index_cast %get3A_444 : i32 to index
        %get3A_446 = arith.index_cast %scan3A_426 : i32 to index
        %get3A_447 = arith.constant 32 : index
        %get3A_448 = tpu.vector_load %arg6[%get3A_445, %get3A_446, %get3A_447] {strides = array<i32>} : memref<3x200x64xf32, #tpu.memory_space<vmem>>, vector<1x1x16xf32>,
        %get3A_449 = vector.shape_cast %get3A_448 : vector<1x1x16xf32> to vector<16xf32>
        %add3A_450 = arith.addf %scan3A_429, %get3A_449 : vector<16xf32>
        %get3A_451 = arith.constant 2 : i32
        %get3A_452 = arith.index_cast %get3A_451 : i32 to index
        %get3A_453 = arith.index_cast %scan3A_426 : i32 to index
        %get3A_454 = arith.constant 48 : index
        %get3A_455 = tpu.vector_load %arg6[%get3A_452, %get3A_453, %get3A_454] {strides = array<i32>} : memref<3x200x64xf32, #tpu.memory_space<vmem>>, vector<1x1x16xf32>,
        %get3A_456 = vector.shape_cast %get3A_455 : vector<1x1x16xf32> to vector<16xf32>
        %add3A_457 = arith.addf %scan3A_430, %get3A_456 : vector<16xf32>
        %scan3A_458 = arith.constant 1 : i32
        %scan3A_459 = arith.addi %scan3A_426, %scan3A_458 : i32
        %get3A_460 = arith.constant 2 : i32
        %get3A_461 = arith.index_cast %get3A_460 : i32 to index
        %get3A_462 = arith.index_cast %scan3A_459 : i32 to index
        %get3A_463 = arith.constant 0 : index
        %get3A_464 = tpu.vector_load %arg6[%get3A_461, %get3A_462, %get3A_463] {strides = array<i32>} : memref<3x200x64xf32, #tpu.memory_space<vmem>>, vector<1x1x16xf32>,
        %get3A_465 = vector.shape_cast %get3A_464 : vector<1x1x16xf32> to vector<16xf32>
        %add3A_466 = arith.addf %add3A_436, %get3A_465 : vector<16xf32>
        %get3A_467 = arith.constant 2 : i32
        %get3A_468 = arith.index_cast %get3A_467 : i32 to index
        %get3A_469 = arith.index_cast %scan3A_459 : i32 to index
        %get3A_470 = arith.constant 16 : index
        %get3A_471 = tpu.vector_load %arg6[%get3A_468, %get3A_469, %get3A_470] {strides = array<i32>} : memref<3x200x64xf32, #tpu.memory_space<vmem>>, vector<1x1x16xf32>,
        %get3A_472 = vector.shape_cast %get3A_471 : vector<1x1x16xf32> to vector<16xf32>
        %add3A_473 = arith.addf %add3A_443, %get3A_472 : vector<16xf32>
        %get3A_474 = arith.constant 2 : i32
        %get3A_475 = arith.index_cast %get3A_474 : i32 to index
        %get3A_476 = arith.index_cast %scan3A_459 : i32 to index
        %get3A_477 = arith.constant 32 : index
        %get3A_478 = tpu.vector_load %arg6[%get3A_475, %get3A_476, %get3A_477] {strides = array<i32>} : memref<3x200x64xf32, #tpu.memory_space<vmem>>, vector<1x1x16xf32>,
        %get3A_479 = vector.shape_cast %get3A_478 : vector<1x1x16xf32> to vector<16xf32>
        %add3A_480 = arith.addf %add3A_450, %get3A_479 : vector<16xf32>
        %get3A_481 = arith.constant 2 : i32
        %get3A_482 = arith.index_cast %get3A_481 : i32 to index
        %get3A_483 = arith.index_cast %scan3A_459 : i32 to index
        %get3A_484 = arith.constant 48 : index
        %get3A_485 = tpu.vector_load %arg6[%get3A_482, %get3A_483, %get3A_484] {strides = array<i32>} : memref<3x200x64xf32, #tpu.memory_space<vmem>>, vector<1x1x16xf32>,
        %get3A_486 = vector.shape_cast %get3A_485 : vector<1x1x16xf32> to vector<16xf32>
        %add3A_487 = arith.addf %add3A_457, %get3A_486 : vector<16xf32>
        %scan3A_488 = arith.constant 2 : i32
        %scan3A_489 = arith.addi %scan3A_426, %scan3A_488 : i32
        %get3A_490 = arith.constant 2 : i32
        %get3A_491 = arith.index_cast %get3A_490 : i32 to index
        %get3A_492 = arith.index_cast %scan3A_489 : i32 to index
        %get3A_493 = arith.constant 0 : index
        %get3A_494 = tpu.vector_load %arg6[%get3A_491, %get3A_492, %get3A_493] {strides = array<i32>} : memref<3x200x64xf32, #tpu.memory_space<vmem>>, vector<1x1x16xf32>,
        %get3A_495 = vector.shape_cast %get3A_494 : vector<1x1x16xf32> to vector<16xf32>
        %add3A_496 = arith.addf %add3A_466, %get3A_495 : vector<16xf32>
        %get3A_497 = arith.constant 2 : i32
        %get3A_498 = arith.index_cast %get3A_497 : i32 to index
        %get3A_499 = arith.index_cast %scan3A_489 : i32 to index
        %get3A_500 = arith.constant 16 : index
        %get3A_501 = tpu.vector_load %arg6[%get3A_498, %get3A_499, %get3A_500] {strides = array<i32>} : memref<3x200x64xf32, #tpu.memory_space<vmem>>, vector<1x1x16xf32>,
        %get3A_502 = vector.shape_cast %get3A_501 : vector<1x1x16xf32> to vector<16xf32>
        %add3A_503 = arith.addf %add3A_473, %get3A_502 : vector<16xf32>
        %get3A_504 = arith.constant 2 : i32
        %get3A_505 = arith.index_cast %get3A_504 : i32 to index
        %get3A_506 = arith.index_cast %scan3A_489 : i32 to index
        %get3A_507 = arith.constant 32 : index
        %get3A_508 = tpu.vector_load %arg6[%get3A_505, %get3A_506, %get3A_507] {strides = array<i32>} : memref<3x200x64xf32, #tpu.memory_space<vmem>>, vector<1x1x16xf32>,
        %get3A_509 = vector.shape_cast %get3A_508 : vector<1x1x16xf32> to vector<16xf32>
        %add3A_510 = arith.addf %add3A_480, %get3A_509 : vector<16xf32>
        %get3A_511 = arith.constant 2 : i32
        %get3A_512 = arith.index_cast %get3A_511 : i32 to index
        %get3A_513 = arith.index_cast %scan3A_489 : i32 to index
        %get3A_514 = arith.constant 48 : index
        %get3A_515 = tpu.vector_load %arg6[%get3A_512, %get3A_513, %get3A_514] {strides = array<i32>} : memref<3x200x64xf32, #tpu.memory_space<vmem>>, vector<1x1x16xf32>,
        %get3A_516 = vector.shape_cast %get3A_515 : vector<1x1x16xf32> to vector<16xf32>
        %add3A_517 = arith.addf %add3A_487, %get3A_516 : vector<16xf32>
        %scan3A_518 = arith.constant 3 : i32
        %scan3A_519 = arith.addi %scan3A_426, %scan3A_518 : i32
        %get3A_520 = arith.constant 2 : i32
        %get3A_521 = arith.index_cast %get3A_520 : i32 to index
        %get3A_522 = arith.index_cast %scan3A_519 : i32 to index
        %get3A_523 = arith.constant 0 : index
        %get3A_524 = tpu.vector_load %arg6[%get3A_521, %get3A_522, %get3A_523] {strides = array<i32>} : memref<3x200x64xf32, #tpu.memory_space<vmem>>, vector<1x1x16xf32>,
        %get3A_525 = vector.shape_cast %get3A_524 : vector<1x1x16xf32> to vector<16xf32>
        %add3A_526 = arith.addf %add3A_496, %get3A_525 : vector<16xf32>
        %get3A_527 = arith.constant 2 : i32
        %get3A_528 = arith.index_cast %get3A_527 : i32 to index
        %get3A_529 = arith.index_cast %scan3A_519 : i32 to index
        %get3A_530 = arith.constant 16 : index
        %get3A_531 = tpu.vector_load %arg6[%get3A_528, %get3A_529, %get3A_530] {strides = array<i32>} : memref<3x200x64xf32, #tpu.memory_space<vmem>>, vector<1x1x16xf32>,
        %get3A_532 = vector.shape_cast %get3A_531 : vector<1x1x16xf32> to vector<16xf32>
        %add3A_533 = arith.addf %add3A_503, %get3A_532 : vector<16xf32>
        %get3A_534 = arith.constant 2 : i32
        %get3A_535 = arith.index_cast %get3A_534 : i32 to index
        %get3A_536 = arith.index_cast %scan3A_519 : i32 to index
        %get3A_537 = arith.constant 32 : index
        %get3A_538 = tpu.vector_load %arg6[%get3A_535, %get3A_536, %get3A_537] {strides = array<i32>} : memref<3x200x64xf32, #tpu.memory_space<vmem>>, vector<1x1x16xf32>,
        %get3A_539 = vector.shape_cast %get3A_538 : vector<1x1x16xf32> to vector<16xf32>
        %add3A_540 = arith.addf %add3A_510, %get3A_539 : vector<16xf32>
        %get3A_541 = arith.constant 2 : i32
        %get3A_542 = arith.index_cast %get3A_541 : i32 to index
        %get3A_543 = arith.index_cast %scan3A_519 : i32 to index
        %get3A_544 = arith.constant 48 : index
        %get3A_545 = tpu.vector_load %arg6[%get3A_542, %get3A_543, %get3A_544] {strides = array<i32>} : memref<3x200x64xf32, #tpu.memory_space<vmem>>, vector<1x1x16xf32>,
        %get3A_546 = vector.shape_cast %get3A_545 : vector<1x1x16xf32> to vector<16xf32>
        %add3A_547 = arith.addf %add3A_517, %get3A_546 : vector<16xf32>
        %scan3A_548 = arith.constant 4 : i32
        %scan3A_549 = arith.addi %scan3A_426, %scan3A_548 : i32
        %get3A_550 = arith.constant 2 : i32
        %get3A_551 = arith.index_cast %get3A_550 : i32 to index
        %get3A_552 = arith.index_cast %scan3A_549 : i32 to index
        %get3A_553 = arith.constant 0 : index
        %get3A_554 = tpu.vector_load %arg6[%get3A_551, %get3A_552, %get3A_553] {strides = array<i32>} : memref<3x200x64xf32, #tpu.memory_space<vmem>>, vector<1x1x16xf32>,
        %get3A_555 = vector.shape_cast %get3A_554 : vector<1x1x16xf32> to vector<16xf32>
        %add3A_556 = arith.addf %add3A_526, %get3A_555 : vector<16xf32>
        %get3A_557 = arith.constant 2 : i32
        %get3A_558 = arith.index_cast %get3A_557 : i32 to index
        %get3A_559 = arith.index_cast %scan3A_549 : i32 to index
        %get3A_560 = arith.constant 16 : index
        %get3A_561 = tpu.vector_load %arg6[%get3A_558, %get3A_559, %get3A_560] {strides = array<i32>} : memref<3x200x64xf32, #tpu.memory_space<vmem>>, vector<1x1x16xf32>,
        %get3A_562 = vector.shape_cast %get3A_561 : vector<1x1x16xf32> to vector<16xf32>
        %add3A_563 = arith.addf %add3A_533, %get3A_562 : vector<16xf32>
        %get3A_564 = arith.constant 2 : i32
        %get3A_565 = arith.index_cast %get3A_564 : i32 to index
        %get3A_566 = arith.index_cast %scan3A_549 : i32 to index
        %get3A_567 = arith.constant 32 : index
        %get3A_568 = tpu.vector_load %arg6[%get3A_565, %get3A_566, %get3A_567] {strides = array<i32>} : memref<3x200x64xf32, #tpu.memory_space<vmem>>, vector<1x1x16xf32>,
        %get3A_569 = vector.shape_cast %get3A_568 : vector<1x1x16xf32> to vector<16xf32>
        %add3A_570 = arith.addf %add3A_540, %get3A_569 : vector<16xf32>
        %get3A_571 = arith.constant 2 : i32
        %get3A_572 = arith.index_cast %get3A_571 : i32 to index
        %get3A_573 = arith.index_cast %scan3A_549 : i32 to index
        %get3A_574 = arith.constant 48 : index
        %get3A_575 = tpu.vector_load %arg6[%get3A_572, %get3A_573, %get3A_574] {strides = array<i32>} : memref<3x200x64xf32, #tpu.memory_space<vmem>>, vector<1x1x16xf32>,
        %get3A_576 = vector.shape_cast %get3A_575 : vector<1x1x16xf32> to vector<16xf32>
        %add3A_577 = arith.addf %add3A_547, %get3A_576 : vector<16xf32>
        %scan3A_578 = arith.constant 5 : i32
        %scan3A_579 = arith.addi %scan3A_426, %scan3A_578 : i32
        %get3A_580 = arith.constant 2 : i32
        %get3A_581 = arith.index_cast %get3A_580 : i32 to index
        %get3A_582 = arith.index_cast %scan3A_579 : i32 to index
        %get3A_583 = arith.constant 0 : index
        %get3A_584 = tpu.vector_load %arg6[%get3A_581, %get3A_582, %get3A_583] {strides = array<i32>} : memref<3x200x64xf32, #tpu.memory_space<vmem>>, vector<1x1x16xf32>,
        %get3A_585 = vector.shape_cast %get3A_584 : vector<1x1x16xf32> to vector<16xf32>
        %add3A_586 = arith.addf %add3A_556, %get3A_585 : vector<16xf32>
        %get3A_587 = arith.constant 2 : i32
        %get3A_588 = arith.index_cast %get3A_587 : i32 to index
        %get3A_589 = arith.index_cast %scan3A_579 : i32 to index
        %get3A_590 = arith.constant 16 : index
        %get3A_591 = tpu.vector_load %arg6[%get3A_588, %get3A_589, %get3A_590] {strides = array<i32>} : memref<3x200x64xf32, #tpu.memory_space<vmem>>, vector<1x1x16xf32>,
        %get3A_592 = vector.shape_cast %get3A_591 : vector<1x1x16xf32> to vector<16xf32>
        %add3A_593 = arith.addf %add3A_563, %get3A_592 : vector<16xf32>
        %get3A_594 = arith.constant 2 : i32
        %get3A_595 = arith.index_cast %get3A_594 : i32 to index
        %get3A_596 = arith.index_cast %scan3A_579 : i32 to index
        %get3A_597 = arith.constant 32 : index
        %get3A_598 = tpu.vector_load %arg6[%get3A_595, %get3A_596, %get3A_597] {strides = array<i32>} : memref<3x200x64xf32, #tpu.memory_space<vmem>>, vector<1x1x16xf32>,
        %get3A_599 = vector.shape_cast %get3A_598 : vector<1x1x16xf32> to vector<16xf32>
        %add3A_600 = arith.addf %add3A_570, %get3A_599 : vector<16xf32>
        %get3A_601 = arith.constant 2 : i32
        %get3A_602 = arith.index_cast %get3A_601 : i32 to index
        %get3A_603 = arith.index_cast %scan3A_579 : i32 to index
        %get3A_604 = arith.constant 48 : index
        %get3A_605 = tpu.vector_load %arg6[%get3A_602, %get3A_603, %get3A_604] {strides = array<i32>} : memref<3x200x64xf32, #tpu.memory_space<vmem>>, vector<1x1x16xf32>,
        %get3A_606 = vector.shape_cast %get3A_605 : vector<1x1x16xf32> to vector<16xf32>
        %add3A_607 = arith.addf %add3A_577, %get3A_606 : vector<16xf32>
        %scan3A_608 = arith.constant 6 : i32
        %scan3A_609 = arith.addi %scan3A_426, %scan3A_608 : i32
        %get3A_610 = arith.constant 2 : i32
        %get3A_611 = arith.index_cast %get3A_610 : i32 to index
        %get3A_612 = arith.index_cast %scan3A_609 : i32 to index
        %get3A_613 = arith.constant 0 : index
        %get3A_614 = tpu.vector_load %arg6[%get3A_611, %get3A_612, %get3A_613] {strides = array<i32>} : memref<3x200x64xf32, #tpu.memory_space<vmem>>, vector<1x1x16xf32>,
        %get3A_615 = vector.shape_cast %get3A_614 : vector<1x1x16xf32> to vector<16xf32>
        %add3A_616 = arith.addf %add3A_586, %get3A_615 : vector<16xf32>
        %get3A_617 = arith.constant 2 : i32
        %get3A_618 = arith.index_cast %get3A_617 : i32 to index
        %get3A_619 = arith.index_cast %scan3A_609 : i32 to index
        %get3A_620 = arith.constant 16 : index
        %get3A_621 = tpu.vector_load %arg6[%get3A_618, %get3A_619, %get3A_620] {strides = array<i32>} : memref<3x200x64xf32, #tpu.memory_space<vmem>>, vector<1x1x16xf32>,
        %get3A_622 = vector.shape_cast %get3A_621 : vector<1x1x16xf32> to vector<16xf32>
        %add3A_623 = arith.addf %add3A_593, %get3A_622 : vector<16xf32>
        %get3A_624 = arith.constant 2 : i32
        %get3A_625 = arith.index_cast %get3A_624 : i32 to index
        %get3A_626 = arith.index_cast %scan3A_609 : i32 to index
        %get3A_627 = arith.constant 32 : index
        %get3A_628 = tpu.vector_load %arg6[%get3A_625, %get3A_626, %get3A_627] {strides = array<i32>} : memref<3x200x64xf32, #tpu.memory_space<vmem>>, vector<1x1x16xf32>,
        %get3A_629 = vector.shape_cast %get3A_628 : vector<1x1x16xf32> to vector<16xf32>
        %add3A_630 = arith.addf %add3A_600, %get3A_629 : vector<16xf32>
        %get3A_631 = arith.constant 2 : i32
        %get3A_632 = arith.index_cast %get3A_631 : i32 to index
        %get3A_633 = arith.index_cast %scan3A_609 : i32 to index
        %get3A_634 = arith.constant 48 : index
        %get3A_635 = tpu.vector_load %arg6[%get3A_632, %get3A_633, %get3A_634] {strides = array<i32>} : memref<3x200x64xf32, #tpu.memory_space<vmem>>, vector<1x1x16xf32>,
        %get3A_636 = vector.shape_cast %get3A_635 : vector<1x1x16xf32> to vector<16xf32>
        %add3A_637 = arith.addf %add3A_607, %get3A_636 : vector<16xf32>
        %scan3A_638 = arith.constant 7 : i32
        %scan3A_639 = arith.addi %scan3A_426, %scan3A_638 : i32
        %get3A_640 = arith.constant 2 : i32
        %get3A_641 = arith.index_cast %get3A_640 : i32 to index
        %get3A_642 = arith.index_cast %scan3A_639 : i32 to index
        %get3A_643 = arith.constant 0 : index
        %get3A_644 = tpu.vector_load %arg6[%get3A_641, %get3A_642, %get3A_643] {strides = array<i32>} : memref<3x200x64xf32, #tpu.memory_space<vmem>>, vector<1x1x16xf32>,
        %get3A_645 = vector.shape_cast %get3A_644 : vector<1x1x16xf32> to vector<16xf32>
        %add3A_646 = arith.addf %add3A_616, %get3A_645 : vector<16xf32>
        %get3A_647 = arith.constant 2 : i32
        %get3A_648 = arith.index_cast %get3A_647 : i32 to index
        %get3A_649 = arith.index_cast %scan3A_639 : i32 to index
        %get3A_650 = arith.constant 16 : index
        %get3A_651 = tpu.vector_load %arg6[%get3A_648, %get3A_649, %get3A_650] {strides = array<i32>} : memref<3x200x64xf32, #tpu.memory_space<vmem>>, vector<1x1x16xf32>,
        %get3A_652 = vector.shape_cast %get3A_651 : vector<1x1x16xf32> to vector<16xf32>
        %add3A_653 = arith.addf %add3A_623, %get3A_652 : vector<16xf32>
        %get3A_654 = arith.constant 2 : i32
        %get3A_655 = arith.index_cast %get3A_654 : i32 to index
        %get3A_656 = arith.index_cast %scan3A_639 : i32 to index
        %get3A_657 = arith.constant 32 : index
        %get3A_658 = tpu.vector_load %arg6[%get3A_655, %get3A_656, %get3A_657] {strides = array<i32>} : memref<3x200x64xf32, #tpu.memory_space<vmem>>, vector<1x1x16xf32>,
        %get3A_659 = vector.shape_cast %get3A_658 : vector<1x1x16xf32> to vector<16xf32>
        %add3A_660 = arith.addf %add3A_630, %get3A_659 : vector<16xf32>
        %get3A_661 = arith.constant 2 : i32
        %get3A_662 = arith.index_cast %get3A_661 : i32 to index
        %get3A_663 = arith.index_cast %scan3A_639 : i32 to index
        %get3A_664 = arith.constant 48 : index
        %get3A_665 = tpu.vector_load %arg6[%get3A_662, %get3A_663, %get3A_664] {strides = array<i32>} : memref<3x200x64xf32, #tpu.memory_space<vmem>>, vector<1x1x16xf32>,
        %get3A_666 = vector.shape_cast %get3A_665 : vector<1x1x16xf32> to vector<16xf32>
        %add3A_667 = arith.addf %add3A_637, %get3A_666 : vector<16xf32>
        scf.yield %add3A_646, %add3A_653, %add3A_660, %add3A_667 : vector<16xf32>, vector<16xf32>, vector<16xf32>, vector<16xf32>
      }
      %scan3A_398 = arith.constant 200 : i32
      %swap3A_399 = arith.index_cast %add3A_354 : i32 to index
      %swap3A_400 = arith.constant 0 : index
      %swap3A_401 = tpu.vector_load %arg7[%swap3A_399, %swap3A_400] {strides = array<i32>} : memref<128x64xf32, #tpu.memory_space<vmem>>, vector<1x16xf32>,
      %swap3A_402 = vector.shape_cast %swap3A_401 : vector<1x16xf32> to vector<16xf32>
      %swap3A_403 = vector.shape_cast %scan3A_397#0 : vector<16xf32> to vector<1x16xf32>
      tpu.vector_store %arg7[%swap3A_399, %swap3A_400], %swap3A_403 {strides = array<i32>} : memref<128x64xf32, #tpu.memory_space<vmem>>, vector<1x16xf32>,
      %swap3A_404 = arith.index_cast %add3A_354 : i32 to index
      %swap3A_405 = arith.constant 16 : index
      %swap3A_406 = tpu.vector_load %arg7[%swap3A_404, %swap3A_405] {strides = array<i32>} : memref<128x64xf32, #tpu.memory_space<vmem>>, vector<1x16xf32>,
      %swap3A_407 = vector.shape_cast %swap3A_406 : vector<1x16xf32> to vector<16xf32>
      %swap3A_408 = vector.shape_cast %scan3A_397#1 : vector<16xf32> to vector<1x16xf32>
      tpu.vector_store %arg7[%swap3A_404, %swap3A_405], %swap3A_408 {strides = array<i32>} : memref<128x64xf32, #tpu.memory_space<vmem>>, vector<1x16xf32>,
      %swap3A_409 = arith.index_cast %add3A_354 : i32 to index
      %swap3A_410 = arith.constant 32 : index
      %swap3A_411 = tpu.vector_load %arg7[%swap3A_409, %swap3A_410] {strides = array<i32>} : memref<128x64xf32, #tpu.memory_space<vmem>>, vector<1x16xf32>,
      %swap3A_412 = vector.shape_cast %swap3A_411 : vector<1x16xf32> to vector<16xf32>
      %swap3A_413 = vector.shape_cast %scan3A_397#2 : vector<16xf32> to vector<1x16xf32>
      tpu.vector_store %arg7[%swap3A_409, %swap3A_410], %swap3A_413 {strides = array<i32>} : memref<128x64xf32, #tpu.memory_space<vmem>>, vector<1x16xf32>,
      %swap3A_414 = arith.index_cast %add3A_354 : i32 to index
      %swap3A_415 = arith.constant 48 : index
      %swap3A_416 = tpu.vector_load %arg7[%swap3A_414, %swap3A_415] {strides = array<i32>} : memref<128x64xf32, #tpu.memory_space<vmem>>, vector<1x16xf32>,
      %swap3A_417 = vector.shape_cast %swap3A_416 : vector<1x16xf32> to vector<16xf32>
      %swap3A_418 = vector.shape_cast %scan3A_397#3 : vector<16xf32> to vector<1x16xf32>
      tpu.vector_store %arg7[%swap3A_414, %swap3A_415], %swap3A_418 {strides = array<i32>} : memref<128x64xf32, #tpu.memory_space<vmem>>, vector<1x16xf32>,
      %add3A_419 = arith.constant 3 : i32
      %add3A_420 = arith.addi %add3A_354, %add3A_419 : i32
      %lt3A_421 = arith.constant 128 : i32
      %lt3A_422 = arith.cmpi slt, %add3A_420, %lt3A_421 : i32
      %convert_element_type3A_423 = arith.extui %lt3A_422 : i1 to i32
      %cond3A_424 = arith.constant 0 : i32
      %cond3A_425 = arith.cmpi ne, %convert_element_type3A_423, %cond3A_424 : i32
      scf.if %cond3A_425 {
        %add3A_426 = arith.constant 3 : i32
        %add3A_427 = arith.addi %add3A_354, %add3A_426 : i32
        %mul3A_428 = arith.constant 2 : i32
        %mul3A_429 = arith.muli %mul3A_428, %add3A_427 : i32
        %add3A_430 = arith.constant 0 : i32
        %add3A_431 = arith.addi %mul3A_429, %add3A_430 : i32
        %mul3A_432 = arith.constant 2 : i32
        %mul3A_433 = arith.muli %mul3A_432, %add3A_427 : i32
        %add3A_434 = arith.constant 1 : i32
        %add3A_435 = arith.addi %mul3A_433, %add3A_434 : i32
        %dma_start3A_436 = arith.constant 2 : i32
        %dma_start3A_437 = arith.constant 0 : i32
        %dma_start3A_438 = arith.constant 0 : i32
        %dma_start3A_439 = tpu.memref_slice %arg6[%dma_start3A_436, %dma_start3A_437, %dma_start3A_438] : memref<3x200x64xf32, #tpu.memory_space<vmem>> -> memref<1x100x64xf32, #tpu.memory_space<vmem>>
        %dma_start3A_440 = tpu.memref_squeeze %dma_start3A_439 : memref<1x100x64xf32, #tpu.memory_space<vmem>> -> memref<100x64xf32, #tpu.memory_space<vmem>>
        %dma_start3A_441 = arith.constant 0 : i32
        %dma_start3A_442 = tpu.memref_slice %arg5[%add3A_431, %dma_start3A_441] : memref<256x100xi32, #tpu.memory_space<vmem>> -> memref<1x100xi32, #tpu.memory_space<vmem>>
        %dma_start3A_443 = tpu.memref_squeeze %dma_start3A_442 : memref<1x100xi32, #tpu.memory_space<vmem>> -> memref<100xi32, #tpu.memory_space<vmem>>
        %dma_start3A_444 = arith.constant 0 : i32
        %dma_start3A_445 = arith.constant 0 : i32
        %dma_start3A_446 = tpu.memref_slice %arg3[%dma_start3A_444, %dma_start3A_445] : memref<1000000x64xf32, #tpu.memory_space<hbm>> -> memref<1000000x64xf32, #tpu.memory_space<hbm>>
        tpu.enqueue_indirect_dma source(%dma_start3A_446 : memref<1000000x64xf32, #tpu.memory_space<hbm>>) target(%dma_start3A_440 : memref<100x64xf32, #tpu.memory_space<vmem>>) offsets(%dma_start3A_443 : memref<100xi32, #tpu.memory_space<vmem>>) semaphore(%arg10 : memref<!tpu.dma_semaphore, #tpu.memory_space<semaphore_mem>>)
        %dma_start3A_447 = arith.constant 2 : i32
        %dma_start3A_448 = arith.constant 100 : i32
        %dma_start3A_449 = arith.constant 0 : i32
        %dma_start3A_450 = tpu.memref_slice %arg6[%dma_start3A_447, %dma_start3A_448, %dma_start3A_449] : memref<3x200x64xf32, #tpu.memory_space<vmem>> -> memref<1x100x64xf32, #tpu.memory_space<vmem>>
        %dma_start3A_451 = tpu.memref_squeeze %dma_start3A_450 : memref<1x100x64xf32, #tpu.memory_space<vmem>> -> memref<100x64xf32, #tpu.memory_space<vmem>>
        %dma_start3A_452 = arith.constant 0 : i32
        %dma_start3A_453 = tpu.memref_slice %arg5[%add3A_435, %dma_start3A_452] : memref<256x100xi32, #tpu.memory_space<vmem>> -> memref<1x100xi32, #tpu.memory_space<vmem>>
        %dma_start3A_454 = tpu.memref_squeeze %dma_start3A_453 : memref<1x100xi32, #tpu.memory_space<vmem>> -> memref<100xi32, #tpu.memory_space<vmem>>
        %dma_start3A_455 = arith.constant 0 : i32
        %dma_start3A_456 = arith.constant 0 : i32
        %dma_start3A_457 = tpu.memref_slice %arg3[%dma_start3A_455, %dma_start3A_456] : memref<1000000x64xf32, #tpu.memory_space<hbm>> -> memref<1000000x64xf32, #tpu.memory_space<hbm>>
        tpu.enqueue_indirect_dma source(%dma_start3A_457 : memref<1000000x64xf32, #tpu.memory_space<hbm>>) target(%dma_start3A_451 : memref<100x64xf32, #tpu.memory_space<vmem>>) offsets(%dma_start3A_454 : memref<100xi32, #tpu.memory_space<vmem>>) semaphore(%arg10 : memref<!tpu.dma_semaphore, #tpu.memory_space<semaphore_mem>>)
      } else {
      }
    }
    %scan3A_79 = arith.constant 42 : i32
    %dma_wait3A = arith.constant 252 : i32
    %dma_wait3A_80 = arith.constant 0 : i32
    %dma_wait3A_81 = arith.constant 0 : i32
    %dma_wait3A_82 = arith.constant 0 : i32
    %dma_wait3A_83 = tpu.memref_slice %arg6[%dma_wait3A_80, %dma_wait3A_81, %dma_wait3A_82] : memref<3x200x64xf32, #tpu.memory_space<vmem>> -> memref<1x100x64xf32, #tpu.memory_space<vmem>>
    %dma_wait3A_84 = tpu.memref_squeeze %dma_wait3A_83 : memref<1x100x64xf32, #tpu.memory_space<vmem>> -> memref<100x64xf32, #tpu.memory_space<vmem>>
    %dma_wait3A_85 = arith.constant 0 : i32
    %dma_wait3A_86 = tpu.memref_slice %arg5[%dma_wait3A, %dma_wait3A_85] : memref<256x100xi32, #tpu.memory_space<vmem>> -> memref<1x100xi32, #tpu.memory_space<vmem>>
    %dma_wait3A_87 = tpu.memref_squeeze %dma_wait3A_86 : memref<1x100xi32, #tpu.memory_space<vmem>> -> memref<100xi32, #tpu.memory_space<vmem>>
    %dma_wait3A_88 = arith.constant 0 : i32
    %dma_wait3A_89 = arith.constant 0 : i32
    %dma_wait3A_90 = tpu.memref_slice %arg3[%dma_wait3A_88, %dma_wait3A_89] : memref<1000000x64xf32, #tpu.memory_space<hbm>> -> memref<1000000x64xf32, #tpu.memory_space<hbm>>
    tpu.wait_indirect_dma semaphore(%arg8 : memref<!tpu.dma_semaphore, #tpu.memory_space<semaphore_mem>>) src(%dma_wait3A_90 : memref<1000000x64xf32, #tpu.memory_space<hbm>>) dst(%dma_wait3A_84 : memref<100x64xf32, #tpu.memory_space<vmem>>)
    %dma_wait3A_91 = arith.constant 253 : i32
    %dma_wait3A_92 = arith.constant 0 : i32
    %dma_wait3A_93 = arith.constant 100 : i32
    %dma_wait3A_94 = arith.constant 0 : i32
    %dma_wait3A_95 = tpu.memref_slice %arg6[%dma_wait3A_92, %dma_wait3A_93, %dma_wait3A_94] : memref<3x200x64xf32, #tpu.memory_space<vmem>> -> memref<1x100x64xf32, #tpu.memory_space<vmem>>
    %dma_wait3A_96 = tpu.memref_squeeze %dma_wait3A_95 : memref<1x100x64xf32, #tpu.memory_space<vmem>> -> memref<100x64xf32, #tpu.memory_space<vmem>>
    %dma_wait3A_97 = arith.constant 0 : i32
    %dma_wait3A_98 = tpu.memref_slice %arg5[%dma_wait3A_91, %dma_wait3A_97] : memref<256x100xi32, #tpu.memory_space<vmem>> -> memref<1x100xi32, #tpu.memory_space<vmem>>
    %dma_wait3A_99 = tpu.memref_squeeze %dma_wait3A_98 : memref<1x100xi32, #tpu.memory_space<vmem>> -> memref<100xi32, #tpu.memory_space<vmem>>
    %dma_wait3A_100 = arith.constant 0 : i32
    %dma_wait3A_101 = arith.constant 0 : i32
    %dma_wait3A_102 = tpu.memref_slice %arg3[%dma_wait3A_100, %dma_wait3A_101] : memref<1000000x64xf32, #tpu.memory_space<hbm>> -> memref<1000000x64xf32, #tpu.memory_space<hbm>>
    tpu.wait_indirect_dma semaphore(%arg8 : memref<!tpu.dma_semaphore, #tpu.memory_space<semaphore_mem>>) src(%dma_wait3A_102 : memref<1000000x64xf32, #tpu.memory_space<hbm>>) dst(%dma_wait3A_96 : memref<100x64xf32, #tpu.memory_space<vmem>>)
    %broadcast_in_dim3A = arith.constant 0.000000e+00 : f32
    %broadcast_in_dim3A_103 = vector.broadcast %broadcast_in_dim3A : f32 to vector<16xf32>
    %broadcast_in_dim3A_104 = arith.constant 0.000000e+00 : f32
    %broadcast_in_dim3A_105 = vector.broadcast %broadcast_in_dim3A_104 : f32 to vector<16xf32>
    %broadcast_in_dim3A_106 = arith.constant 0.000000e+00 : f32
    %broadcast_in_dim3A_107 = vector.broadcast %broadcast_in_dim3A_106 : f32 to vector<16xf32>
    %broadcast_in_dim3A_108 = arith.constant 0.000000e+00 : f32
    %broadcast_in_dim3A_109 = vector.broadcast %broadcast_in_dim3A_108 : f32 to vector<16xf32>
    %scan3A_110 = arith.constant 0 : i32
    %scan3A_111 = arith.constant 200 : i32
    %scan3A_112 = arith.addi %scan3A_110, %scan3A_111 : i32
    %scan3A_113 = arith.constant 8 : i32
    %scan3A_114:4 = scf.for %scan3A_203 = %scan3A_110 to %scan3A_112 step %scan3A_113 iter_args(%scan3A_204 = %broadcast_in_dim3A_103, %scan3A_205 = %broadcast_in_dim3A_105, %scan3A_206 = %broadcast_in_dim3A_107, %scan3A_207 = %broadcast_in_dim3A_109) -> (vector<16xf32>, vector<16xf32>, vector<16xf32>, vector<16xf32>)  : i32 {
      %get3A = arith.constant 0 : i32
      %get3A_208 = arith.index_cast %get3A : i32 to index
      %get3A_209 = arith.index_cast %scan3A_203 : i32 to index
      %get3A_210 = arith.constant 0 : index
      %get3A_211 = tpu.vector_load %arg6[%get3A_208, %get3A_209, %get3A_210] {strides = array<i32>} : memref<3x200x64xf32, #tpu.memory_space<vmem>>, vector<1x1x16xf32>,
      %get3A_212 = vector.shape_cast %get3A_211 : vector<1x1x16xf32> to vector<16xf32>
      %add3A_213 = arith.addf %scan3A_204, %get3A_212 : vector<16xf32>
      %get3A_214 = arith.constant 0 : i32
      %get3A_215 = arith.index_cast %get3A_214 : i32 to index
      %get3A_216 = arith.index_cast %scan3A_203 : i32 to index
      %get3A_217 = arith.constant 16 : index
      %get3A_218 = tpu.vector_load %arg6[%get3A_215, %get3A_216, %get3A_217] {strides = array<i32>} : memref<3x200x64xf32, #tpu.memory_space<vmem>>, vector<1x1x16xf32>,
      %get3A_219 = vector.shape_cast %get3A_218 : vector<1x1x16xf32> to vector<16xf32>
      %add3A_220 = arith.addf %scan3A_205, %get3A_219 : vector<16xf32>
      %get3A_221 = arith.constant 0 : i32
      %get3A_222 = arith.index_cast %get3A_221 : i32 to index
      %get3A_223 = arith.index_cast %scan3A_203 : i32 to index
      %get3A_224 = arith.constant 32 : index
      %get3A_225 = tpu.vector_load %arg6[%get3A_222, %get3A_223, %get3A_224] {strides = array<i32>} : memref<3x200x64xf32, #tpu.memory_space<vmem>>, vector<1x1x16xf32>,
      %get3A_226 = vector.shape_cast %get3A_225 : vector<1x1x16xf32> to vector<16xf32>
      %add3A_227 = arith.addf %scan3A_206, %get3A_226 : vector<16xf32>
      %get3A_228 = arith.constant 0 : i32
      %get3A_229 = arith.index_cast %get3A_228 : i32 to index
      %get3A_230 = arith.index_cast %scan3A_203 : i32 to index
      %get3A_231 = arith.constant 48 : index
      %get3A_232 = tpu.vector_load %arg6[%get3A_229, %get3A_230, %get3A_231] {strides = array<i32>} : memref<3x200x64xf32, #tpu.memory_space<vmem>>, vector<1x1x16xf32>,
      %get3A_233 = vector.shape_cast %get3A_232 : vector<1x1x16xf32> to vector<16xf32>
      %add3A_234 = arith.addf %scan3A_207, %get3A_233 : vector<16xf32>
      %scan3A_235 = arith.constant 1 : i32
      %scan3A_236 = arith.addi %scan3A_203, %scan3A_235 : i32
      %get3A_237 = arith.constant 0 : i32
      %get3A_238 = arith.index_cast %get3A_237 : i32 to index
      %get3A_239 = arith.index_cast %scan3A_236 : i32 to index
      %get3A_240 = arith.constant 0 : index
      %get3A_241 = tpu.vector_load %arg6[%get3A_238, %get3A_239, %get3A_240] {strides = array<i32>} : memref<3x200x64xf32, #tpu.memory_space<vmem>>, vector<1x1x16xf32>,
      %get3A_242 = vector.shape_cast %get3A_241 : vector<1x1x16xf32> to vector<16xf32>
      %add3A_243 = arith.addf %add3A_213, %get3A_242 : vector<16xf32>
      %get3A_244 = arith.constant 0 : i32
      %get3A_245 = arith.index_cast %get3A_244 : i32 to index
      %get3A_246 = arith.index_cast %scan3A_236 : i32 to index
      %get3A_247 = arith.constant 16 : index
      %get3A_248 = tpu.vector_load %arg6[%get3A_245, %get3A_246, %get3A_247] {strides = array<i32>} : memref<3x200x64xf32, #tpu.memory_space<vmem>>, vector<1x1x16xf32>,
      %get3A_249 = vector.shape_cast %get3A_248 : vector<1x1x16xf32> to vector<16xf32>
      %add3A_250 = arith.addf %add3A_220, %get3A_249 : vector<16xf32>
      %get3A_251 = arith.constant 0 : i32
      %get3A_252 = arith.index_cast %get3A_251 : i32 to index
      %get3A_253 = arith.index_cast %scan3A_236 : i32 to index
      %get3A_254 = arith.constant 32 : index
      %get3A_255 = tpu.vector_load %arg6[%get3A_252, %get3A_253, %get3A_254] {strides = array<i32>} : memref<3x200x64xf32, #tpu.memory_space<vmem>>, vector<1x1x16xf32>,
      %get3A_256 = vector.shape_cast %get3A_255 : vector<1x1x16xf32> to vector<16xf32>
      %add3A_257 = arith.addf %add3A_227, %get3A_256 : vector<16xf32>
      %get3A_258 = arith.constant 0 : i32
      %get3A_259 = arith.index_cast %get3A_258 : i32 to index
      %get3A_260 = arith.index_cast %scan3A_236 : i32 to index
      %get3A_261 = arith.constant 48 : index
      %get3A_262 = tpu.vector_load %arg6[%get3A_259, %get3A_260, %get3A_261] {strides = array<i32>} : memref<3x200x64xf32, #tpu.memory_space<vmem>>, vector<1x1x16xf32>,
      %get3A_263 = vector.shape_cast %get3A_262 : vector<1x1x16xf32> to vector<16xf32>
      %add3A_264 = arith.addf %add3A_234, %get3A_263 : vector<16xf32>
      %scan3A_265 = arith.constant 2 : i32
      %scan3A_266 = arith.addi %scan3A_203, %scan3A_265 : i32
      %get3A_267 = arith.constant 0 : i32
      %get3A_268 = arith.index_cast %get3A_267 : i32 to index
      %get3A_269 = arith.index_cast %scan3A_266 : i32 to index
      %get3A_270 = arith.constant 0 : index
      %get3A_271 = tpu.vector_load %arg6[%get3A_268, %get3A_269, %get3A_270] {strides = array<i32>} : memref<3x200x64xf32, #tpu.memory_space<vmem>>, vector<1x1x16xf32>,
      %get3A_272 = vector.shape_cast %get3A_271 : vector<1x1x16xf32> to vector<16xf32>
      %add3A_273 = arith.addf %add3A_243, %get3A_272 : vector<16xf32>
      %get3A_274 = arith.constant 0 : i32
      %get3A_275 = arith.index_cast %get3A_274 : i32 to index
      %get3A_276 = arith.index_cast %scan3A_266 : i32 to index
      %get3A_277 = arith.constant 16 : index
      %get3A_278 = tpu.vector_load %arg6[%get3A_275, %get3A_276, %get3A_277] {strides = array<i32>} : memref<3x200x64xf32, #tpu.memory_space<vmem>>, vector<1x1x16xf32>,
      %get3A_279 = vector.shape_cast %get3A_278 : vector<1x1x16xf32> to vector<16xf32>
      %add3A_280 = arith.addf %add3A_250, %get3A_279 : vector<16xf32>
      %get3A_281 = arith.constant 0 : i32
      %get3A_282 = arith.index_cast %get3A_281 : i32 to index
      %get3A_283 = arith.index_cast %scan3A_266 : i32 to index
      %get3A_284 = arith.constant 32 : index
      %get3A_285 = tpu.vector_load %arg6[%get3A_282, %get3A_283, %get3A_284] {strides = array<i32>} : memref<3x200x64xf32, #tpu.memory_space<vmem>>, vector<1x1x16xf32>,
      %get3A_286 = vector.shape_cast %get3A_285 : vector<1x1x16xf32> to vector<16xf32>
      %add3A_287 = arith.addf %add3A_257, %get3A_286 : vector<16xf32>
      %get3A_288 = arith.constant 0 : i32
      %get3A_289 = arith.index_cast %get3A_288 : i32 to index
      %get3A_290 = arith.index_cast %scan3A_266 : i32 to index
      %get3A_291 = arith.constant 48 : index
      %get3A_292 = tpu.vector_load %arg6[%get3A_289, %get3A_290, %get3A_291] {strides = array<i32>} : memref<3x200x64xf32, #tpu.memory_space<vmem>>, vector<1x1x16xf32>,
      %get3A_293 = vector.shape_cast %get3A_292 : vector<1x1x16xf32> to vector<16xf32>
      %add3A_294 = arith.addf %add3A_264, %get3A_293 : vector<16xf32>
      %scan3A_295 = arith.constant 3 : i32
      %scan3A_296 = arith.addi %scan3A_203, %scan3A_295 : i32
      %get3A_297 = arith.constant 0 : i32
      %get3A_298 = arith.index_cast %get3A_297 : i32 to index
      %get3A_299 = arith.index_cast %scan3A_296 : i32 to index
      %get3A_300 = arith.constant 0 : index
      %get3A_301 = tpu.vector_load %arg6[%get3A_298, %get3A_299, %get3A_300] {strides = array<i32>} : memref<3x200x64xf32, #tpu.memory_space<vmem>>, vector<1x1x16xf32>,
      %get3A_302 = vector.shape_cast %get3A_301 : vector<1x1x16xf32> to vector<16xf32>
      %add3A_303 = arith.addf %add3A_273, %get3A_302 : vector<16xf32>
      %get3A_304 = arith.constant 0 : i32
      %get3A_305 = arith.index_cast %get3A_304 : i32 to index
      %get3A_306 = arith.index_cast %scan3A_296 : i32 to index
      %get3A_307 = arith.constant 16 : index
      %get3A_308 = tpu.vector_load %arg6[%get3A_305, %get3A_306, %get3A_307] {strides = array<i32>} : memref<3x200x64xf32, #tpu.memory_space<vmem>>, vector<1x1x16xf32>,
      %get3A_309 = vector.shape_cast %get3A_308 : vector<1x1x16xf32> to vector<16xf32>
      %add3A_310 = arith.addf %add3A_280, %get3A_309 : vector<16xf32>
      %get3A_311 = arith.constant 0 : i32
      %get3A_312 = arith.index_cast %get3A_311 : i32 to index
      %get3A_313 = arith.index_cast %scan3A_296 : i32 to index
      %get3A_314 = arith.constant 32 : index
      %get3A_315 = tpu.vector_load %arg6[%get3A_312, %get3A_313, %get3A_314] {strides = array<i32>} : memref<3x200x64xf32, #tpu.memory_space<vmem>>, vector<1x1x16xf32>,
      %get3A_316 = vector.shape_cast %get3A_315 : vector<1x1x16xf32> to vector<16xf32>
      %add3A_317 = arith.addf %add3A_287, %get3A_316 : vector<16xf32>
      %get3A_318 = arith.constant 0 : i32
      %get3A_319 = arith.index_cast %get3A_318 : i32 to index
      %get3A_320 = arith.index_cast %scan3A_296 : i32 to index
      %get3A_321 = arith.constant 48 : index
      %get3A_322 = tpu.vector_load %arg6[%get3A_319, %get3A_320, %get3A_321] {strides = array<i32>} : memref<3x200x64xf32, #tpu.memory_space<vmem>>, vector<1x1x16xf32>,
      %get3A_323 = vector.shape_cast %get3A_322 : vector<1x1x16xf32> to vector<16xf32>
      %add3A_324 = arith.addf %add3A_294, %get3A_323 : vector<16xf32>
      %scan3A_325 = arith.constant 4 : i32
      %scan3A_326 = arith.addi %scan3A_203, %scan3A_325 : i32
      %get3A_327 = arith.constant 0 : i32
      %get3A_328 = arith.index_cast %get3A_327 : i32 to index
      %get3A_329 = arith.index_cast %scan3A_326 : i32 to index
      %get3A_330 = arith.constant 0 : index
      %get3A_331 = tpu.vector_load %arg6[%get3A_328, %get3A_329, %get3A_330] {strides = array<i32>} : memref<3x200x64xf32, #tpu.memory_space<vmem>>, vector<1x1x16xf32>,
      %get3A_332 = vector.shape_cast %get3A_331 : vector<1x1x16xf32> to vector<16xf32>
      %add3A_333 = arith.addf %add3A_303, %get3A_332 : vector<16xf32>
      %get3A_334 = arith.constant 0 : i32
      %get3A_335 = arith.index_cast %get3A_334 : i32 to index
      %get3A_336 = arith.index_cast %scan3A_326 : i32 to index
      %get3A_337 = arith.constant 16 : index
      %get3A_338 = tpu.vector_load %arg6[%get3A_335, %get3A_336, %get3A_337] {strides = array<i32>} : memref<3x200x64xf32, #tpu.memory_space<vmem>>, vector<1x1x16xf32>,
      %get3A_339 = vector.shape_cast %get3A_338 : vector<1x1x16xf32> to vector<16xf32>
      %add3A_340 = arith.addf %add3A_310, %get3A_339 : vector<16xf32>
      %get3A_341 = arith.constant 0 : i32
      %get3A_342 = arith.index_cast %get3A_341 : i32 to index
      %get3A_343 = arith.index_cast %scan3A_326 : i32 to index
      %get3A_344 = arith.constant 32 : index
      %get3A_345 = tpu.vector_load %arg6[%get3A_342, %get3A_343, %get3A_344] {strides = array<i32>} : memref<3x200x64xf32, #tpu.memory_space<vmem>>, vector<1x1x16xf32>,
      %get3A_346 = vector.shape_cast %get3A_345 : vector<1x1x16xf32> to vector<16xf32>
      %add3A_347 = arith.addf %add3A_317, %get3A_346 : vector<16xf32>
      %get3A_348 = arith.constant 0 : i32
      %get3A_349 = arith.index_cast %get3A_348 : i32 to index
      %get3A_350 = arith.index_cast %scan3A_326 : i32 to index
      %get3A_351 = arith.constant 48 : index
      %get3A_352 = tpu.vector_load %arg6[%get3A_349, %get3A_350, %get3A_351] {strides = array<i32>} : memref<3x200x64xf32, #tpu.memory_space<vmem>>, vector<1x1x16xf32>,
      %get3A_353 = vector.shape_cast %get3A_352 : vector<1x1x16xf32> to vector<16xf32>
      %add3A_354 = arith.addf %add3A_324, %get3A_353 : vector<16xf32>
      %scan3A_355 = arith.constant 5 : i32
      %scan3A_356 = arith.addi %scan3A_203, %scan3A_355 : i32
      %get3A_357 = arith.constant 0 : i32
      %get3A_358 = arith.index_cast %get3A_357 : i32 to index
      %get3A_359 = arith.index_cast %scan3A_356 : i32 to index
      %get3A_360 = arith.constant 0 : index
      %get3A_361 = tpu.vector_load %arg6[%get3A_358, %get3A_359, %get3A_360] {strides = array<i32>} : memref<3x200x64xf32, #tpu.memory_space<vmem>>, vector<1x1x16xf32>,
      %get3A_362 = vector.shape_cast %get3A_361 : vector<1x1x16xf32> to vector<16xf32>
      %add3A_363 = arith.addf %add3A_333, %get3A_362 : vector<16xf32>
      %get3A_364 = arith.constant 0 : i32
      %get3A_365 = arith.index_cast %get3A_364 : i32 to index
      %get3A_366 = arith.index_cast %scan3A_356 : i32 to index
      %get3A_367 = arith.constant 16 : index
      %get3A_368 = tpu.vector_load %arg6[%get3A_365, %get3A_366, %get3A_367] {strides = array<i32>} : memref<3x200x64xf32, #tpu.memory_space<vmem>>, vector<1x1x16xf32>,
      %get3A_369 = vector.shape_cast %get3A_368 : vector<1x1x16xf32> to vector<16xf32>
      %add3A_370 = arith.addf %add3A_340, %get3A_369 : vector<16xf32>
      %get3A_371 = arith.constant 0 : i32
      %get3A_372 = arith.index_cast %get3A_371 : i32 to index
      %get3A_373 = arith.index_cast %scan3A_356 : i32 to index
      %get3A_374 = arith.constant 32 : index
      %get3A_375 = tpu.vector_load %arg6[%get3A_372, %get3A_373, %get3A_374] {strides = array<i32>} : memref<3x200x64xf32, #tpu.memory_space<vmem>>, vector<1x1x16xf32>,
      %get3A_376 = vector.shape_cast %get3A_375 : vector<1x1x16xf32> to vector<16xf32>
      %add3A_377 = arith.addf %add3A_347, %get3A_376 : vector<16xf32>
      %get3A_378 = arith.constant 0 : i32
      %get3A_379 = arith.index_cast %get3A_378 : i32 to index
      %get3A_380 = arith.index_cast %scan3A_356 : i32 to index
      %get3A_381 = arith.constant 48 : index
      %get3A_382 = tpu.vector_load %arg6[%get3A_379, %get3A_380, %get3A_381] {strides = array<i32>} : memref<3x200x64xf32, #tpu.memory_space<vmem>>, vector<1x1x16xf32>,
      %get3A_383 = vector.shape_cast %get3A_382 : vector<1x1x16xf32> to vector<16xf32>
      %add3A_384 = arith.addf %add3A_354, %get3A_383 : vector<16xf32>
      %scan3A_385 = arith.constant 6 : i32
      %scan3A_386 = arith.addi %scan3A_203, %scan3A_385 : i32
      %get3A_387 = arith.constant 0 : i32
      %get3A_388 = arith.index_cast %get3A_387 : i32 to index
      %get3A_389 = arith.index_cast %scan3A_386 : i32 to index
      %get3A_390 = arith.constant 0 : index
      %get3A_391 = tpu.vector_load %arg6[%get3A_388, %get3A_389, %get3A_390] {strides = array<i32>} : memref<3x200x64xf32, #tpu.memory_space<vmem>>, vector<1x1x16xf32>,
      %get3A_392 = vector.shape_cast %get3A_391 : vector<1x1x16xf32> to vector<16xf32>
      %add3A_393 = arith.addf %add3A_363, %get3A_392 : vector<16xf32>
      %get3A_394 = arith.constant 0 : i32
      %get3A_395 = arith.index_cast %get3A_394 : i32 to index
      %get3A_396 = arith.index_cast %scan3A_386 : i32 to index
      %get3A_397 = arith.constant 16 : index
      %get3A_398 = tpu.vector_load %arg6[%get3A_395, %get3A_396, %get3A_397] {strides = array<i32>} : memref<3x200x64xf32, #tpu.memory_space<vmem>>, vector<1x1x16xf32>,
      %get3A_399 = vector.shape_cast %get3A_398 : vector<1x1x16xf32> to vector<16xf32>
      %add3A_400 = arith.addf %add3A_370, %get3A_399 : vector<16xf32>
      %get3A_401 = arith.constant 0 : i32
      %get3A_402 = arith.index_cast %get3A_401 : i32 to index
      %get3A_403 = arith.index_cast %scan3A_386 : i32 to index
      %get3A_404 = arith.constant 32 : index
      %get3A_405 = tpu.vector_load %arg6[%get3A_402, %get3A_403, %get3A_404] {strides = array<i32>} : memref<3x200x64xf32, #tpu.memory_space<vmem>>, vector<1x1x16xf32>,
      %get3A_406 = vector.shape_cast %get3A_405 : vector<1x1x16xf32> to vector<16xf32>
      %add3A_407 = arith.addf %add3A_377, %get3A_406 : vector<16xf32>
      %get3A_408 = arith.constant 0 : i32
      %get3A_409 = arith.index_cast %get3A_408 : i32 to index
      %get3A_410 = arith.index_cast %scan3A_386 : i32 to index
      %get3A_411 = arith.constant 48 : index
      %get3A_412 = tpu.vector_load %arg6[%get3A_409, %get3A_410, %get3A_411] {strides = array<i32>} : memref<3x200x64xf32, #tpu.memory_space<vmem>>, vector<1x1x16xf32>,
      %get3A_413 = vector.shape_cast %get3A_412 : vector<1x1x16xf32> to vector<16xf32>
      %add3A_414 = arith.addf %add3A_384, %get3A_413 : vector<16xf32>
      %scan3A_415 = arith.constant 7 : i32
      %scan3A_416 = arith.addi %scan3A_203, %scan3A_415 : i32
      %get3A_417 = arith.constant 0 : i32
      %get3A_418 = arith.index_cast %get3A_417 : i32 to index
      %get3A_419 = arith.index_cast %scan3A_416 : i32 to index
      %get3A_420 = arith.constant 0 : index
      %get3A_421 = tpu.vector_load %arg6[%get3A_418, %get3A_419, %get3A_420] {strides = array<i32>} : memref<3x200x64xf32, #tpu.memory_space<vmem>>, vector<1x1x16xf32>,
      %get3A_422 = vector.shape_cast %get3A_421 : vector<1x1x16xf32> to vector<16xf32>
      %add3A_423 = arith.addf %add3A_393, %get3A_422 : vector<16xf32>
      %get3A_424 = arith.constant 0 : i32
      %get3A_425 = arith.index_cast %get3A_424 : i32 to index
      %get3A_426 = arith.index_cast %scan3A_416 : i32 to index
      %get3A_427 = arith.constant 16 : index
      %get3A_428 = tpu.vector_load %arg6[%get3A_425, %get3A_426, %get3A_427] {strides = array<i32>} : memref<3x200x64xf32, #tpu.memory_space<vmem>>, vector<1x1x16xf32>,
      %get3A_429 = vector.shape_cast %get3A_428 : vector<1x1x16xf32> to vector<16xf32>
      %add3A_430 = arith.addf %add3A_400, %get3A_429 : vector<16xf32>
      %get3A_431 = arith.constant 0 : i32
      %get3A_432 = arith.index_cast %get3A_431 : i32 to index
      %get3A_433 = arith.index_cast %scan3A_416 : i32 to index
      %get3A_434 = arith.constant 32 : index
      %get3A_435 = tpu.vector_load %arg6[%get3A_432, %get3A_433, %get3A_434] {strides = array<i32>} : memref<3x200x64xf32, #tpu.memory_space<vmem>>, vector<1x1x16xf32>,
      %get3A_436 = vector.shape_cast %get3A_435 : vector<1x1x16xf32> to vector<16xf32>
      %add3A_437 = arith.addf %add3A_407, %get3A_436 : vector<16xf32>
      %get3A_438 = arith.constant 0 : i32
      %get3A_439 = arith.index_cast %get3A_438 : i32 to index
      %get3A_440 = arith.index_cast %scan3A_416 : i32 to index
      %get3A_441 = arith.constant 48 : index
      %get3A_442 = tpu.vector_load %arg6[%get3A_439, %get3A_440, %get3A_441] {strides = array<i32>} : memref<3x200x64xf32, #tpu.memory_space<vmem>>, vector<1x1x16xf32>,
      %get3A_443 = vector.shape_cast %get3A_442 : vector<1x1x16xf32> to vector<16xf32>
      %add3A_444 = arith.addf %add3A_414, %get3A_443 : vector<16xf32>
      scf.yield %add3A_423, %add3A_430, %add3A_437, %add3A_444 : vector<16xf32>, vector<16xf32>, vector<16xf32>, vector<16xf32>
    }
    %scan3A_115 = arith.constant 200 : i32
    %swap3A = arith.constant 126 : i32
    %swap3A_116 = arith.index_cast %swap3A : i32 to index
    %swap3A_117 = arith.constant 0 : index
    %swap3A_118 = tpu.vector_load %arg7[%swap3A_116, %swap3A_117] {strides = array<i32>} : memref<128x64xf32, #tpu.memory_space<vmem>>, vector<1x16xf32>,
    %swap3A_119 = vector.shape_cast %swap3A_118 : vector<1x16xf32> to vector<16xf32>
    %swap3A_120 = vector.shape_cast %scan3A_114#0 : vector<16xf32> to vector<1x16xf32>
    tpu.vector_store %arg7[%swap3A_116, %swap3A_117], %swap3A_120 {strides = array<i32>} : memref<128x64xf32, #tpu.memory_space<vmem>>, vector<1x16xf32>,
    %swap3A_121 = arith.constant 126 : i32
    %swap3A_122 = arith.index_cast %swap3A_121 : i32 to index
    %swap3A_123 = arith.constant 16 : index
    %swap3A_124 = tpu.vector_load %arg7[%swap3A_122, %swap3A_123] {strides = array<i32>} : memref<128x64xf32, #tpu.memory_space<vmem>>, vector<1x16xf32>,
    %swap3A_125 = vector.shape_cast %swap3A_124 : vector<1x16xf32> to vector<16xf32>
    %swap3A_126 = vector.shape_cast %scan3A_114#1 : vector<16xf32> to vector<1x16xf32>
    tpu.vector_store %arg7[%swap3A_122, %swap3A_123], %swap3A_126 {strides = array<i32>} : memref<128x64xf32, #tpu.memory_space<vmem>>, vector<1x16xf32>,
    %swap3A_127 = arith.constant 126 : i32
    %swap3A_128 = arith.index_cast %swap3A_127 : i32 to index
    %swap3A_129 = arith.constant 32 : index
    %swap3A_130 = tpu.vector_load %arg7[%swap3A_128, %swap3A_129] {strides = array<i32>} : memref<128x64xf32, #tpu.memory_space<vmem>>, vector<1x16xf32>,
    %swap3A_131 = vector.shape_cast %swap3A_130 : vector<1x16xf32> to vector<16xf32>
    %swap3A_132 = vector.shape_cast %scan3A_114#2 : vector<16xf32> to vector<1x16xf32>
    tpu.vector_store %arg7[%swap3A_128, %swap3A_129], %swap3A_132 {strides = array<i32>} : memref<128x64xf32, #tpu.memory_space<vmem>>, vector<1x16xf32>,
    %swap3A_133 = arith.constant 126 : i32
    %swap3A_134 = arith.index_cast %swap3A_133 : i32 to index
    %swap3A_135 = arith.constant 48 : index
    %swap3A_136 = tpu.vector_load %arg7[%swap3A_134, %swap3A_135] {strides = array<i32>} : memref<128x64xf32, #tpu.memory_space<vmem>>, vector<1x16xf32>,
    %swap3A_137 = vector.shape_cast %swap3A_136 : vector<1x16xf32> to vector<16xf32>
    %swap3A_138 = vector.shape_cast %scan3A_114#3 : vector<16xf32> to vector<1x16xf32>
    tpu.vector_store %arg7[%swap3A_134, %swap3A_135], %swap3A_138 {strides = array<i32>} : memref<128x64xf32, #tpu.memory_space<vmem>>, vector<1x16xf32>,
    %dma_wait3A_139 = arith.constant 254 : i32
    %dma_wait3A_140 = arith.constant 1 : i32
    %dma_wait3A_141 = arith.constant 0 : i32
    %dma_wait3A_142 = arith.constant 0 : i32
    %dma_wait3A_143 = tpu.memref_slice %arg6[%dma_wait3A_140, %dma_wait3A_141, %dma_wait3A_142] : memref<3x200x64xf32, #tpu.memory_space<vmem>> -> memref<1x100x64xf32, #tpu.memory_space<vmem>>
    %dma_wait3A_144 = tpu.memref_squeeze %dma_wait3A_143 : memref<1x100x64xf32, #tpu.memory_space<vmem>> -> memref<100x64xf32, #tpu.memory_space<vmem>>
    %dma_wait3A_145 = arith.constant 0 : i32
    %dma_wait3A_146 = tpu.memref_slice %arg5[%dma_wait3A_139, %dma_wait3A_145] : memref<256x100xi32, #tpu.memory_space<vmem>> -> memref<1x100xi32, #tpu.memory_space<vmem>>
    %dma_wait3A_147 = tpu.memref_squeeze %dma_wait3A_146 : memref<1x100xi32, #tpu.memory_space<vmem>> -> memref<100xi32, #tpu.memory_space<vmem>>
    %dma_wait3A_148 = arith.constant 0 : i32
    %dma_wait3A_149 = arith.constant 0 : i32
    %dma_wait3A_150 = tpu.memref_slice %arg3[%dma_wait3A_148, %dma_wait3A_149] : memref<1000000x64xf32, #tpu.memory_space<hbm>> -> memref<1000000x64xf32, #tpu.memory_space<hbm>>
    tpu.wait_indirect_dma semaphore(%arg9 : memref<!tpu.dma_semaphore, #tpu.memory_space<semaphore_mem>>) src(%dma_wait3A_150 : memref<1000000x64xf32, #tpu.memory_space<hbm>>) dst(%dma_wait3A_144 : memref<100x64xf32, #tpu.memory_space<vmem>>)
    %dma_wait3A_151 = arith.constant 255 : i32
    %dma_wait3A_152 = arith.constant 1 : i32
    %dma_wait3A_153 = arith.constant 100 : i32
    %dma_wait3A_154 = arith.constant 0 : i32
    %dma_wait3A_155 = tpu.memref_slice %arg6[%dma_wait3A_152, %dma_wait3A_153, %dma_wait3A_154] : memref<3x200x64xf32, #tpu.memory_space<vmem>> -> memref<1x100x64xf32, #tpu.memory_space<vmem>>
    %dma_wait3A_156 = tpu.memref_squeeze %dma_wait3A_155 : memref<1x100x64xf32, #tpu.memory_space<vmem>> -> memref<100x64xf32, #tpu.memory_space<vmem>>
    %dma_wait3A_157 = arith.constant 0 : i32
    %dma_wait3A_158 = tpu.memref_slice %arg5[%dma_wait3A_151, %dma_wait3A_157] : memref<256x100xi32, #tpu.memory_space<vmem>> -> memref<1x100xi32, #tpu.memory_space<vmem>>
    %dma_wait3A_159 = tpu.memref_squeeze %dma_wait3A_158 : memref<1x100xi32, #tpu.memory_space<vmem>> -> memref<100xi32, #tpu.memory_space<vmem>>
    %dma_wait3A_160 = arith.constant 0 : i32
    %dma_wait3A_161 = arith.constant 0 : i32
    %dma_wait3A_162 = tpu.memref_slice %arg3[%dma_wait3A_160, %dma_wait3A_161] : memref<1000000x64xf32, #tpu.memory_space<hbm>> -> memref<1000000x64xf32, #tpu.memory_space<hbm>>
    tpu.wait_indirect_dma semaphore(%arg9 : memref<!tpu.dma_semaphore, #tpu.memory_space<semaphore_mem>>) src(%dma_wait3A_162 : memref<1000000x64xf32, #tpu.memory_space<hbm>>) dst(%dma_wait3A_156 : memref<100x64xf32, #tpu.memory_space<vmem>>)
    %broadcast_in_dim3A_163 = arith.constant 0.000000e+00 : f32
    %broadcast_in_dim3A_164 = vector.broadcast %broadcast_in_dim3A_163 : f32 to vector<16xf32>
    %broadcast_in_dim3A_165 = arith.constant 0.000000e+00 : f32
    %broadcast_in_dim3A_166 = vector.broadcast %broadcast_in_dim3A_165 : f32 to vector<16xf32>
    %broadcast_in_dim3A_167 = arith.constant 0.000000e+00 : f32
    %broadcast_in_dim3A_168 = vector.broadcast %broadcast_in_dim3A_167 : f32 to vector<16xf32>
    %broadcast_in_dim3A_169 = arith.constant 0.000000e+00 : f32
    %broadcast_in_dim3A_170 = vector.broadcast %broadcast_in_dim3A_169 : f32 to vector<16xf32>
    %scan3A_171 = arith.constant 0 : i32
    %scan3A_172 = arith.constant 200 : i32
    %scan3A_173 = arith.addi %scan3A_171, %scan3A_172 : i32
    %scan3A_174 = arith.constant 8 : i32
    %scan3A_175:4 = scf.for %scan3A_203 = %scan3A_171 to %scan3A_173 step %scan3A_174 iter_args(%scan3A_204 = %broadcast_in_dim3A_164, %scan3A_205 = %broadcast_in_dim3A_166, %scan3A_206 = %broadcast_in_dim3A_168, %scan3A_207 = %broadcast_in_dim3A_170) -> (vector<16xf32>, vector<16xf32>, vector<16xf32>, vector<16xf32>)  : i32 {
      %get3A = arith.constant 1 : i32
      %get3A_208 = arith.index_cast %get3A : i32 to index
      %get3A_209 = arith.index_cast %scan3A_203 : i32 to index
      %get3A_210 = arith.constant 0 : index
      %get3A_211 = tpu.vector_load %arg6[%get3A_208, %get3A_209, %get3A_210] {strides = array<i32>} : memref<3x200x64xf32, #tpu.memory_space<vmem>>, vector<1x1x16xf32>,
      %get3A_212 = vector.shape_cast %get3A_211 : vector<1x1x16xf32> to vector<16xf32>
      %add3A_213 = arith.addf %scan3A_204, %get3A_212 : vector<16xf32>
      %get3A_214 = arith.constant 1 : i32
      %get3A_215 = arith.index_cast %get3A_214 : i32 to index
      %get3A_216 = arith.index_cast %scan3A_203 : i32 to index
      %get3A_217 = arith.constant 16 : index
      %get3A_218 = tpu.vector_load %arg6[%get3A_215, %get3A_216, %get3A_217] {strides = array<i32>} : memref<3x200x64xf32, #tpu.memory_space<vmem>>, vector<1x1x16xf32>,
      %get3A_219 = vector.shape_cast %get3A_218 : vector<1x1x16xf32> to vector<16xf32>
      %add3A_220 = arith.addf %scan3A_205, %get3A_219 : vector<16xf32>
      %get3A_221 = arith.constant 1 : i32
      %get3A_222 = arith.index_cast %get3A_221 : i32 to index
      %get3A_223 = arith.index_cast %scan3A_203 : i32 to index
      %get3A_224 = arith.constant 32 : index
      %get3A_225 = tpu.vector_load %arg6[%get3A_222, %get3A_223, %get3A_224] {strides = array<i32>} : memref<3x200x64xf32, #tpu.memory_space<vmem>>, vector<1x1x16xf32>,
      %get3A_226 = vector.shape_cast %get3A_225 : vector<1x1x16xf32> to vector<16xf32>
      %add3A_227 = arith.addf %scan3A_206, %get3A_226 : vector<16xf32>
      %get3A_228 = arith.constant 1 : i32
      %get3A_229 = arith.index_cast %get3A_228 : i32 to index
      %get3A_230 = arith.index_cast %scan3A_203 : i32 to index
      %get3A_231 = arith.constant 48 : index
      %get3A_232 = tpu.vector_load %arg6[%get3A_229, %get3A_230, %get3A_231] {strides = array<i32>} : memref<3x200x64xf32, #tpu.memory_space<vmem>>, vector<1x1x16xf32>,
      %get3A_233 = vector.shape_cast %get3A_232 : vector<1x1x16xf32> to vector<16xf32>
      %add3A_234 = arith.addf %scan3A_207, %get3A_233 : vector<16xf32>
      %scan3A_235 = arith.constant 1 : i32
      %scan3A_236 = arith.addi %scan3A_203, %scan3A_235 : i32
      %get3A_237 = arith.constant 1 : i32
      %get3A_238 = arith.index_cast %get3A_237 : i32 to index
      %get3A_239 = arith.index_cast %scan3A_236 : i32 to index
      %get3A_240 = arith.constant 0 : index
      %get3A_241 = tpu.vector_load %arg6[%get3A_238, %get3A_239, %get3A_240] {strides = array<i32>} : memref<3x200x64xf32, #tpu.memory_space<vmem>>, vector<1x1x16xf32>,
      %get3A_242 = vector.shape_cast %get3A_241 : vector<1x1x16xf32> to vector<16xf32>
      %add3A_243 = arith.addf %add3A_213, %get3A_242 : vector<16xf32>
      %get3A_244 = arith.constant 1 : i32
      %get3A_245 = arith.index_cast %get3A_244 : i32 to index
      %get3A_246 = arith.index_cast %scan3A_236 : i32 to index
      %get3A_247 = arith.constant 16 : index
      %get3A_248 = tpu.vector_load %arg6[%get3A_245, %get3A_246, %get3A_247] {strides = array<i32>} : memref<3x200x64xf32, #tpu.memory_space<vmem>>, vector<1x1x16xf32>,
      %get3A_249 = vector.shape_cast %get3A_248 : vector<1x1x16xf32> to vector<16xf32>
      %add3A_250 = arith.addf %add3A_220, %get3A_249 : vector<16xf32>
      %get3A_251 = arith.constant 1 : i32
      %get3A_252 = arith.index_cast %get3A_251 : i32 to index
      %get3A_253 = arith.index_cast %scan3A_236 : i32 to index
      %get3A_254 = arith.constant 32 : index
      %get3A_255 = tpu.vector_load %arg6[%get3A_252, %get3A_253, %get3A_254] {strides = array<i32>} : memref<3x200x64xf32, #tpu.memory_space<vmem>>, vector<1x1x16xf32>,
      %get3A_256 = vector.shape_cast %get3A_255 : vector<1x1x16xf32> to vector<16xf32>
      %add3A_257 = arith.addf %add3A_227, %get3A_256 : vector<16xf32>
      %get3A_258 = arith.constant 1 : i32
      %get3A_259 = arith.index_cast %get3A_258 : i32 to index
      %get3A_260 = arith.index_cast %scan3A_236 : i32 to index
      %get3A_261 = arith.constant 48 : index
      %get3A_262 = tpu.vector_load %arg6[%get3A_259, %get3A_260, %get3A_261] {strides = array<i32>} : memref<3x200x64xf32, #tpu.memory_space<vmem>>, vector<1x1x16xf32>,
      %get3A_263 = vector.shape_cast %get3A_262 : vector<1x1x16xf32> to vector<16xf32>
      %add3A_264 = arith.addf %add3A_234, %get3A_263 : vector<16xf32>
      %scan3A_265 = arith.constant 2 : i32
      %scan3A_266 = arith.addi %scan3A_203, %scan3A_265 : i32
      %get3A_267 = arith.constant 1 : i32
      %get3A_268 = arith.index_cast %get3A_267 : i32 to index
      %get3A_269 = arith.index_cast %scan3A_266 : i32 to index
      %get3A_270 = arith.constant 0 : index
      %get3A_271 = tpu.vector_load %arg6[%get3A_268, %get3A_269, %get3A_270] {strides = array<i32>} : memref<3x200x64xf32, #tpu.memory_space<vmem>>, vector<1x1x16xf32>,
      %get3A_272 = vector.shape_cast %get3A_271 : vector<1x1x16xf32> to vector<16xf32>
      %add3A_273 = arith.addf %add3A_243, %get3A_272 : vector<16xf32>
      %get3A_274 = arith.constant 1 : i32
      %get3A_275 = arith.index_cast %get3A_274 : i32 to index
      %get3A_276 = arith.index_cast %scan3A_266 : i32 to index
      %get3A_277 = arith.constant 16 : index
      %get3A_278 = tpu.vector_load %arg6[%get3A_275, %get3A_276, %get3A_277] {strides = array<i32>} : memref<3x200x64xf32, #tpu.memory_space<vmem>>, vector<1x1x16xf32>,
      %get3A_279 = vector.shape_cast %get3A_278 : vector<1x1x16xf32> to vector<16xf32>
      %add3A_280 = arith.addf %add3A_250, %get3A_279 : vector<16xf32>
      %get3A_281 = arith.constant 1 : i32
      %get3A_282 = arith.index_cast %get3A_281 : i32 to index
      %get3A_283 = arith.index_cast %scan3A_266 : i32 to index
      %get3A_284 = arith.constant 32 : index
      %get3A_285 = tpu.vector_load %arg6[%get3A_282, %get3A_283, %get3A_284] {strides = array<i32>} : memref<3x200x64xf32, #tpu.memory_space<vmem>>, vector<1x1x16xf32>,
      %get3A_286 = vector.shape_cast %get3A_285 : vector<1x1x16xf32> to vector<16xf32>
      %add3A_287 = arith.addf %add3A_257, %get3A_286 : vector<16xf32>
      %get3A_288 = arith.constant 1 : i32
      %get3A_289 = arith.index_cast %get3A_288 : i32 to index
      %get3A_290 = arith.index_cast %scan3A_266 : i32 to index
      %get3A_291 = arith.constant 48 : index
      %get3A_292 = tpu.vector_load %arg6[%get3A_289, %get3A_290, %get3A_291] {strides = array<i32>} : memref<3x200x64xf32, #tpu.memory_space<vmem>>, vector<1x1x16xf32>,
      %get3A_293 = vector.shape_cast %get3A_292 : vector<1x1x16xf32> to vector<16xf32>
      %add3A_294 = arith.addf %add3A_264, %get3A_293 : vector<16xf32>
      %scan3A_295 = arith.constant 3 : i32
      %scan3A_296 = arith.addi %scan3A_203, %scan3A_295 : i32
      %get3A_297 = arith.constant 1 : i32
      %get3A_298 = arith.index_cast %get3A_297 : i32 to index
      %get3A_299 = arith.index_cast %scan3A_296 : i32 to index
      %get3A_300 = arith.constant 0 : index
      %get3A_301 = tpu.vector_load %arg6[%get3A_298, %get3A_299, %get3A_300] {strides = array<i32>} : memref<3x200x64xf32, #tpu.memory_space<vmem>>, vector<1x1x16xf32>,
      %get3A_302 = vector.shape_cast %get3A_301 : vector<1x1x16xf32> to vector<16xf32>
      %add3A_303 = arith.addf %add3A_273, %get3A_302 : vector<16xf32>
      %get3A_304 = arith.constant 1 : i32
      %get3A_305 = arith.index_cast %get3A_304 : i32 to index
      %get3A_306 = arith.index_cast %scan3A_296 : i32 to index
      %get3A_307 = arith.constant 16 : index
      %get3A_308 = tpu.vector_load %arg6[%get3A_305, %get3A_306, %get3A_307] {strides = array<i32>} : memref<3x200x64xf32, #tpu.memory_space<vmem>>, vector<1x1x16xf32>,
      %get3A_309 = vector.shape_cast %get3A_308 : vector<1x1x16xf32> to vector<16xf32>
      %add3A_310 = arith.addf %add3A_280, %get3A_309 : vector<16xf32>
      %get3A_311 = arith.constant 1 : i32
      %get3A_312 = arith.index_cast %get3A_311 : i32 to index
      %get3A_313 = arith.index_cast %scan3A_296 : i32 to index
      %get3A_314 = arith.constant 32 : index
      %get3A_315 = tpu.vector_load %arg6[%get3A_312, %get3A_313, %get3A_314] {strides = array<i32>} : memref<3x200x64xf32, #tpu.memory_space<vmem>>, vector<1x1x16xf32>,
      %get3A_316 = vector.shape_cast %get3A_315 : vector<1x1x16xf32> to vector<16xf32>
      %add3A_317 = arith.addf %add3A_287, %get3A_316 : vector<16xf32>
      %get3A_318 = arith.constant 1 : i32
      %get3A_319 = arith.index_cast %get3A_318 : i32 to index
      %get3A_320 = arith.index_cast %scan3A_296 : i32 to index
      %get3A_321 = arith.constant 48 : index
      %get3A_322 = tpu.vector_load %arg6[%get3A_319, %get3A_320, %get3A_321] {strides = array<i32>} : memref<3x200x64xf32, #tpu.memory_space<vmem>>, vector<1x1x16xf32>,
      %get3A_323 = vector.shape_cast %get3A_322 : vector<1x1x16xf32> to vector<16xf32>
      %add3A_324 = arith.addf %add3A_294, %get3A_323 : vector<16xf32>
      %scan3A_325 = arith.constant 4 : i32
      %scan3A_326 = arith.addi %scan3A_203, %scan3A_325 : i32
      %get3A_327 = arith.constant 1 : i32
      %get3A_328 = arith.index_cast %get3A_327 : i32 to index
      %get3A_329 = arith.index_cast %scan3A_326 : i32 to index
      %get3A_330 = arith.constant 0 : index
      %get3A_331 = tpu.vector_load %arg6[%get3A_328, %get3A_329, %get3A_330] {strides = array<i32>} : memref<3x200x64xf32, #tpu.memory_space<vmem>>, vector<1x1x16xf32>,
      %get3A_332 = vector.shape_cast %get3A_331 : vector<1x1x16xf32> to vector<16xf32>
      %add3A_333 = arith.addf %add3A_303, %get3A_332 : vector<16xf32>
      %get3A_334 = arith.constant 1 : i32
      %get3A_335 = arith.index_cast %get3A_334 : i32 to index
      %get3A_336 = arith.index_cast %scan3A_326 : i32 to index
      %get3A_337 = arith.constant 16 : index
      %get3A_338 = tpu.vector_load %arg6[%get3A_335, %get3A_336, %get3A_337] {strides = array<i32>} : memref<3x200x64xf32, #tpu.memory_space<vmem>>, vector<1x1x16xf32>,
      %get3A_339 = vector.shape_cast %get3A_338 : vector<1x1x16xf32> to vector<16xf32>
      %add3A_340 = arith.addf %add3A_310, %get3A_339 : vector<16xf32>
      %get3A_341 = arith.constant 1 : i32
      %get3A_342 = arith.index_cast %get3A_341 : i32 to index
      %get3A_343 = arith.index_cast %scan3A_326 : i32 to index
      %get3A_344 = arith.constant 32 : index
      %get3A_345 = tpu.vector_load %arg6[%get3A_342, %get3A_343, %get3A_344] {strides = array<i32>} : memref<3x200x64xf32, #tpu.memory_space<vmem>>, vector<1x1x16xf32>,
      %get3A_346 = vector.shape_cast %get3A_345 : vector<1x1x16xf32> to vector<16xf32>
      %add3A_347 = arith.addf %add3A_317, %get3A_346 : vector<16xf32>
      %get3A_348 = arith.constant 1 : i32
      %get3A_349 = arith.index_cast %get3A_348 : i32 to index
      %get3A_350 = arith.index_cast %scan3A_326 : i32 to index
      %get3A_351 = arith.constant 48 : index
      %get3A_352 = tpu.vector_load %arg6[%get3A_349, %get3A_350, %get3A_351] {strides = array<i32>} : memref<3x200x64xf32, #tpu.memory_space<vmem>>, vector<1x1x16xf32>,
      %get3A_353 = vector.shape_cast %get3A_352 : vector<1x1x16xf32> to vector<16xf32>
      %add3A_354 = arith.addf %add3A_324, %get3A_353 : vector<16xf32>
      %scan3A_355 = arith.constant 5 : i32
      %scan3A_356 = arith.addi %scan3A_203, %scan3A_355 : i32
      %get3A_357 = arith.constant 1 : i32
      %get3A_358 = arith.index_cast %get3A_357 : i32 to index
      %get3A_359 = arith.index_cast %scan3A_356 : i32 to index
      %get3A_360 = arith.constant 0 : index
      %get3A_361 = tpu.vector_load %arg6[%get3A_358, %get3A_359, %get3A_360] {strides = array<i32>} : memref<3x200x64xf32, #tpu.memory_space<vmem>>, vector<1x1x16xf32>,
      %get3A_362 = vector.shape_cast %get3A_361 : vector<1x1x16xf32> to vector<16xf32>
      %add3A_363 = arith.addf %add3A_333, %get3A_362 : vector<16xf32>
      %get3A_364 = arith.constant 1 : i32
      %get3A_365 = arith.index_cast %get3A_364 : i32 to index
      %get3A_366 = arith.index_cast %scan3A_356 : i32 to index
      %get3A_367 = arith.constant 16 : index
      %get3A_368 = tpu.vector_load %arg6[%get3A_365, %get3A_366, %get3A_367] {strides = array<i32>} : memref<3x200x64xf32, #tpu.memory_space<vmem>>, vector<1x1x16xf32>,
      %get3A_369 = vector.shape_cast %get3A_368 : vector<1x1x16xf32> to vector<16xf32>
      %add3A_370 = arith.addf %add3A_340, %get3A_369 : vector<16xf32>
      %get3A_371 = arith.constant 1 : i32
      %get3A_372 = arith.index_cast %get3A_371 : i32 to index
      %get3A_373 = arith.index_cast %scan3A_356 : i32 to index
      %get3A_374 = arith.constant 32 : index
      %get3A_375 = tpu.vector_load %arg6[%get3A_372, %get3A_373, %get3A_374] {strides = array<i32>} : memref<3x200x64xf32, #tpu.memory_space<vmem>>, vector<1x1x16xf32>,
      %get3A_376 = vector.shape_cast %get3A_375 : vector<1x1x16xf32> to vector<16xf32>
      %add3A_377 = arith.addf %add3A_347, %get3A_376 : vector<16xf32>
      %get3A_378 = arith.constant 1 : i32
      %get3A_379 = arith.index_cast %get3A_378 : i32 to index
      %get3A_380 = arith.index_cast %scan3A_356 : i32 to index
      %get3A_381 = arith.constant 48 : index
      %get3A_382 = tpu.vector_load %arg6[%get3A_379, %get3A_380, %get3A_381] {strides = array<i32>} : memref<3x200x64xf32, #tpu.memory_space<vmem>>, vector<1x1x16xf32>,
      %get3A_383 = vector.shape_cast %get3A_382 : vector<1x1x16xf32> to vector<16xf32>
      %add3A_384 = arith.addf %add3A_354, %get3A_383 : vector<16xf32>
      %scan3A_385 = arith.constant 6 : i32
      %scan3A_386 = arith.addi %scan3A_203, %scan3A_385 : i32
      %get3A_387 = arith.constant 1 : i32
      %get3A_388 = arith.index_cast %get3A_387 : i32 to index
      %get3A_389 = arith.index_cast %scan3A_386 : i32 to index
      %get3A_390 = arith.constant 0 : index
      %get3A_391 = tpu.vector_load %arg6[%get3A_388, %get3A_389, %get3A_390] {strides = array<i32>} : memref<3x200x64xf32, #tpu.memory_space<vmem>>, vector<1x1x16xf32>,
      %get3A_392 = vector.shape_cast %get3A_391 : vector<1x1x16xf32> to vector<16xf32>
      %add3A_393 = arith.addf %add3A_363, %get3A_392 : vector<16xf32>
      %get3A_394 = arith.constant 1 : i32
      %get3A_395 = arith.index_cast %get3A_394 : i32 to index
      %get3A_396 = arith.index_cast %scan3A_386 : i32 to index
      %get3A_397 = arith.constant 16 : index
      %get3A_398 = tpu.vector_load %arg6[%get3A_395, %get3A_396, %get3A_397] {strides = array<i32>} : memref<3x200x64xf32, #tpu.memory_space<vmem>>, vector<1x1x16xf32>,
      %get3A_399 = vector.shape_cast %get3A_398 : vector<1x1x16xf32> to vector<16xf32>
      %add3A_400 = arith.addf %add3A_370, %get3A_399 : vector<16xf32>
      %get3A_401 = arith.constant 1 : i32
      %get3A_402 = arith.index_cast %get3A_401 : i32 to index
      %get3A_403 = arith.index_cast %scan3A_386 : i32 to index
      %get3A_404 = arith.constant 32 : index
      %get3A_405 = tpu.vector_load %arg6[%get3A_402, %get3A_403, %get3A_404] {strides = array<i32>} : memref<3x200x64xf32, #tpu.memory_space<vmem>>, vector<1x1x16xf32>,
      %get3A_406 = vector.shape_cast %get3A_405 : vector<1x1x16xf32> to vector<16xf32>
      %add3A_407 = arith.addf %add3A_377, %get3A_406 : vector<16xf32>
      %get3A_408 = arith.constant 1 : i32
      %get3A_409 = arith.index_cast %get3A_408 : i32 to index
      %get3A_410 = arith.index_cast %scan3A_386 : i32 to index
      %get3A_411 = arith.constant 48 : index
      %get3A_412 = tpu.vector_load %arg6[%get3A_409, %get3A_410, %get3A_411] {strides = array<i32>} : memref<3x200x64xf32, #tpu.memory_space<vmem>>, vector<1x1x16xf32>,
      %get3A_413 = vector.shape_cast %get3A_412 : vector<1x1x16xf32> to vector<16xf32>
      %add3A_414 = arith.addf %add3A_384, %get3A_413 : vector<16xf32>
      %scan3A_415 = arith.constant 7 : i32
      %scan3A_416 = arith.addi %scan3A_203, %scan3A_415 : i32
      %get3A_417 = arith.constant 1 : i32
      %get3A_418 = arith.index_cast %get3A_417 : i32 to index
      %get3A_419 = arith.index_cast %scan3A_416 : i32 to index
      %get3A_420 = arith.constant 0 : index
      %get3A_421 = tpu.vector_load %arg6[%get3A_418, %get3A_419, %get3A_420] {strides = array<i32>} : memref<3x200x64xf32, #tpu.memory_space<vmem>>, vector<1x1x16xf32>,
      %get3A_422 = vector.shape_cast %get3A_421 : vector<1x1x16xf32> to vector<16xf32>
      %add3A_423 = arith.addf %add3A_393, %get3A_422 : vector<16xf32>
      %get3A_424 = arith.constant 1 : i32
      %get3A_425 = arith.index_cast %get3A_424 : i32 to index
      %get3A_426 = arith.index_cast %scan3A_416 : i32 to index
      %get3A_427 = arith.constant 16 : index
      %get3A_428 = tpu.vector_load %arg6[%get3A_425, %get3A_426, %get3A_427] {strides = array<i32>} : memref<3x200x64xf32, #tpu.memory_space<vmem>>, vector<1x1x16xf32>,
      %get3A_429 = vector.shape_cast %get3A_428 : vector<1x1x16xf32> to vector<16xf32>
      %add3A_430 = arith.addf %add3A_400, %get3A_429 : vector<16xf32>
      %get3A_431 = arith.constant 1 : i32
      %get3A_432 = arith.index_cast %get3A_431 : i32 to index
      %get3A_433 = arith.index_cast %scan3A_416 : i32 to index
      %get3A_434 = arith.constant 32 : index
      %get3A_435 = tpu.vector_load %arg6[%get3A_432, %get3A_433, %get3A_434] {strides = array<i32>} : memref<3x200x64xf32, #tpu.memory_space<vmem>>, vector<1x1x16xf32>,
      %get3A_436 = vector.shape_cast %get3A_435 : vector<1x1x16xf32> to vector<16xf32>
      %add3A_437 = arith.addf %add3A_407, %get3A_436 : vector<16xf32>
      %get3A_438 = arith.constant 1 : i32
      %get3A_439 = arith.index_cast %get3A_438 : i32 to index
      %get3A_440 = arith.index_cast %scan3A_416 : i32 to index
      %get3A_441 = arith.constant 48 : index
      %get3A_442 = tpu.vector_load %arg6[%get3A_439, %get3A_440, %get3A_441] {strides = array<i32>} : memref<3x200x64xf32, #tpu.memory_space<vmem>>, vector<1x1x16xf32>,
      %get3A_443 = vector.shape_cast %get3A_442 : vector<1x1x16xf32> to vector<16xf32>
      %add3A_444 = arith.addf %add3A_414, %get3A_443 : vector<16xf32>
      scf.yield %add3A_423, %add3A_430, %add3A_437, %add3A_444 : vector<16xf32>, vector<16xf32>, vector<16xf32>, vector<16xf32>
    }
    %scan3A_176 = arith.constant 200 : i32
    %swap3A_177 = arith.constant 127 : i32
    %swap3A_178 = arith.index_cast %swap3A_177 : i32 to index
    %swap3A_179 = arith.constant 0 : index
    %swap3A_180 = tpu.vector_load %arg7[%swap3A_178, %swap3A_179] {strides = array<i32>} : memref<128x64xf32, #tpu.memory_space<vmem>>, vector<1x16xf32>,
    %swap3A_181 = vector.shape_cast %swap3A_180 : vector<1x16xf32> to vector<16xf32>
    %swap3A_182 = vector.shape_cast %scan3A_175#0 : vector<16xf32> to vector<1x16xf32>
    tpu.vector_store %arg7[%swap3A_178, %swap3A_179], %swap3A_182 {strides = array<i32>} : memref<128x64xf32, #tpu.memory_space<vmem>>, vector<1x16xf32>,
    %swap3A_183 = arith.constant 127 : i32
    %swap3A_184 = arith.index_cast %swap3A_183 : i32 to index
    %swap3A_185 = arith.constant 16 : index
    %swap3A_186 = tpu.vector_load %arg7[%swap3A_184, %swap3A_185] {strides = array<i32>} : memref<128x64xf32, #tpu.memory_space<vmem>>, vector<1x16xf32>,
    %swap3A_187 = vector.shape_cast %swap3A_186 : vector<1x16xf32> to vector<16xf32>
    %swap3A_188 = vector.shape_cast %scan3A_175#1 : vector<16xf32> to vector<1x16xf32>
    tpu.vector_store %arg7[%swap3A_184, %swap3A_185], %swap3A_188 {strides = array<i32>} : memref<128x64xf32, #tpu.memory_space<vmem>>, vector<1x16xf32>,
    %swap3A_189 = arith.constant 127 : i32
    %swap3A_190 = arith.index_cast %swap3A_189 : i32 to index
    %swap3A_191 = arith.constant 32 : index
    %swap3A_192 = tpu.vector_load %arg7[%swap3A_190, %swap3A_191] {strides = array<i32>} : memref<128x64xf32, #tpu.memory_space<vmem>>, vector<1x16xf32>,
    %swap3A_193 = vector.shape_cast %swap3A_192 : vector<1x16xf32> to vector<16xf32>
    %swap3A_194 = vector.shape_cast %scan3A_175#2 : vector<16xf32> to vector<1x16xf32>
    tpu.vector_store %arg7[%swap3A_190, %swap3A_191], %swap3A_194 {strides = array<i32>} : memref<128x64xf32, #tpu.memory_space<vmem>>, vector<1x16xf32>,
    %swap3A_195 = arith.constant 127 : i32
    %swap3A_196 = arith.index_cast %swap3A_195 : i32 to index
    %swap3A_197 = arith.constant 48 : index
    %swap3A_198 = tpu.vector_load %arg7[%swap3A_196, %swap3A_197] {strides = array<i32>} : memref<128x64xf32, #tpu.memory_space<vmem>>, vector<1x16xf32>,
    %swap3A_199 = vector.shape_cast %swap3A_198 : vector<1x16xf32> to vector<16xf32>
    %swap3A_200 = vector.shape_cast %scan3A_175#3 : vector<16xf32> to vector<1x16xf32>
    tpu.vector_store %arg7[%swap3A_196, %swap3A_197], %swap3A_200 {strides = array<i32>} : memref<128x64xf32, #tpu.memory_space<vmem>>, vector<1x16xf32>,
    %mul3A_201 = arith.constant 128 : i32
    %mul3A_202 = arith.muli %add3A, %mul3A_201 : i32
    "tpu.region"() ({
      %run_scoped3A = tpu.sem_alloc : memref<!tpu.dma_semaphore, #tpu.memory_space<semaphore_mem>>
      %dma_start3A_203 = arith.constant 0 : i32
      %dma_start3A_204 = tpu.memref_slice %arg4[%mul3A_202, %dma_start3A_203] : memref<4096x64xf32, #tpu.memory_space<hbm>> -> memref<128x64xf32, #tpu.memory_space<hbm>>
      %dma_start3A_205 = arith.constant 0 : i32
      %dma_start3A_206 = tpu.memref_slice %arg4[%mul3A_202, %dma_start3A_205] : memref<4096x64xf32, #tpu.memory_space<hbm>> -> memref<128x64xf32, #tpu.memory_space<hbm>>
      tpu.enqueue_dma source(%arg7 : memref<128x64xf32, #tpu.memory_space<vmem>>) target(%dma_start3A_206 : memref<128x64xf32, #tpu.memory_space<hbm>>) target_semaphore(%run_scoped3A : memref<!tpu.dma_semaphore, #tpu.memory_space<semaphore_mem>>)
      %dma_wait3A_207 = arith.constant 0 : i32
      %dma_wait3A_208 = tpu.memref_slice %arg4[%mul3A_202, %dma_wait3A_207] : memref<4096x64xf32, #tpu.memory_space<hbm>> -> memref<128x64xf32, #tpu.memory_space<hbm>>
      %dma_wait3A_209 = arith.constant 0 : i32
      %dma_wait3A_210 = tpu.memref_slice %arg4[%mul3A_202, %dma_wait3A_209] : memref<4096x64xf32, #tpu.memory_space<hbm>> -> memref<128x64xf32, #tpu.memory_space<hbm>>
      tpu.wait_dma2 semaphore(%run_scoped3A : memref<!tpu.dma_semaphore, #tpu.memory_space<semaphore_mem>>) src(%arg7 : memref<128x64xf32, #tpu.memory_space<vmem>>) dst(%dma_wait3A_210 : memref<128x64xf32, #tpu.memory_space<hbm>>)
      tpu.yield
    }) : () -> ()
    return
  }
}

module attributes {stable_mosaic.version = 14 : i64} {
  func.func @_tc_norm_linear_body(%arg0: i32, %arg1: memref<1024x64xf32, #tpu.memory_space<vmem>>, %arg2: memref<1000x64xf32, #tpu.memory_space<vmem>>, %arg3: memref<1000x1xf32, #tpu.memory_space<vmem>>, %arg4: memref<1000x1024xf32, #tpu.memory_space<vmem>>) attributes {dimension_semantics = [#tpu.dimension_semantics<arbitrary>], iteration_bounds = array<i64: 4>, scalar_prefetch = 0 : i64, scratch_operands = 0 : i64, tpu.core_type = #tpu.core_type<tc>, window_params = [{transform_indices = @transform_0, window_bounds = array<i64: 1024, 64>}, {pipeline_mode = #tpu.pipeline_mode<synchronous>, transform_indices = @transform_1, window_bounds = array<i64: 1000, 64>}, {pipeline_mode = #tpu.pipeline_mode<synchronous>, transform_indices = @transform_2, window_bounds = array<i64: 1000, 1>}, {transform_indices = @transform_3, window_bounds = array<i64: 1000, 1024>}]} {
    %get3A = arith.constant 0 : index
    %get3A_0 = arith.constant 0 : index
    %get3A_1 = vector.load %arg1[%get3A, %get3A_0] : memref<1024x64xf32, #tpu.memory_space<vmem>>, vector<1024x64xf32>
    %mul3A = arith.mulf %get3A_1, %get3A_1 : vector<1024x64xf32>
    %reduce_sum3A = arith.constant dense<0.000000e+00> : vector<1024xf32>
    %reduce_sum3A_2 = vector.multi_reduction <add>, %mul3A, %reduce_sum3A [1] : vector<1024x64xf32> to vector<1024xf32>
    %broadcast_in_dim3A = vector.shape_cast %reduce_sum3A_2 : vector<1024xf32> to vector<1024x1xf32>
    %max3A = arith.constant 1.000000e-24 : f32
    %max3A_3 = vector.broadcast %max3A : f32 to vector<1024x1xf32>
    %max3A_4 = arith.maximumf %broadcast_in_dim3A, %max3A_3 : vector<1024x1xf32>
    %rsqrt3A = math.rsqrt %max3A_4 : vector<1024x1xf32>
    %mul3A_5 = vector.broadcast %rsqrt3A : vector<1024x1xf32> to vector<1024x64xf32>
    %mul3A_6 = arith.mulf %get3A_1, %mul3A_5 : vector<1024x64xf32>
    %get3A_7 = arith.constant 0 : index
    %get3A_8 = arith.constant 0 : index
    %get3A_9 = vector.load %arg2[%get3A_7, %get3A_8] : memref<1000x64xf32, #tpu.memory_space<vmem>>, vector<1000x64xf32>
    %dot_general3A = arith.constant dense<0.000000e+00> : vector<1000x1024xf32>
    %dot_general3A_10 = tpu.matmul %get3A_9, %mul3A_6, %dot_general3A {dimension_numbers = #tpu.dot_dimension_numbers<[1], [1], [0], [0], [0, 0, 1, 0], [], []>, transpose_lhs_hint = false} : vector<1000x64xf32>, vector<1024x64xf32>, vector<1000x1024xf32> -> vector<1000x1024xf32>
    %get3A_11 = arith.constant 0 : index
    %get3A_12 = arith.constant 0 : index
    %get3A_13 = vector.load %arg3[%get3A_11, %get3A_12] : memref<1000x1xf32, #tpu.memory_space<vmem>>, vector<1000x1xf32>
    %add3A = vector.broadcast %get3A_13 : vector<1000x1xf32> to vector<1000x1024xf32>
    %add3A_14 = arith.addf %dot_general3A_10, %add3A : vector<1000x1024xf32>
    %swap3A = arith.constant 0 : index
    %swap3A_15 = arith.constant 0 : index
    %swap3A_16 = vector.load %arg4[%swap3A, %swap3A_15] : memref<1000x1024xf32, #tpu.memory_space<vmem>>, vector<1000x1024xf32>
    tpu.vector_store %arg4[%swap3A, %swap3A_15], %add3A_14 {strides = array<i32>} : memref<1000x1024xf32, #tpu.memory_space<vmem>>, vector<1000x1024xf32>,
    return
  }
  func.func @transform_0(%arg0: i32) -> (i32, i32) {
    %c0_i32 = arith.constant 0 : i32
    %c0_i32_0 = arith.constant 0 : i32
    return %arg0, %c0_i32 : i32, i32
  }
  func.func @transform_1(%arg0: i32) -> (i32, i32) {
    %c0_i32 = arith.constant 0 : i32
    %c0_i32_0 = arith.constant 0 : i32
    %c0_i32_1 = arith.constant 0 : i32
    return %c0_i32, %c0_i32_0 : i32, i32
  }
  func.func @transform_2(%arg0: i32) -> (i32, i32) {
    %c0_i32 = arith.constant 0 : i32
    %c0_i32_0 = arith.constant 0 : i32
    %c0_i32_1 = arith.constant 0 : i32
    return %c0_i32, %c0_i32_0 : i32, i32
  }
  func.func @transform_3(%arg0: i32) -> (i32, i32) {
    %c0_i32 = arith.constant 0 : i32
    %c0_i32_0 = arith.constant 0 : i32
    return %c0_i32, %arg0 : i32, i32
  }
}

</mosaic_0001>

<sc_bundles>
// kernel: kernel.5.cloned.1.call-start
scs
__scs_entry_jumppad:
0x0: {  	(pc) =	sbr.rel $0x88, $3  }
0x1: {  	(tag) =	ssettag $0x0;
	lr =	simm.s32 $0x1  }
0x2: {  	[smem:$0x3F9D] =	sst lr;
	_ =	strace $0xD0000000  }
0x3: {  	_ = 	snop  }
0x4: {  	_ = 	snop  }
0x5: {  	_ = 	snop  }
0x6: {  	_ = 	snop  }
0x7: {  	_ = 	snop  }
__scs_overlays_trampoline_lowered:
0x8: {  	[smem:$0x3FAC] =	sst s0  }
0x9: {  	[smem:$0x3FAD] =	sst s1  }
0xa: {  	[smem:$0x3FAE] =	sst s2  }
0xb: {  	[smem:$0x3FAF] =	sst s3  }
0xc: {  	[smem:$0x3FB0] =	sst s4  }
0xd: {  	[smem:$0x3FB1] =	sst s5  }
0xe: {  	[smem:$0x3FB2] =	sst s6  }
0xf: {  	[smem:$0x3FB3] =	sst s7  }
0x10: {  	[smem:$0x3FB4] =	sst s8  }
0x11: {  	[smem:$0x3FB5] =	sst s9;
	s0 =	simm.s32 @!p0 $0x0  }
0x12: {  	s1 =	sld [smem:$0x3F9B];
	s0 =	simm.s32 @p0 $0x1  }
0x13: {  	[smem:$0x3FB6] =	sst s0;
	s0 =	simm.s32 @!p1 $0x0  }
0x14: {  	s2 =	sld [smem:$0x3F9A];
	s0 =	simm.s32 @p1 $0x1  }
0x15: {  	[smem:$0x3FB7] =	sst s0;
	s0 =	simm.s32 @!p2 $0x0  }
0x16: {  	s3 =	sld [smem:$0x3FDB];
	s0 =	simm.s32 @p2 $0x1  }
0x17: {  	s4 =	simm.s32 $0x1BF5;
	[smem:$0x3FB9] =	sst s0  }
0x18: {  	s0 =	sld [smem:$0x3F9C];
	_ =	swait.ge [sflag:s4], $0x0  }
0x19: {  	s7 =	sld [smem:$0x3F9D]  }
0x1a: {  	s8 =	sadd.s32 $0xFFFFE003, lr  }
0x1b: {  	s9 =	sadd.s32 $0xFFFFFEF7, lr;
	s5 =	simm.s32 $0xFFFFFFFF;
	p2 =	slt.u32 s8, $0xFFFFF086  }
0x1c: {  	p1 =	slt.u32 s9, $0xF7A;
	s5 =	simm.s32 @!p2 $0x0  }
0x1d: {  	s5 =	simm.s32 @p1 $0x1;
	p0 =	seq.s32 s7, s2  }
0x1e: {  	s7 =	smul.u32 @!p0 $0xF7A, s2;
	p2 =	seq.s32 @!p0 s5, $0x0  }
0x1f: {  	s9 =	smul.u32 $0xF7A, s1;
	s8 =	simm.s32 @!p0 $0x1BF5;
	p2 =	por !p2, p0  }
0x20: {  	[sflag:s8] =	ssyncset.s32 @!p0 $0xFFFFF086;
	s6 =	sadd.s32 @!p0 s3, s7;
	s7 =	simm.s32 @!p0 $0x108  }
0x21: {  	s3 =	sadd.s32 s3, s9;
	s6 =	sadd.s32 @!p0 $0x88, s6;
	s7 =	simm.s32 @p2 $0x1082  }
0x22: {  	[simem:s7], [sflag:s8] =	dma.local @!p0 [hbm:s6], $0xF7A  }
0x23: {  	s9 =	sor.u32 $0xD0000000, s2;
	s6 =	simm.s32 $0x108;
	_ =	swait.ge @!p0 [sflag:s8], $0x0  }
0x24: {  	s3 =	sadd.s32 $0x88, s3;
	s6 =	simm.s32 @!p1 $0x1082;
	[sflag:s4] =	ssyncset.s32 $0xFFFFF086  }
0x25: {  	[simem:s6], [sflag:s4] =	dma.local [hbm:s3], $0xF7A  }
0x26: {  	[smem:$0x3F9D] =	sst s1;
	(tag) =	ssettag s2;
	_ =	strace s9  }
0x27: {  	s1 =	sld [smem:$0x3FAD]  }
0x28: {  	s2 =	sld [smem:$0x3FAE]  }
0x29: {  	s4 =	sld [smem:$0x3FB0]  }
0x2a: {  	p0 =	seq.s32 s5, $0x0;
	s5 =	sld [smem:$0x3FB1]  }
0x2b: {  	s6 =	sld [smem:$0x3FB2]  }
0x2c: {  	s7 =	sld [smem:$0x3FB3]  }
0x2d: {  	s3 =	simm.s32 $0x108;
	s8 =	sld [smem:$0x3FB4]  }
0x2e: {  	s3 =	simm.s32 @!p0 $0x1082;
	s9 =	sld [smem:$0x3FB5]  }
0x2f: {  	lr =	sadd.s32 s0, s3;
	s0 =	sld [smem:$0x3FAC]  }
0x30: {  	s3 =	sld [smem:$0x3FAF]  }
0x31: {  	[smem:$0x3FB8] =	sst s10  }
0x32: {  	s10 =	sld [smem:$0x3FB6];
	_ =	sdelay $0x3  }
0x33: {  	p0 =	seq.s32 s10, $0x1;
	s10 =	sld [smem:$0x3FB8];
	_ =	sdelay $0x3  }
0x34: {  	[smem:$0x3FB8] =	sst s10  }
0x35: {  	s10 =	sld [smem:$0x3FB7];
	_ =	sdelay $0x3  }
0x36: {  	p1 =	seq.s32 s10, $0x1;
	s10 =	sld [smem:$0x3FB8];
	_ =	sdelay $0x3  }
0x37: {  	[smem:$0x3FB8] =	sst s10  }
0x38: {  	s10 =	sld [smem:$0x3FB9]  }
0x39: {  	_ = 	snop;
	(pc) =	sbr.ind lr, $3  }
0x3a: {  	_ = 	snop  }
0x3b: {  	_ = 	snop  }
0x3c: {  	p2 =	seq.s32 s10, $0x1;
	s10 =	sld [smem:$0x3FB8]  }
0x3d: {  	_ =	shalt  }
0x3e: {  	_ =	shalt  }
0x3f: {  	_ =	shalt  }
0x40: {  	_ =	shalt  }
0x41: {  	_ =	shalt  }
0x42: {  	_ =	shalt  }
0x43: {  	_ =	shalt  }
0x44: {  	_ =	shalt  }
0x45: {  	_ =	shalt  }
0x46: {  	_ =	shalt  }
0x47: {  	_ =	shalt  }
0x48: {  	_ =	shalt  }
0x49: {  	_ =	shalt  }
0x4a: {  	_ =	shalt  }
0x4b: {  	_ =	shalt  }
0x4c: {  	_ =	shalt  }
0x4d: {  	_ =	shalt  }
0x4e: {  	_ =	shalt  }
0x4f: {  	_ =	shalt  }
0x50: {  	_ =	shalt  }
0x51: {  	_ =	shalt  }
0x52: {  	_ =	shalt  }
0x53: {  	_ =	shalt  }
0x54: {  	_ =	shalt  }
0x55: {  	_ =	shalt  }
0x56: {  	_ =	shalt  }
0x57: {  	_ =	shalt  }
0x58: {  	_ =	shalt  }
0x59: {  	_ =	shalt  }
0x5a: {  	_ =	shalt  }
0x5b: {  	_ =	shalt  }
0x5c: {  	_ =	shalt  }
0x5d: {  	_ =	shalt  }
0x5e: {  	_ =	shalt  }
0x5f: {  	_ =	shalt  }
0x60: {  	_ =	shalt  }
0x61: {  	_ =	shalt  }
0x62: {  	_ =	shalt  }
0x63: {  	_ =	shalt  }
0x64: {  	_ =	shalt  }
0x65: {  	_ =	shalt  }
0x66: {  	_ =	shalt  }
0x67: {  	_ =	shalt  }
0x68: {  	_ =	shalt  }
0x69: {  	_ =	shalt  }
0x6a: {  	_ =	shalt  }
0x6b: {  	_ =	shalt  }
0x6c: {  	_ =	shalt  }
0x6d: {  	_ =	shalt  }
0x6e: {  	_ =	shalt  }
0x6f: {  	_ =	shalt  }
0x70: {  	_ =	shalt  }
0x71: {  	_ =	shalt  }
0x72: {  	_ =	shalt  }
0x73: {  	_ =	shalt  }
0x74: {  	_ =	shalt  }
0x75: {  	_ =	shalt  }
0x76: {  	_ =	shalt  }
0x77: {  	_ =	shalt  }
0x78: {  	_ =	shalt  }
0x79: {  	_ =	shalt  }
0x7a: {  	_ =	shalt  }
0x7b: {  	_ =	shalt  }
0x7c: {  	_ =	shalt  }
0x7d: {  	_ =	shalt  }
0x7e: {  	_ =	shalt  }
0x7f: {  	_ =	shalt  }
0x80: {  	_ =	shalt  }
0x81: {  	_ =	shalt  }
0x82: {  	_ =	shalt  }
0x83: {  	_ =	shalt  }
0x84: {  	_ =	shalt  }
0x85: {  	_ =	shalt  }
0x86: {  	_ =	shalt  }
0x87: {  	_ =	shalt  }
.Lfunc_end0:
.L_simem_size_0:
called_computation_lowered:
.L_overlay_start_0:
0x88: {  	s2 =	sld [smem:$0x3FD9]  }
0x89: {  	s3 =	sld [smem:$0x3FFE];
	_ =	sdelay $0x1  }
0x8a: {  	s1 =	srdreg.scid  }
0x8b: {  	s0 =	sand.u32 $0x1, s1  }
0x8c: {  	s17 =	sshll.u32 s0, $0xA;
	s2 =	sadd.s32 s3, s2  }
0x8d: {  	s2 =	sadd.s32 s2, s17  }
0x8e: {  	[smem:$0x3FC4] =	sst s2  }
0x8f: {  	_ = 	snop  }
0x90: {  	s2 =	sld [smem:$0x3FC8];
	(tm) =	ssettm $0x1  }
0x91: {  	s18 =	sld [smem:$0x3FFB];
	_ =	sdelay $0x3  }
0x92: {  	_ =	strace s18  }
0x93: {  	s3 =	sld [smem:$0x3FFC];
	_ =	sdelay $0x3  }
0x94: {  	_ =	strace s3  }
0x95: {  	s3 =	sld [smem:$0x3FFD];
	_ =	sdelay $0x3  }
0x96: {  	_ =	strace s3  }
0x97: {  	_ =	strace $0x8FFFFFFF  }
0x98: {  	s19 =	sld [smem:$0x3FDB];
	_ =	sdelay $0x1  }
0x99: {  	s4 =	simm.s32 $_scs_section_size  }
0x9a: {  	s5 =	simm.s32 $_size__tile_overlayer_lowered;
	s6 =	simm.s32 $_tile_overlayer_lowered  }
0x9b: {  	s22 =	simm.s32 $0x1BFF;
	s21 =	sshll.u32 s6, $0x1;
	s3 =	sadd.s32 s4, s19  }
0x9c: {  	s7 =	simm.s32 $0x0;
	s20 =	sshll.u32 s5, $0x1;
	s5 =	sadd.s32 s21, s3  }
0x9d: {  	[timem:s7], [sflag:s22] =	dma.local [hbm:s5], s20  }
0x9e: {  	_ =	swait.ge [sflag:s22], s20  }
0x9f: {  	s4 =	ssub.s32 $0x0, s20;
	[sflag:s22] =	ssyncset.done $0x0  }
0xa0: {  	[sflag:s22] =	ssyncadd.s32 s4;
	_ =	sdelay $0x1  }
0xa1: {  	s23 =	simm.s32 $0x1B8B  }
0xa2: {  	_ =	swait.ge [sflag:s23], $0x1  }
0xa3: {  	[sflag:s23] =	ssyncset.done $0x0  }
0xa4: {  	s25 =	simm.s32 $0x1B8E;
	s24 =	sld [smem:$0x3FFE];
	[sflag:s23] =	ssyncadd.s32 $0xFFFFFFFF  }
0xa5: {  	s26 =	simm.s32 $execute0_lowered;
	[smem:$0x3FD2] =	sst s25  }
0xa6: {  	s5 =	sshll.u32 s26, $0x1;
	_ =	strace $0x80000046;
	[dreg:$0x1] =	wrdreg $0xFFFFFFFF  }
0xa7: {  	s28 =	simm.s32 $_size_execute0_lowered;
	s3 =	sadd.s32 s3, s5;
	[dreg:$0x0] =	wrdreg $0x0  }
0xa8: {  	s5 =	sshll.u32 s28, $0x1;
	[dreg:$0x2] =	wrdreg s3  }
0xa9: {  	[dreg:$0x3] =	wrdreg s5  }
0xaa: {  	[dreg:$0x4] =	wrdreg $0xC0  }
0xab: {  	_ =	task [dreg:s7], $0x5FFFF  }
0xac: {  	[dreg:$0x1] =	wrdreg $0xFFFFFFFF  }
0xad: {  	[dreg:$0x0] =	wrdreg $0x60  }
0xae: {  	[dreg:$0x2] =	wrdreg s2  }
0xaf: {  	[dreg:$0x3] =	wrdreg s24  }
0xb0: {  	[dreg:$0x4] =	wrdreg $0x9  }
0xb1: {  	_ =	task.clear_ibuf [dreg:s7], $0x5FFFF;
	_ =	strace $0x90000046  }
0xb2: {  	s29 =	simm.s32 $0x9;
	_ =	strace $0x80000048  }
0xb3: {  	_ =	swait.ge [sflag:s29], $0x1  }
0xb4: {  	[sflag:s29] =	ssyncadd.s32 $0xFFFFFFFF  }
0xb5: {  	_ =	strace $0x90000048  }
0xb6: {  	_ =	sfence  }
0xb7: {  	s30 =	sld [smem:$0x0];
	_ =	sdelay $0x2  }
0xb8: {  	s31 =	sshll.u32 s1, $0xD;
	s1 =	sshrl.u32 s1, $0x2  }
0xb9: {  	s3 =	sand.u32 $0x4000, s31;
	s1 =	sadd.s32 s1, s30  }
0xba: {  	s0 =	sor.u32 s3, s0;
	s1 =	sshll.u32 s1, $0x11  }
0xbb: {  	s0 =	sor.u32 s1, s0  }
0xbc: {  	s0 =	sadd.s32 $0x8F2B, s0  }
0xbd: {  	[sflag:s0] =	ssyncadd.remote.s32 $0x1  }
0xbe: {  	_ =	sfence.sel $0xFFFF  }
0xbf: {  	[dreg:$0x0] =	wrdreg $0xFFFFFFFF;
	(pc) =	sbr.abs _section_cstart, $3  }
0xc0: {  	[dreg:$0x1] =	wrdreg $0xFFFFFFFF  }
0xc1: {  	_ =	task.clear_ibuf [dreg:s7], $0x2FFFF;
	_ =	strace $0x9FFFFFFF  }
0xc2: {  	(tm) =	ssettm $0x7FFFFFFF  }
0xc3: {  	_ =	shalt  }
tec
execute0_lowered:
.L_overlay_start_1:
0x0: {  	(tag) =	ssettag $0x1  }
0x1: {  	s1 =	rddreg [dreg:$0x0]  }
0x2: {  	s12 =	rddreg [dreg:$0x1]  }
0x3: {  	s0 =	rddreg [dreg:$0x2]  }
0x4: {  	s3 =	simm.s32 $0x0;
	s5 =	srdreg.scid;
	s2 =	stileid.u32  }
0x5: {  	s14 =	simm.s32 $0x400;
	s15 =	simm.s32 $0x7A1400;
	s16 =	simm.s32 $0x2000  }
0x6: {  	s17 =	simm.s32 $0x1;
	s18 =	simm.s32 $0x4000;
	s19 =	simm.s32 $0x2  }
0x7: {  	s20 =	simm.s32 $0x6000;
	s22 =	simm.s32 $0x4;
	s23 =	simm.s32 $0x0  }
0x8: {  	[smem:$0x7FF] =	sst s3;
	s4 =	sadd.s32 $0xE00, s12;
	s6 =	sand.u32 $0x1, s5  }
0x9: {  	s7 =	sshll.u32 s2, $0x1;
	s5 =	sadd.s32 $0x1000, s12;
	s12 =	sadd.s32 $0x7A2000, s12  }
0xa: {  	v0 =	vlaneseq.u32;
	_ =	strace $0x80000047;
	s8 =	ssub.s32 $0x2, s6;
	s21 =	sor.u32 s6, s7  }
.Ltmp0:
0xb: {  	v0 =	vmul.u32 $0x40, v0;
	s31 =	sshrl.u32 s8, $0x1;
	s7 =	ssub.s32 $0x1EA3, s21;
	(pc) =	sbr.rel .LBB2_1-.Ltmp0, $4  }
0xc: {  	s9 =	sshll.u32 s21, $0x7;
	s11 =	sshll.u32 s21, $0xD;
	p0 =	sne.s32 s21, $0x0  }
0xd: {  	v1 =	vor.u32 $0x400, v0;
	s13 =	ssub.s32 s8, s31;
	s6 =	sshrl.u32 s7, $0x5;
	s7 =	sadd.s32 s1, s9  }
0xe: {  	v2 =	vor.u32 $0x800, v0;
	v3 =	vor.u32 $0xC00, v0;
	v4 =	vor.u32 $0x1000, v0;
	s8 =	sshll.u32 s21, $0xA;
	s21 =	simm.s32 $0x3;
	s10 =	sadd.s32 $0x1, s6  }
0xf: {  	v5 =	vor.u32 $0x1400, v0;
	v6 =	vor.u32 $0x1800, v0;
	v7 =	vor.u32 $0x1C00, v0;
	s9 =	sadd.s32 $0x1000, s7;
	s13 =	smax.u32 s13, $0x1;
	s10 =	sshrl.u32 s10, $0x1  }
.LBB2_11:
0x10: {  	_ =	swait.ge [sflag:s21], $0x2000  }
0x11: {  	[sflag:s21] =	ssyncset.done $0x0  }
0x12: {  	[sflag:s21] =	ssyncadd.s32 $0xFFFFE000  }
0x13: {  	_ =	swait.ge [sflag:s22], $0x2000  }
0x14: {  	s24 =	simm.s32 @!p0 $0x0;
	[sflag:s22] =	ssyncset.done $0x0  }
0x15: {  	s25 =	simm.s32 @!p0 $0x4000;
	s26 =	simm.s32 @!p0 $0x5;
	[sflag:s22] =	ssyncadd.s32 $0xFFFFE000  }
0x16: {  	[tilespmem:s25], [sflag:$0x5] =	stream.linear.gather @!p0 [hbm4b:s4+s24], $0x1000, $0x38;
	[tilespmem:$0x8000] =	vst v63  }
0x17: {  	s23 =	sadd.s32 $0x1, s23;
	_ =	swait.ge @!p0 [sflag:s26], $0x1000  }
0x18: {  	p1 =	sne.s32 s23, s13;
	[sflag:s26] =	ssyncset.done @!p0 $0x0  }
.Ltmp1:
0x19: {  	[sflag:s26] =	ssyncadd.s32 @!p0 $0xFFFFF000;
	(pc) =	sbr.rel @!p1 .LBB2_12-.Ltmp1, $4  }
0x1a: {  	[hbm4b:s12+s24] =	stream.linear.scatter @!p0 [tilespmem:s25], [sflag:$0x5], $0x1000, $0x38;
	[tilespmem:$0x8000] =	vst v63  }
0x1b: {  	_ =	swait.ge @!p0 [sflag:s26], $0x1000  }
0x1c: {  	[sflag:s26] =	ssyncset.done @!p0 $0x0  }
0x1d: {  	[sflag:s26] =	ssyncadd.s32 @!p0 $0xFFFFF000  }
.LBB2_1:
.Ltmp2:
0x1e: {  	(pc) =	sbr.rel .LBB2_2-.Ltmp2, $4  }
0x1f: {  	_ = 	snop  }
0x20: {  	[tilespmem:s3], [sflag:$0x1] =	stream.strided.gather [hbm4b:s7+s14], $0x2000, s15, s14, $0x38;
	[tilespmem:$0x8000] =	vst v63  }
0x21: {  	s24 =	simm.s32 $0x0  }
0x22: {  	[tilespmem:s16], [sflag:$0x2] =	stream.strided.gather [hbm4b:s9+s14], $0x2000, s15, s14, $0x38;
	[tilespmem:$0x8000] =	vst v63  }
.LBB2_10:
0x23: {  	s24 =	sadd.s32 $0x1, s24  }
0x24: {  	p1 =	sne.s32 s24, s10  }
.Ltmp3:
0x25: {  	_ = 	snop;
	(pc) =	sbr.rel @!p1 .LBB2_11-.Ltmp3, $1  }
0x26: {  	_ =	sdelay $0x3  }
.LBB2_2:
0x27: {  	s25 =	sshll.u32 s24, $0x1  }
0x28: {  	p2 =	sge.u32 s25, s6  }
.Ltmp4:
0x29: {  	_ = 	snop;
	(pc) =	sbr.rel @p2 .LBB2_6-.Ltmp4, $2  }
0x2a: {  	_ =	sdelay $0x2  }
0x2b: {  	p1 =	seq.s32 s24, $0x0  }
0x2c: {  	_ =	swait.ge [sflag:s17], $0x2000  }
0x2d: {  	[sflag:s17] =	ssyncset.done $0x0  }
0x2e: {  	s26 =	simm.s32 @!p1 $0x3;
	[sflag:s17] =	ssyncadd.s32 $0xFFFFE000  }
0x2f: {  	_ =	swait.ge @!p1 [sflag:s26], $0x2000  }
0x30: {  	[sflag:s26] =	ssyncset.done @!p1 $0x0  }
0x31: {  	s28 =	simm.s32 $0x0;
	[sflag:s26] =	ssyncadd.s32 @!p1 $0xFFFFE000;
	s26 =	simm.s32 $0x80  }
0x32: {  	s29 =	simm.s32 $0x2;
	v9 =	vor.u32 s28, v0;
	v8 =	vld [tilespmem:s26+$0xFFFFFF80]  }
.LBB2_4:
0x33: {  	p2 =	slt.u32 s29, $0x3E;
	_ =	sdelay $0x3  }
0x34: {  	[tilespmem:v9+s18+$0x0] =	vst.idx.msk $0xffff, v8  }
0x35: {  	v9 =	vor.u32 s28, v1;
	v8 =	vld [tilespmem:s26+$0xFFFFFF90];
	_ =	sdelay $0x4  }
0x36: {  	[tilespmem:v9+s18+$0x0] =	vst.idx.msk $0xffff, v8  }
0x37: {  	v9 =	vor.u32 s28, v2;
	v8 =	vld [tilespmem:s26+$0xFFFFFFA0];
	_ =	sdelay $0x4  }
0x38: {  	[tilespmem:v9+s18+$0x0] =	vst.idx.msk $0xffff, v8  }
0x39: {  	v9 =	vor.u32 s28, v3;
	v8 =	vld [tilespmem:s26+$0xFFFFFFB0];
	_ =	sdelay $0x4  }
0x3a: {  	[tilespmem:v9+s18+$0x0] =	vst.idx.msk $0xffff, v8  }
0x3b: {  	v9 =	vor.u32 s28, v4;
	v8 =	vld [tilespmem:s26+$0xFFFFFFC0];
	_ =	sdelay $0x4  }
0x3c: {  	[tilespmem:v9+s18+$0x0] =	vst.idx.msk $0xffff, v8  }
0x3d: {  	v9 =	vor.u32 s28, v5;
	v8 =	vld [tilespmem:s26+$0xFFFFFFD0];
	_ =	sdelay $0x4  }
0x3e: {  	[tilespmem:v9+s18+$0x0] =	vst.idx.msk $0xffff, v8  }
0x3f: {  	v9 =	vor.u32 s28, v6;
	v8 =	vld [tilespmem:s26+$0xFFFFFFE0];
	_ =	sdelay $0x4  }
0x40: {  	[tilespmem:v9+s18+$0x0] =	vst.idx.msk $0xffff, v8  }
0x41: {  	v9 =	vor.u32 s28, v7;
	v8 =	vld [tilespmem:s26+$0xFFFFFFF0];
	_ =	sdelay $0x4  }
0x42: {  	s30 =	sadd.s32 $0x1, s28;
	s28 =	smov.u32 s29;
	[tilespmem:v9+s18+$0x0] =	vst.idx.msk $0xffff, v8  }
0x43: {  	v9 =	vor.u32 s30, v0;
	v8 =	vld [tilespmem:s26+$0x0];
	_ =	sdelay $0x4  }
0x44: {  	[tilespmem:v9+s18+$0x0] =	vst.idx.msk $0xffff, v8  }
0x45: {  	v9 =	vor.u32 s30, v1;
	v8 =	vld [tilespmem:s26+$0x10];
	_ =	sdelay $0x4  }
0x46: {  	[tilespmem:v9+s18+$0x0] =	vst.idx.msk $0xffff, v8  }
0x47: {  	v9 =	vor.u32 s30, v2;
	v8 =	vld [tilespmem:s26+$0x20];
	_ =	sdelay $0x4  }
0x48: {  	[tilespmem:v9+s18+$0x0] =	vst.idx.msk $0xffff, v8  }
0x49: {  	v9 =	vor.u32 s30, v3;
	v8 =	vld [tilespmem:s26+$0x30];
	_ =	sdelay $0x4  }
0x4a: {  	[tilespmem:v9+s18+$0x0] =	vst.idx.msk $0xffff, v8  }
0x4b: {  	v9 =	vor.u32 s30, v4;
	v8 =	vld [tilespmem:s26+$0x40];
	_ =	sdelay $0x4  }
0x4c: {  	[tilespmem:v9+s18+$0x0] =	vst.idx.msk $0xffff, v8  }
0x4d: {  	v9 =	vor.u32 s30, v5;
	v8 =	vld [tilespmem:s26+$0x50];
	_ =	sdelay $0x4  }
0x4e: {  	[tilespmem:v9+s18+$0x0] =	vst.idx.msk $0xffff, v8  }
0x4f: {  	v9 =	vor.u32 s30, v6;
	v8 =	vld [tilespmem:s26+$0x60];
	_ =	sdelay $0x4  }
0x50: {  	[tilespmem:v9+s18+$0x0] =	vst.idx.msk $0xffff, v8  }
0x51: {  	v9 =	vor.u32 s30, v7;
	v8 =	vld [tilespmem:s26+$0x70];
	_ =	sdelay $0x1  }
.Ltmp5:
0x52: {  	(pc) =	sbr.rel @p2 .LBB2_4-.Ltmp5, $3  }
0x53: {  	_ =	sdelay $0x1  }
0x54: {  	s26 =	sadd.s32 $0x100, s26;
	[tilespmem:v9+s18+$0x0] =	vst.idx.msk $0xffff, v8  }
0x55: {  	s29 =	sadd.s32 $0x2, s29;
	v9 =	vor.u32 s28, v0;
	v8 =	vld [tilespmem:s26+$0xFFFFFF80]  }
0x56: {  	_ =	sdelay $0x3  }
0x57: {  	[tilespmem:v9+s18+$0x0] =	vst.idx.msk $0xffff, v8  }
0x58: {  	v49 =	vor.u32 s28, v1;
	v8 =	vld [tilespmem:s26+$0xFFFFFF90];
	_ =	sdelay $0x4  }
0x59: {  	[tilespmem:v49+s18+$0x0] =	vst.idx.msk $0xffff, v8  }
0x5a: {  	v50 =	vor.u32 s28, v2;
	v8 =	vld [tilespmem:s26+$0xFFFFFFA0];
	_ =	sdelay $0x4  }
0x5b: {  	[tilespmem:v50+s18+$0x0] =	vst.idx.msk $0xffff, v8  }
0x5c: {  	v51 =	vor.u32 s28, v3;
	v8 =	vld [tilespmem:s26+$0xFFFFFFB0];
	_ =	sdelay $0x4  }
0x5d: {  	[tilespmem:v51+s18+$0x0] =	vst.idx.msk $0xffff, v8  }
0x5e: {  	v52 =	vor.u32 s28, v4;
	v8 =	vld [tilespmem:s26+$0xFFFFFFC0];
	_ =	sdelay $0x4  }
0x5f: {  	[tilespmem:v52+s18+$0x0] =	vst.idx.msk $0xffff, v8  }
0x60: {  	v53 =	vor.u32 s28, v5;
	v8 =	vld [tilespmem:s26+$0xFFFFFFD0];
	_ =	sdelay $0x4  }
0x61: {  	[tilespmem:v53+s18+$0x0] =	vst.idx.msk $0xffff, v8  }
0x62: {  	v54 =	vor.u32 s28, v6;
	v8 =	vld [tilespmem:s26+$0xFFFFFFE0];
	_ =	sdelay $0x4  }
0x63: {  	[tilespmem:v54+s18+$0x0] =	vst.idx.msk $0xffff, v8  }
0x64: {  	v55 =	vor.u32 s28, v7;
	v8 =	vld [tilespmem:s26+$0xFFFFFFF0];
	_ =	sdelay $0x4  }
0x65: {  	s30 =	sadd.s32 $0x1, s28;
	[tilespmem:v55+s18+$0x0] =	vst.idx.msk $0xffff, v8  }
0x66: {  	v56 =	vor.u32 s30, v0;
	v8 =	vld [tilespmem:s26+$0x0];
	_ =	sdelay $0x4  }
0x67: {  	[tilespmem:v56+s18+$0x0] =	vst.idx.msk $0xffff, v8  }
0x68: {  	v57 =	vor.u32 s30, v1;
	v8 =	vld [tilespmem:s26+$0x10];
	_ =	sdelay $0x4  }
0x69: {  	[tilespmem:v57+s18+$0x0] =	vst.idx.msk $0xffff, v8  }
0x6a: {  	v58 =	vor.u32 s30, v2;
	v8 =	vld [tilespmem:s26+$0x20];
	_ =	sdelay $0x4  }
0x6b: {  	[tilespmem:v58+s18+$0x0] =	vst.idx.msk $0xffff, v8  }
0x6c: {  	v59 =	vor.u32 s30, v3;
	v8 =	vld [tilespmem:s26+$0x30];
	_ =	sdelay $0x4  }
0x6d: {  	[tilespmem:v59+s18+$0x0] =	vst.idx.msk $0xffff, v8  }
0x6e: {  	v60 =	vor.u32 s30, v4;
	v8 =	vld [tilespmem:s26+$0x40];
	_ =	sdelay $0x4  }
0x6f: {  	[tilespmem:v60+s18+$0x0] =	vst.idx.msk $0xffff, v8  }
0x70: {  	v61 =	vor.u32 s30, v5;
	v8 =	vld [tilespmem:s26+$0x50];
	_ =	sdelay $0x4  }
0x71: {  	[tilespmem:v61+s18+$0x0] =	vst.idx.msk $0xffff, v8  }
0x72: {  	v62 =	vor.u32 s30, v6;
	v8 =	vld [tilespmem:s26+$0x60];
	_ =	sdelay $0x4  }
0x73: {  	[tilespmem:v62+s18+$0x0] =	vst.idx.msk $0xffff, v8  }
0x74: {  	v63 =	vor.u32 s30, v7;
	v8 =	vld [tilespmem:s26+$0x70];
	_ =	sdelay $0x1  }
0x75: {  	s31 =	sshll.u32 s24, $0x13  }
0x76: {  	s26 =	sor.u32 s11, s31  }
0x77: {  	s26 =	sshrl.u32 s26, $0x3  }
0x78: {  	s26 =	sadd.s32 s5, s26;
	[tilespmem:v63+s18+$0x0] =	vst.idx.msk $0xffff, v8  }
0x79: {  	[hbm4b:s26+s3] =	stream.linear.scatter [tilespmem:s18], [sflag:$0x3], $0x2000, $0x38;
	[tilespmem:$0x8000] =	vst v63  }
0x7a: {  	s26 =	sadd.s32 $0x2, s25  }
0x7b: {  	p2 =	sge.u32 s26, s6  }
0x7c: {  	s26 =	sshll.u32 @!p2 s26, $0xF  }
0x7d: {  	s26 =	sor.u32 @!p2 s8, s26  }
0x7e: {  	s28 =	simm.s32 @!p2 $0x400;
	s26 =	sshrl.u32 @!p2 s26, $0x3  }
0x7f: {  	s29 =	simm.s32 @!p2 $0x7A1400;
	s30 =	simm.s32 @!p2 $0x0;
	s26 =	sadd.s32 @!p2 s1, s26  }
0x80: {  	[tilespmem:s30], [sflag:$0x1] =	stream.strided.gather @!p2 [hbm4b:s26+s28], $0x2000, s29, s28, $0x38;
	[tilespmem:$0x8000] =	vst v63  }
.LBB2_6:
0x81: {  	s26 =	sor.u32 $0x1, s25  }
0x82: {  	p2 =	sge.u32 s26, s6  }
.Ltmp6:
0x83: {  	_ = 	snop;
	(pc) =	sbr.rel @p2 .LBB2_10-.Ltmp6, $1  }
0x84: {  	_ =	sdelay $0x3  }
0x85: {  	_ =	swait.ge [sflag:s19], $0x2000  }
0x86: {  	[sflag:s19] =	ssyncset.done $0x0  }
0x87: {  	s28 =	simm.s32 @!p1 $0x4;
	[sflag:s19] =	ssyncadd.s32 $0xFFFFE000  }
0x88: {  	_ =	swait.ge @!p1 [sflag:s28], $0x2000  }
0x89: {  	[sflag:s28] =	ssyncset.done @!p1 $0x0  }
0x8a: {  	s29 =	simm.s32 $0x0;
	[sflag:s28] =	ssyncadd.s32 @!p1 $0xFFFFE000;
	s28 =	simm.s32 $0x20F0  }
0x8b: {  	s30 =	simm.s32 $0x2;
	v9 =	vor.u32 s29, v0;
	v8 =	vld [tilespmem:s28+$0xFFFFFF10]  }
.LBB2_8:
0x8c: {  	p1 =	slt.u32 s30, $0x3E;
	_ =	sdelay $0x3  }
0x8d: {  	[tilespmem:v9+s20+$0x0] =	vst.idx.msk $0xffff, v8  }
0x8e: {  	v9 =	vor.u32 s29, v1;
	v8 =	vld [tilespmem:s28+$0xFFFFFF20];
	_ =	sdelay $0x4  }
0x8f: {  	[tilespmem:v9+s20+$0x0] =	vst.idx.msk $0xffff, v8  }
0x90: {  	v9 =	vor.u32 s29, v2;
	v8 =	vld [tilespmem:s28+$0xFFFFFF30];
	_ =	sdelay $0x4  }
0x91: {  	[tilespmem:v9+s20+$0x0] =	vst.idx.msk $0xffff, v8  }
0x92: {  	v9 =	vor.u32 s29, v3;
	v8 =	vld [tilespmem:s28+$0xFFFFFF40];
	_ =	sdelay $0x4  }
0x93: {  	[tilespmem:v9+s20+$0x0] =	vst.idx.msk $0xffff, v8  }
0x94: {  	v9 =	vor.u32 s29, v4;
	v8 =	vld [tilespmem:s28+$0xFFFFFF50];
	_ =	sdelay $0x4  }
0x95: {  	[tilespmem:v9+s20+$0x0] =	vst.idx.msk $0xffff, v8  }
0x96: {  	v9 =	vor.u32 s29, v5;
	v8 =	vld [tilespmem:s28+$0xFFFFFF60];
	_ =	sdelay $0x4  }
0x97: {  	[tilespmem:v9+s20+$0x0] =	vst.idx.msk $0xffff, v8  }
0x98: {  	v9 =	vor.u32 s29, v6;
	v8 =	vld [tilespmem:s28+$0xFFFFFF70];
	_ =	sdelay $0x4  }
0x99: {  	[tilespmem:v9+s20+$0x0] =	vst.idx.msk $0xffff, v8  }
0x9a: {  	v9 =	vor.u32 s29, v7;
	v8 =	vld [tilespmem:s28+$0xFFFFFF80];
	_ =	sdelay $0x4  }
0x9b: {  	s31 =	sadd.s32 $0x1, s29;
	s29 =	smov.u32 s30;
	[tilespmem:v9+s20+$0x0] =	vst.idx.msk $0xffff, v8  }
0x9c: {  	v9 =	vor.u32 s31, v0;
	v8 =	vld [tilespmem:s28+$0xFFFFFF90];
	_ =	sdelay $0x4  }
0x9d: {  	[tilespmem:v9+s20+$0x0] =	vst.idx.msk $0xffff, v8  }
0x9e: {  	v9 =	vor.u32 s31, v1;
	v8 =	vld [tilespmem:s28+$0xFFFFFFA0];
	_ =	sdelay $0x4  }
0x9f: {  	[tilespmem:v9+s20+$0x0] =	vst.idx.msk $0xffff, v8  }
0xa0: {  	v9 =	vor.u32 s31, v2;
	v8 =	vld [tilespmem:s28+$0xFFFFFFB0];
	_ =	sdelay $0x4  }
0xa1: {  	[tilespmem:v9+s20+$0x0] =	vst.idx.msk $0xffff, v8  }
0xa2: {  	v9 =	vor.u32 s31, v3;
	v8 =	vld [tilespmem:s28+$0xFFFFFFC0];
	_ =	sdelay $0x4  }
0xa3: {  	[tilespmem:v9+s20+$0x0] =	vst.idx.msk $0xffff, v8  }
0xa4: {  	v9 =	vor.u32 s31, v4;
	v8 =	vld [tilespmem:s28+$0xFFFFFFD0];
	_ =	sdelay $0x4  }
0xa5: {  	[tilespmem:v9+s20+$0x0] =	vst.idx.msk $0xffff, v8  }
0xa6: {  	v9 =	vor.u32 s31, v5;
	v8 =	vld [tilespmem:s28+$0xFFFFFFE0];
	_ =	sdelay $0x4  }
0xa7: {  	[tilespmem:v9+s20+$0x0] =	vst.idx.msk $0xffff, v8  }
0xa8: {  	v9 =	vor.u32 s31, v6;
	v8 =	vld [tilespmem:s28+$0xFFFFFFF0];
	_ =	sdelay $0x4  }
0xa9: {  	[tilespmem:v9+s20+$0x0] =	vst.idx.msk $0xffff, v8  }
0xaa: {  	v9 =	vor.u32 s31, v7;
	v8 =	vld [tilespmem:s28+$0x0];
	_ =	sdelay $0x1  }
.Ltmp7:
0xab: {  	(pc) =	sbr.rel @p1 .LBB2_8-.Ltmp7, $3  }
0xac: {  	_ =	sdelay $0x1  }
0xad: {  	s28 =	sadd.s32 $0x100, s28;
	[tilespmem:v9+s20+$0x0] =	vst.idx.msk $0xffff, v8  }
0xae: {  	s30 =	sadd.s32 $0x2, s30;
	v9 =	vor.u32 s29, v0;
	v8 =	vld [tilespmem:s28+$0xFFFFFF10]  }
0xaf: {  	_ =	sdelay $0x3  }
0xb0: {  	[tilespmem:v9+s20+$0x0] =	vst.idx.msk $0xffff, v8  }
0xb1: {  	v49 =	vor.u32 s29, v1;
	v8 =	vld [tilespmem:s28+$0xFFFFFF20];
	_ =	sdelay $0x4  }
0xb2: {  	[tilespmem:v49+s20+$0x0] =	vst.idx.msk $0xffff, v8  }
0xb3: {  	v50 =	vor.u32 s29, v2;
	v8 =	vld [tilespmem:s28+$0xFFFFFF30];
	_ =	sdelay $0x4  }
0xb4: {  	[tilespmem:v50+s20+$0x0] =	vst.idx.msk $0xffff, v8  }
0xb5: {  	v51 =	vor.u32 s29, v3;
	v8 =	vld [tilespmem:s28+$0xFFFFFF40];
	_ =	sdelay $0x4  }
0xb6: {  	[tilespmem:v51+s20+$0x0] =	vst.idx.msk $0xffff, v8  }
0xb7: {  	v52 =	vor.u32 s29, v4;
	v8 =	vld [tilespmem:s28+$0xFFFFFF50];
	_ =	sdelay $0x4  }
0xb8: {  	[tilespmem:v52+s20+$0x0] =	vst.idx.msk $0xffff, v8  }
0xb9: {  	v53 =	vor.u32 s29, v5;
	v8 =	vld [tilespmem:s28+$0xFFFFFF60];
	_ =	sdelay $0x4  }
0xba: {  	[tilespmem:v53+s20+$0x0] =	vst.idx.msk $0xffff, v8  }
0xbb: {  	v54 =	vor.u32 s29, v6;
	v8 =	vld [tilespmem:s28+$0xFFFFFF70];
	_ =	sdelay $0x4  }
0xbc: {  	[tilespmem:v54+s20+$0x0] =	vst.idx.msk $0xffff, v8  }
0xbd: {  	v55 =	vor.u32 s29, v7;
	v8 =	vld [tilespmem:s28+$0xFFFFFF80];
	_ =	sdelay $0x4  }
0xbe: {  	s31 =	sadd.s32 $0x1, s29;
	[tilespmem:v55+s20+$0x0] =	vst.idx.msk $0xffff, v8  }
0xbf: {  	v56 =	vor.u32 s31, v0;
	v8 =	vld [tilespmem:s28+$0xFFFFFF90];
	_ =	sdelay $0x4  }
0xc0: {  	[tilespmem:v56+s20+$0x0] =	vst.idx.msk $0xffff, v8  }
0xc1: {  	v57 =	vor.u32 s31, v1;
	v8 =	vld [tilespmem:s28+$0xFFFFFFA0];
	_ =	sdelay $0x4  }
0xc2: {  	[tilespmem:v57+s20+$0x0] =	vst.idx.msk $0xffff, v8  }
0xc3: {  	v58 =	vor.u32 s31, v2;
	v8 =	vld [tilespmem:s28+$0xFFFFFFB0];
	_ =	sdelay $0x4  }
0xc4: {  	[tilespmem:v58+s20+$0x0] =	vst.idx.msk $0xffff, v8  }
0xc5: {  	v59 =	vor.u32 s31, v3;
	v8 =	vld [tilespmem:s28+$0xFFFFFFC0];
	_ =	sdelay $0x4  }
0xc6: {  	[tilespmem:v59+s20+$0x0] =	vst.idx.msk $0xffff, v8  }
0xc7: {  	v60 =	vor.u32 s31, v4;
	v8 =	vld [tilespmem:s28+$0xFFFFFFD0];
	_ =	sdelay $0x4  }
0xc8: {  	[tilespmem:v60+s20+$0x0] =	vst.idx.msk $0xffff, v8  }
0xc9: {  	v61 =	vor.u32 s31, v5;
	v8 =	vld [tilespmem:s28+$0xFFFFFFE0];
	_ =	sdelay $0x4  }
0xca: {  	[tilespmem:v61+s20+$0x0] =	vst.idx.msk $0xffff, v8  }
0xcb: {  	v62 =	vor.u32 s31, v6;
	v8 =	vld [tilespmem:s28+$0xFFFFFFF0];
	_ =	sdelay $0x4  }
0xcc: {  	[tilespmem:v62+s20+$0x0] =	vst.idx.msk $0xffff, v8  }
0xcd: {  	v63 =	vor.u32 s31, v7;
	v8 =	vld [tilespmem:s28+$0x0]  }
0xce: {  	s25 =	sadd.s32 $0x3, s25  }
0xcf: {  	s26 =	sshll.u32 s26, $0x12;
	p1 =	sge.u32 s25, s6  }
0xd0: {  	s26 =	sor.u32 s11, s26;
	s25 =	sshll.u32 @!p1 s25, $0xF  }
.Ltmp8:
0xd1: {  	s26 =	sshrl.u32 s26, $0x3;
	s25 =	sor.u32 @!p1 s8, s25;
	(pc) =	sbr.rel .LBB2_10-.Ltmp8, $4  }
0xd2: {  	s29 =	simm.s32 @!p1 $0x2000;
	s26 =	sadd.s32 s5, s26;
	s25 =	sshrl.u32 @!p1 s25, $0x3;
	[tilespmem:v63+s20+$0x0] =	vst.idx.msk $0xffff, v8  }
0xd3: {  	[hbm4b:s26+s3] =	stream.linear.scatter [tilespmem:s20], [sflag:$0x4], $0x2000, $0x38;
	[tilespmem:$0x8000] =	vst v63  }
0xd4: {  	s25 =	sadd.s32 @!p1 s1, s25;
	s28 =	simm.s32 @!p1 $0x7A1400;
	s26 =	simm.s32 @!p1 $0x400  }
0xd5: {  	[tilespmem:s29], [sflag:$0x2] =	stream.strided.gather @!p1 [hbm4b:s25+s26], $0x2000, s28, s26, $0x38;
	[tilespmem:$0x8000] =	vst v63  }
.LBB2_12:
0xd6: {  	_ =	sfence.sel $0x180000  }
0xd7: {  	[bflag:$0x0] =	sbarrier.arrive $0xFFFF  }
0xd8: {  	p0 =	sne.s32 s2, $0x0;
	_ =	strace $0x90000047  }
0xd9: {  	s0 =	sadd.s32 @!p0 $0x100000, s0;
	[bflag:$0x2] =	sbarrier.arrive $0xFFFF  }
0xda: {  	[sflag:s0] =	ssyncadd.tile.s32 @!p0 $0x1;
	_ =	shalt  }
.Lfunc_end2:
_tile_overlayer_lowered:
.L_overlay_start_2:
0xdb: {  	(tag) =	ssettag $0x2  }
0xdc: {  	s0 =	rddreg [dreg:$0x0];
	s2 =	stileid.u32  }
0xdd: {  	s1 =	rddreg [dreg:$0x1];
	p0 =	sne.s32 s2, $0x0  }
0xde: {  	s3 =	rddreg [dreg:$0x2];
	[bflag:$0x3] =	sbarrier.arrive $0xFFFF;
	s2 =	simm.s32 @!p0 $0x1C05  }
0xdf: {  	[timem:s3], [sflag:s2] =	dma.local @!p0 [hbm:s0], s1  }
0xe0: {  	s0 =	simm.s32 @!p0 $0x5  }
0xe1: {  	_ =	swait.ge @!p0 [sflag:s0], s1  }
0xe2: {  	s1 =	ssub.s32 @!p0 $0x0, s1;
	[sflag:s0] =	ssyncset.done @!p0 $0x0  }
0xe3: {  	[sflag:s0] =	ssyncadd.s32 @!p0 s1  }
0xe4: {  	[bflag:$0x3] =	sbarrier.arrive $0xFFFF  }
0xe5: {  	_ =	shalt  }

// kernel: kernel.8.cloned.1.call-start
scs
__scs_entry_jumppad:
0x0: {  	(pc) =	sbr.rel $0x88, $3  }
0x1: {  	(tag) =	ssettag $0x0;
	lr =	simm.s32 $0x1  }
0x2: {  	[smem:$0x3F9D] =	sst lr;
	_ =	strace $0xD0000000  }
0x3: {  	_ = 	snop  }
0x4: {  	_ = 	snop  }
0x5: {  	_ = 	snop  }
0x6: {  	_ = 	snop  }
0x7: {  	_ = 	snop  }
__scs_overlays_trampoline_lowered:
0x8: {  	[smem:$0x3FAC] =	sst s0  }
0x9: {  	[smem:$0x3FAD] =	sst s1  }
0xa: {  	[smem:$0x3FAE] =	sst s2  }
0xb: {  	[smem:$0x3FAF] =	sst s3  }
0xc: {  	[smem:$0x3FB0] =	sst s4  }
0xd: {  	[smem:$0x3FB1] =	sst s5  }
0xe: {  	[smem:$0x3FB2] =	sst s6  }
0xf: {  	[smem:$0x3FB3] =	sst s7  }
0x10: {  	[smem:$0x3FB4] =	sst s8  }
0x11: {  	[smem:$0x3FB5] =	sst s9;
	s0 =	simm.s32 @!p0 $0x0  }
0x12: {  	s1 =	sld [smem:$0x3F9B];
	s0 =	simm.s32 @p0 $0x1  }
0x13: {  	[smem:$0x3FB6] =	sst s0;
	s0 =	simm.s32 @!p1 $0x0  }
0x14: {  	s2 =	sld [smem:$0x3F9A];
	s0 =	simm.s32 @p1 $0x1  }
0x15: {  	[smem:$0x3FB7] =	sst s0;
	s0 =	simm.s32 @!p2 $0x0  }
0x16: {  	s3 =	sld [smem:$0x3FDB];
	s0 =	simm.s32 @p2 $0x1  }
0x17: {  	s4 =	simm.s32 $0x1BF5;
	[smem:$0x3FB9] =	sst s0  }
0x18: {  	s0 =	sld [smem:$0x3F9C];
	_ =	swait.ge [sflag:s4], $0x0  }
0x19: {  	s7 =	sld [smem:$0x3F9D]  }
0x1a: {  	s8 =	sadd.s32 $0xFFFFE003, lr  }
0x1b: {  	s9 =	sadd.s32 $0xFFFFFEF7, lr;
	s5 =	simm.s32 $0xFFFFFFFF;
	p2 =	slt.u32 s8, $0xFFFFF086  }
0x1c: {  	p1 =	slt.u32 s9, $0xF7A;
	s5 =	simm.s32 @!p2 $0x0  }
0x1d: {  	s5 =	simm.s32 @p1 $0x1;
	p0 =	seq.s32 s7, s2  }
0x1e: {  	s7 =	smul.u32 @!p0 $0xF7A, s2;
	p2 =	seq.s32 @!p0 s5, $0x0  }
0x1f: {  	s9 =	smul.u32 $0xF7A, s1;
	s8 =	simm.s32 @!p0 $0x1BF5;
	p2 =	por !p2, p0  }
0x20: {  	[sflag:s8] =	ssyncset.s32 @!p0 $0xFFFFF086;
	s6 =	sadd.s32 @!p0 s3, s7;
	s7 =	simm.s32 @!p0 $0x108  }
0x21: {  	s3 =	sadd.s32 s3, s9;
	s6 =	sadd.s32 @!p0 $0x88, s6;
	s7 =	simm.s32 @p2 $0x1082  }
0x22: {  	[simem:s7], [sflag:s8] =	dma.local @!p0 [hbm:s6], $0xF7A  }
0x23: {  	s9 =	sor.u32 $0xD0000000, s2;
	s6 =	simm.s32 $0x108;
	_ =	swait.ge @!p0 [sflag:s8], $0x0  }
0x24: {  	s3 =	sadd.s32 $0x88, s3;
	s6 =	simm.s32 @!p1 $0x1082;
	[sflag:s4] =	ssyncset.s32 $0xFFFFF086  }
0x25: {  	[simem:s6], [sflag:s4] =	dma.local [hbm:s3], $0xF7A  }
0x26: {  	[smem:$0x3F9D] =	sst s1;
	(tag) =	ssettag s2;
	_ =	strace s9  }
0x27: {  	s1 =	sld [smem:$0x3FAD]  }
0x28: {  	s2 =	sld [smem:$0x3FAE]  }
0x29: {  	s4 =	sld [smem:$0x3FB0]  }
0x2a: {  	p0 =	seq.s32 s5, $0x0;
	s5 =	sld [smem:$0x3FB1]  }
0x2b: {  	s6 =	sld [smem:$0x3FB2]  }
0x2c: {  	s7 =	sld [smem:$0x3FB3]  }
0x2d: {  	s3 =	simm.s32 $0x108;
	s8 =	sld [smem:$0x3FB4]  }
0x2e: {  	s3 =	simm.s32 @!p0 $0x1082;
	s9 =	sld [smem:$0x3FB5]  }
0x2f: {  	lr =	sadd.s32 s0, s3;
	s0 =	sld [smem:$0x3FAC]  }
0x30: {  	s3 =	sld [smem:$0x3FAF]  }
0x31: {  	[smem:$0x3FB8] =	sst s10  }
0x32: {  	s10 =	sld [smem:$0x3FB6];
	_ =	sdelay $0x3  }
0x33: {  	p0 =	seq.s32 s10, $0x1;
	s10 =	sld [smem:$0x3FB8];
	_ =	sdelay $0x3  }
0x34: {  	[smem:$0x3FB8] =	sst s10  }
0x35: {  	s10 =	sld [smem:$0x3FB7];
	_ =	sdelay $0x3  }
0x36: {  	p1 =	seq.s32 s10, $0x1;
	s10 =	sld [smem:$0x3FB8];
	_ =	sdelay $0x3  }
0x37: {  	[smem:$0x3FB8] =	sst s10  }
0x38: {  	s10 =	sld [smem:$0x3FB9]  }
0x39: {  	_ = 	snop;
	(pc) =	sbr.ind lr, $3  }
0x3a: {  	_ = 	snop  }
0x3b: {  	_ = 	snop  }
0x3c: {  	p2 =	seq.s32 s10, $0x1;
	s10 =	sld [smem:$0x3FB8]  }
0x3d: {  	_ =	shalt  }
0x3e: {  	_ =	shalt  }
0x3f: {  	_ =	shalt  }
0x40: {  	_ =	shalt  }
0x41: {  	_ =	shalt  }
0x42: {  	_ =	shalt  }
0x43: {  	_ =	shalt  }
0x44: {  	_ =	shalt  }
0x45: {  	_ =	shalt  }
0x46: {  	_ =	shalt  }
0x47: {  	_ =	shalt  }
0x48: {  	_ =	shalt  }
0x49: {  	_ =	shalt  }
0x4a: {  	_ =	shalt  }
0x4b: {  	_ =	shalt  }
0x4c: {  	_ =	shalt  }
0x4d: {  	_ =	shalt  }
0x4e: {  	_ =	shalt  }
0x4f: {  	_ =	shalt  }
0x50: {  	_ =	shalt  }
0x51: {  	_ =	shalt  }
0x52: {  	_ =	shalt  }
0x53: {  	_ =	shalt  }
0x54: {  	_ =	shalt  }
0x55: {  	_ =	shalt  }
0x56: {  	_ =	shalt  }
0x57: {  	_ =	shalt  }
0x58: {  	_ =	shalt  }
0x59: {  	_ =	shalt  }
0x5a: {  	_ =	shalt  }
0x5b: {  	_ =	shalt  }
0x5c: {  	_ =	shalt  }
0x5d: {  	_ =	shalt  }
0x5e: {  	_ =	shalt  }
0x5f: {  	_ =	shalt  }
0x60: {  	_ =	shalt  }
0x61: {  	_ =	shalt  }
0x62: {  	_ =	shalt  }
0x63: {  	_ =	shalt  }
0x64: {  	_ =	shalt  }
0x65: {  	_ =	shalt  }
0x66: {  	_ =	shalt  }
0x67: {  	_ =	shalt  }
0x68: {  	_ =	shalt  }
0x69: {  	_ =	shalt  }
0x6a: {  	_ =	shalt  }
0x6b: {  	_ =	shalt  }
0x6c: {  	_ =	shalt  }
0x6d: {  	_ =	shalt  }
0x6e: {  	_ =	shalt  }
0x6f: {  	_ =	shalt  }
0x70: {  	_ =	shalt  }
0x71: {  	_ =	shalt  }
0x72: {  	_ =	shalt  }
0x73: {  	_ =	shalt  }
0x74: {  	_ =	shalt  }
0x75: {  	_ =	shalt  }
0x76: {  	_ =	shalt  }
0x77: {  	_ =	shalt  }
0x78: {  	_ =	shalt  }
0x79: {  	_ =	shalt  }
0x7a: {  	_ =	shalt  }
0x7b: {  	_ =	shalt  }
0x7c: {  	_ =	shalt  }
0x7d: {  	_ =	shalt  }
0x7e: {  	_ =	shalt  }
0x7f: {  	_ =	shalt  }
0x80: {  	_ =	shalt  }
0x81: {  	_ =	shalt  }
0x82: {  	_ =	shalt  }
0x83: {  	_ =	shalt  }
0x84: {  	_ =	shalt  }
0x85: {  	_ =	shalt  }
0x86: {  	_ =	shalt  }
0x87: {  	_ =	shalt  }
.Lfunc_end0:
.L_simem_size_0:
called_computation.1_lowered:
.L_overlay_start_0:
0x88: {  	s2 =	sld [smem:$0x3FD9]  }
0x89: {  	s3 =	sld [smem:$0x3FFE];
	_ =	sdelay $0x1  }
0x8a: {  	s1 =	srdreg.scid  }
0x8b: {  	s0 =	sand.u32 $0x1, s1  }
0x8c: {  	s17 =	sshll.u32 s0, $0xA;
	s2 =	sadd.s32 s3, s2  }
0x8d: {  	s2 =	sadd.s32 s2, s17  }
0x8e: {  	[smem:$0x3FC4] =	sst s2  }
0x8f: {  	_ = 	snop  }
0x90: {  	s2 =	sld [smem:$0x3FD0];
	(tm) =	ssettm $0x1  }
0x91: {  	s18 =	sld [smem:$0x3FFB];
	_ =	sdelay $0x3  }
0x92: {  	_ =	strace s18  }
0x93: {  	s3 =	sld [smem:$0x3FFC];
	_ =	sdelay $0x3  }
0x94: {  	_ =	strace s3  }
0x95: {  	s3 =	sld [smem:$0x3FFD];
	_ =	sdelay $0x3  }
0x96: {  	_ =	strace s3  }
0x97: {  	_ =	strace $0x8FFFFFFF  }
0x98: {  	s19 =	sld [smem:$0x3FDB];
	_ =	sdelay $0x1  }
0x99: {  	s4 =	simm.s32 $_scs_section_size  }
0x9a: {  	s5 =	simm.s32 $_size__tile_overlayer_lowered;
	s6 =	simm.s32 $_tile_overlayer_lowered  }
0x9b: {  	s22 =	simm.s32 $0x1BFF;
	s21 =	sshll.u32 s6, $0x1;
	s3 =	sadd.s32 s4, s19  }
0x9c: {  	s7 =	simm.s32 $0x0;
	s20 =	sshll.u32 s5, $0x1;
	s5 =	sadd.s32 s21, s3  }
0x9d: {  	[timem:s7], [sflag:s22] =	dma.local [hbm:s5], s20  }
0x9e: {  	_ =	swait.ge [sflag:s22], s20  }
0x9f: {  	s4 =	ssub.s32 $0x0, s20;
	[sflag:s22] =	ssyncset.done $0x0  }
0xa0: {  	[sflag:s22] =	ssyncadd.s32 s4;
	_ =	sdelay $0x1  }
0xa1: {  	s23 =	simm.s32 $0x1B8B  }
0xa2: {  	_ =	swait.ge [sflag:s23], $0x1  }
0xa3: {  	[sflag:s23] =	ssyncset.done $0x0  }
0xa4: {  	s25 =	simm.s32 $0x1B8E;
	s24 =	sld [smem:$0x3FFE];
	[sflag:s23] =	ssyncadd.s32 $0xFFFFFFFF  }
0xa5: {  	s26 =	simm.s32 $execute0_lowered;
	[smem:$0x3FD2] =	sst s25  }
0xa6: {  	s5 =	sshll.u32 s26, $0x1;
	_ =	strace $0x80000049;
	[dreg:$0x1] =	wrdreg $0xFFFFFFFF  }
0xa7: {  	s28 =	simm.s32 $_size_execute0_lowered;
	s3 =	sadd.s32 s3, s5;
	[dreg:$0x0] =	wrdreg $0x0  }
0xa8: {  	s5 =	sshll.u32 s28, $0x1;
	[dreg:$0x2] =	wrdreg s3  }
0xa9: {  	[dreg:$0x3] =	wrdreg s5  }
0xaa: {  	[dreg:$0x4] =	wrdreg $0xC0  }
0xab: {  	_ =	task [dreg:s7], $0x5FFFF  }
0xac: {  	[dreg:$0x1] =	wrdreg $0xFFFFFFFF  }
0xad: {  	[dreg:$0x0] =	wrdreg $0x60  }
0xae: {  	[dreg:$0x2] =	wrdreg s2  }
0xaf: {  	[dreg:$0x3] =	wrdreg s24  }
0xb0: {  	[dreg:$0x4] =	wrdreg $0x9  }
0xb1: {  	_ =	task.clear_ibuf [dreg:s7], $0x5FFFF;
	_ =	strace $0x90000049  }
0xb2: {  	s29 =	simm.s32 $0x9;
	_ =	strace $0x8000004B  }
0xb3: {  	_ =	swait.ge [sflag:s29], $0x1  }
0xb4: {  	[sflag:s29] =	ssyncadd.s32 $0xFFFFFFFF  }
0xb5: {  	_ =	strace $0x9000004B  }
0xb6: {  	_ =	sfence  }
0xb7: {  	s30 =	sld [smem:$0x0];
	_ =	sdelay $0x2  }
0xb8: {  	s31 =	sshll.u32 s1, $0xD;
	s1 =	sshrl.u32 s1, $0x2  }
0xb9: {  	s3 =	sand.u32 $0x4000, s31;
	s1 =	sadd.s32 s1, s30  }
0xba: {  	s0 =	sor.u32 s3, s0;
	s1 =	sshll.u32 s1, $0x11  }
0xbb: {  	s0 =	sor.u32 s1, s0  }
0xbc: {  	s0 =	sadd.s32 $0x8F2B, s0  }
0xbd: {  	[sflag:s0] =	ssyncadd.remote.s32 $0x1  }
0xbe: {  	_ =	sfence.sel $0xFFFF  }
0xbf: {  	[dreg:$0x0] =	wrdreg $0xFFFFFFFF;
	(pc) =	sbr.abs _section_cstart, $3  }
0xc0: {  	[dreg:$0x1] =	wrdreg $0xFFFFFFFF  }
0xc1: {  	_ =	task.clear_ibuf [dreg:s7], $0x2FFFF;
	_ =	strace $0x9FFFFFFF  }
0xc2: {  	(tm) =	ssettm $0x7FFFFFFF  }
0xc3: {  	_ =	shalt  }
tec
execute0_lowered:
.L_overlay_start_1:
0x0: {  	(tag) =	ssettag $0x1  }
0x1: {  	s4 =	rddreg [dreg:$0x0]  }
0x2: {  	s5 =	rddreg [dreg:$0x1]  }
0x3: {  	s0 =	rddreg [dreg:$0x2]  }
0x4: {  	s2 =	simm.s32 $0x0;
	s3 =	srdreg.scid;
	s1 =	stileid.u32  }
0x5: {  	s10 =	simm.s32 $0x68;
	s11 =	simm.s32 $0x8100;
	s12 =	simm.s32 $0xD0  }
0x6: {  	s13 =	simm.s32 $0x9A00;
	s14 =	simm.s32 $0x138;
	s15 =	simm.s32 $0xB300  }
0x7: {  	s16 =	simm.s32 $0x1A0;
	s17 =	simm.s32 $0xCC00;
	s18 =	simm.s32 $0x208  }
0x8: {  	s19 =	simm.s32 $0xE500;
	s20 =	simm.s32 $0x1;
	s21 =	simm.s32 $0x2  }
0x9: {  	s22 =	simm.s32 $0x3;
	s23 =	simm.s32 $0xFE00;
	s24 =	simm.s32 $0x0  }
0xa: {  	[smem:$0x7FF] =	sst s2;
	s3 =	sand.u32 $0x1, s3;
	s6 =	sshll.u32 s1, $0x1  }
0xb: {  	_ =	strace $0x8000004A;
	s6 =	sor.u32 s3, s6;
	s7 =	ssub.s32 $0x2, s3  }
0xc: {  	s8 =	sshll.u32 s6, $0xA;
	s9 =	sshrl.u32 s7, $0x1;
	s6 =	smul.u32 $0xD00, s6  }
0xd: {  	s3 =	sadd.s32 $0x1000, s5;
	s5 =	sadd.s32 s8, s5;
	s7 =	ssub.s32 s7, s9  }
0xe: {  	s8 =	simm.s32 $0x64;
	s9 =	simm.s32 $0x6800;
	s4 =	sadd.s32 s4, s6  }
0xf: {  	s5 =	sadd.s32 $0x7A2200, s5;
	s6 =	smax.u32 s7, $0x1;
	s7 =	simm.s32 $0x4  }
.LBB2_1:
0x10: {  	[tilespmem:s2], [sflag:$0x4] =	stream.linear.gather [hbm4b:s4+s2], $0x6800, $0x38;
	[tilespmem:$0x11E00] =	vst v63  }
0x11: {  	_ =	swait.ge [sflag:s7], $0x6800  }
0x12: {  	[sflag:s7] =	ssyncset.done $0x0  }
0x13: {  	[sflag:s7] =	ssyncadd.s32 $0xFFFF9800  }
0x14: {  	[tilespmem:s9], [sflag:$0x1] =	stream.indirect.gather [hbm4b:s3+s8], $0x40, s2, s8, $0xb8;
	[tilespmem:$0x11E00] =	vst v63  }
0x15: {  	_ = 	snop  }
0x16: {  	[tilespmem:s11], [sflag:$0x1] =	stream.indirect.gather [hbm4b:s3+s8], $0x40, s10, s8, $0xb8;
	[tilespmem:$0x11E00] =	vst v63  }
0x17: {  	_ = 	snop  }
0x18: {  	[tilespmem:s13], [sflag:$0x2] =	stream.indirect.gather [hbm4b:s3+s8], $0x40, s12, s8, $0xb8;
	[tilespmem:$0x11E00] =	vst v63  }
0x19: {  	_ = 	snop  }
0x1a: {  	[tilespmem:s15], [sflag:$0x2] =	stream.indirect.gather [hbm4b:s3+s8], $0x40, s14, s8, $0xb8;
	[tilespmem:$0x11E00] =	vst v63  }
0x1b: {  	_ = 	snop  }
0x1c: {  	[tilespmem:s17], [sflag:$0x3] =	stream.indirect.gather [hbm4b:s3+s8], $0x40, s16, s8, $0xb8;
	[tilespmem:$0x11E00] =	vst v63  }
0x1d: {  	s25 =	simm.s32 $0x0  }
0x1e: {  	[tilespmem:s19], [sflag:$0x3] =	stream.indirect.gather [hbm4b:s3+s8], $0x40, s18, s8, $0xb8;
	[tilespmem:$0x11E00] =	vst v63  }
.LBB2_2:
0x1f: {  	_ =	swait.ge [sflag:s20], $0x1900  }
0x20: {  	[sflag:s20] =	ssyncset.done $0x0  }
0x21: {  	[sflag:s20] =	ssyncadd.s32 $0xFFFFE700  }
0x22: {  	_ =	swait.ge [sflag:s20], $0x1900  }
0x23: {  	[sflag:s20] =	ssyncset.done $0x0  }
0x24: {  	s28 =	simm.s32 $0x6900;
	[sflag:s20] =	ssyncadd.s32 $0xFFFFE700  }
0x25: {  	v0 =	vld [tilespmem:s28+$0xC0]  }
0x26: {  	v1 =	vld [tilespmem:s28+$0xD0]  }
0x27: {  	v2 =	vld [tilespmem:s28+$0x80]  }
0x28: {  	v3 =	vld [tilespmem:s28+$0x90]  }
0x29: {  	v9 =	vld [tilespmem:s28+$0x40]  }
0x2a: {  	v12 =	vld [tilespmem:s28+$0x50]  }
0x2b: {  	v6 =	vld [tilespmem:s28+$0x0]  }
0x2c: {  	v8 =	vld [tilespmem:s28+$0x10]  }
0x2d: {  	v5 =	vld [tilespmem:s28+$0xFFFFFFC0]  }
0x2e: {  	v7 =	vld [tilespmem:s28+$0xFFFFFFD0]  }
0x2f: {  	v4 =	vld [tilespmem:s28+$0xFFFFFF80]  }
0x30: {  	v10 =	vld [tilespmem:s28+$0xFFFFFF90]  }
0x31: {  	v11 =	vld [tilespmem:s28+$0xFFFFFF40]  }
0x32: {  	v13 =	vld [tilespmem:s28+$0xFFFFFF50]  }
0x33: {  	v14 =	vld [tilespmem:s28+$0xFFFFFF00]  }
0x34: {  	v15 =	vld [tilespmem:s28+$0xFFFFFF10]  }
0x35: {  	v16 =	vld [tilespmem:s28+$0xFFFFFF20]  }
0x36: {  	v17 =	vld [tilespmem:s28+$0xFFFFFF30]  }
0x37: {  	v18 =	vld [tilespmem:s28+$0xFFFFFF60]  }
0x38: {  	v19 =	vld [tilespmem:s28+$0xFFFFFF70]  }
0x39: {  	v20 =	vimm.f32 $0.0e+00;
	v21 =	vld [tilespmem:s28+$0xFFFFFFA0]  }
0x3a: {  	v22 =	vld [tilespmem:s28+$0xFFFFFFB0];
	v14 =	vadd.f32 v14, v20;
	v15 =	vadd.f32 v15, v20  }
0x3b: {  	v59 =	vld [tilespmem:s28+$0xFFFFFFE0];
	v16 =	vadd.f32 v16, v20;
	v17 =	vadd.f32 v17, v20  }
0x3c: {  	v11 =	vadd.f32 v11, v14;
	v13 =	vadd.f32 v13, v15;
	v14 =	vld [tilespmem:s28+$0xFFFFFFF0]  }
0x3d: {  	v61 =	vld [tilespmem:s28+$0x20];
	v15 =	vadd.f32 v18, v16;
	v60 =	vadd.f32 v19, v17  }
0x3e: {  	v11 =	vadd.f32 v4, v11;
	v10 =	vadd.f32 v10, v13;
	v13 =	vld [tilespmem:s28+$0x30]  }
0x3f: {  	v15 =	vadd.f32 v21, v15;
	v16 =	vadd.f32 v22, v60;
	v4 =	vld [tilespmem:s28+$0x60]  }
0x40: {  	v11 =	vadd.f32 v5, v11;
	v10 =	vadd.f32 v7, v10;
	v7 =	vld [tilespmem:s28+$0x70]  }
0x41: {  	v15 =	vadd.f32 v59, v15;
	v5 =	vld [tilespmem:s28+$0xA0];
	v14 =	vadd.f32 v14, v16  }
0x42: {  	v62 =	vadd.f32 v6, v11;
	v63 =	vadd.f32 v8, v10;
	v8 =	vld [tilespmem:s28+$0xB0]  }
0x43: {  	v11 =	vadd.f32 v61, v15;
	v6 =	vld [tilespmem:s28+$0xE0];
	v10 =	vadd.f32 v13, v14  }
0x44: {  	s26 =	simm.s32 $0x0;
	v13 =	vadd.f32 v9, v62;
	v12 =	vadd.f32 v12, v63;
	v9 =	vld [tilespmem:s28+$0xF0];
	s28 =	simm.s32 $0x6B00  }
.LBB2_3:
0x45: {  	v14 =	vld [tilespmem:s28+$0xC0];
	v4 =	vadd.f32 v4, v11;
	v7 =	vadd.f32 v7, v10  }
0x46: {  	v10 =	vld [tilespmem:s28+$0xD0];
	v11 =	vadd.f32 v2, v13;
	v12 =	vadd.f32 v3, v12  }
0x47: {  	v2 =	vld [tilespmem:s28+$0x80];
	v4 =	vadd.f32 v5, v4;
	v5 =	vadd.f32 v8, v7  }
0x48: {  	v3 =	vld [tilespmem:s28+$0x90];
	v7 =	vadd.f32 v0, v11;
	v8 =	vadd.f32 v1, v12  }
0x49: {  	v12 =	vld [tilespmem:s28+$0x40];
	v4 =	vadd.f32 v6, v4;
	v5 =	vadd.f32 v9, v5  }
0x4a: {  	v9 =	vld [tilespmem:s28+$0x50];
	v0 =	vmov v14  }
0x4b: {  	v6 =	vld [tilespmem:s28+$0x0];
	v1 =	vmov v10  }
0x4c: {  	v10 =	vld [tilespmem:s28+$0x10]  }
0x4d: {  	v11 =	vld [tilespmem:s28+$0xFFFFFFC0]  }
0x4e: {  	v13 =	vld [tilespmem:s28+$0xFFFFFFD0]  }
0x4f: {  	v14 =	vld [tilespmem:s28+$0xFFFFFF80]  }
0x50: {  	v15 =	vld [tilespmem:s28+$0xFFFFFF90]  }
0x51: {  	v16 =	vld [tilespmem:s28+$0xFFFFFF40]  }
0x52: {  	v17 =	vld [tilespmem:s28+$0xFFFFFF50]  }
0x53: {  	v18 =	vld [tilespmem:s28+$0xFFFFFF00]  }
0x54: {  	v19 =	vld [tilespmem:s28+$0xFFFFFF10]  }
0x55: {  	v20 =	vld [tilespmem:s28+$0xFFFFFF20]  }
0x56: {  	s26 =	sadd.s32 $0x8, s26;
	v21 =	vld [tilespmem:s28+$0xFFFFFF30]  }
0x57: {  	p0 =	slt.u32 s26, $0xC0;
	v22 =	vld [tilespmem:s28+$0xFFFFFF60]  }
0x58: {  	v23 =	vld [tilespmem:s28+$0xFFFFFF70]  }
0x59: {  	v24 =	vld [tilespmem:s28+$0xFFFFFFA0]  }
0x5a: {  	v7 =	vadd.f32 v18, v7;
	v8 =	vadd.f32 v19, v8;
	v18 =	vld [tilespmem:s28+$0xFFFFFFB0]  }
0x5b: {  	v4 =	vadd.f32 v20, v4;
	v5 =	vadd.f32 v21, v5;
	v19 =	vld [tilespmem:s28+$0xFFFFFFE0]  }
0x5c: {  	v7 =	vadd.f32 v16, v7;
	v8 =	vadd.f32 v17, v8;
	v16 =	vld [tilespmem:s28+$0xFFFFFFF0]  }
0x5d: {  	v4 =	vadd.f32 v22, v4;
	v5 =	vadd.f32 v23, v5;
	v17 =	vld [tilespmem:s28+$0x20]  }
0x5e: {  	v7 =	vadd.f32 v14, v7;
	v8 =	vadd.f32 v15, v8;
	v14 =	vld [tilespmem:s28+$0x30]  }
0x5f: {  	v15 =	vadd.f32 v24, v4;
	v5 =	vadd.f32 v18, v5;
	v4 =	vld [tilespmem:s28+$0x60]  }
.Ltmp0:
0x60: {  	v11 =	vadd.f32 v11, v7;
	v8 =	vadd.f32 v13, v8;
	v7 =	vld [tilespmem:s28+$0x70];
	(pc) =	sbr.rel @p0 .LBB2_3-.Ltmp0, $4  }
0x61: {  	v13 =	vadd.f32 v19, v15;
	v15 =	vadd.f32 v16, v5;
	v5 =	vld [tilespmem:s28+$0xA0]  }
0x62: {  	v16 =	vadd.f32 v6, v11;
	v18 =	vadd.f32 v10, v8;
	v8 =	vld [tilespmem:s28+$0xB0]  }
0x63: {  	v11 =	vadd.f32 v17, v13;
	v10 =	vadd.f32 v14, v15;
	v6 =	vld [tilespmem:s28+$0xE0]  }
0x64: {  	v13 =	vadd.f32 v12, v16;
	v12 =	vadd.f32 v9, v18;
	v9 =	vld [tilespmem:s28+$0xF0];
	s28 =	sadd.s32 $0x200, s28  }
0x65: {  	_ = 	snop  }
0x66: {  	v4 =	vadd.f32 v4, v11;
	v2 =	vadd.f32 v2, v13  }
0x67: {  	v7 =	vadd.f32 v7, v10;
	s26 =	smul.u32 $0x300, s25;
	v3 =	vadd.f32 v3, v12  }
0x68: {  	v4 =	vadd.f32 v5, v4;
	v0 =	vadd.f32 v0, v2  }
0x69: {  	s26 =	sshra.s32 s26, $0x2;
	v2 =	vadd.f32 v8, v7;
	v1 =	vadd.f32 v1, v3  }
0x6a: {  	s28 =	smul.u32 $0x9C0, s25;
	v3 =	vadd.f32 v6, v4;
	[tilespmem:s26+$0xFE00] =	vst v0  }
0x6b: {  	v0 =	vadd.f32 v9, v2;
	[tilespmem:s26+$0xFE10] =	vst v1  }
0x6c: {  	s28 =	sshra.s32 s28, $0x2;
	[tilespmem:s26+$0xFE20] =	vst v3  }
0x6d: {  	s29 =	sadd.s32 $0x270, s28;
	[tilespmem:s26+$0xFE30] =	vst v0  }
0x6e: {  	[tilespmem:s9], [sflag:$0x1] =	stream.indirect.gather [hbm4b:s3+s8], $0x40, s29, s8, $0xb8;
	[tilespmem:$0x11E00] =	vst v63  }
0x6f: {  	s29 =	sadd.s32 $0x2D8, s28  }
0x70: {  	[tilespmem:s11], [sflag:$0x1] =	stream.indirect.gather [hbm4b:s3+s8], $0x40, s29, s8, $0xb8;
	[tilespmem:$0x11E00] =	vst v63  }
0x71: {  	_ =	swait.ge [sflag:s21], $0x1900  }
0x72: {  	[sflag:s21] =	ssyncset.done $0x0  }
0x73: {  	[sflag:s21] =	ssyncadd.s32 $0xFFFFE700  }
0x74: {  	_ =	swait.ge [sflag:s21], $0x1900  }
0x75: {  	[sflag:s21] =	ssyncset.done $0x0  }
0x76: {  	s30 =	simm.s32 $0x9BF0;
	[sflag:s21] =	ssyncadd.s32 $0xFFFFE700  }
0x77: {  	v0 =	vld [tilespmem:s30+$0xFFFFFFD0]  }
0x78: {  	v1 =	vld [tilespmem:s30+$0xFFFFFFE0]  }
0x79: {  	v2 =	vld [tilespmem:s30+$0xFFFFFF90]  }
0x7a: {  	v3 =	vld [tilespmem:s30+$0xFFFFFFA0]  }
0x7b: {  	v9 =	vld [tilespmem:s30+$0xFFFFFF50]  }
0x7c: {  	v12 =	vld [tilespmem:s30+$0xFFFFFF60]  }
0x7d: {  	v7 =	vld [tilespmem:s30+$0xFFFFFF10]  }
0x7e: {  	v8 =	vld [tilespmem:s30+$0xFFFFFF20]  }
0x7f: {  	v5 =	vld [tilespmem:s30+$0xFFFFFED0]  }
0x80: {  	v6 =	vld [tilespmem:s30+$0xFFFFFEE0]  }
0x81: {  	v4 =	vld [tilespmem:s30+$0xFFFFFE90]  }
0x82: {  	v10 =	vld [tilespmem:s30+$0xFFFFFEA0]  }
0x83: {  	v11 =	vld [tilespmem:s30+$0xFFFFFE50]  }
0x84: {  	v13 =	vld [tilespmem:s30+$0xFFFFFE60]  }
0x85: {  	v14 =	vld [tilespmem:s30+$0xFFFFFE10]  }
0x86: {  	v15 =	vld [tilespmem:s30+$0xFFFFFE20]  }
0x87: {  	v16 =	vld [tilespmem:s30+$0xFFFFFE30]  }
0x88: {  	v17 =	vld [tilespmem:s30+$0xFFFFFE40]  }
0x89: {  	v18 =	vld [tilespmem:s30+$0xFFFFFE70]  }
0x8a: {  	v19 =	vld [tilespmem:s30+$0xFFFFFE80]  }
0x8b: {  	v20 =	vimm.f32 $0.0e+00;
	v21 =	vld [tilespmem:s30+$0xFFFFFEB0]  }
0x8c: {  	v22 =	vld [tilespmem:s30+$0xFFFFFEC0];
	v14 =	vadd.f32 v14, v20;
	v15 =	vadd.f32 v15, v20  }
0x8d: {  	v59 =	vld [tilespmem:s30+$0xFFFFFEF0];
	v16 =	vadd.f32 v16, v20;
	v17 =	vadd.f32 v17, v20  }
0x8e: {  	v11 =	vadd.f32 v11, v14;
	v13 =	vadd.f32 v13, v15;
	v14 =	vld [tilespmem:s30+$0xFFFFFF00]  }
0x8f: {  	v61 =	vld [tilespmem:s30+$0xFFFFFF30];
	v15 =	vadd.f32 v18, v16;
	v60 =	vadd.f32 v19, v17  }
0x90: {  	v11 =	vadd.f32 v4, v11;
	v10 =	vadd.f32 v10, v13;
	v13 =	vld [tilespmem:s30+$0xFFFFFF40]  }
0x91: {  	v15 =	vadd.f32 v21, v15;
	v16 =	vadd.f32 v22, v60;
	v4 =	vld [tilespmem:s30+$0xFFFFFF70]  }
0x92: {  	v11 =	vadd.f32 v5, v11;
	v10 =	vadd.f32 v6, v10;
	v6 =	vld [tilespmem:s30+$0xFFFFFF80]  }
0x93: {  	v15 =	vadd.f32 v59, v15;
	v5 =	vld [tilespmem:s30+$0xFFFFFFB0];
	v14 =	vadd.f32 v14, v16  }
0x94: {  	v62 =	vadd.f32 v7, v11;
	v63 =	vadd.f32 v8, v10;
	v8 =	vld [tilespmem:s30+$0xFFFFFFC0]  }
0x95: {  	v11 =	vadd.f32 v61, v15;
	v7 =	vld [tilespmem:s30+$0xFFFFFFF0];
	v10 =	vadd.f32 v13, v14  }
0x96: {  	s29 =	simm.s32 $0x0;
	v13 =	vadd.f32 v9, v62;
	v12 =	vadd.f32 v12, v63;
	v9 =	vld [tilespmem:s30+$0x0];
	s30 =	simm.s32 $0x9DF0  }
.LBB2_5:
0x97: {  	v14 =	vld [tilespmem:s30+$0xFFFFFFD0];
	v4 =	vadd.f32 v4, v11;
	v6 =	vadd.f32 v6, v10  }
0x98: {  	v10 =	vld [tilespmem:s30+$0xFFFFFFE0];
	v11 =	vadd.f32 v2, v13;
	v12 =	vadd.f32 v3, v12  }
0x99: {  	v2 =	vld [tilespmem:s30+$0xFFFFFF90];
	v4 =	vadd.f32 v5, v4;
	v5 =	vadd.f32 v8, v6  }
0x9a: {  	v3 =	vld [tilespmem:s30+$0xFFFFFFA0];
	v6 =	vadd.f32 v0, v11;
	v8 =	vadd.f32 v1, v12  }
0x9b: {  	v12 =	vld [tilespmem:s30+$0xFFFFFF50];
	v4 =	vadd.f32 v7, v4;
	v5 =	vadd.f32 v9, v5  }
0x9c: {  	v9 =	vld [tilespmem:s30+$0xFFFFFF60];
	v0 =	vmov v14  }
0x9d: {  	v7 =	vld [tilespmem:s30+$0xFFFFFF10];
	v1 =	vmov v10  }
0x9e: {  	v10 =	vld [tilespmem:s30+$0xFFFFFF20]  }
0x9f: {  	v11 =	vld [tilespmem:s30+$0xFFFFFED0]  }
0xa0: {  	v13 =	vld [tilespmem:s30+$0xFFFFFEE0]  }
0xa1: {  	v14 =	vld [tilespmem:s30+$0xFFFFFE90]  }
0xa2: {  	v15 =	vld [tilespmem:s30+$0xFFFFFEA0]  }
0xa3: {  	v16 =	vld [tilespmem:s30+$0xFFFFFE50]  }
0xa4: {  	v17 =	vld [tilespmem:s30+$0xFFFFFE60]  }
0xa5: {  	v18 =	vld [tilespmem:s30+$0xFFFFFE10]  }
0xa6: {  	v19 =	vld [tilespmem:s30+$0xFFFFFE20]  }
0xa7: {  	v20 =	vld [tilespmem:s30+$0xFFFFFE30]  }
0xa8: {  	s29 =	sadd.s32 $0x8, s29;
	v21 =	vld [tilespmem:s30+$0xFFFFFE40]  }
0xa9: {  	p0 =	slt.u32 s29, $0xC0;
	v22 =	vld [tilespmem:s30+$0xFFFFFE70]  }
0xaa: {  	v23 =	vld [tilespmem:s30+$0xFFFFFE80]  }
0xab: {  	v24 =	vld [tilespmem:s30+$0xFFFFFEB0]  }
0xac: {  	v6 =	vadd.f32 v18, v6;
	v8 =	vadd.f32 v19, v8;
	v18 =	vld [tilespmem:s30+$0xFFFFFEC0]  }
0xad: {  	v4 =	vadd.f32 v20, v4;
	v5 =	vadd.f32 v21, v5;
	v19 =	vld [tilespmem:s30+$0xFFFFFEF0]  }
0xae: {  	v6 =	vadd.f32 v16, v6;
	v8 =	vadd.f32 v17, v8;
	v16 =	vld [tilespmem:s30+$0xFFFFFF00]  }
0xaf: {  	v4 =	vadd.f32 v22, v4;
	v5 =	vadd.f32 v23, v5;
	v17 =	vld [tilespmem:s30+$0xFFFFFF30]  }
0xb0: {  	v6 =	vadd.f32 v14, v6;
	v8 =	vadd.f32 v15, v8;
	v14 =	vld [tilespmem:s30+$0xFFFFFF40]  }
0xb1: {  	v15 =	vadd.f32 v24, v4;
	v5 =	vadd.f32 v18, v5;
	v4 =	vld [tilespmem:s30+$0xFFFFFF70]  }
.Ltmp1:
0xb2: {  	v11 =	vadd.f32 v11, v6;
	v8 =	vadd.f32 v13, v8;
	v6 =	vld [tilespmem:s30+$0xFFFFFF80];
	(pc) =	sbr.rel @p0 .LBB2_5-.Ltmp1, $4  }
0xb3: {  	v13 =	vadd.f32 v19, v15;
	v15 =	vadd.f32 v16, v5;
	v5 =	vld [tilespmem:s30+$0xFFFFFFB0]  }
0xb4: {  	v16 =	vadd.f32 v7, v11;
	v18 =	vadd.f32 v10, v8;
	v8 =	vld [tilespmem:s30+$0xFFFFFFC0]  }
0xb5: {  	v11 =	vadd.f32 v17, v13;
	v10 =	vadd.f32 v14, v15;
	v7 =	vld [tilespmem:s30+$0xFFFFFFF0]  }
0xb6: {  	v13 =	vadd.f32 v12, v16;
	v12 =	vadd.f32 v9, v18;
	v9 =	vld [tilespmem:s30+$0x0];
	s30 =	sadd.s32 $0x200, s30  }
0xb7: {  	_ = 	snop  }
0xb8: {  	v4 =	vadd.f32 v4, v11;
	v2 =	vadd.f32 v2, v13  }
0xb9: {  	v6 =	vadd.f32 v6, v10;
	v3 =	vadd.f32 v3, v12  }
0xba: {  	v4 =	vadd.f32 v5, v4;
	v0 =	vadd.f32 v0, v2  }
0xbb: {  	v2 =	vadd.f32 v8, v6;
	v1 =	vadd.f32 v1, v3  }
0xbc: {  	v3 =	vadd.f32 v7, v4;
	[tilespmem:s26+$0xFE40] =	vst v0  }
0xbd: {  	v0 =	vadd.f32 v9, v2;
	[tilespmem:s26+$0xFE50] =	vst v1  }
0xbe: {  	[tilespmem:s26+$0xFE60] =	vst v3  }
0xbf: {  	s29 =	sadd.s32 $0x340, s28;
	[tilespmem:s26+$0xFE70] =	vst v0  }
0xc0: {  	[tilespmem:s13], [sflag:$0x2] =	stream.indirect.gather [hbm4b:s3+s8], $0x40, s29, s8, $0xb8;
	[tilespmem:$0x11E00] =	vst v63  }
0xc1: {  	s29 =	sadd.s32 $0x3A8, s28  }
0xc2: {  	[tilespmem:s15], [sflag:$0x2] =	stream.indirect.gather [hbm4b:s3+s8], $0x40, s29, s8, $0xb8;
	[tilespmem:$0x11E00] =	vst v63  }
0xc3: {  	_ =	swait.ge [sflag:s22], $0x1900  }
0xc4: {  	[sflag:s22] =	ssyncset.done $0x0  }
0xc5: {  	[sflag:s22] =	ssyncadd.s32 $0xFFFFE700  }
0xc6: {  	_ =	swait.ge [sflag:s22], $0x1900  }
0xc7: {  	[sflag:s22] =	ssyncset.done $0x0  }
0xc8: {  	s30 =	simm.s32 $0xCC00;
	[sflag:s22] =	ssyncadd.s32 $0xFFFFE700  }
0xc9: {  	v0 =	vld [tilespmem:s30+$0x1C0]  }
0xca: {  	v1 =	vld [tilespmem:s30+$0x1D0]  }
0xcb: {  	v2 =	vld [tilespmem:s30+$0x180]  }
0xcc: {  	v3 =	vld [tilespmem:s30+$0x190]  }
0xcd: {  	v9 =	vld [tilespmem:s30+$0x140]  }
0xce: {  	v12 =	vld [tilespmem:s30+$0x150]  }
0xcf: {  	v7 =	vld [tilespmem:s30+$0x100]  }
0xd0: {  	v8 =	vld [tilespmem:s30+$0x110]  }
0xd1: {  	v5 =	vld [tilespmem:s30+$0xC0]  }
0xd2: {  	v6 =	vld [tilespmem:s30+$0xD0]  }
0xd3: {  	v4 =	vld [tilespmem:s30+$0x80]  }
0xd4: {  	v10 =	vld [tilespmem:s30+$0x90]  }
0xd5: {  	v11 =	vld [tilespmem:s30+$0x40]  }
0xd6: {  	v13 =	vld [tilespmem:s30+$0x50]  }
0xd7: {  	v14 =	vld [tilespmem:s30+$0x0]  }
0xd8: {  	v15 =	vld [tilespmem:s30+$0x10]  }
0xd9: {  	v16 =	vld [tilespmem:s30+$0x20]  }
0xda: {  	v17 =	vld [tilespmem:s30+$0x30]  }
0xdb: {  	v18 =	vld [tilespmem:s30+$0x60]  }
0xdc: {  	v19 =	vld [tilespmem:s30+$0x70]  }
0xdd: {  	v20 =	vimm.f32 $0.0e+00;
	v21 =	vld [tilespmem:s30+$0xA0]  }
0xde: {  	v22 =	vld [tilespmem:s30+$0xB0];
	v14 =	vadd.f32 v14, v20;
	v15 =	vadd.f32 v15, v20  }
0xdf: {  	v59 =	vld [tilespmem:s30+$0xE0];
	v16 =	vadd.f32 v16, v20;
	v17 =	vadd.f32 v17, v20  }
0xe0: {  	v11 =	vadd.f32 v11, v14;
	v13 =	vadd.f32 v13, v15;
	v14 =	vld [tilespmem:s30+$0xF0]  }
0xe1: {  	v61 =	vld [tilespmem:s30+$0x120];
	v15 =	vadd.f32 v18, v16;
	v60 =	vadd.f32 v19, v17  }
0xe2: {  	v11 =	vadd.f32 v4, v11;
	v10 =	vadd.f32 v10, v13;
	v13 =	vld [tilespmem:s30+$0x130]  }
0xe3: {  	v15 =	vadd.f32 v21, v15;
	v16 =	vadd.f32 v22, v60;
	v4 =	vld [tilespmem:s30+$0x160]  }
0xe4: {  	v11 =	vadd.f32 v5, v11;
	v10 =	vadd.f32 v6, v10;
	v6 =	vld [tilespmem:s30+$0x170]  }
0xe5: {  	v15 =	vadd.f32 v59, v15;
	v5 =	vld [tilespmem:s30+$0x1A0];
	v14 =	vadd.f32 v14, v16  }
0xe6: {  	v62 =	vadd.f32 v7, v11;
	v63 =	vadd.f32 v8, v10;
	v8 =	vld [tilespmem:s30+$0x1B0]  }
0xe7: {  	v11 =	vadd.f32 v61, v15;
	v7 =	vld [tilespmem:s30+$0x1E0];
	v10 =	vadd.f32 v13, v14  }
0xe8: {  	s29 =	simm.s32 $0x0;
	v13 =	vadd.f32 v9, v62;
	v12 =	vadd.f32 v12, v63;
	v9 =	vld [tilespmem:s30+$0x1F0];
	s30 =	simm.s32 $0xCE00  }
.LBB2_7:
0xe9: {  	v14 =	vld [tilespmem:s30+$0x1C0];
	v4 =	vadd.f32 v4, v11;
	v6 =	vadd.f32 v6, v10  }
0xea: {  	v10 =	vld [tilespmem:s30+$0x1D0];
	v11 =	vadd.f32 v2, v13;
	v12 =	vadd.f32 v3, v12  }
0xeb: {  	v2 =	vld [tilespmem:s30+$0x180];
	v4 =	vadd.f32 v5, v4;
	v5 =	vadd.f32 v8, v6  }
0xec: {  	v3 =	vld [tilespmem:s30+$0x190];
	v6 =	vadd.f32 v0, v11;
	v8 =	vadd.f32 v1, v12  }
0xed: {  	v12 =	vld [tilespmem:s30+$0x140];
	v4 =	vadd.f32 v7, v4;
	v5 =	vadd.f32 v9, v5  }
0xee: {  	v9 =	vld [tilespmem:s30+$0x150];
	v0 =	vmov v14  }
0xef: {  	v7 =	vld [tilespmem:s30+$0x100];
	v1 =	vmov v10  }
0xf0: {  	v10 =	vld [tilespmem:s30+$0x110]  }
0xf1: {  	v11 =	vld [tilespmem:s30+$0xC0]  }
0xf2: {  	v13 =	vld [tilespmem:s30+$0xD0]  }
0xf3: {  	v14 =	vld [tilespmem:s30+$0x80]  }
0xf4: {  	v15 =	vld [tilespmem:s30+$0x90]  }
0xf5: {  	v16 =	vld [tilespmem:s30+$0x40]  }
0xf6: {  	v17 =	vld [tilespmem:s30+$0x50]  }
0xf7: {  	v18 =	vld [tilespmem:s30+$0x0]  }
0xf8: {  	v19 =	vld [tilespmem:s30+$0x10]  }
0xf9: {  	v20 =	vld [tilespmem:s30+$0x20]  }
0xfa: {  	s29 =	sadd.s32 $0x8, s29;
	v21 =	vld [tilespmem:s30+$0x30]  }
0xfb: {  	p0 =	slt.u32 s29, $0xC0;
	v22 =	vld [tilespmem:s30+$0x60]  }
0xfc: {  	v23 =	vld [tilespmem:s30+$0x70]  }
0xfd: {  	v24 =	vld [tilespmem:s30+$0xA0]  }
0xfe: {  	v6 =	vadd.f32 v18, v6;
	v8 =	vadd.f32 v19, v8;
	v18 =	vld [tilespmem:s30+$0xB0]  }
0xff: {  	v4 =	vadd.f32 v20, v4;
	v5 =	vadd.f32 v21, v5;
	v19 =	vld [tilespmem:s30+$0xE0]  }
0x100: {  	v6 =	vadd.f32 v16, v6;
	v8 =	vadd.f32 v17, v8;
	v16 =	vld [tilespmem:s30+$0xF0]  }
0x101: {  	v4 =	vadd.f32 v22, v4;
	v5 =	vadd.f32 v23, v5;
	v17 =	vld [tilespmem:s30+$0x120]  }
0x102: {  	v6 =	vadd.f32 v14, v6;
	v8 =	vadd.f32 v15, v8;
	v14 =	vld [tilespmem:s30+$0x130]  }
0x103: {  	v15 =	vadd.f32 v24, v4;
	v5 =	vadd.f32 v18, v5;
	v4 =	vld [tilespmem:s30+$0x160]  }
.Ltmp2:
0x104: {  	v11 =	vadd.f32 v11, v6;
	v8 =	vadd.f32 v13, v8;
	v6 =	vld [tilespmem:s30+$0x170];
	(pc) =	sbr.rel @p0 .LBB2_7-.Ltmp2, $4  }
0x105: {  	v13 =	vadd.f32 v19, v15;
	v15 =	vadd.f32 v16, v5;
	v5 =	vld [tilespmem:s30+$0x1A0]  }
0x106: {  	v16 =	vadd.f32 v7, v11;
	v18 =	vadd.f32 v10, v8;
	v8 =	vld [tilespmem:s30+$0x1B0]  }
0x107: {  	v11 =	vadd.f32 v17, v13;
	v10 =	vadd.f32 v14, v15;
	v7 =	vld [tilespmem:s30+$0x1E0]  }
0x108: {  	v13 =	vadd.f32 v12, v16;
	v12 =	vadd.f32 v9, v18;
	v9 =	vld [tilespmem:s30+$0x1F0];
	s30 =	sadd.s32 $0x200, s30  }
0x109: {  	_ = 	snop  }
0x10a: {  	v4 =	vadd.f32 v4, v11;
	v2 =	vadd.f32 v2, v13  }
0x10b: {  	v6 =	vadd.f32 v6, v10;
	v3 =	vadd.f32 v3, v12  }
0x10c: {  	p0 =	seq.s32 s25, $0x29;
	v4 =	vadd.f32 v5, v4;
	v0 =	vadd.f32 v0, v2  }
.Ltmp3:
0x10d: {  	v61 =	vadd.f32 v8, v6;
	v1 =	vadd.f32 v1, v3;
	(pc) =	sbr.rel @p0 .LBB2_10-.Ltmp3, $4  }
0x10e: {  	v62 =	vadd.f32 v7, v4;
	[tilespmem:s26+$0xFE80] =	vst v0  }
0x10f: {  	v63 =	vadd.f32 v9, v61;
	[tilespmem:s26+$0xFE90] =	vst v1  }
0x110: {  	[tilespmem:s26+$0xFEA0] =	vst v62  }
0x111: {  	[tilespmem:s26+$0xFEB0] =	vst v63  }
.Ltmp4:
0x112: {  	(pc) =	sbr.rel .LBB2_2-.Ltmp4, $4  }
0x113: {  	s26 =	sadd.s32 $0x410, s28  }
0x114: {  	[tilespmem:s17], [sflag:$0x3] =	stream.indirect.gather [hbm4b:s3+s8], $0x40, s26, s8, $0xb8;
	[tilespmem:$0x11E00] =	vst v63  }
0x115: {  	s31 =	sadd.s32 $0x478, s28;
	s25 =	sadd.s32 $0x1, s25  }
0x116: {  	[tilespmem:s19], [sflag:$0x3] =	stream.indirect.gather [hbm4b:s3+s8], $0x40, s31, s8, $0xb8;
	[tilespmem:$0x11E00] =	vst v63  }
.LBB2_10:
0x117: {  	_ =	swait.ge [sflag:s20], $0x1900  }
0x118: {  	[sflag:s20] =	ssyncset.done $0x0  }
0x119: {  	[sflag:s20] =	ssyncadd.s32 $0xFFFFE700  }
0x11a: {  	_ =	swait.ge [sflag:s20], $0x1900  }
0x11b: {  	[sflag:s20] =	ssyncset.done $0x0  }
0x11c: {  	s26 =	simm.s32 $0x6900;
	[sflag:s20] =	ssyncadd.s32 $0xFFFFE700  }
0x11d: {  	v0 =	vld [tilespmem:s26+$0xC0]  }
0x11e: {  	v1 =	vld [tilespmem:s26+$0xD0]  }
0x11f: {  	v2 =	vld [tilespmem:s26+$0x80]  }
0x120: {  	v3 =	vld [tilespmem:s26+$0x90]  }
0x121: {  	v9 =	vld [tilespmem:s26+$0x40]  }
0x122: {  	v12 =	vld [tilespmem:s26+$0x50]  }
0x123: {  	v7 =	vld [tilespmem:s26+$0x0]  }
0x124: {  	v8 =	vld [tilespmem:s26+$0x10]  }
0x125: {  	v5 =	vld [tilespmem:s26+$0xFFFFFFC0]  }
0x126: {  	v6 =	vld [tilespmem:s26+$0xFFFFFFD0]  }
0x127: {  	v4 =	vld [tilespmem:s26+$0xFFFFFF80]  }
0x128: {  	v10 =	vld [tilespmem:s26+$0xFFFFFF90]  }
0x129: {  	v11 =	vld [tilespmem:s26+$0xFFFFFF40]  }
0x12a: {  	v13 =	vld [tilespmem:s26+$0xFFFFFF50]  }
0x12b: {  	v14 =	vld [tilespmem:s26+$0xFFFFFF00]  }
0x12c: {  	v15 =	vld [tilespmem:s26+$0xFFFFFF10]  }
0x12d: {  	v16 =	vld [tilespmem:s26+$0xFFFFFF20]  }
0x12e: {  	v17 =	vld [tilespmem:s26+$0xFFFFFF30]  }
0x12f: {  	v18 =	vld [tilespmem:s26+$0xFFFFFF60]  }
0x130: {  	v19 =	vld [tilespmem:s26+$0xFFFFFF70]  }
0x131: {  	v20 =	vimm.f32 $0.0e+00;
	v21 =	vld [tilespmem:s26+$0xFFFFFFA0]  }
0x132: {  	v22 =	vld [tilespmem:s26+$0xFFFFFFB0];
	v14 =	vadd.f32 v14, v20;
	v15 =	vadd.f32 v15, v20  }
0x133: {  	v59 =	vld [tilespmem:s26+$0xFFFFFFE0];
	v16 =	vadd.f32 v16, v20;
	v17 =	vadd.f32 v17, v20  }
0x134: {  	v11 =	vadd.f32 v11, v14;
	v13 =	vadd.f32 v13, v15;
	v14 =	vld [tilespmem:s26+$0xFFFFFFF0]  }
0x135: {  	v61 =	vld [tilespmem:s26+$0x20];
	v15 =	vadd.f32 v18, v16;
	v60 =	vadd.f32 v19, v17  }
0x136: {  	v11 =	vadd.f32 v4, v11;
	v10 =	vadd.f32 v10, v13;
	v13 =	vld [tilespmem:s26+$0x30]  }
0x137: {  	v15 =	vadd.f32 v21, v15;
	v16 =	vadd.f32 v22, v60;
	v4 =	vld [tilespmem:s26+$0x60]  }
0x138: {  	v11 =	vadd.f32 v5, v11;
	v10 =	vadd.f32 v6, v10;
	v6 =	vld [tilespmem:s26+$0x70]  }
0x139: {  	v15 =	vadd.f32 v59, v15;
	v5 =	vld [tilespmem:s26+$0xA0];
	v14 =	vadd.f32 v14, v16  }
0x13a: {  	v62 =	vadd.f32 v7, v11;
	v63 =	vadd.f32 v8, v10;
	v8 =	vld [tilespmem:s26+$0xB0]  }
0x13b: {  	v11 =	vadd.f32 v61, v15;
	v7 =	vld [tilespmem:s26+$0xE0];
	v10 =	vadd.f32 v13, v14  }
0x13c: {  	s25 =	simm.s32 $0x0;
	v13 =	vadd.f32 v9, v62;
	v12 =	vadd.f32 v12, v63;
	v9 =	vld [tilespmem:s26+$0xF0];
	s26 =	simm.s32 $0x6B00  }
.LBB2_11:
0x13d: {  	v14 =	vld [tilespmem:s26+$0xC0];
	v4 =	vadd.f32 v4, v11;
	v6 =	vadd.f32 v6, v10  }
0x13e: {  	v10 =	vld [tilespmem:s26+$0xD0];
	v11 =	vadd.f32 v2, v13;
	v12 =	vadd.f32 v3, v12  }
0x13f: {  	v2 =	vld [tilespmem:s26+$0x80];
	v4 =	vadd.f32 v5, v4;
	v5 =	vadd.f32 v8, v6  }
0x140: {  	v3 =	vld [tilespmem:s26+$0x90];
	v6 =	vadd.f32 v0, v11;
	v8 =	vadd.f32 v1, v12  }
0x141: {  	v12 =	vld [tilespmem:s26+$0x40];
	v4 =	vadd.f32 v7, v4;
	v5 =	vadd.f32 v9, v5  }
0x142: {  	v9 =	vld [tilespmem:s26+$0x50];
	v0 =	vmov v14  }
0x143: {  	v7 =	vld [tilespmem:s26+$0x0];
	v1 =	vmov v10  }
0x144: {  	v10 =	vld [tilespmem:s26+$0x10]  }
0x145: {  	v11 =	vld [tilespmem:s26+$0xFFFFFFC0]  }
0x146: {  	v13 =	vld [tilespmem:s26+$0xFFFFFFD0]  }
0x147: {  	v14 =	vld [tilespmem:s26+$0xFFFFFF80]  }
0x148: {  	v15 =	vld [tilespmem:s26+$0xFFFFFF90]  }
0x149: {  	v16 =	vld [tilespmem:s26+$0xFFFFFF40]  }
0x14a: {  	v17 =	vld [tilespmem:s26+$0xFFFFFF50]  }
0x14b: {  	v18 =	vld [tilespmem:s26+$0xFFFFFF00]  }
0x14c: {  	v19 =	vld [tilespmem:s26+$0xFFFFFF10]  }
0x14d: {  	v20 =	vld [tilespmem:s26+$0xFFFFFF20]  }
0x14e: {  	s25 =	sadd.s32 $0x8, s25;
	v21 =	vld [tilespmem:s26+$0xFFFFFF30]  }
0x14f: {  	p0 =	slt.u32 s25, $0xC0;
	v22 =	vld [tilespmem:s26+$0xFFFFFF60]  }
0x150: {  	v23 =	vld [tilespmem:s26+$0xFFFFFF70]  }
0x151: {  	v24 =	vld [tilespmem:s26+$0xFFFFFFA0]  }
0x152: {  	v6 =	vadd.f32 v18, v6;
	v8 =	vadd.f32 v19, v8;
	v18 =	vld [tilespmem:s26+$0xFFFFFFB0]  }
0x153: {  	v4 =	vadd.f32 v20, v4;
	v5 =	vadd.f32 v21, v5;
	v19 =	vld [tilespmem:s26+$0xFFFFFFE0]  }
0x154: {  	v6 =	vadd.f32 v16, v6;
	v8 =	vadd.f32 v17, v8;
	v16 =	vld [tilespmem:s26+$0xFFFFFFF0]  }
0x155: {  	v4 =	vadd.f32 v22, v4;
	v5 =	vadd.f32 v23, v5;
	v17 =	vld [tilespmem:s26+$0x20]  }
0x156: {  	v6 =	vadd.f32 v14, v6;
	v8 =	vadd.f32 v15, v8;
	v14 =	vld [tilespmem:s26+$0x30]  }
0x157: {  	v15 =	vadd.f32 v24, v4;
	v5 =	vadd.f32 v18, v5;
	v4 =	vld [tilespmem:s26+$0x60]  }
.Ltmp5:
0x158: {  	v11 =	vadd.f32 v11, v6;
	v8 =	vadd.f32 v13, v8;
	v6 =	vld [tilespmem:s26+$0x70];
	(pc) =	sbr.rel @p0 .LBB2_11-.Ltmp5, $4  }
0x159: {  	v13 =	vadd.f32 v19, v15;
	v15 =	vadd.f32 v16, v5;
	v5 =	vld [tilespmem:s26+$0xA0]  }
0x15a: {  	v16 =	vadd.f32 v7, v11;
	v18 =	vadd.f32 v10, v8;
	v8 =	vld [tilespmem:s26+$0xB0]  }
0x15b: {  	v11 =	vadd.f32 v17, v13;
	v10 =	vadd.f32 v14, v15;
	v7 =	vld [tilespmem:s26+$0xE0]  }
0x15c: {  	v13 =	vadd.f32 v12, v16;
	v12 =	vadd.f32 v9, v18;
	v9 =	vld [tilespmem:s26+$0xF0];
	s26 =	sadd.s32 $0x200, s26  }
0x15d: {  	_ = 	snop  }
0x15e: {  	v4 =	vadd.f32 v4, v11;
	v2 =	vadd.f32 v2, v13  }
0x15f: {  	v6 =	vadd.f32 v6, v10;
	v3 =	vadd.f32 v3, v12  }
0x160: {  	v4 =	vadd.f32 v5, v4;
	v0 =	vadd.f32 v0, v2  }
0x161: {  	v2 =	vadd.f32 v8, v6;
	v1 =	vadd.f32 v1, v3  }
0x162: {  	v3 =	vadd.f32 v7, v4;
	[tilespmem:$0x11D80] =	vst v0  }
0x163: {  	v0 =	vadd.f32 v9, v2;
	[tilespmem:$0x11D90] =	vst v1  }
0x164: {  	[tilespmem:$0x11DA0] =	vst v3  }
0x165: {  	[tilespmem:$0x11DB0] =	vst v0  }
0x166: {  	_ =	swait.ge [sflag:s21], $0x1900  }
0x167: {  	[sflag:s21] =	ssyncset.done $0x0  }
0x168: {  	[sflag:s21] =	ssyncadd.s32 $0xFFFFE700  }
0x169: {  	_ =	swait.ge [sflag:s21], $0x1900  }
0x16a: {  	[sflag:s21] =	ssyncset.done $0x0  }
0x16b: {  	s26 =	simm.s32 $0x9BF0;
	[sflag:s21] =	ssyncadd.s32 $0xFFFFE700  }
0x16c: {  	v0 =	vld [tilespmem:s26+$0xFFFFFFD0]  }
0x16d: {  	v1 =	vld [tilespmem:s26+$0xFFFFFFE0]  }
0x16e: {  	v2 =	vld [tilespmem:s26+$0xFFFFFF90]  }
0x16f: {  	v3 =	vld [tilespmem:s26+$0xFFFFFFA0]  }
0x170: {  	v9 =	vld [tilespmem:s26+$0xFFFFFF50]  }
0x171: {  	v12 =	vld [tilespmem:s26+$0xFFFFFF60]  }
0x172: {  	v7 =	vld [tilespmem:s26+$0xFFFFFF10]  }
0x173: {  	v8 =	vld [tilespmem:s26+$0xFFFFFF20]  }
0x174: {  	v5 =	vld [tilespmem:s26+$0xFFFFFED0]  }
0x175: {  	v6 =	vld [tilespmem:s26+$0xFFFFFEE0]  }
0x176: {  	v4 =	vld [tilespmem:s26+$0xFFFFFE90]  }
0x177: {  	v10 =	vld [tilespmem:s26+$0xFFFFFEA0]  }
0x178: {  	v11 =	vld [tilespmem:s26+$0xFFFFFE50]  }
0x179: {  	v13 =	vld [tilespmem:s26+$0xFFFFFE60]  }
0x17a: {  	v14 =	vld [tilespmem:s26+$0xFFFFFE10]  }
0x17b: {  	v15 =	vld [tilespmem:s26+$0xFFFFFE20]  }
0x17c: {  	v16 =	vld [tilespmem:s26+$0xFFFFFE30]  }
0x17d: {  	v17 =	vld [tilespmem:s26+$0xFFFFFE40]  }
0x17e: {  	v18 =	vld [tilespmem:s26+$0xFFFFFE70]  }
0x17f: {  	v19 =	vld [tilespmem:s26+$0xFFFFFE80]  }
0x180: {  	v20 =	vimm.f32 $0.0e+00;
	v21 =	vld [tilespmem:s26+$0xFFFFFEB0]  }
0x181: {  	v22 =	vld [tilespmem:s26+$0xFFFFFEC0];
	v14 =	vadd.f32 v14, v20;
	v15 =	vadd.f32 v15, v20  }
0x182: {  	v59 =	vld [tilespmem:s26+$0xFFFFFEF0];
	v16 =	vadd.f32 v16, v20;
	v17 =	vadd.f32 v17, v20  }
0x183: {  	v11 =	vadd.f32 v11, v14;
	v13 =	vadd.f32 v13, v15;
	v14 =	vld [tilespmem:s26+$0xFFFFFF00]  }
0x184: {  	v61 =	vld [tilespmem:s26+$0xFFFFFF30];
	v15 =	vadd.f32 v18, v16;
	v60 =	vadd.f32 v19, v17  }
0x185: {  	v11 =	vadd.f32 v4, v11;
	v10 =	vadd.f32 v10, v13;
	v13 =	vld [tilespmem:s26+$0xFFFFFF40]  }
0x186: {  	v15 =	vadd.f32 v21, v15;
	v16 =	vadd.f32 v22, v60;
	v4 =	vld [tilespmem:s26+$0xFFFFFF70]  }
0x187: {  	v11 =	vadd.f32 v5, v11;
	v10 =	vadd.f32 v6, v10;
	v6 =	vld [tilespmem:s26+$0xFFFFFF80]  }
0x188: {  	v15 =	vadd.f32 v59, v15;
	v5 =	vld [tilespmem:s26+$0xFFFFFFB0];
	v14 =	vadd.f32 v14, v16  }
0x189: {  	v62 =	vadd.f32 v7, v11;
	v63 =	vadd.f32 v8, v10;
	v8 =	vld [tilespmem:s26+$0xFFFFFFC0]  }
0x18a: {  	v11 =	vadd.f32 v61, v15;
	v7 =	vld [tilespmem:s26+$0xFFFFFFF0];
	v10 =	vadd.f32 v13, v14  }
0x18b: {  	s25 =	simm.s32 $0x0;
	v13 =	vadd.f32 v9, v62;
	v12 =	vadd.f32 v12, v63;
	v9 =	vld [tilespmem:s26+$0x0];
	s26 =	simm.s32 $0x9DF0  }
.LBB2_13:
0x18c: {  	v14 =	vld [tilespmem:s26+$0xFFFFFFD0];
	v4 =	vadd.f32 v4, v11;
	v6 =	vadd.f32 v6, v10  }
0x18d: {  	v10 =	vld [tilespmem:s26+$0xFFFFFFE0];
	v11 =	vadd.f32 v2, v13;
	v12 =	vadd.f32 v3, v12  }
0x18e: {  	v2 =	vld [tilespmem:s26+$0xFFFFFF90];
	v4 =	vadd.f32 v5, v4;
	v5 =	vadd.f32 v8, v6  }
0x18f: {  	v3 =	vld [tilespmem:s26+$0xFFFFFFA0];
	v6 =	vadd.f32 v0, v11;
	v8 =	vadd.f32 v1, v12  }
0x190: {  	v12 =	vld [tilespmem:s26+$0xFFFFFF50];
	v4 =	vadd.f32 v7, v4;
	v5 =	vadd.f32 v9, v5  }
0x191: {  	v9 =	vld [tilespmem:s26+$0xFFFFFF60];
	v0 =	vmov v14  }
0x192: {  	v7 =	vld [tilespmem:s26+$0xFFFFFF10];
	v1 =	vmov v10  }
0x193: {  	v10 =	vld [tilespmem:s26+$0xFFFFFF20]  }
0x194: {  	v11 =	vld [tilespmem:s26+$0xFFFFFED0]  }
0x195: {  	v13 =	vld [tilespmem:s26+$0xFFFFFEE0]  }
0x196: {  	v14 =	vld [tilespmem:s26+$0xFFFFFE90]  }
0x197: {  	v15 =	vld [tilespmem:s26+$0xFFFFFEA0]  }
0x198: {  	v16 =	vld [tilespmem:s26+$0xFFFFFE50]  }
0x199: {  	v17 =	vld [tilespmem:s26+$0xFFFFFE60]  }
0x19a: {  	v18 =	vld [tilespmem:s26+$0xFFFFFE10]  }
0x19b: {  	v19 =	vld [tilespmem:s26+$0xFFFFFE20]  }
0x19c: {  	v20 =	vld [tilespmem:s26+$0xFFFFFE30]  }
0x19d: {  	s25 =	sadd.s32 $0x8, s25;
	v21 =	vld [tilespmem:s26+$0xFFFFFE40]  }
0x19e: {  	p0 =	slt.u32 s25, $0xC0;
	v22 =	vld [tilespmem:s26+$0xFFFFFE70]  }
0x19f: {  	v23 =	vld [tilespmem:s26+$0xFFFFFE80]  }
0x1a0: {  	v24 =	vld [tilespmem:s26+$0xFFFFFEB0]  }
0x1a1: {  	v6 =	vadd.f32 v18, v6;
	v8 =	vadd.f32 v19, v8;
	v18 =	vld [tilespmem:s26+$0xFFFFFEC0]  }
0x1a2: {  	v4 =	vadd.f32 v20, v4;
	v5 =	vadd.f32 v21, v5;
	v19 =	vld [tilespmem:s26+$0xFFFFFEF0]  }
0x1a3: {  	v6 =	vadd.f32 v16, v6;
	v8 =	vadd.f32 v17, v8;
	v16 =	vld [tilespmem:s26+$0xFFFFFF00]  }
0x1a4: {  	v4 =	vadd.f32 v22, v4;
	v5 =	vadd.f32 v23, v5;
	v17 =	vld [tilespmem:s26+$0xFFFFFF30]  }
0x1a5: {  	v6 =	vadd.f32 v14, v6;
	v8 =	vadd.f32 v15, v8;
	v14 =	vld [tilespmem:s26+$0xFFFFFF40]  }
0x1a6: {  	v15 =	vadd.f32 v24, v4;
	v5 =	vadd.f32 v18, v5;
	v4 =	vld [tilespmem:s26+$0xFFFFFF70]  }
.Ltmp6:
0x1a7: {  	v11 =	vadd.f32 v11, v6;
	v8 =	vadd.f32 v13, v8;
	v6 =	vld [tilespmem:s26+$0xFFFFFF80];
	(pc) =	sbr.rel @p0 .LBB2_13-.Ltmp6, $4  }
0x1a8: {  	v13 =	vadd.f32 v19, v15;
	v15 =	vadd.f32 v16, v5;
	v5 =	vld [tilespmem:s26+$0xFFFFFFB0]  }
0x1a9: {  	v16 =	vadd.f32 v7, v11;
	v18 =	vadd.f32 v10, v8;
	v8 =	vld [tilespmem:s26+$0xFFFFFFC0]  }
0x1aa: {  	v11 =	vadd.f32 v17, v13;
	v10 =	vadd.f32 v14, v15;
	v7 =	vld [tilespmem:s26+$0xFFFFFFF0]  }
0x1ab: {  	v13 =	vadd.f32 v12, v16;
	v12 =	vadd.f32 v9, v18;
	v9 =	vld [tilespmem:s26+$0x0];
	s26 =	sadd.s32 $0x200, s26  }
0x1ac: {  	_ = 	snop  }
0x1ad: {  	v4 =	vadd.f32 v4, v11;
	v2 =	vadd.f32 v2, v13  }
0x1ae: {  	v6 =	vadd.f32 v6, v10;
	v3 =	vadd.f32 v3, v12  }
0x1af: {  	v4 =	vadd.f32 v5, v4;
	v0 =	vadd.f32 v0, v2  }
0x1b0: {  	v61 =	vadd.f32 v8, v6;
	v1 =	vadd.f32 v1, v3  }
0x1b1: {  	v62 =	vadd.f32 v7, v4;
	[tilespmem:$0x11DC0] =	vst v0  }
0x1b2: {  	s24 =	sadd.s32 $0x1, s24;
	v63 =	vadd.f32 v9, v61;
	[tilespmem:$0x11DD0] =	vst v1  }
0x1b3: {  	p0 =	sne.s32 s24, s6;
	[tilespmem:$0x11DE0] =	vst v62  }
.Ltmp7:
0x1b4: {  	[tilespmem:$0x11DF0] =	vst v63;
	(pc) =	sbr.rel @p0 .LBB2_1-.Ltmp7, $4  }
0x1b5: {  	[hbm4b:s5+s2] =	stream.linear.scatter [tilespmem:s23], [sflag:$0x4], $0x2000, $0x38;
	[tilespmem:$0x11E00] =	vst v63  }
0x1b6: {  	_ =	swait.ge [sflag:s7], $0x2000  }
0x1b7: {  	[sflag:s7] =	ssyncset.done $0x0  }
0x1b8: {  	[sflag:s7] =	ssyncadd.s32 $0xFFFFE000  }
0x1b9: {  	_ =	sfence.sel $0x180000  }
0x1ba: {  	[bflag:$0x0] =	sbarrier.arrive $0xFFFF  }
0x1bb: {  	p0 =	sne.s32 s1, $0x0;
	_ =	strace $0x9000004A  }
0x1bc: {  	s0 =	sadd.s32 @!p0 $0x100000, s0;
	[bflag:$0x2] =	sbarrier.arrive $0xFFFF  }
0x1bd: {  	[sflag:s0] =	ssyncadd.tile.s32 @!p0 $0x1;
	_ =	shalt  }
.Lfunc_end2:
_tile_overlayer_lowered:
.L_overlay_start_2:
0x1be: {  	(tag) =	ssettag $0x2  }
0x1bf: {  	s0 =	rddreg [dreg:$0x0];
	s2 =	stileid.u32  }
0x1c0: {  	s1 =	rddreg [dreg:$0x1];
	p0 =	sne.s32 s2, $0x0  }
0x1c1: {  	s3 =	rddreg [dreg:$0x2];
	[bflag:$0x3] =	sbarrier.arrive $0xFFFF;
	s2 =	simm.s32 @!p0 $0x1C04  }
0x1c2: {  	[timem:s3], [sflag:s2] =	dma.local @!p0 [hbm:s0], s1  }
0x1c3: {  	s0 =	simm.s32 @!p0 $0x4  }
0x1c4: {  	_ =	swait.ge @!p0 [sflag:s0], s1  }
0x1c5: {  	s1 =	ssub.s32 @!p0 $0x0, s1;
	[sflag:s0] =	ssyncset.done @!p0 $0x0  }
0x1c6: {  	[sflag:s0] =	ssyncadd.s32 @!p0 s1  }
0x1c7: {  	[bflag:$0x3] =	sbarrier.arrive $0xFFFF  }
0x1c8: {  	_ =	shalt  }

</sc_bundles>
